<compile_context>
chip_gen: v7x
topology: tpu7x:2x2x1
jax: 0.10.2.dev20260603
libtpu: 0.0.44.dev20260713+nightly
codegen_flags: <defaults>
</compile_context>

<pallas_src>
import jax
import jax.numpy as jnp
from jax.experimental import pallas as pl
from jax.experimental.pallas import tpu as pltpu
from jax.experimental.pallas import tpu_sc as plsc

B, T, C, H, D, E, K, FF = 128, 128, 192, 6, 32, 6, 2, 768
N = B * T
NEG = -1e30
C2 = 256

BLK = 1024
NBLK = 2 * N // BLK + E
CAP = NBLK * BLK

NWORK = 32
TPW = N // NWORK
CH = 128
NCH = TPW // CH


def _ln_f(x, g, b):
    m = jnp.mean(x, axis=-1, keepdims=True)
    v = jnp.mean((x - m) ** 2, axis=-1, keepdims=True)
    return (x - m) * jax.lax.rsqrt(v + 1e-5) * g + b


def _gelu_f(x):
    return 0.5 * x * (1.0 + jax.lax.erf(x * (2.0 ** -0.5)))


def _softplus_f(x):
    return jnp.maximum(x, 0.0) + jnp.log1p(jnp.exp(-jnp.abs(x)))



NBA = 4


def _attn_kernel(x_ref, nct_ref, ln1g, ln1b, wq, wk, wv, wp, bp, ln2g, ln2b,
                 wr_ref, br_ref, wn_ref, bn_ref,
                 h_ref, y_ref, meta_ref, counts_ref, carry_ref):
    i = pl.program_id(0)

    @pl.when(i == 0)
    def _():
        carry_ref[...] = jnp.zeros((1, E8), jnp.float32)

    x = x_ref[...].reshape(NBA * T, C)
    xln = _ln_f(x, ln1g[...], ln1b[...])
    q = jnp.dot(xln, wq[...], preferred_element_type=jnp.float32)
    k = jnp.dot(xln, wk[...], preferred_element_type=jnp.float32)
    v = jnp.dot(xln, wv[...], preferred_element_type=jnp.float32)
    scale = C ** -0.5
    row = jax.lax.broadcasted_iota(jnp.int32, (T, T), 0)
    col = jax.lax.broadcasted_iota(jnp.int32, (T, T), 1)
    causal = row >= col
    bouts = []
    for bb in range(NBA):
        sl = slice(bb * T, (bb + 1) * T)
        outs = []
        for hh in range(H):
            qh = q[sl, hh * D:(hh + 1) * D]
            kh = k[sl, hh * D:(hh + 1) * D]
            vh = v[sl, hh * D:(hh + 1) * D]
            s = jax.lax.dot_general(qh, kh, (((1,), (1,)), ((), ())),
                                    preferred_element_type=jnp.float32) * scale
            p = jnp.where(causal, jnp.exp(s), 0.0)
            p = p / jnp.sum(p, axis=1, keepdims=True)
            outs.append(jnp.dot(p, vh, preferred_element_type=jnp.float32))
        bouts.append(jnp.concatenate(outs, axis=1))
    o = jnp.concatenate(bouts, axis=0)
    o = jnp.dot(o, wp[...], preferred_element_type=jnp.float32) + bp[...] + x
    h_ref[...] = o.reshape(NBA, T, C)
    yv = _ln_f(o, ln2g[...], ln2b[...])
    y_ref[...] = jnp.concatenate(
        [yv, jnp.zeros((NBA * T, C2 - C), jnp.float32)],
        axis=1).reshape(NBA, T, C2)

    logits = jnp.dot(yv, wr_ref[...],
                     preferred_element_type=jnp.float32) + br_ref[...]
    nl = jnp.dot(yv, wn_ref[...],
                 preferred_element_type=jnp.float32) + bn_ref[...]
    noisy = logits + nct_ref[...] * _softplus_f(nl)

    iota8 = jax.lax.broadcasted_iota(jnp.int32, (BT_R, E8), 1)
    i1 = jnp.argmax(noisy, axis=1).astype(jnp.int32)
    v1 = jnp.max(noisy, axis=1)
    m1 = iota8 == i1[:, None]
    noisy2 = jnp.where(m1, -jnp.inf, noisy)
    i2 = jnp.argmax(noisy2, axis=1).astype(jnp.int32)
    v2 = jnp.max(noisy2, axis=1)
    m2 = iota8 == i2[:, None]
    g1 = 1.0 / (1.0 + jnp.exp(v2 - v1))
    g2 = 1.0 - g1

    onehot = (m1 | m2).astype(jnp.float32)
    rr = jax.lax.broadcasted_iota(jnp.int32, (BT_R, BT_R), 0)
    cc = jax.lax.broadcasted_iota(jnp.int32, (BT_R, BT_R), 1)
    tril = (rr > cc).astype(jnp.float32)
    before = jax.lax.dot_general(tril, onehot, (((1,), (0,)), ((), ())),
                                 preferred_element_type=jnp.float32)
    base = before + carry_ref[...]
    r1 = jnp.sum(jnp.where(m1, base, 0.0), axis=1)
    r2 = jnp.sum(jnp.where(m2, base, 0.0), axis=1)
    new_carry = carry_ref[...] + jnp.sum(onehot, axis=0, keepdims=True)
    carry_ref[...] = new_carry
    counts_ref[...] = new_carry

    meta_ref[...] = jnp.concatenate(
        [i1[:, None].astype(jnp.float32), i2[:, None].astype(jnp.float32),
         r1[:, None], r2[:, None], g1[:, None], g2[:, None],
         jnp.zeros((BT_R, 2), jnp.float32)], axis=1)


def _run_attn_route(x, nct8, ln1_g, ln1_b, Wq, Wk, Wv, Wp, bp, ln2_g, ln2_b,
                    Wr, br, Wn, bn):
    wq2 = Wq.transpose(1, 0, 2).reshape(C, H * D)
    wk2 = Wk.transpose(1, 0, 2).reshape(C, H * D)
    wv2 = Wv.transpose(1, 0, 2).reshape(C, H * D)
    wr8 = jnp.zeros((C, E8), jnp.float32).at[:, :E].set(Wr)
    br8 = jnp.full((1, E8), NEG, jnp.float32).at[0, :E].set(br)
    wn8 = jnp.zeros((C, E8), jnp.float32).at[:, :E].set(Wn)
    bn8 = jnp.zeros((1, E8), jnp.float32).at[0, :E].set(bn)
    full = lambda shp: pl.BlockSpec(shp, lambda i: (0,) * len(shp))
    h, y, meta, counts = pl.pallas_call(
        _attn_kernel,
        grid=(B // NBA,),
        in_specs=[
            pl.BlockSpec((NBA, T, C), lambda i: (i, 0, 0)),
            pl.BlockSpec((BT_R, E8), lambda i: (i, 0)),
            full((1, C)), full((1, C)),
            full((C, H * D)), full((C, H * D)), full((C, H * D)),
            full((C, C)), full((1, C)),
            full((1, C)), full((1, C)),
            full((C, E8)), full((1, E8)), full((C, E8)), full((1, E8)),
        ],
        out_specs=[
            pl.BlockSpec((NBA, T, C), lambda i: (i, 0, 0)),
            pl.BlockSpec((NBA, T, C2), lambda i: (i, 0, 0)),
            pl.BlockSpec((BT_R, E8), lambda i: (i, 0)),
            pl.BlockSpec((1, E8), lambda i: (0, 0)),
        ],
        out_shape=[
            jax.ShapeDtypeStruct((B, T, C), jnp.float32),
            jax.ShapeDtypeStruct((B, T, C2), jnp.float32),
            jax.ShapeDtypeStruct((N, E8), jnp.float32),
            jax.ShapeDtypeStruct((1, E8), jnp.float32),
        ],
        scratch_shapes=[pltpu.VMEM((1, E8), jnp.float32)],
    )(x, nct8, ln1_g.reshape(1, C), ln1_b.reshape(1, C), wq2, wk2, wv2,
      Wp, bp.reshape(1, C), ln2_g.reshape(1, C), ln2_b.reshape(1, C),
      wr8, br8, wn8, bn8)
    return h, y, meta, counts



BT_R = NBA * T
E8 = 8



def _wid():
    return (jax.lax.axis_index("s") * 2 + jax.lax.axis_index("c")).astype(
        jnp.int32)


def _sc_scatter_body(y_hbm, pos1_hbm, pos2_hbm, xs_hbm,
                     idx1_v, idx2_v, rows0, rows1, ls0, ls1, ws0, ws1):
    w = _wid()
    rows = (rows0, rows1)
    lsem = (ls0, ls1)
    wsem = (ws0, ws1)
    pltpu.sync_copy(pos1_hbm.at[w], idx1_v)
    pltpu.sync_copy(pos2_hbm.at[w], idx2_v)

    def load(j):
        return pltpu.async_copy(
            y_hbm.at[pl.ds(w * TPW + j * CH, CH)], rows[j % 2], lsem[j % 2])

    loads = {0: load(0)}
    writes = {}
    for j in range(NCH):
        loads[j].wait()
        writes[j] = (
            pltpu.async_copy(rows[j % 2], xs_hbm.at[idx1_v.at[j]],
                             wsem[j % 2]),
            pltpu.async_copy(rows[j % 2], xs_hbm.at[idx2_v.at[j]],
                             wsem[j % 2]),
        )
        if j + 1 < NCH:
            if j >= 1:
                writes[j - 1][0].wait()
                writes[j - 1][1].wait()
            loads[j + 1] = load(j + 1)
    writes[NCH - 2][0].wait()
    writes[NCH - 2][1].wait()
    writes[NCH - 1][0].wait()
    writes[NCH - 1][1].wait()


def _run_sc_scatter(y_flat, pos1_3, pos2_3):
    mesh = plsc.VectorSubcoreMesh(core_axis_name="c", subcore_axis_name="s")
    f = pl.kernel(
        _sc_scatter_body,
        out_type=jax.ShapeDtypeStruct((CAP, C2), jnp.float32),
        mesh=mesh,
        scratch_types=[
            pltpu.VMEM((NCH, CH), jnp.int32),
            pltpu.VMEM((NCH, CH), jnp.int32),
            pltpu.VMEM((CH, C2), jnp.float32),
            pltpu.VMEM((CH, C2), jnp.float32),
            pltpu.SemaphoreType.DMA,
            pltpu.SemaphoreType.DMA,
            pltpu.SemaphoreType.DMA,
            pltpu.SemaphoreType.DMA,
        ],
    )
    return f(y_flat, pos1_3, pos2_3)


def _sc_gather_body(uo_hbm, pos1_hbm, pos2_hbm, r1_hbm, r2_hbm,
                    idx1_v, idx2_v, rows0, rows1, gs0, gs1, ws0, ws1):
    w = _wid()
    rows = (rows0, rows1)
    gsem = (gs0, gs1)
    wsem = (ws0, ws1)
    pltpu.sync_copy(pos1_hbm.at[w], idx1_v)
    pltpu.sync_copy(pos2_hbm.at[w], idx2_v)
    steps = ([(idx1_v, j, r1_hbm) for j in range(NCH)]
             + [(idx2_v, j, r2_hbm) for j in range(NCH)])
    ns = len(steps)

    def gath(k):
        iv, j, _ = steps[k]
        return pltpu.async_copy(uo_hbm.at[iv.at[j]], rows[k % 2], gsem[k % 2])

    gets = {0: gath(0)}
    puts = {}
    for k in range(ns):
        _, j, dst = steps[k]
        if k + 1 < ns:
            if k >= 1:
                puts[k - 1].wait()
            gets[k + 1] = gath(k + 1)
        gets[k].wait()
        puts[k] = pltpu.async_copy(
            rows[k % 2], dst.at[pl.ds(w * TPW + j * CH, CH)], wsem[k % 2])
    puts[ns - 2].wait()
    puts[ns - 1].wait()


def _run_sc_gather(uo, pos1_3, pos2_3):
    mesh = plsc.VectorSubcoreMesh(core_axis_name="c", subcore_axis_name="s")
    f = pl.kernel(
        _sc_gather_body,
        out_type=[
            jax.ShapeDtypeStruct((N, C2), jnp.float32),
            jax.ShapeDtypeStruct((N, C2), jnp.float32),
        ],
        mesh=mesh,
        scratch_types=[
            pltpu.VMEM((NCH, CH), jnp.int32),
            pltpu.VMEM((NCH, CH), jnp.int32),
            pltpu.VMEM((CH, C2), jnp.float32),
            pltpu.VMEM((CH, C2), jnp.float32),
            pltpu.SemaphoreType.DMA,
            pltpu.SemaphoreType.DMA,
            pltpu.SemaphoreType.DMA,
            pltpu.SemaphoreType.DMA,
        ],
    )
    return f(uo, pos1_3, pos2_3)



def _group_kernel(be_ref, xs_ref, w1_ref, b1_ref, w2_ref, b2_ref,
                  w3_ref, b3_ref, lg_ref, lb_ref, out_ref, h2_scr):
    i = pl.program_id(0)
    e = be_ref[i]
    x = xs_ref[...][:, :C]
    xb = x.astype(jnp.bfloat16)
    h1 = _gelu_f(jnp.dot(xb, w1_ref[0], preferred_element_type=jnp.float32)
                 + b1_ref[0])
    h2_scr[...] = h1

    @pl.when(e < 2)
    def _():
        h2_scr[...] = _gelu_f(
            jnp.dot(h1.astype(jnp.bfloat16), w2_ref[0],
                    preferred_element_type=jnp.float32) + b2_ref[0])

    h3 = jnp.dot(h2_scr[...].astype(jnp.bfloat16), w3_ref[0],
                 preferred_element_type=jnp.float32) + b3_ref[0]
    u = _ln_f(x + h3, lg_ref[0], lb_ref[0])
    out_ref[...] = jnp.concatenate(
        [u, jnp.zeros((BLK, C2 - C), jnp.float32)], axis=1)


def _run_grouped(xs, blk_e, dW1, dB1, dW2, dB2, dW3, dB3, dLg, dLb,
                 sW1, sB1, sW2, sB2, sLg, sLb):
    bf = jnp.bfloat16
    w1 = jnp.concatenate([dW1, sW1], axis=0).astype(bf)
    w3 = jnp.concatenate([dW3, sW2], axis=0).astype(bf)
    w2 = dW2.astype(bf)
    b1 = jnp.concatenate([dB1, sB1], axis=0).reshape(E, 1, FF)
    b2 = dB2.reshape(2, 1, FF)
    b3 = jnp.concatenate([dB3, sB2], axis=0).reshape(E, 1, C)
    lg = jnp.concatenate([dLg, sLg], axis=0).reshape(E, 1, C)
    lb = jnp.concatenate([dLb, sLb], axis=0).reshape(E, 1, C)

    grid_spec = pltpu.PrefetchScalarGridSpec(
        num_scalar_prefetch=1,
        grid=(NBLK,),
        in_specs=[
            pl.BlockSpec((BLK, C2), lambda i, be: (i, 0)),
            pl.BlockSpec((1, C, FF), lambda i, be: (be[i], 0, 0)),
            pl.BlockSpec((1, 1, FF), lambda i, be: (be[i], 0, 0)),
            pl.BlockSpec((1, FF, FF), lambda i, be: (jnp.minimum(be[i], 1), 0, 0)),
            pl.BlockSpec((1, 1, FF), lambda i, be: (jnp.minimum(be[i], 1), 0, 0)),
            pl.BlockSpec((1, FF, C), lambda i, be: (be[i], 0, 0)),
            pl.BlockSpec((1, 1, C), lambda i, be: (be[i], 0, 0)),
            pl.BlockSpec((1, 1, C), lambda i, be: (be[i], 0, 0)),
            pl.BlockSpec((1, 1, C), lambda i, be: (be[i], 0, 0)),
        ],
        out_specs=pl.BlockSpec((BLK, C2), lambda i, be: (i, 0)),
        scratch_shapes=[pltpu.VMEM((BLK, FF), jnp.float32)],
    )
    return pl.pallas_call(
        _group_kernel,
        grid_spec=grid_spec,
        out_shape=jax.ShapeDtypeStruct((CAP, C2), jnp.float32),
    )(blk_e, xs, w1, b1, w2, b2, w3, b3, lg, lb)



BT_C = 2048


def _combine_kernel(h_ref, r1_ref, r2_ref, meta_ref, out_ref):
    g1 = meta_ref[:, 4:5]
    g2 = meta_ref[:, 5:6]
    out_ref[...] = (h_ref[...] + g1 * r1_ref[...][:, :C]
                    + g2 * r2_ref[...][:, :C])


def _run_combine(h_flat, r1, r2, meta):
    return pl.pallas_call(
        _combine_kernel,
        grid=(N // BT_C,),
        in_specs=[
            pl.BlockSpec((BT_C, C), lambda i: (i, 0)),
            pl.BlockSpec((BT_C, C2), lambda i: (i, 0)),
            pl.BlockSpec((BT_C, C2), lambda i: (i, 0)),
            pl.BlockSpec((BT_C, E8), lambda i: (i, 0)),
        ],
        out_specs=pl.BlockSpec((BT_C, C), lambda i: (i, 0)),
        out_shape=jax.ShapeDtypeStruct((N, C), jnp.float32),
    )(h_flat, r1, r2, meta)



def kernel(x, noise, ln1_g, ln1_b, Wq, Wk, Wv, Wp, bp, ln2_g, ln2_b,
           Wr, br, Wn, bn, temp,
           dW1, dB1, dW2, dB2, dW3, dB3, dLg, dLb,
           sW1, sB1, sW2, sB2, sLg, sLb):
    ct = jnp.clip(temp, 0.5, 2.0)
    nct8 = jnp.zeros((N, E8), jnp.float32).at[:, :E].set(
        ct * noise.reshape(N, E))

    h, y, meta, counts = _run_attn_route(
        x, nct8, ln1_g, ln1_b, Wq, Wk, Wv, Wp, bp, ln2_g, ln2_b,
        Wr, br, Wn, bn)
    y_flat = y.reshape(N, C2)
    h_flat = h.reshape(N, C)

    counts_i = counts[0, :E].astype(jnp.int32)
    padded = ((counts_i + BLK - 1) // BLK) * BLK
    bounds = jnp.cumsum(padded)
    seg_start = bounds - padded
    i1 = meta[:, 0].astype(jnp.int32)
    i2 = meta[:, 1].astype(jnp.int32)
    pos1 = jnp.take(seg_start, i1) + meta[:, 2].astype(jnp.int32)
    pos2 = jnp.take(seg_start, i2) + meta[:, 3].astype(jnp.int32)
    pos1_3 = pos1.reshape(NWORK, NCH, CH)
    pos2_3 = pos2.reshape(NWORK, NCH, CH)
    bstart = jnp.arange(NBLK, dtype=jnp.int32) * BLK
    blk_e = jnp.clip(jnp.sum((bstart[:, None] >= bounds[None, :]).astype(
        jnp.int32), axis=1), 0, E - 1).astype(jnp.int32)

    xs = _run_sc_scatter(y_flat, pos1_3, pos2_3)
    uo = _run_grouped(xs, blk_e, dW1, dB1, dW2, dB2, dW3, dB3, dLg, dLb,
                      sW1, sB1, sW2, sB2, sLg, sLb)
    r1, r2 = _run_sc_gather(uo, pos1_3, pos2_3)
    out = _run_combine(h_flat, r1, r2, meta)
    return out.reshape(B, T, C)

# --- scband reference (transcript-rebuilt; emitter-appended) ---
"""Pipeline reference for scband-block-42949672961978 (READ-ONLY COPY).

The authoritative reference and input builder live on the scoring server;
editing this copy changes nothing except your own understanding.
"""

import jax, jax.numpy as jnp
import numpy as np

B, T, C = 128, 128, 192
H = 6
D = C // H
E = 6
K = 2
FF = 4 * C


def _ln(x, g, b):
    m = jnp.mean(x, axis=-1, keepdims=True)
    v = jnp.var(x, axis=-1, keepdims=True)
    return (x - m) / jnp.sqrt(v + 1e-5) * g + b


def _gelu(x):
    return jax.nn.gelu(x, approximate=False)


def _mha(x, Wq, Wk, Wv, Wp, bp):
    Bx, Tx, Cx = x.shape
    q = jnp.einsum('btc,hcd->bhtd', x, Wq)
    k = jnp.einsum('btc,hcd->bhtd', x, Wk)
    v = jnp.einsum('btc,hcd->bhtd', x, Wv)
    wei = jnp.einsum('bhtd,bhsd->bhts', q, k) * (Cx ** -0.5)
    mask = jnp.tril(jnp.ones((Tx, Tx), dtype=bool))
    wei = jnp.where(mask[None, None], wei, -jnp.inf)
    wei = jax.nn.softmax(wei, axis=-1)
    out = jnp.einsum('bhts,bhsd->bhtd', wei, v)
    out = out.transpose(0, 2, 1, 3).reshape(Bx, Tx, Cx)
    return out @ Wp + bp


def _expert_deep(x, W1, b1, W2, b2, W3, b3, g, bb):
    h = _gelu(x @ W1 + b1)
    h = _gelu(h @ W2 + b2)
    h = h @ W3 + b3
    return _ln(x + h, g, bb)


def _expert_simple(x, W1, b1, W2, b2, g, bb):
    h = _gelu(x @ W1 + b1)
    h = h @ W2 + b2
    return _ln(x + h, g, bb)


def _forward(x, noise, ln1_g, ln1_b, Wq, Wk, Wv, Wp, bp, ln2_g, ln2_b,
             Wr, br, Wn, bn, temp,
             dW1, dB1, dW2, dB2, dW3, dB3, dLg, dLb,
             sW1, sB1, sW2, sB2, sLg, sLb):
    # eval mode: dropout / drop-path are identity
    h = x + _mha(_ln(x, ln1_g, ln1_b), Wq, Wk, Wv, Wp, bp)
    y = _ln(h, ln2_g, ln2_b)
    # NoisyTopkRouter
    logits = y @ Wr + br
    nlog = y @ Wn + bn
    ct = jnp.clip(temp, 0.5, 2.0)
    noisy = logits + ct * noise * jax.nn.softplus(nlog)
    top_vals, top_idx = jax.lax.top_k(noisy, K)
    sel = jax.nn.one_hot(top_idx, E).sum(axis=-2) > 0
    sparse = jnp.where(sel, noisy, -jnp.inf)
    gating = jax.nn.softmax(sparse, axis=-1)
    gating_flat = gating.reshape(-1, E) * sel.reshape(-1, E).astype(jnp.float32)
    flat = y.reshape(-1, C)
    deep = jax.vmap(_expert_deep, in_axes=(None, 0, 0, 0, 0, 0, 0, 0, 0))(
        flat, dW1, dB1, dW2, dB2, dW3, dB3, dLg, dLb)
    simple = jax.vmap(_expert_simple, in_axes=(None, 0, 0, 0, 0, 0, 0))(
        flat, sW1, sB1, sW2, sB2, sLg, sLb)
    outs = jnp.concatenate([deep, simple], axis=0)  # [E, N, C], deep experts first (i<2)
    moe = jnp.einsum('enc,ne->nc', outs, gating_flat).reshape(h.shape)
    return h + moe


def setup_inputs(seed: int = 0) -> dict:
    key = jax.random.key(seed)
    ks = jax.random.split(key, 24)
    s = 0.02
    inp = {}
    inp['x'] = jax.random.normal(ks[0], (B, T, C), jnp.float32)
    inp['noise'] = jax.random.normal(ks[1], (B, T, E), jnp.float32)
    inp['ln1_g'] = jnp.ones((C,), jnp.float32)
    inp['ln1_b'] = jnp.zeros((C,), jnp.float32)
    inp['Wq'] = jax.random.normal(ks[2], (H, C, D), jnp.float32) * s
    inp['Wk'] = jax.random.normal(ks[3], (H, C, D), jnp.float32) * s
    inp['Wv'] = jax.random.normal(ks[4], (H, C, D), jnp.float32) * s
    inp['Wp'] = jax.random.normal(ks[5], (C, C), jnp.float32) * s
    inp['bp'] = jnp.zeros((C,), jnp.float32)
    inp['ln2_g'] = jnp.ones((C,), jnp.float32)
    inp['ln2_b'] = jnp.zeros((C,), jnp.float32)
    inp['Wr'] = jax.random.normal(ks[6], (C, E), jnp.float32) * s
    inp['br'] = jnp.full((E,), -3.0, jnp.float32)
    inp['Wn'] = jax.random.normal(ks[7], (C, E), jnp.float32) * s
    inp['bn'] = jnp.zeros((E,), jnp.float32)
    inp['temp'] = jnp.float32(0.8)
    # deep experts (i=0,1)
    inp['dW1'] = jax.random.normal(ks[8], (2, C, FF), jnp.float32) * s
    inp['dB1'] = jnp.zeros((2, FF), jnp.float32)
    inp['dW2'] = jax.random.normal(ks[9], (2, FF, FF), jnp.float32) * s
    inp['dB2'] = jnp.zeros((2, FF), jnp.float32)
    inp['dW3'] = jax.random.normal(ks[10], (2, FF, C), jnp.float32) * s
    inp['dB3'] = jnp.zeros((2, C), jnp.float32)
    inp['dLg'] = jnp.ones((2, C), jnp.float32)
    inp['dLb'] = jnp.zeros((2, C), jnp.float32)
    # simple experts (i=2..5)
    inp['sW1'] = jax.random.normal(ks[11], (4, C, FF), jnp.float32) * s
    inp['sB1'] = jnp.zeros((4, FF), jnp.float32)
    inp['sW2'] = jax.random.normal(ks[12], (4, FF, C), jnp.float32) * s
    inp['sB2'] = jnp.zeros((4, C), jnp.float32)
    inp['sLg'] = jnp.ones((4, C), jnp.float32)
    inp['sLb'] = jnp.zeros((4, C), jnp.float32)
    return inp


def reference(x, noise, ln1_g, ln1_b, Wq, Wk, Wv, Wp, bp, ln2_g, ln2_b,
              Wr, br, Wn, bn, temp,
              dW1, dB1, dW2, dB2, dW3, dB3, dLg, dLb,
              sW1, sB1, sW2, sB2, sLg, sLb):
    return _forward(x, noise, ln1_g, ln1_b, Wq, Wk, Wv, Wp, bp, ln2_g, ln2_b,
                    Wr, br, Wn, bn, temp,
                    dW1, dB1, dW2, dB2, dW3, dB3, dLg, dLb,
                    sW1, sB1, sW2, sB2, sLg, sLb)

if __name__ == "__main__":
    import jax
    _d = setup_inputs()
    print(jax.jit(kernel)(*tuple(_d.values())))

</pallas_src>

<mosaic_0001>
#map = affine_map<(d0, d1) -> (0, 0)>
#map1 = affine_map<(d0, d1) -> (0, 0, 0)>
module attributes {stable_mosaic.version = 14 : i64} {
  func.func @_sc_gather_body(%arg0: i32, %arg1: i32, %arg2: memref<38912x256xf32, #tpu.memory_space<hbm>>, %arg3: memref<32x4x128xi32, #tpu.memory_space<hbm>>, %arg4: memref<32x4x128xi32, #tpu.memory_space<hbm>>, %arg5: memref<16384x256xf32, #tpu.memory_space<hbm>>, %arg6: memref<16384x256xf32, #tpu.memory_space<hbm>>, %arg7: memref<4x128xi32, #tpu.memory_space<vmem>>, %arg8: memref<4x128xi32, #tpu.memory_space<vmem>>, %arg9: memref<128x256xf32, #tpu.memory_space<vmem>>, %arg10: memref<128x256xf32, #tpu.memory_space<vmem>>, %arg11: memref<!tpu.dma_semaphore, #tpu.memory_space<semaphore_mem>>, %arg12: memref<!tpu.dma_semaphore, #tpu.memory_space<semaphore_mem>>, %arg13: memref<!tpu.dma_semaphore, #tpu.memory_space<semaphore_mem>>, %arg14: memref<!tpu.dma_semaphore, #tpu.memory_space<semaphore_mem>>) attributes {dimension_semantics = [#tpu.dimension_semantics<core_parallel>, #tpu.dimension_semantics<subcore_parallel>], iteration_bounds = array<i64: 2, 16>, scalar_prefetch = 0 : i64, scratch_operands = 8 : i64, tpu.core_type = #tpu.core_type<sc_vector_subcore>, window_params = [{transform_indices = #map}, {transform_indices = #map1}, {transform_indices = #map1}, {transform_indices = #map}, {transform_indices = #map}]} {
    %mul3A = arith.constant 2 : i32
    %mul3A_0 = arith.muli %arg1, %mul3A : i32
    %add3A = arith.addi %mul3A_0, %arg0 : i32
    "tpu.region"() ({
      %run_scoped3A = tpu.sem_alloc : memref<!tpu.dma_semaphore, #tpu.memory_space<semaphore_mem>>
      %dma_start3A_207 = arith.constant 0 : i32
      %dma_start3A_208 = arith.constant 0 : i32
      %dma_start3A_209 = tpu.memref_slice %arg3[%add3A, %dma_start3A_207, %dma_start3A_208] : memref<32x4x128xi32, #tpu.memory_space<hbm>> -> memref<1x4x128xi32, #tpu.memory_space<hbm>>
      %dma_start3A_210 = tpu.memref_squeeze %dma_start3A_209 : memref<1x4x128xi32, #tpu.memory_space<hbm>> -> memref<4x128xi32, #tpu.memory_space<hbm>>
      %dma_start3A_211 = arith.constant 0 : i32
      %dma_start3A_212 = arith.constant 0 : i32
      %dma_start3A_213 = tpu.memref_slice %arg3[%add3A, %dma_start3A_211, %dma_start3A_212] : memref<32x4x128xi32, #tpu.memory_space<hbm>> -> memref<1x4x128xi32, #tpu.memory_space<hbm>>
      %dma_start3A_214 = tpu.memref_squeeze %dma_start3A_213 : memref<1x4x128xi32, #tpu.memory_space<hbm>> -> memref<4x128xi32, #tpu.memory_space<hbm>>
      tpu.enqueue_dma source(%dma_start3A_214 : memref<4x128xi32, #tpu.memory_space<hbm>>) target(%arg7 : memref<4x128xi32, #tpu.memory_space<vmem>>) target_semaphore(%run_scoped3A : memref<!tpu.dma_semaphore, #tpu.memory_space<semaphore_mem>>)
      %dma_wait3A_215 = arith.constant 0 : i32
      %dma_wait3A_216 = arith.constant 0 : i32
      %dma_wait3A_217 = tpu.memref_slice %arg3[%add3A, %dma_wait3A_215, %dma_wait3A_216] : memref<32x4x128xi32, #tpu.memory_space<hbm>> -> memref<1x4x128xi32, #tpu.memory_space<hbm>>
      %dma_wait3A_218 = tpu.memref_squeeze %dma_wait3A_217 : memref<1x4x128xi32, #tpu.memory_space<hbm>> -> memref<4x128xi32, #tpu.memory_space<hbm>>
      %dma_wait3A_219 = arith.constant 0 : i32
      %dma_wait3A_220 = arith.constant 0 : i32
      %dma_wait3A_221 = tpu.memref_slice %arg3[%add3A, %dma_wait3A_219, %dma_wait3A_220] : memref<32x4x128xi32, #tpu.memory_space<hbm>> -> memref<1x4x128xi32, #tpu.memory_space<hbm>>
      %dma_wait3A_222 = tpu.memref_squeeze %dma_wait3A_221 : memref<1x4x128xi32, #tpu.memory_space<hbm>> -> memref<4x128xi32, #tpu.memory_space<hbm>>
      tpu.wait_dma2 semaphore(%run_scoped3A : memref<!tpu.dma_semaphore, #tpu.memory_space<semaphore_mem>>) src(%dma_wait3A_222 : memref<4x128xi32, #tpu.memory_space<hbm>>) dst(%arg7 : memref<4x128xi32, #tpu.memory_space<vmem>>)
      tpu.yield
    }) : () -> ()
    "tpu.region"() ({
      %run_scoped3A = tpu.sem_alloc : memref<!tpu.dma_semaphore, #tpu.memory_space<semaphore_mem>>
      %dma_start3A_207 = arith.constant 0 : i32
      %dma_start3A_208 = arith.constant 0 : i32
      %dma_start3A_209 = tpu.memref_slice %arg4[%add3A, %dma_start3A_207, %dma_start3A_208] : memref<32x4x128xi32, #tpu.memory_space<hbm>> -> memref<1x4x128xi32, #tpu.memory_space<hbm>>
      %dma_start3A_210 = tpu.memref_squeeze %dma_start3A_209 : memref<1x4x128xi32, #tpu.memory_space<hbm>> -> memref<4x128xi32, #tpu.memory_space<hbm>>
      %dma_start3A_211 = arith.constant 0 : i32
      %dma_start3A_212 = arith.constant 0 : i32
      %dma_start3A_213 = tpu.memref_slice %arg4[%add3A, %dma_start3A_211, %dma_start3A_212] : memref<32x4x128xi32, #tpu.memory_space<hbm>> -> memref<1x4x128xi32, #tpu.memory_space<hbm>>
      %dma_start3A_214 = tpu.memref_squeeze %dma_start3A_213 : memref<1x4x128xi32, #tpu.memory_space<hbm>> -> memref<4x128xi32, #tpu.memory_space<hbm>>
      tpu.enqueue_dma source(%dma_start3A_214 : memref<4x128xi32, #tpu.memory_space<hbm>>) target(%arg8 : memref<4x128xi32, #tpu.memory_space<vmem>>) target_semaphore(%run_scoped3A : memref<!tpu.dma_semaphore, #tpu.memory_space<semaphore_mem>>)
      %dma_wait3A_215 = arith.constant 0 : i32
      %dma_wait3A_216 = arith.constant 0 : i32
      %dma_wait3A_217 = tpu.memref_slice %arg4[%add3A, %dma_wait3A_215, %dma_wait3A_216] : memref<32x4x128xi32, #tpu.memory_space<hbm>> -> memref<1x4x128xi32, #tpu.memory_space<hbm>>
      %dma_wait3A_218 = tpu.memref_squeeze %dma_wait3A_217 : memref<1x4x128xi32, #tpu.memory_space<hbm>> -> memref<4x128xi32, #tpu.memory_space<hbm>>
      %dma_wait3A_219 = arith.constant 0 : i32
      %dma_wait3A_220 = arith.constant 0 : i32
      %dma_wait3A_221 = tpu.memref_slice %arg4[%add3A, %dma_wait3A_219, %dma_wait3A_220] : memref<32x4x128xi32, #tpu.memory_space<hbm>> -> memref<1x4x128xi32, #tpu.memory_space<hbm>>
      %dma_wait3A_222 = tpu.memref_squeeze %dma_wait3A_221 : memref<1x4x128xi32, #tpu.memory_space<hbm>> -> memref<4x128xi32, #tpu.memory_space<hbm>>
      tpu.wait_dma2 semaphore(%run_scoped3A : memref<!tpu.dma_semaphore, #tpu.memory_space<semaphore_mem>>) src(%dma_wait3A_222 : memref<4x128xi32, #tpu.memory_space<hbm>>) dst(%arg8 : memref<4x128xi32, #tpu.memory_space<vmem>>)
      tpu.yield
    }) : () -> ()
    %dma_start3A = arith.constant 0 : i32
    %dma_start3A_1 = arith.constant 0 : i32
    %dma_start3A_2 = tpu.memref_slice %arg7[%dma_start3A, %dma_start3A_1] : memref<4x128xi32, #tpu.memory_space<vmem>> -> memref<1x128xi32, #tpu.memory_space<vmem>>
    %dma_start3A_3 = tpu.memref_squeeze %dma_start3A_2 : memref<1x128xi32, #tpu.memory_space<vmem>> -> memref<128xi32, #tpu.memory_space<vmem>>
    %dma_start3A_4 = arith.constant 0 : i32
    %dma_start3A_5 = arith.constant 0 : i32
    %dma_start3A_6 = tpu.memref_slice %arg2[%dma_start3A_4, %dma_start3A_5] : memref<38912x256xf32, #tpu.memory_space<hbm>> -> memref<38912x256xf32, #tpu.memory_space<hbm>>
    tpu.enqueue_indirect_dma source(%dma_start3A_6 : memref<38912x256xf32, #tpu.memory_space<hbm>>) target(%arg9 : memref<128x256xf32, #tpu.memory_space<vmem>>) offsets(%dma_start3A_3 : memref<128xi32, #tpu.memory_space<vmem>>) semaphore(%arg11 : memref<!tpu.dma_semaphore, #tpu.memory_space<semaphore_mem>>)
    %dma_start3A_7 = arith.constant 1 : i32
    %dma_start3A_8 = arith.constant 0 : i32
    %dma_start3A_9 = tpu.memref_slice %arg7[%dma_start3A_7, %dma_start3A_8] : memref<4x128xi32, #tpu.memory_space<vmem>> -> memref<1x128xi32, #tpu.memory_space<vmem>>
    %dma_start3A_10 = tpu.memref_squeeze %dma_start3A_9 : memref<1x128xi32, #tpu.memory_space<vmem>> -> memref<128xi32, #tpu.memory_space<vmem>>
    %dma_start3A_11 = arith.constant 0 : i32
    %dma_start3A_12 = arith.constant 0 : i32
    %dma_start3A_13 = tpu.memref_slice %arg2[%dma_start3A_11, %dma_start3A_12] : memref<38912x256xf32, #tpu.memory_space<hbm>> -> memref<38912x256xf32, #tpu.memory_space<hbm>>
    tpu.enqueue_indirect_dma source(%dma_start3A_13 : memref<38912x256xf32, #tpu.memory_space<hbm>>) target(%arg10 : memref<128x256xf32, #tpu.memory_space<vmem>>) offsets(%dma_start3A_10 : memref<128xi32, #tpu.memory_space<vmem>>) semaphore(%arg12 : memref<!tpu.dma_semaphore, #tpu.memory_space<semaphore_mem>>)
    %dma_wait3A = arith.constant 0 : i32
    %dma_wait3A_14 = arith.constant 0 : i32
    %dma_wait3A_15 = tpu.memref_slice %arg7[%dma_wait3A, %dma_wait3A_14] : memref<4x128xi32, #tpu.memory_space<vmem>> -> memref<1x128xi32, #tpu.memory_space<vmem>>
    %dma_wait3A_16 = tpu.memref_squeeze %dma_wait3A_15 : memref<1x128xi32, #tpu.memory_space<vmem>> -> memref<128xi32, #tpu.memory_space<vmem>>
    %dma_wait3A_17 = arith.constant 0 : i32
    %dma_wait3A_18 = arith.constant 0 : i32
    %dma_wait3A_19 = tpu.memref_slice %arg2[%dma_wait3A_17, %dma_wait3A_18] : memref<38912x256xf32, #tpu.memory_space<hbm>> -> memref<38912x256xf32, #tpu.memory_space<hbm>>
    tpu.wait_indirect_dma semaphore(%arg11 : memref<!tpu.dma_semaphore, #tpu.memory_space<semaphore_mem>>) src(%dma_wait3A_19 : memref<38912x256xf32, #tpu.memory_space<hbm>>) dst(%arg9 : memref<128x256xf32, #tpu.memory_space<vmem>>)
    %mul3A_20 = arith.constant 512 : i32
    %mul3A_21 = arith.muli %add3A, %mul3A_20 : i32
    %add3A_22 = arith.constant 0 : i32
    %add3A_23 = arith.addi %mul3A_21, %add3A_22 : i32
    %dma_start3A_24 = arith.constant 0 : i32
    %dma_start3A_25 = tpu.memref_slice %arg5[%add3A_23, %dma_start3A_24] : memref<16384x256xf32, #tpu.memory_space<hbm>> -> memref<128x256xf32, #tpu.memory_space<hbm>>
    %dma_start3A_26 = arith.constant 0 : i32
    %dma_start3A_27 = tpu.memref_slice %arg5[%add3A_23, %dma_start3A_26] : memref<16384x256xf32, #tpu.memory_space<hbm>> -> memref<128x256xf32, #tpu.memory_space<hbm>>
    tpu.enqueue_dma source(%arg9 : memref<128x256xf32, #tpu.memory_space<vmem>>) target(%dma_start3A_27 : memref<128x256xf32, #tpu.memory_space<hbm>>) target_semaphore(%arg13 : memref<!tpu.dma_semaphore, #tpu.memory_space<semaphore_mem>>)
    %dma_wait3A_28 = arith.constant 0 : i32
    %dma_wait3A_29 = tpu.memref_slice %arg5[%add3A_23, %dma_wait3A_28] : memref<16384x256xf32, #tpu.memory_space<hbm>> -> memref<128x256xf32, #tpu.memory_space<hbm>>
    %dma_wait3A_30 = arith.constant 0 : i32
    %dma_wait3A_31 = tpu.memref_slice %arg5[%add3A_23, %dma_wait3A_30] : memref<16384x256xf32, #tpu.memory_space<hbm>> -> memref<128x256xf32, #tpu.memory_space<hbm>>
    tpu.wait_dma2 semaphore(%arg13 : memref<!tpu.dma_semaphore, #tpu.memory_space<semaphore_mem>>) src(%arg9 : memref<128x256xf32, #tpu.memory_space<vmem>>) dst(%dma_wait3A_31 : memref<128x256xf32, #tpu.memory_space<hbm>>)
    %dma_start3A_32 = arith.constant 2 : i32
    %dma_start3A_33 = arith.constant 0 : i32
    %dma_start3A_34 = tpu.memref_slice %arg7[%dma_start3A_32, %dma_start3A_33] : memref<4x128xi32, #tpu.memory_space<vmem>> -> memref<1x128xi32, #tpu.memory_space<vmem>>
    %dma_start3A_35 = tpu.memref_squeeze %dma_start3A_34 : memref<1x128xi32, #tpu.memory_space<vmem>> -> memref<128xi32, #tpu.memory_space<vmem>>
    %dma_start3A_36 = arith.constant 0 : i32
    %dma_start3A_37 = arith.constant 0 : i32
    %dma_start3A_38 = tpu.memref_slice %arg2[%dma_start3A_36, %dma_start3A_37] : memref<38912x256xf32, #tpu.memory_space<hbm>> -> memref<38912x256xf32, #tpu.memory_space<hbm>>
    tpu.enqueue_indirect_dma source(%dma_start3A_38 : memref<38912x256xf32, #tpu.memory_space<hbm>>) target(%arg9 : memref<128x256xf32, #tpu.memory_space<vmem>>) offsets(%dma_start3A_35 : memref<128xi32, #tpu.memory_space<vmem>>) semaphore(%arg11 : memref<!tpu.dma_semaphore, #tpu.memory_space<semaphore_mem>>)
    %dma_wait3A_39 = arith.constant 1 : i32
    %dma_wait3A_40 = arith.constant 0 : i32
    %dma_wait3A_41 = tpu.memref_slice %arg7[%dma_wait3A_39, %dma_wait3A_40] : memref<4x128xi32, #tpu.memory_space<vmem>> -> memref<1x128xi32, #tpu.memory_space<vmem>>
    %dma_wait3A_42 = tpu.memref_squeeze %dma_wait3A_41 : memref<1x128xi32, #tpu.memory_space<vmem>> -> memref<128xi32, #tpu.memory_space<vmem>>
    %dma_wait3A_43 = arith.constant 0 : i32
    %dma_wait3A_44 = arith.constant 0 : i32
    %dma_wait3A_45 = tpu.memref_slice %arg2[%dma_wait3A_43, %dma_wait3A_44] : memref<38912x256xf32, #tpu.memory_space<hbm>> -> memref<38912x256xf32, #tpu.memory_space<hbm>>
    tpu.wait_indirect_dma semaphore(%arg12 : memref<!tpu.dma_semaphore, #tpu.memory_space<semaphore_mem>>) src(%dma_wait3A_45 : memref<38912x256xf32, #tpu.memory_space<hbm>>) dst(%arg10 : memref<128x256xf32, #tpu.memory_space<vmem>>)
    %mul3A_46 = arith.constant 512 : i32
    %mul3A_47 = arith.muli %add3A, %mul3A_46 : i32
    %add3A_48 = arith.constant 128 : i32
    %add3A_49 = arith.addi %mul3A_47, %add3A_48 : i32
    %dma_start3A_50 = arith.constant 0 : i32
    %dma_start3A_51 = tpu.memref_slice %arg5[%add3A_49, %dma_start3A_50] : memref<16384x256xf32, #tpu.memory_space<hbm>> -> memref<128x256xf32, #tpu.memory_space<hbm>>
    %dma_start3A_52 = arith.constant 0 : i32
    %dma_start3A_53 = tpu.memref_slice %arg5[%add3A_49, %dma_start3A_52] : memref<16384x256xf32, #tpu.memory_space<hbm>> -> memref<128x256xf32, #tpu.memory_space<hbm>>
    tpu.enqueue_dma source(%arg10 : memref<128x256xf32, #tpu.memory_space<vmem>>) target(%dma_start3A_53 : memref<128x256xf32, #tpu.memory_space<hbm>>) target_semaphore(%arg14 : memref<!tpu.dma_semaphore, #tpu.memory_space<semaphore_mem>>)
    %dma_wait3A_54 = arith.constant 0 : i32
    %dma_wait3A_55 = tpu.memref_slice %arg5[%add3A_49, %dma_wait3A_54] : memref<16384x256xf32, #tpu.memory_space<hbm>> -> memref<128x256xf32, #tpu.memory_space<hbm>>
    %dma_wait3A_56 = arith.constant 0 : i32
    %dma_wait3A_57 = tpu.memref_slice %arg5[%add3A_49, %dma_wait3A_56] : memref<16384x256xf32, #tpu.memory_space<hbm>> -> memref<128x256xf32, #tpu.memory_space<hbm>>
    tpu.wait_dma2 semaphore(%arg14 : memref<!tpu.dma_semaphore, #tpu.memory_space<semaphore_mem>>) src(%arg10 : memref<128x256xf32, #tpu.memory_space<vmem>>) dst(%dma_wait3A_57 : memref<128x256xf32, #tpu.memory_space<hbm>>)
    %dma_start3A_58 = arith.constant 3 : i32
    %dma_start3A_59 = arith.constant 0 : i32
    %dma_start3A_60 = tpu.memref_slice %arg7[%dma_start3A_58, %dma_start3A_59] : memref<4x128xi32, #tpu.memory_space<vmem>> -> memref<1x128xi32, #tpu.memory_space<vmem>>
    %dma_start3A_61 = tpu.memref_squeeze %dma_start3A_60 : memref<1x128xi32, #tpu.memory_space<vmem>> -> memref<128xi32, #tpu.memory_space<vmem>>
    %dma_start3A_62 = arith.constant 0 : i32
    %dma_start3A_63 = arith.constant 0 : i32
    %dma_start3A_64 = tpu.memref_slice %arg2[%dma_start3A_62, %dma_start3A_63] : memref<38912x256xf32, #tpu.memory_space<hbm>> -> memref<38912x256xf32, #tpu.memory_space<hbm>>
    tpu.enqueue_indirect_dma source(%dma_start3A_64 : memref<38912x256xf32, #tpu.memory_space<hbm>>) target(%arg10 : memref<128x256xf32, #tpu.memory_space<vmem>>) offsets(%dma_start3A_61 : memref<128xi32, #tpu.memory_space<vmem>>) semaphore(%arg12 : memref<!tpu.dma_semaphore, #tpu.memory_space<semaphore_mem>>)
    %dma_wait3A_65 = arith.constant 2 : i32
    %dma_wait3A_66 = arith.constant 0 : i32
    %dma_wait3A_67 = tpu.memref_slice %arg7[%dma_wait3A_65, %dma_wait3A_66] : memref<4x128xi32, #tpu.memory_space<vmem>> -> memref<1x128xi32, #tpu.memory_space<vmem>>
    %dma_wait3A_68 = tpu.memref_squeeze %dma_wait3A_67 : memref<1x128xi32, #tpu.memory_space<vmem>> -> memref<128xi32, #tpu.memory_space<vmem>>
    %dma_wait3A_69 = arith.constant 0 : i32
    %dma_wait3A_70 = arith.constant 0 : i32
    %dma_wait3A_71 = tpu.memref_slice %arg2[%dma_wait3A_69, %dma_wait3A_70] : memref<38912x256xf32, #tpu.memory_space<hbm>> -> memref<38912x256xf32, #tpu.memory_space<hbm>>
    tpu.wait_indirect_dma semaphore(%arg11 : memref<!tpu.dma_semaphore, #tpu.memory_space<semaphore_mem>>) src(%dma_wait3A_71 : memref<38912x256xf32, #tpu.memory_space<hbm>>) dst(%arg9 : memref<128x256xf32, #tpu.memory_space<vmem>>)
    %mul3A_72 = arith.constant 512 : i32
    %mul3A_73 = arith.muli %add3A, %mul3A_72 : i32
    %add3A_74 = arith.constant 256 : i32
    %add3A_75 = arith.addi %mul3A_73, %add3A_74 : i32
    %dma_start3A_76 = arith.constant 0 : i32
    %dma_start3A_77 = tpu.memref_slice %arg5[%add3A_75, %dma_start3A_76] : memref<16384x256xf32, #tpu.memory_space<hbm>> -> memref<128x256xf32, #tpu.memory_space<hbm>>
    %dma_start3A_78 = arith.constant 0 : i32
    %dma_start3A_79 = tpu.memref_slice %arg5[%add3A_75, %dma_start3A_78] : memref<16384x256xf32, #tpu.memory_space<hbm>> -> memref<128x256xf32, #tpu.memory_space<hbm>>
    tpu.enqueue_dma source(%arg9 : memref<128x256xf32, #tpu.memory_space<vmem>>) target(%dma_start3A_79 : memref<128x256xf32, #tpu.memory_space<hbm>>) target_semaphore(%arg13 : memref<!tpu.dma_semaphore, #tpu.memory_space<semaphore_mem>>)
    %dma_wait3A_80 = arith.constant 0 : i32
    %dma_wait3A_81 = tpu.memref_slice %arg5[%add3A_75, %dma_wait3A_80] : memref<16384x256xf32, #tpu.memory_space<hbm>> -> memref<128x256xf32, #tpu.memory_space<hbm>>
    %dma_wait3A_82 = arith.constant 0 : i32
    %dma_wait3A_83 = tpu.memref_slice %arg5[%add3A_75, %dma_wait3A_82] : memref<16384x256xf32, #tpu.memory_space<hbm>> -> memref<128x256xf32, #tpu.memory_space<hbm>>
    tpu.wait_dma2 semaphore(%arg13 : memref<!tpu.dma_semaphore, #tpu.memory_space<semaphore_mem>>) src(%arg9 : memref<128x256xf32, #tpu.memory_space<vmem>>) dst(%dma_wait3A_83 : memref<128x256xf32, #tpu.memory_space<hbm>>)
    %dma_start3A_84 = arith.constant 0 : i32
    %dma_start3A_85 = arith.constant 0 : i32
    %dma_start3A_86 = tpu.memref_slice %arg8[%dma_start3A_84, %dma_start3A_85] : memref<4x128xi32, #tpu.memory_space<vmem>> -> memref<1x128xi32, #tpu.memory_space<vmem>>
    %dma_start3A_87 = tpu.memref_squeeze %dma_start3A_86 : memref<1x128xi32, #tpu.memory_space<vmem>> -> memref<128xi32, #tpu.memory_space<vmem>>
    %dma_start3A_88 = arith.constant 0 : i32
    %dma_start3A_89 = arith.constant 0 : i32
    %dma_start3A_90 = tpu.memref_slice %arg2[%dma_start3A_88, %dma_start3A_89] : memref<38912x256xf32, #tpu.memory_space<hbm>> -> memref<38912x256xf32, #tpu.memory_space<hbm>>
    tpu.enqueue_indirect_dma source(%dma_start3A_90 : memref<38912x256xf32, #tpu.memory_space<hbm>>) target(%arg9 : memref<128x256xf32, #tpu.memory_space<vmem>>) offsets(%dma_start3A_87 : memref<128xi32, #tpu.memory_space<vmem>>) semaphore(%arg11 : memref<!tpu.dma_semaphore, #tpu.memory_space<semaphore_mem>>)
    %dma_wait3A_91 = arith.constant 3 : i32
    %dma_wait3A_92 = arith.constant 0 : i32
    %dma_wait3A_93 = tpu.memref_slice %arg7[%dma_wait3A_91, %dma_wait3A_92] : memref<4x128xi32, #tpu.memory_space<vmem>> -> memref<1x128xi32, #tpu.memory_space<vmem>>
    %dma_wait3A_94 = tpu.memref_squeeze %dma_wait3A_93 : memref<1x128xi32, #tpu.memory_space<vmem>> -> memref<128xi32, #tpu.memory_space<vmem>>
    %dma_wait3A_95 = arith.constant 0 : i32
    %dma_wait3A_96 = arith.constant 0 : i32
    %dma_wait3A_97 = tpu.memref_slice %arg2[%dma_wait3A_95, %dma_wait3A_96] : memref<38912x256xf32, #tpu.memory_space<hbm>> -> memref<38912x256xf32, #tpu.memory_space<hbm>>
    tpu.wait_indirect_dma semaphore(%arg12 : memref<!tpu.dma_semaphore, #tpu.memory_space<semaphore_mem>>) src(%dma_wait3A_97 : memref<38912x256xf32, #tpu.memory_space<hbm>>) dst(%arg10 : memref<128x256xf32, #tpu.memory_space<vmem>>)
    %mul3A_98 = arith.constant 512 : i32
    %mul3A_99 = arith.muli %add3A, %mul3A_98 : i32
    %add3A_100 = arith.constant 384 : i32
    %add3A_101 = arith.addi %mul3A_99, %add3A_100 : i32
    %dma_start3A_102 = arith.constant 0 : i32
    %dma_start3A_103 = tpu.memref_slice %arg5[%add3A_101, %dma_start3A_102] : memref<16384x256xf32, #tpu.memory_space<hbm>> -> memref<128x256xf32, #tpu.memory_space<hbm>>
    %dma_start3A_104 = arith.constant 0 : i32
    %dma_start3A_105 = tpu.memref_slice %arg5[%add3A_101, %dma_start3A_104] : memref<16384x256xf32, #tpu.memory_space<hbm>> -> memref<128x256xf32, #tpu.memory_space<hbm>>
    tpu.enqueue_dma source(%arg10 : memref<128x256xf32, #tpu.memory_space<vmem>>) target(%dma_start3A_105 : memref<128x256xf32, #tpu.memory_space<hbm>>) target_semaphore(%arg14 : memref<!tpu.dma_semaphore, #tpu.memory_space<semaphore_mem>>)
    %dma_wait3A_106 = arith.constant 0 : i32
    %dma_wait3A_107 = tpu.memref_slice %arg5[%add3A_101, %dma_wait3A_106] : memref<16384x256xf32, #tpu.memory_space<hbm>> -> memref<128x256xf32, #tpu.memory_space<hbm>>
    %dma_wait3A_108 = arith.constant 0 : i32
    %dma_wait3A_109 = tpu.memref_slice %arg5[%add3A_101, %dma_wait3A_108] : memref<16384x256xf32, #tpu.memory_space<hbm>> -> memref<128x256xf32, #tpu.memory_space<hbm>>
    tpu.wait_dma2 semaphore(%arg14 : memref<!tpu.dma_semaphore, #tpu.memory_space<semaphore_mem>>) src(%arg10 : memref<128x256xf32, #tpu.memory_space<vmem>>) dst(%dma_wait3A_109 : memref<128x256xf32, #tpu.memory_space<hbm>>)
    %dma_start3A_110 = arith.constant 1 : i32
    %dma_start3A_111 = arith.constant 0 : i32
    %dma_start3A_112 = tpu.memref_slice %arg8[%dma_start3A_110, %dma_start3A_111] : memref<4x128xi32, #tpu.memory_space<vmem>> -> memref<1x128xi32, #tpu.memory_space<vmem>>
    %dma_start3A_113 = tpu.memref_squeeze %dma_start3A_112 : memref<1x128xi32, #tpu.memory_space<vmem>> -> memref<128xi32, #tpu.memory_space<vmem>>
    %dma_start3A_114 = arith.constant 0 : i32
    %dma_start3A_115 = arith.constant 0 : i32
    %dma_start3A_116 = tpu.memref_slice %arg2[%dma_start3A_114, %dma_start3A_115] : memref<38912x256xf32, #tpu.memory_space<hbm>> -> memref<38912x256xf32, #tpu.memory_space<hbm>>
    tpu.enqueue_indirect_dma source(%dma_start3A_116 : memref<38912x256xf32, #tpu.memory_space<hbm>>) target(%arg10 : memref<128x256xf32, #tpu.memory_space<vmem>>) offsets(%dma_start3A_113 : memref<128xi32, #tpu.memory_space<vmem>>) semaphore(%arg12 : memref<!tpu.dma_semaphore, #tpu.memory_space<semaphore_mem>>)
    %dma_wait3A_117 = arith.constant 0 : i32
    %dma_wait3A_118 = arith.constant 0 : i32
    %dma_wait3A_119 = tpu.memref_slice %arg8[%dma_wait3A_117, %dma_wait3A_118] : memref<4x128xi32, #tpu.memory_space<vmem>> -> memref<1x128xi32, #tpu.memory_space<vmem>>
    %dma_wait3A_120 = tpu.memref_squeeze %dma_wait3A_119 : memref<1x128xi32, #tpu.memory_space<vmem>> -> memref<128xi32, #tpu.memory_space<vmem>>
    %dma_wait3A_121 = arith.constant 0 : i32
    %dma_wait3A_122 = arith.constant 0 : i32
    %dma_wait3A_123 = tpu.memref_slice %arg2[%dma_wait3A_121, %dma_wait3A_122] : memref<38912x256xf32, #tpu.memory_space<hbm>> -> memref<38912x256xf32, #tpu.memory_space<hbm>>
    tpu.wait_indirect_dma semaphore(%arg11 : memref<!tpu.dma_semaphore, #tpu.memory_space<semaphore_mem>>) src(%dma_wait3A_123 : memref<38912x256xf32, #tpu.memory_space<hbm>>) dst(%arg9 : memref<128x256xf32, #tpu.memory_space<vmem>>)
    %mul3A_124 = arith.constant 512 : i32
    %mul3A_125 = arith.muli %add3A, %mul3A_124 : i32
    %add3A_126 = arith.constant 0 : i32
    %add3A_127 = arith.addi %mul3A_125, %add3A_126 : i32
    %dma_start3A_128 = arith.constant 0 : i32
    %dma_start3A_129 = tpu.memref_slice %arg6[%add3A_127, %dma_start3A_128] : memref<16384x256xf32, #tpu.memory_space<hbm>> -> memref<128x256xf32, #tpu.memory_space<hbm>>
    %dma_start3A_130 = arith.constant 0 : i32
    %dma_start3A_131 = tpu.memref_slice %arg6[%add3A_127, %dma_start3A_130] : memref<16384x256xf32, #tpu.memory_space<hbm>> -> memref<128x256xf32, #tpu.memory_space<hbm>>
    tpu.enqueue_dma source(%arg9 : memref<128x256xf32, #tpu.memory_space<vmem>>) target(%dma_start3A_131 : memref<128x256xf32, #tpu.memory_space<hbm>>) target_semaphore(%arg13 : memref<!tpu.dma_semaphore, #tpu.memory_space<semaphore_mem>>)
    %dma_wait3A_132 = arith.constant 0 : i32
    %dma_wait3A_133 = tpu.memref_slice %arg6[%add3A_127, %dma_wait3A_132] : memref<16384x256xf32, #tpu.memory_space<hbm>> -> memref<128x256xf32, #tpu.memory_space<hbm>>
    %dma_wait3A_134 = arith.constant 0 : i32
    %dma_wait3A_135 = tpu.memref_slice %arg6[%add3A_127, %dma_wait3A_134] : memref<16384x256xf32, #tpu.memory_space<hbm>> -> memref<128x256xf32, #tpu.memory_space<hbm>>
    tpu.wait_dma2 semaphore(%arg13 : memref<!tpu.dma_semaphore, #tpu.memory_space<semaphore_mem>>) src(%arg9 : memref<128x256xf32, #tpu.memory_space<vmem>>) dst(%dma_wait3A_135 : memref<128x256xf32, #tpu.memory_space<hbm>>)
    %dma_start3A_136 = arith.constant 2 : i32
    %dma_start3A_137 = arith.constant 0 : i32
    %dma_start3A_138 = tpu.memref_slice %arg8[%dma_start3A_136, %dma_start3A_137] : memref<4x128xi32, #tpu.memory_space<vmem>> -> memref<1x128xi32, #tpu.memory_space<vmem>>
    %dma_start3A_139 = tpu.memref_squeeze %dma_start3A_138 : memref<1x128xi32, #tpu.memory_space<vmem>> -> memref<128xi32, #tpu.memory_space<vmem>>
    %dma_start3A_140 = arith.constant 0 : i32
    %dma_start3A_141 = arith.constant 0 : i32
    %dma_start3A_142 = tpu.memref_slice %arg2[%dma_start3A_140, %dma_start3A_141] : memref<38912x256xf32, #tpu.memory_space<hbm>> -> memref<38912x256xf32, #tpu.memory_space<hbm>>
    tpu.enqueue_indirect_dma source(%dma_start3A_142 : memref<38912x256xf32, #tpu.memory_space<hbm>>) target(%arg9 : memref<128x256xf32, #tpu.memory_space<vmem>>) offsets(%dma_start3A_139 : memref<128xi32, #tpu.memory_space<vmem>>) semaphore(%arg11 : memref<!tpu.dma_semaphore, #tpu.memory_space<semaphore_mem>>)
    %dma_wait3A_143 = arith.constant 1 : i32
    %dma_wait3A_144 = arith.constant 0 : i32
    %dma_wait3A_145 = tpu.memref_slice %arg8[%dma_wait3A_143, %dma_wait3A_144] : memref<4x128xi32, #tpu.memory_space<vmem>> -> memref<1x128xi32, #tpu.memory_space<vmem>>
    %dma_wait3A_146 = tpu.memref_squeeze %dma_wait3A_145 : memref<1x128xi32, #tpu.memory_space<vmem>> -> memref<128xi32, #tpu.memory_space<vmem>>
    %dma_wait3A_147 = arith.constant 0 : i32
    %dma_wait3A_148 = arith.constant 0 : i32
    %dma_wait3A_149 = tpu.memref_slice %arg2[%dma_wait3A_147, %dma_wait3A_148] : memref<38912x256xf32, #tpu.memory_space<hbm>> -> memref<38912x256xf32, #tpu.memory_space<hbm>>
    tpu.wait_indirect_dma semaphore(%arg12 : memref<!tpu.dma_semaphore, #tpu.memory_space<semaphore_mem>>) src(%dma_wait3A_149 : memref<38912x256xf32, #tpu.memory_space<hbm>>) dst(%arg10 : memref<128x256xf32, #tpu.memory_space<vmem>>)
    %mul3A_150 = arith.constant 512 : i32
    %mul3A_151 = arith.muli %add3A, %mul3A_150 : i32
    %add3A_152 = arith.constant 128 : i32
    %add3A_153 = arith.addi %mul3A_151, %add3A_152 : i32
    %dma_start3A_154 = arith.constant 0 : i32
    %dma_start3A_155 = tpu.memref_slice %arg6[%add3A_153, %dma_start3A_154] : memref<16384x256xf32, #tpu.memory_space<hbm>> -> memref<128x256xf32, #tpu.memory_space<hbm>>
    %dma_start3A_156 = arith.constant 0 : i32
    %dma_start3A_157 = tpu.memref_slice %arg6[%add3A_153, %dma_start3A_156] : memref<16384x256xf32, #tpu.memory_space<hbm>> -> memref<128x256xf32, #tpu.memory_space<hbm>>
    tpu.enqueue_dma source(%arg10 : memref<128x256xf32, #tpu.memory_space<vmem>>) target(%dma_start3A_157 : memref<128x256xf32, #tpu.memory_space<hbm>>) target_semaphore(%arg14 : memref<!tpu.dma_semaphore, #tpu.memory_space<semaphore_mem>>)
    %dma_wait3A_158 = arith.constant 0 : i32
    %dma_wait3A_159 = tpu.memref_slice %arg6[%add3A_153, %dma_wait3A_158] : memref<16384x256xf32, #tpu.memory_space<hbm>> -> memref<128x256xf32, #tpu.memory_space<hbm>>
    %dma_wait3A_160 = arith.constant 0 : i32
    %dma_wait3A_161 = tpu.memref_slice %arg6[%add3A_153, %dma_wait3A_160] : memref<16384x256xf32, #tpu.memory_space<hbm>> -> memref<128x256xf32, #tpu.memory_space<hbm>>
    tpu.wait_dma2 semaphore(%arg14 : memref<!tpu.dma_semaphore, #tpu.memory_space<semaphore_mem>>) src(%arg10 : memref<128x256xf32, #tpu.memory_space<vmem>>) dst(%dma_wait3A_161 : memref<128x256xf32, #tpu.memory_space<hbm>>)
    %dma_start3A_162 = arith.constant 3 : i32
    %dma_start3A_163 = arith.constant 0 : i32
    %dma_start3A_164 = tpu.memref_slice %arg8[%dma_start3A_162, %dma_start3A_163] : memref<4x128xi32, #tpu.memory_space<vmem>> -> memref<1x128xi32, #tpu.memory_space<vmem>>
    %dma_start3A_165 = tpu.memref_squeeze %dma_start3A_164 : memref<1x128xi32, #tpu.memory_space<vmem>> -> memref<128xi32, #tpu.memory_space<vmem>>
    %dma_start3A_166 = arith.constant 0 : i32
    %dma_start3A_167 = arith.constant 0 : i32
    %dma_start3A_168 = tpu.memref_slice %arg2[%dma_start3A_166, %dma_start3A_167] : memref<38912x256xf32, #tpu.memory_space<hbm>> -> memref<38912x256xf32, #tpu.memory_space<hbm>>
    tpu.enqueue_indirect_dma source(%dma_start3A_168 : memref<38912x256xf32, #tpu.memory_space<hbm>>) target(%arg10 : memref<128x256xf32, #tpu.memory_space<vmem>>) offsets(%dma_start3A_165 : memref<128xi32, #tpu.memory_space<vmem>>) semaphore(%arg12 : memref<!tpu.dma_semaphore, #tpu.memory_space<semaphore_mem>>)
    %dma_wait3A_169 = arith.constant 2 : i32
    %dma_wait3A_170 = arith.constant 0 : i32
    %dma_wait3A_171 = tpu.memref_slice %arg8[%dma_wait3A_169, %dma_wait3A_170] : memref<4x128xi32, #tpu.memory_space<vmem>> -> memref<1x128xi32, #tpu.memory_space<vmem>>
    %dma_wait3A_172 = tpu.memref_squeeze %dma_wait3A_171 : memref<1x128xi32, #tpu.memory_space<vmem>> -> memref<128xi32, #tpu.memory_space<vmem>>
    %dma_wait3A_173 = arith.constant 0 : i32
    %dma_wait3A_174 = arith.constant 0 : i32
    %dma_wait3A_175 = tpu.memref_slice %arg2[%dma_wait3A_173, %dma_wait3A_174] : memref<38912x256xf32, #tpu.memory_space<hbm>> -> memref<38912x256xf32, #tpu.memory_space<hbm>>
    tpu.wait_indirect_dma semaphore(%arg11 : memref<!tpu.dma_semaphore, #tpu.memory_space<semaphore_mem>>) src(%dma_wait3A_175 : memref<38912x256xf32, #tpu.memory_space<hbm>>) dst(%arg9 : memref<128x256xf32, #tpu.memory_space<vmem>>)
    %mul3A_176 = arith.constant 512 : i32
    %mul3A_177 = arith.muli %add3A, %mul3A_176 : i32
    %add3A_178 = arith.constant 256 : i32
    %add3A_179 = arith.addi %mul3A_177, %add3A_178 : i32
    %dma_start3A_180 = arith.constant 0 : i32
    %dma_start3A_181 = tpu.memref_slice %arg6[%add3A_179, %dma_start3A_180] : memref<16384x256xf32, #tpu.memory_space<hbm>> -> memref<128x256xf32, #tpu.memory_space<hbm>>
    %dma_start3A_182 = arith.constant 0 : i32
    %dma_start3A_183 = tpu.memref_slice %arg6[%add3A_179, %dma_start3A_182] : memref<16384x256xf32, #tpu.memory_space<hbm>> -> memref<128x256xf32, #tpu.memory_space<hbm>>
    tpu.enqueue_dma source(%arg9 : memref<128x256xf32, #tpu.memory_space<vmem>>) target(%dma_start3A_183 : memref<128x256xf32, #tpu.memory_space<hbm>>) target_semaphore(%arg13 : memref<!tpu.dma_semaphore, #tpu.memory_space<semaphore_mem>>)
    %dma_wait3A_184 = arith.constant 3 : i32
    %dma_wait3A_185 = arith.constant 0 : i32
    %dma_wait3A_186 = tpu.memref_slice %arg8[%dma_wait3A_184, %dma_wait3A_185] : memref<4x128xi32, #tpu.memory_space<vmem>> -> memref<1x128xi32, #tpu.memory_space<vmem>>
    %dma_wait3A_187 = tpu.memref_squeeze %dma_wait3A_186 : memref<1x128xi32, #tpu.memory_space<vmem>> -> memref<128xi32, #tpu.memory_space<vmem>>
    %dma_wait3A_188 = arith.constant 0 : i32
    %dma_wait3A_189 = arith.constant 0 : i32
    %dma_wait3A_190 = tpu.memref_slice %arg2[%dma_wait3A_188, %dma_wait3A_189] : memref<38912x256xf32, #tpu.memory_space<hbm>> -> memref<38912x256xf32, #tpu.memory_space<hbm>>
    tpu.wait_indirect_dma semaphore(%arg12 : memref<!tpu.dma_semaphore, #tpu.memory_space<semaphore_mem>>) src(%dma_wait3A_190 : memref<38912x256xf32, #tpu.memory_space<hbm>>) dst(%arg10 : memref<128x256xf32, #tpu.memory_space<vmem>>)
    %mul3A_191 = arith.constant 512 : i32
    %mul3A_192 = arith.muli %add3A, %mul3A_191 : i32
    %add3A_193 = arith.constant 384 : i32
    %add3A_194 = arith.addi %mul3A_192, %add3A_193 : i32
    %dma_start3A_195 = arith.constant 0 : i32
    %dma_start3A_196 = tpu.memref_slice %arg6[%add3A_194, %dma_start3A_195] : memref<16384x256xf32, #tpu.memory_space<hbm>> -> memref<128x256xf32, #tpu.memory_space<hbm>>
    %dma_start3A_197 = arith.constant 0 : i32
    %dma_start3A_198 = tpu.memref_slice %arg6[%add3A_194, %dma_start3A_197] : memref<16384x256xf32, #tpu.memory_space<hbm>> -> memref<128x256xf32, #tpu.memory_space<hbm>>
    tpu.enqueue_dma source(%arg10 : memref<128x256xf32, #tpu.memory_space<vmem>>) target(%dma_start3A_198 : memref<128x256xf32, #tpu.memory_space<hbm>>) target_semaphore(%arg14 : memref<!tpu.dma_semaphore, #tpu.memory_space<semaphore_mem>>)
    %dma_wait3A_199 = arith.constant 0 : i32
    %dma_wait3A_200 = tpu.memref_slice %arg6[%add3A_179, %dma_wait3A_199] : memref<16384x256xf32, #tpu.memory_space<hbm>> -> memref<128x256xf32, #tpu.memory_space<hbm>>
    %dma_wait3A_201 = arith.constant 0 : i32
    %dma_wait3A_202 = tpu.memref_slice %arg6[%add3A_179, %dma_wait3A_201] : memref<16384x256xf32, #tpu.memory_space<hbm>> -> memref<128x256xf32, #tpu.memory_space<hbm>>
    tpu.wait_dma2 semaphore(%arg13 : memref<!tpu.dma_semaphore, #tpu.memory_space<semaphore_mem>>) src(%arg9 : memref<128x256xf32, #tpu.memory_space<vmem>>) dst(%dma_wait3A_202 : memref<128x256xf32, #tpu.memory_space<hbm>>)
    %dma_wait3A_203 = arith.constant 0 : i32
    %dma_wait3A_204 = tpu.memref_slice %arg6[%add3A_194, %dma_wait3A_203] : memref<16384x256xf32, #tpu.memory_space<hbm>> -> memref<128x256xf32, #tpu.memory_space<hbm>>
    %dma_wait3A_205 = arith.constant 0 : i32
    %dma_wait3A_206 = tpu.memref_slice %arg6[%add3A_194, %dma_wait3A_205] : memref<16384x256xf32, #tpu.memory_space<hbm>> -> memref<128x256xf32, #tpu.memory_space<hbm>>
    tpu.wait_dma2 semaphore(%arg14 : memref<!tpu.dma_semaphore, #tpu.memory_space<semaphore_mem>>) src(%arg10 : memref<128x256xf32, #tpu.memory_space<vmem>>) dst(%dma_wait3A_206 : memref<128x256xf32, #tpu.memory_space<hbm>>)
    return
  }
}

#map = affine_map<(d0, d1) -> (0, 0)>
#map1 = affine_map<(d0, d1) -> (0, 0, 0)>
module attributes {stable_mosaic.version = 14 : i64} {
  func.func @_sc_scatter_body(%arg0: i32, %arg1: i32, %arg2: memref<16384x256xf32, #tpu.memory_space<hbm>>, %arg3: memref<32x4x128xi32, #tpu.memory_space<hbm>>, %arg4: memref<32x4x128xi32, #tpu.memory_space<hbm>>, %arg5: memref<38912x256xf32, #tpu.memory_space<hbm>>, %arg6: memref<4x128xi32, #tpu.memory_space<vmem>>, %arg7: memref<4x128xi32, #tpu.memory_space<vmem>>, %arg8: memref<128x256xf32, #tpu.memory_space<vmem>>, %arg9: memref<128x256xf32, #tpu.memory_space<vmem>>, %arg10: memref<!tpu.dma_semaphore, #tpu.memory_space<semaphore_mem>>, %arg11: memref<!tpu.dma_semaphore, #tpu.memory_space<semaphore_mem>>, %arg12: memref<!tpu.dma_semaphore, #tpu.memory_space<semaphore_mem>>, %arg13: memref<!tpu.dma_semaphore, #tpu.memory_space<semaphore_mem>>) attributes {dimension_semantics = [#tpu.dimension_semantics<core_parallel>, #tpu.dimension_semantics<subcore_parallel>], iteration_bounds = array<i64: 2, 16>, scalar_prefetch = 0 : i64, scratch_operands = 8 : i64, tpu.core_type = #tpu.core_type<sc_vector_subcore>, window_params = [{transform_indices = #map}, {transform_indices = #map1}, {transform_indices = #map1}, {transform_indices = #map}]} {
    %mul3A = arith.constant 2 : i32
    %mul3A_0 = arith.muli %arg1, %mul3A : i32
    %add3A = arith.addi %mul3A_0, %arg0 : i32
    "tpu.region"() ({
      %run_scoped3A = tpu.sem_alloc : memref<!tpu.dma_semaphore, #tpu.memory_space<semaphore_mem>>
      %dma_start3A_159 = arith.constant 0 : i32
      %dma_start3A_160 = arith.constant 0 : i32
      %dma_start3A_161 = tpu.memref_slice %arg3[%add3A, %dma_start3A_159, %dma_start3A_160] : memref<32x4x128xi32, #tpu.memory_space<hbm>> -> memref<1x4x128xi32, #tpu.memory_space<hbm>>
      %dma_start3A_162 = tpu.memref_squeeze %dma_start3A_161 : memref<1x4x128xi32, #tpu.memory_space<hbm>> -> memref<4x128xi32, #tpu.memory_space<hbm>>
      %dma_start3A_163 = arith.constant 0 : i32
      %dma_start3A_164 = arith.constant 0 : i32
      %dma_start3A_165 = tpu.memref_slice %arg3[%add3A, %dma_start3A_163, %dma_start3A_164] : memref<32x4x128xi32, #tpu.memory_space<hbm>> -> memref<1x4x128xi32, #tpu.memory_space<hbm>>
      %dma_start3A_166 = tpu.memref_squeeze %dma_start3A_165 : memref<1x4x128xi32, #tpu.memory_space<hbm>> -> memref<4x128xi32, #tpu.memory_space<hbm>>
      tpu.enqueue_dma source(%dma_start3A_166 : memref<4x128xi32, #tpu.memory_space<hbm>>) target(%arg6 : memref<4x128xi32, #tpu.memory_space<vmem>>) target_semaphore(%run_scoped3A : memref<!tpu.dma_semaphore, #tpu.memory_space<semaphore_mem>>)
      %dma_wait3A_167 = arith.constant 0 : i32
      %dma_wait3A_168 = arith.constant 0 : i32
      %dma_wait3A_169 = tpu.memref_slice %arg3[%add3A, %dma_wait3A_167, %dma_wait3A_168] : memref<32x4x128xi32, #tpu.memory_space<hbm>> -> memref<1x4x128xi32, #tpu.memory_space<hbm>>
      %dma_wait3A_170 = tpu.memref_squeeze %dma_wait3A_169 : memref<1x4x128xi32, #tpu.memory_space<hbm>> -> memref<4x128xi32, #tpu.memory_space<hbm>>
      %dma_wait3A_171 = arith.constant 0 : i32
      %dma_wait3A_172 = arith.constant 0 : i32
      %dma_wait3A_173 = tpu.memref_slice %arg3[%add3A, %dma_wait3A_171, %dma_wait3A_172] : memref<32x4x128xi32, #tpu.memory_space<hbm>> -> memref<1x4x128xi32, #tpu.memory_space<hbm>>
      %dma_wait3A_174 = tpu.memref_squeeze %dma_wait3A_173 : memref<1x4x128xi32, #tpu.memory_space<hbm>> -> memref<4x128xi32, #tpu.memory_space<hbm>>
      tpu.wait_dma2 semaphore(%run_scoped3A : memref<!tpu.dma_semaphore, #tpu.memory_space<semaphore_mem>>) src(%dma_wait3A_174 : memref<4x128xi32, #tpu.memory_space<hbm>>) dst(%arg6 : memref<4x128xi32, #tpu.memory_space<vmem>>)
      tpu.yield
    }) : () -> ()
    "tpu.region"() ({
      %run_scoped3A = tpu.sem_alloc : memref<!tpu.dma_semaphore, #tpu.memory_space<semaphore_mem>>
      %dma_start3A_159 = arith.constant 0 : i32
      %dma_start3A_160 = arith.constant 0 : i32
      %dma_start3A_161 = tpu.memref_slice %arg4[%add3A, %dma_start3A_159, %dma_start3A_160] : memref<32x4x128xi32, #tpu.memory_space<hbm>> -> memref<1x4x128xi32, #tpu.memory_space<hbm>>
      %dma_start3A_162 = tpu.memref_squeeze %dma_start3A_161 : memref<1x4x128xi32, #tpu.memory_space<hbm>> -> memref<4x128xi32, #tpu.memory_space<hbm>>
      %dma_start3A_163 = arith.constant 0 : i32
      %dma_start3A_164 = arith.constant 0 : i32
      %dma_start3A_165 = tpu.memref_slice %arg4[%add3A, %dma_start3A_163, %dma_start3A_164] : memref<32x4x128xi32, #tpu.memory_space<hbm>> -> memref<1x4x128xi32, #tpu.memory_space<hbm>>
      %dma_start3A_166 = tpu.memref_squeeze %dma_start3A_165 : memref<1x4x128xi32, #tpu.memory_space<hbm>> -> memref<4x128xi32, #tpu.memory_space<hbm>>
      tpu.enqueue_dma source(%dma_start3A_166 : memref<4x128xi32, #tpu.memory_space<hbm>>) target(%arg7 : memref<4x128xi32, #tpu.memory_space<vmem>>) target_semaphore(%run_scoped3A : memref<!tpu.dma_semaphore, #tpu.memory_space<semaphore_mem>>)
      %dma_wait3A_167 = arith.constant 0 : i32
      %dma_wait3A_168 = arith.constant 0 : i32
      %dma_wait3A_169 = tpu.memref_slice %arg4[%add3A, %dma_wait3A_167, %dma_wait3A_168] : memref<32x4x128xi32, #tpu.memory_space<hbm>> -> memref<1x4x128xi32, #tpu.memory_space<hbm>>
      %dma_wait3A_170 = tpu.memref_squeeze %dma_wait3A_169 : memref<1x4x128xi32, #tpu.memory_space<hbm>> -> memref<4x128xi32, #tpu.memory_space<hbm>>
      %dma_wait3A_171 = arith.constant 0 : i32
      %dma_wait3A_172 = arith.constant 0 : i32
      %dma_wait3A_173 = tpu.memref_slice %arg4[%add3A, %dma_wait3A_171, %dma_wait3A_172] : memref<32x4x128xi32, #tpu.memory_space<hbm>> -> memref<1x4x128xi32, #tpu.memory_space<hbm>>
      %dma_wait3A_174 = tpu.memref_squeeze %dma_wait3A_173 : memref<1x4x128xi32, #tpu.memory_space<hbm>> -> memref<4x128xi32, #tpu.memory_space<hbm>>
      tpu.wait_dma2 semaphore(%run_scoped3A : memref<!tpu.dma_semaphore, #tpu.memory_space<semaphore_mem>>) src(%dma_wait3A_174 : memref<4x128xi32, #tpu.memory_space<hbm>>) dst(%arg7 : memref<4x128xi32, #tpu.memory_space<vmem>>)
      tpu.yield
    }) : () -> ()
    %mul3A_1 = arith.constant 512 : i32
    %mul3A_2 = arith.muli %add3A, %mul3A_1 : i32
    %add3A_3 = arith.constant 0 : i32
    %add3A_4 = arith.addi %mul3A_2, %add3A_3 : i32
    %dma_start3A = arith.constant 0 : i32
    %dma_start3A_5 = tpu.memref_slice %arg2[%add3A_4, %dma_start3A] : memref<16384x256xf32, #tpu.memory_space<hbm>> -> memref<128x256xf32, #tpu.memory_space<hbm>>
    %dma_start3A_6 = arith.constant 0 : i32
    %dma_start3A_7 = tpu.memref_slice %arg2[%add3A_4, %dma_start3A_6] : memref<16384x256xf32, #tpu.memory_space<hbm>> -> memref<128x256xf32, #tpu.memory_space<hbm>>
    tpu.enqueue_dma source(%dma_start3A_7 : memref<128x256xf32, #tpu.memory_space<hbm>>) target(%arg8 : memref<128x256xf32, #tpu.memory_space<vmem>>) target_semaphore(%arg10 : memref<!tpu.dma_semaphore, #tpu.memory_space<semaphore_mem>>)
    %dma_wait3A = arith.constant 0 : i32
    %dma_wait3A_8 = tpu.memref_slice %arg2[%add3A_4, %dma_wait3A] : memref<16384x256xf32, #tpu.memory_space<hbm>> -> memref<128x256xf32, #tpu.memory_space<hbm>>
    %dma_wait3A_9 = arith.constant 0 : i32
    %dma_wait3A_10 = tpu.memref_slice %arg2[%add3A_4, %dma_wait3A_9] : memref<16384x256xf32, #tpu.memory_space<hbm>> -> memref<128x256xf32, #tpu.memory_space<hbm>>
    tpu.wait_dma2 semaphore(%arg10 : memref<!tpu.dma_semaphore, #tpu.memory_space<semaphore_mem>>) src(%dma_wait3A_10 : memref<128x256xf32, #tpu.memory_space<hbm>>) dst(%arg8 : memref<128x256xf32, #tpu.memory_space<vmem>>)
    %dma_start3A_11 = arith.constant 0 : i32
    %dma_start3A_12 = arith.constant 0 : i32
    %dma_start3A_13 = tpu.memref_slice %arg6[%dma_start3A_11, %dma_start3A_12] : memref<4x128xi32, #tpu.memory_space<vmem>> -> memref<1x128xi32, #tpu.memory_space<vmem>>
    %dma_start3A_14 = tpu.memref_squeeze %dma_start3A_13 : memref<1x128xi32, #tpu.memory_space<vmem>> -> memref<128xi32, #tpu.memory_space<vmem>>
    %dma_start3A_15 = arith.constant 0 : i32
    %dma_start3A_16 = arith.constant 0 : i32
    %dma_start3A_17 = tpu.memref_slice %arg5[%dma_start3A_15, %dma_start3A_16] : memref<38912x256xf32, #tpu.memory_space<hbm>> -> memref<38912x256xf32, #tpu.memory_space<hbm>>
    tpu.enqueue_indirect_dma source(%arg8 : memref<128x256xf32, #tpu.memory_space<vmem>>) target(%dma_start3A_17 : memref<38912x256xf32, #tpu.memory_space<hbm>>) offsets(%dma_start3A_14 : memref<128xi32, #tpu.memory_space<vmem>>) semaphore(%arg12 : memref<!tpu.dma_semaphore, #tpu.memory_space<semaphore_mem>>)
    %dma_start3A_18 = arith.constant 0 : i32
    %dma_start3A_19 = arith.constant 0 : i32
    %dma_start3A_20 = tpu.memref_slice %arg7[%dma_start3A_18, %dma_start3A_19] : memref<4x128xi32, #tpu.memory_space<vmem>> -> memref<1x128xi32, #tpu.memory_space<vmem>>
    %dma_start3A_21 = tpu.memref_squeeze %dma_start3A_20 : memref<1x128xi32, #tpu.memory_space<vmem>> -> memref<128xi32, #tpu.memory_space<vmem>>
    %dma_start3A_22 = arith.constant 0 : i32
    %dma_start3A_23 = arith.constant 0 : i32
    %dma_start3A_24 = tpu.memref_slice %arg5[%dma_start3A_22, %dma_start3A_23] : memref<38912x256xf32, #tpu.memory_space<hbm>> -> memref<38912x256xf32, #tpu.memory_space<hbm>>
    tpu.enqueue_indirect_dma source(%arg8 : memref<128x256xf32, #tpu.memory_space<vmem>>) target(%dma_start3A_24 : memref<38912x256xf32, #tpu.memory_space<hbm>>) offsets(%dma_start3A_21 : memref<128xi32, #tpu.memory_space<vmem>>) semaphore(%arg12 : memref<!tpu.dma_semaphore, #tpu.memory_space<semaphore_mem>>)
    %mul3A_25 = arith.constant 512 : i32
    %mul3A_26 = arith.muli %add3A, %mul3A_25 : i32
    %add3A_27 = arith.constant 128 : i32
    %add3A_28 = arith.addi %mul3A_26, %add3A_27 : i32
    %dma_start3A_29 = arith.constant 0 : i32
    %dma_start3A_30 = tpu.memref_slice %arg2[%add3A_28, %dma_start3A_29] : memref<16384x256xf32, #tpu.memory_space<hbm>> -> memref<128x256xf32, #tpu.memory_space<hbm>>
    %dma_start3A_31 = arith.constant 0 : i32
    %dma_start3A_32 = tpu.memref_slice %arg2[%add3A_28, %dma_start3A_31] : memref<16384x256xf32, #tpu.memory_space<hbm>> -> memref<128x256xf32, #tpu.memory_space<hbm>>
    tpu.enqueue_dma source(%dma_start3A_32 : memref<128x256xf32, #tpu.memory_space<hbm>>) target(%arg9 : memref<128x256xf32, #tpu.memory_space<vmem>>) target_semaphore(%arg11 : memref<!tpu.dma_semaphore, #tpu.memory_space<semaphore_mem>>)
    %dma_wait3A_33 = arith.constant 0 : i32
    %dma_wait3A_34 = tpu.memref_slice %arg2[%add3A_28, %dma_wait3A_33] : memref<16384x256xf32, #tpu.memory_space<hbm>> -> memref<128x256xf32, #tpu.memory_space<hbm>>
    %dma_wait3A_35 = arith.constant 0 : i32
    %dma_wait3A_36 = tpu.memref_slice %arg2[%add3A_28, %dma_wait3A_35] : memref<16384x256xf32, #tpu.memory_space<hbm>> -> memref<128x256xf32, #tpu.memory_space<hbm>>
    tpu.wait_dma2 semaphore(%arg11 : memref<!tpu.dma_semaphore, #tpu.memory_space<semaphore_mem>>) src(%dma_wait3A_36 : memref<128x256xf32, #tpu.memory_space<hbm>>) dst(%arg9 : memref<128x256xf32, #tpu.memory_space<vmem>>)
    %dma_start3A_37 = arith.constant 1 : i32
    %dma_start3A_38 = arith.constant 0 : i32
    %dma_start3A_39 = tpu.memref_slice %arg6[%dma_start3A_37, %dma_start3A_38] : memref<4x128xi32, #tpu.memory_space<vmem>> -> memref<1x128xi32, #tpu.memory_space<vmem>>
    %dma_start3A_40 = tpu.memref_squeeze %dma_start3A_39 : memref<1x128xi32, #tpu.memory_space<vmem>> -> memref<128xi32, #tpu.memory_space<vmem>>
    %dma_start3A_41 = arith.constant 0 : i32
    %dma_start3A_42 = arith.constant 0 : i32
    %dma_start3A_43 = tpu.memref_slice %arg5[%dma_start3A_41, %dma_start3A_42] : memref<38912x256xf32, #tpu.memory_space<hbm>> -> memref<38912x256xf32, #tpu.memory_space<hbm>>
    tpu.enqueue_indirect_dma source(%arg9 : memref<128x256xf32, #tpu.memory_space<vmem>>) target(%dma_start3A_43 : memref<38912x256xf32, #tpu.memory_space<hbm>>) offsets(%dma_start3A_40 : memref<128xi32, #tpu.memory_space<vmem>>) semaphore(%arg13 : memref<!tpu.dma_semaphore, #tpu.memory_space<semaphore_mem>>)
    %dma_start3A_44 = arith.constant 1 : i32
    %dma_start3A_45 = arith.constant 0 : i32
    %dma_start3A_46 = tpu.memref_slice %arg7[%dma_start3A_44, %dma_start3A_45] : memref<4x128xi32, #tpu.memory_space<vmem>> -> memref<1x128xi32, #tpu.memory_space<vmem>>
    %dma_start3A_47 = tpu.memref_squeeze %dma_start3A_46 : memref<1x128xi32, #tpu.memory_space<vmem>> -> memref<128xi32, #tpu.memory_space<vmem>>
    %dma_start3A_48 = arith.constant 0 : i32
    %dma_start3A_49 = arith.constant 0 : i32
    %dma_start3A_50 = tpu.memref_slice %arg5[%dma_start3A_48, %dma_start3A_49] : memref<38912x256xf32, #tpu.memory_space<hbm>> -> memref<38912x256xf32, #tpu.memory_space<hbm>>
    tpu.enqueue_indirect_dma source(%arg9 : memref<128x256xf32, #tpu.memory_space<vmem>>) target(%dma_start3A_50 : memref<38912x256xf32, #tpu.memory_space<hbm>>) offsets(%dma_start3A_47 : memref<128xi32, #tpu.memory_space<vmem>>) semaphore(%arg13 : memref<!tpu.dma_semaphore, #tpu.memory_space<semaphore_mem>>)
    %dma_wait3A_51 = arith.constant 0 : i32
    %dma_wait3A_52 = arith.constant 0 : i32
    %dma_wait3A_53 = tpu.memref_slice %arg6[%dma_wait3A_51, %dma_wait3A_52] : memref<4x128xi32, #tpu.memory_space<vmem>> -> memref<1x128xi32, #tpu.memory_space<vmem>>
    %dma_wait3A_54 = tpu.memref_squeeze %dma_wait3A_53 : memref<1x128xi32, #tpu.memory_space<vmem>> -> memref<128xi32, #tpu.memory_space<vmem>>
    %dma_wait3A_55 = arith.constant 0 : i32
    %dma_wait3A_56 = arith.constant 0 : i32
    %dma_wait3A_57 = tpu.memref_slice %arg5[%dma_wait3A_55, %dma_wait3A_56] : memref<38912x256xf32, #tpu.memory_space<hbm>> -> memref<38912x256xf32, #tpu.memory_space<hbm>>
    tpu.wait_indirect_dma semaphore(%arg12 : memref<!tpu.dma_semaphore, #tpu.memory_space<semaphore_mem>>) src(%arg8 : memref<128x256xf32, #tpu.memory_space<vmem>>) dst(%dma_wait3A_57 : memref<38912x256xf32, #tpu.memory_space<hbm>>)
    %dma_wait3A_58 = arith.constant 0 : i32
    %dma_wait3A_59 = arith.constant 0 : i32
    %dma_wait3A_60 = tpu.memref_slice %arg7[%dma_wait3A_58, %dma_wait3A_59] : memref<4x128xi32, #tpu.memory_space<vmem>> -> memref<1x128xi32, #tpu.memory_space<vmem>>
    %dma_wait3A_61 = tpu.memref_squeeze %dma_wait3A_60 : memref<1x128xi32, #tpu.memory_space<vmem>> -> memref<128xi32, #tpu.memory_space<vmem>>
    %dma_wait3A_62 = arith.constant 0 : i32
    %dma_wait3A_63 = arith.constant 0 : i32
    %dma_wait3A_64 = tpu.memref_slice %arg5[%dma_wait3A_62, %dma_wait3A_63] : memref<38912x256xf32, #tpu.memory_space<hbm>> -> memref<38912x256xf32, #tpu.memory_space<hbm>>
    tpu.wait_indirect_dma semaphore(%arg12 : memref<!tpu.dma_semaphore, #tpu.memory_space<semaphore_mem>>) src(%arg8 : memref<128x256xf32, #tpu.memory_space<vmem>>) dst(%dma_wait3A_64 : memref<38912x256xf32, #tpu.memory_space<hbm>>)
    %mul3A_65 = arith.constant 512 : i32
    %mul3A_66 = arith.muli %add3A, %mul3A_65 : i32
    %add3A_67 = arith.constant 256 : i32
    %add3A_68 = arith.addi %mul3A_66, %add3A_67 : i32
    %dma_start3A_69 = arith.constant 0 : i32
    %dma_start3A_70 = tpu.memref_slice %arg2[%add3A_68, %dma_start3A_69] : memref<16384x256xf32, #tpu.memory_space<hbm>> -> memref<128x256xf32, #tpu.memory_space<hbm>>
    %dma_start3A_71 = arith.constant 0 : i32
    %dma_start3A_72 = tpu.memref_slice %arg2[%add3A_68, %dma_start3A_71] : memref<16384x256xf32, #tpu.memory_space<hbm>> -> memref<128x256xf32, #tpu.memory_space<hbm>>
    tpu.enqueue_dma source(%dma_start3A_72 : memref<128x256xf32, #tpu.memory_space<hbm>>) target(%arg8 : memref<128x256xf32, #tpu.memory_space<vmem>>) target_semaphore(%arg10 : memref<!tpu.dma_semaphore, #tpu.memory_space<semaphore_mem>>)
    %dma_wait3A_73 = arith.constant 0 : i32
    %dma_wait3A_74 = tpu.memref_slice %arg2[%add3A_68, %dma_wait3A_73] : memref<16384x256xf32, #tpu.memory_space<hbm>> -> memref<128x256xf32, #tpu.memory_space<hbm>>
    %dma_wait3A_75 = arith.constant 0 : i32
    %dma_wait3A_76 = tpu.memref_slice %arg2[%add3A_68, %dma_wait3A_75] : memref<16384x256xf32, #tpu.memory_space<hbm>> -> memref<128x256xf32, #tpu.memory_space<hbm>>
    tpu.wait_dma2 semaphore(%arg10 : memref<!tpu.dma_semaphore, #tpu.memory_space<semaphore_mem>>) src(%dma_wait3A_76 : memref<128x256xf32, #tpu.memory_space<hbm>>) dst(%arg8 : memref<128x256xf32, #tpu.memory_space<vmem>>)
    %dma_start3A_77 = arith.constant 2 : i32
    %dma_start3A_78 = arith.constant 0 : i32
    %dma_start3A_79 = tpu.memref_slice %arg6[%dma_start3A_77, %dma_start3A_78] : memref<4x128xi32, #tpu.memory_space<vmem>> -> memref<1x128xi32, #tpu.memory_space<vmem>>
    %dma_start3A_80 = tpu.memref_squeeze %dma_start3A_79 : memref<1x128xi32, #tpu.memory_space<vmem>> -> memref<128xi32, #tpu.memory_space<vmem>>
    %dma_start3A_81 = arith.constant 0 : i32
    %dma_start3A_82 = arith.constant 0 : i32
    %dma_start3A_83 = tpu.memref_slice %arg5[%dma_start3A_81, %dma_start3A_82] : memref<38912x256xf32, #tpu.memory_space<hbm>> -> memref<38912x256xf32, #tpu.memory_space<hbm>>
    tpu.enqueue_indirect_dma source(%arg8 : memref<128x256xf32, #tpu.memory_space<vmem>>) target(%dma_start3A_83 : memref<38912x256xf32, #tpu.memory_space<hbm>>) offsets(%dma_start3A_80 : memref<128xi32, #tpu.memory_space<vmem>>) semaphore(%arg12 : memref<!tpu.dma_semaphore, #tpu.memory_space<semaphore_mem>>)
    %dma_start3A_84 = arith.constant 2 : i32
    %dma_start3A_85 = arith.constant 0 : i32
    %dma_start3A_86 = tpu.memref_slice %arg7[%dma_start3A_84, %dma_start3A_85] : memref<4x128xi32, #tpu.memory_space<vmem>> -> memref<1x128xi32, #tpu.memory_space<vmem>>
    %dma_start3A_87 = tpu.memref_squeeze %dma_start3A_86 : memref<1x128xi32, #tpu.memory_space<vmem>> -> memref<128xi32, #tpu.memory_space<vmem>>
    %dma_start3A_88 = arith.constant 0 : i32
    %dma_start3A_89 = arith.constant 0 : i32
    %dma_start3A_90 = tpu.memref_slice %arg5[%dma_start3A_88, %dma_start3A_89] : memref<38912x256xf32, #tpu.memory_space<hbm>> -> memref<38912x256xf32, #tpu.memory_space<hbm>>
    tpu.enqueue_indirect_dma source(%arg8 : memref<128x256xf32, #tpu.memory_space<vmem>>) target(%dma_start3A_90 : memref<38912x256xf32, #tpu.memory_space<hbm>>) offsets(%dma_start3A_87 : memref<128xi32, #tpu.memory_space<vmem>>) semaphore(%arg12 : memref<!tpu.dma_semaphore, #tpu.memory_space<semaphore_mem>>)
    %dma_wait3A_91 = arith.constant 1 : i32
    %dma_wait3A_92 = arith.constant 0 : i32
    %dma_wait3A_93 = tpu.memref_slice %arg6[%dma_wait3A_91, %dma_wait3A_92] : memref<4x128xi32, #tpu.memory_space<vmem>> -> memref<1x128xi32, #tpu.memory_space<vmem>>
    %dma_wait3A_94 = tpu.memref_squeeze %dma_wait3A_93 : memref<1x128xi32, #tpu.memory_space<vmem>> -> memref<128xi32, #tpu.memory_space<vmem>>
    %dma_wait3A_95 = arith.constant 0 : i32
    %dma_wait3A_96 = arith.constant 0 : i32
    %dma_wait3A_97 = tpu.memref_slice %arg5[%dma_wait3A_95, %dma_wait3A_96] : memref<38912x256xf32, #tpu.memory_space<hbm>> -> memref<38912x256xf32, #tpu.memory_space<hbm>>
    tpu.wait_indirect_dma semaphore(%arg13 : memref<!tpu.dma_semaphore, #tpu.memory_space<semaphore_mem>>) src(%arg9 : memref<128x256xf32, #tpu.memory_space<vmem>>) dst(%dma_wait3A_97 : memref<38912x256xf32, #tpu.memory_space<hbm>>)
    %dma_wait3A_98 = arith.constant 1 : i32
    %dma_wait3A_99 = arith.constant 0 : i32
    %dma_wait3A_100 = tpu.memref_slice %arg7[%dma_wait3A_98, %dma_wait3A_99] : memref<4x128xi32, #tpu.memory_space<vmem>> -> memref<1x128xi32, #tpu.memory_space<vmem>>
    %dma_wait3A_101 = tpu.memref_squeeze %dma_wait3A_100 : memref<1x128xi32, #tpu.memory_space<vmem>> -> memref<128xi32, #tpu.memory_space<vmem>>
    %dma_wait3A_102 = arith.constant 0 : i32
    %dma_wait3A_103 = arith.constant 0 : i32
    %dma_wait3A_104 = tpu.memref_slice %arg5[%dma_wait3A_102, %dma_wait3A_103] : memref<38912x256xf32, #tpu.memory_space<hbm>> -> memref<38912x256xf32, #tpu.memory_space<hbm>>
    tpu.wait_indirect_dma semaphore(%arg13 : memref<!tpu.dma_semaphore, #tpu.memory_space<semaphore_mem>>) src(%arg9 : memref<128x256xf32, #tpu.memory_space<vmem>>) dst(%dma_wait3A_104 : memref<38912x256xf32, #tpu.memory_space<hbm>>)
    %mul3A_105 = arith.constant 512 : i32
    %mul3A_106 = arith.muli %add3A, %mul3A_105 : i32
    %add3A_107 = arith.constant 384 : i32
    %add3A_108 = arith.addi %mul3A_106, %add3A_107 : i32
    %dma_start3A_109 = arith.constant 0 : i32
    %dma_start3A_110 = tpu.memref_slice %arg2[%add3A_108, %dma_start3A_109] : memref<16384x256xf32, #tpu.memory_space<hbm>> -> memref<128x256xf32, #tpu.memory_space<hbm>>
    %dma_start3A_111 = arith.constant 0 : i32
    %dma_start3A_112 = tpu.memref_slice %arg2[%add3A_108, %dma_start3A_111] : memref<16384x256xf32, #tpu.memory_space<hbm>> -> memref<128x256xf32, #tpu.memory_space<hbm>>
    tpu.enqueue_dma source(%dma_start3A_112 : memref<128x256xf32, #tpu.memory_space<hbm>>) target(%arg9 : memref<128x256xf32, #tpu.memory_space<vmem>>) target_semaphore(%arg11 : memref<!tpu.dma_semaphore, #tpu.memory_space<semaphore_mem>>)
    %dma_wait3A_113 = arith.constant 0 : i32
    %dma_wait3A_114 = tpu.memref_slice %arg2[%add3A_108, %dma_wait3A_113] : memref<16384x256xf32, #tpu.memory_space<hbm>> -> memref<128x256xf32, #tpu.memory_space<hbm>>
    %dma_wait3A_115 = arith.constant 0 : i32
    %dma_wait3A_116 = tpu.memref_slice %arg2[%add3A_108, %dma_wait3A_115] : memref<16384x256xf32, #tpu.memory_space<hbm>> -> memref<128x256xf32, #tpu.memory_space<hbm>>
    tpu.wait_dma2 semaphore(%arg11 : memref<!tpu.dma_semaphore, #tpu.memory_space<semaphore_mem>>) src(%dma_wait3A_116 : memref<128x256xf32, #tpu.memory_space<hbm>>) dst(%arg9 : memref<128x256xf32, #tpu.memory_space<vmem>>)
    %dma_start3A_117 = arith.constant 3 : i32
    %dma_start3A_118 = arith.constant 0 : i32
    %dma_start3A_119 = tpu.memref_slice %arg6[%dma_start3A_117, %dma_start3A_118] : memref<4x128xi32, #tpu.memory_space<vmem>> -> memref<1x128xi32, #tpu.memory_space<vmem>>
    %dma_start3A_120 = tpu.memref_squeeze %dma_start3A_119 : memref<1x128xi32, #tpu.memory_space<vmem>> -> memref<128xi32, #tpu.memory_space<vmem>>
    %dma_start3A_121 = arith.constant 0 : i32
    %dma_start3A_122 = arith.constant 0 : i32
    %dma_start3A_123 = tpu.memref_slice %arg5[%dma_start3A_121, %dma_start3A_122] : memref<38912x256xf32, #tpu.memory_space<hbm>> -> memref<38912x256xf32, #tpu.memory_space<hbm>>
    tpu.enqueue_indirect_dma source(%arg9 : memref<128x256xf32, #tpu.memory_space<vmem>>) target(%dma_start3A_123 : memref<38912x256xf32, #tpu.memory_space<hbm>>) offsets(%dma_start3A_120 : memref<128xi32, #tpu.memory_space<vmem>>) semaphore(%arg13 : memref<!tpu.dma_semaphore, #tpu.memory_space<semaphore_mem>>)
    %dma_start3A_124 = arith.constant 3 : i32
    %dma_start3A_125 = arith.constant 0 : i32
    %dma_start3A_126 = tpu.memref_slice %arg7[%dma_start3A_124, %dma_start3A_125] : memref<4x128xi32, #tpu.memory_space<vmem>> -> memref<1x128xi32, #tpu.memory_space<vmem>>
    %dma_start3A_127 = tpu.memref_squeeze %dma_start3A_126 : memref<1x128xi32, #tpu.memory_space<vmem>> -> memref<128xi32, #tpu.memory_space<vmem>>
    %dma_start3A_128 = arith.constant 0 : i32
    %dma_start3A_129 = arith.constant 0 : i32
    %dma_start3A_130 = tpu.memref_slice %arg5[%dma_start3A_128, %dma_start3A_129] : memref<38912x256xf32, #tpu.memory_space<hbm>> -> memref<38912x256xf32, #tpu.memory_space<hbm>>
    tpu.enqueue_indirect_dma source(%arg9 : memref<128x256xf32, #tpu.memory_space<vmem>>) target(%dma_start3A_130 : memref<38912x256xf32, #tpu.memory_space<hbm>>) offsets(%dma_start3A_127 : memref<128xi32, #tpu.memory_space<vmem>>) semaphore(%arg13 : memref<!tpu.dma_semaphore, #tpu.memory_space<semaphore_mem>>)
    %dma_wait3A_131 = arith.constant 2 : i32
    %dma_wait3A_132 = arith.constant 0 : i32
    %dma_wait3A_133 = tpu.memref_slice %arg6[%dma_wait3A_131, %dma_wait3A_132] : memref<4x128xi32, #tpu.memory_space<vmem>> -> memref<1x128xi32, #tpu.memory_space<vmem>>
    %dma_wait3A_134 = tpu.memref_squeeze %dma_wait3A_133 : memref<1x128xi32, #tpu.memory_space<vmem>> -> memref<128xi32, #tpu.memory_space<vmem>>
    %dma_wait3A_135 = arith.constant 0 : i32
    %dma_wait3A_136 = arith.constant 0 : i32
    %dma_wait3A_137 = tpu.memref_slice %arg5[%dma_wait3A_135, %dma_wait3A_136] : memref<38912x256xf32, #tpu.memory_space<hbm>> -> memref<38912x256xf32, #tpu.memory_space<hbm>>
    tpu.wait_indirect_dma semaphore(%arg12 : memref<!tpu.dma_semaphore, #tpu.memory_space<semaphore_mem>>) src(%arg8 : memref<128x256xf32, #tpu.memory_space<vmem>>) dst(%dma_wait3A_137 : memref<38912x256xf32, #tpu.memory_space<hbm>>)
    %dma_wait3A_138 = arith.constant 2 : i32
    %dma_wait3A_139 = arith.constant 0 : i32
    %dma_wait3A_140 = tpu.memref_slice %arg7[%dma_wait3A_138, %dma_wait3A_139] : memref<4x128xi32, #tpu.memory_space<vmem>> -> memref<1x128xi32, #tpu.memory_space<vmem>>
    %dma_wait3A_141 = tpu.memref_squeeze %dma_wait3A_140 : memref<1x128xi32, #tpu.memory_space<vmem>> -> memref<128xi32, #tpu.memory_space<vmem>>
    %dma_wait3A_142 = arith.constant 0 : i32
    %dma_wait3A_143 = arith.constant 0 : i32
    %dma_wait3A_144 = tpu.memref_slice %arg5[%dma_wait3A_142, %dma_wait3A_143] : memref<38912x256xf32, #tpu.memory_space<hbm>> -> memref<38912x256xf32, #tpu.memory_space<hbm>>
    tpu.wait_indirect_dma semaphore(%arg12 : memref<!tpu.dma_semaphore, #tpu.memory_space<semaphore_mem>>) src(%arg8 : memref<128x256xf32, #tpu.memory_space<vmem>>) dst(%dma_wait3A_144 : memref<38912x256xf32, #tpu.memory_space<hbm>>)
    %dma_wait3A_145 = arith.constant 3 : i32
    %dma_wait3A_146 = arith.constant 0 : i32
    %dma_wait3A_147 = tpu.memref_slice %arg6[%dma_wait3A_145, %dma_wait3A_146] : memref<4x128xi32, #tpu.memory_space<vmem>> -> memref<1x128xi32, #tpu.memory_space<vmem>>
    %dma_wait3A_148 = tpu.memref_squeeze %dma_wait3A_147 : memref<1x128xi32, #tpu.memory_space<vmem>> -> memref<128xi32, #tpu.memory_space<vmem>>
    %dma_wait3A_149 = arith.constant 0 : i32
    %dma_wait3A_150 = arith.constant 0 : i32
    %dma_wait3A_151 = tpu.memref_slice %arg5[%dma_wait3A_149, %dma_wait3A_150] : memref<38912x256xf32, #tpu.memory_space<hbm>> -> memref<38912x256xf32, #tpu.memory_space<hbm>>
    tpu.wait_indirect_dma semaphore(%arg13 : memref<!tpu.dma_semaphore, #tpu.memory_space<semaphore_mem>>) src(%arg9 : memref<128x256xf32, #tpu.memory_space<vmem>>) dst(%dma_wait3A_151 : memref<38912x256xf32, #tpu.memory_space<hbm>>)
    %dma_wait3A_152 = arith.constant 3 : i32
    %dma_wait3A_153 = arith.constant 0 : i32
    %dma_wait3A_154 = tpu.memref_slice %arg7[%dma_wait3A_152, %dma_wait3A_153] : memref<4x128xi32, #tpu.memory_space<vmem>> -> memref<1x128xi32, #tpu.memory_space<vmem>>
    %dma_wait3A_155 = tpu.memref_squeeze %dma_wait3A_154 : memref<1x128xi32, #tpu.memory_space<vmem>> -> memref<128xi32, #tpu.memory_space<vmem>>
    %dma_wait3A_156 = arith.constant 0 : i32
    %dma_wait3A_157 = arith.constant 0 : i32
    %dma_wait3A_158 = tpu.memref_slice %arg5[%dma_wait3A_156, %dma_wait3A_157] : memref<38912x256xf32, #tpu.memory_space<hbm>> -> memref<38912x256xf32, #tpu.memory_space<hbm>>
    tpu.wait_indirect_dma semaphore(%arg13 : memref<!tpu.dma_semaphore, #tpu.memory_space<semaphore_mem>>) src(%arg9 : memref<128x256xf32, #tpu.memory_space<vmem>>) dst(%dma_wait3A_158 : memref<38912x256xf32, #tpu.memory_space<hbm>>)
    return
  }
}

module attributes {stable_mosaic.version = 14 : i64} {
  func.func @_attn_kernel(%arg0: i32, %arg1: memref<4x128x192xf32, #tpu.memory_space<vmem>>, %arg2: memref<512x8xf32, #tpu.memory_space<vmem>>, %arg3: memref<1x192xf32, #tpu.memory_space<vmem>>, %arg4: memref<1x192xf32, #tpu.memory_space<vmem>>, %arg5: memref<192x192xf32, #tpu.memory_space<vmem>>, %arg6: memref<192x192xf32, #tpu.memory_space<vmem>>, %arg7: memref<192x192xf32, #tpu.memory_space<vmem>>, %arg8: memref<192x192xf32, #tpu.memory_space<vmem>>, %arg9: memref<1x192xf32, #tpu.memory_space<vmem>>, %arg10: memref<1x192xf32, #tpu.memory_space<vmem>>, %arg11: memref<1x192xf32, #tpu.memory_space<vmem>>, %arg12: memref<192x8xf32, #tpu.memory_space<vmem>>, %arg13: memref<1x8xf32, #tpu.memory_space<vmem>>, %arg14: memref<192x8xf32, #tpu.memory_space<vmem>>, %arg15: memref<1x8xf32, #tpu.memory_space<vmem>>, %arg16: memref<4x128x192xf32, #tpu.memory_space<vmem>>, %arg17: memref<4x128x256xf32, #tpu.memory_space<vmem>>, %arg18: memref<512x8xf32, #tpu.memory_space<vmem>>, %arg19: memref<1x8xf32, #tpu.memory_space<vmem>>, %arg20: memref<1x8xf32, #tpu.memory_space<vmem>>) attributes {dimension_semantics = [#tpu.dimension_semantics<arbitrary>], iteration_bounds = array<i64: 32>, scalar_prefetch = 0 : i64, scratch_operands = 1 : i64, tpu.core_type = #tpu.core_type<tc>, window_params = [{transform_indices = @transform_0, window_bounds = array<i64: 4, 128, 192>}, {transform_indices = @transform_1, window_bounds = array<i64: 512, 8>}, {pipeline_mode = #tpu.pipeline_mode<synchronous>, transform_indices = @transform_2, window_bounds = array<i64: 1, 192>}, {pipeline_mode = #tpu.pipeline_mode<synchronous>, transform_indices = @transform_3, window_bounds = array<i64: 1, 192>}, {pipeline_mode = #tpu.pipeline_mode<synchronous>, transform_indices = @transform_4, window_bounds = array<i64: 192, 192>}, {pipeline_mode = #tpu.pipeline_mode<synchronous>, transform_indices = @transform_5, window_bounds = array<i64: 192, 192>}, {pipeline_mode = #tpu.pipeline_mode<synchronous>, transform_indices = @transform_6, window_bounds = array<i64: 192, 192>}, {pipeline_mode = #tpu.pipeline_mode<synchronous>, transform_indices = @transform_7, window_bounds = array<i64: 192, 192>}, {pipeline_mode = #tpu.pipeline_mode<synchronous>, transform_indices = @transform_8, window_bounds = array<i64: 1, 192>}, {pipeline_mode = #tpu.pipeline_mode<synchronous>, transform_indices = @transform_9, window_bounds = array<i64: 1, 192>}, {pipeline_mode = #tpu.pipeline_mode<synchronous>, transform_indices = @transform_10, window_bounds = array<i64: 1, 192>}, {pipeline_mode = #tpu.pipeline_mode<synchronous>, transform_indices = @transform_11, window_bounds = array<i64: 192, 8>}, {pipeline_mode = #tpu.pipeline_mode<synchronous>, transform_indices = @transform_12, window_bounds = array<i64: 1, 8>}, {pipeline_mode = #tpu.pipeline_mode<synchronous>, transform_indices = @transform_13, window_bounds = array<i64: 192, 8>}, {pipeline_mode = #tpu.pipeline_mode<synchronous>, transform_indices = @transform_14, window_bounds = array<i64: 1, 8>}, {transform_indices = @transform_15, window_bounds = array<i64: 4, 128, 192>}, {transform_indices = @transform_16, window_bounds = array<i64: 4, 128, 256>}, {transform_indices = @transform_17, window_bounds = array<i64: 512, 8>}, {pipeline_mode = #tpu.pipeline_mode<synchronous>, transform_indices = @transform_18, window_bounds = array<i64: 1, 8>}]} {
    %eq3A = arith.constant 0 : i32
    %eq3A_0 = arith.cmpi eq, %arg0, %eq3A : i32
    %convert_element_type3A = arith.extui %eq3A_0 : i1 to i32
    %cond3A = arith.constant 0 : i32
    %cond3A_1 = arith.cmpi ne, %convert_element_type3A, %cond3A : i32
    scf.if %cond3A_1 {
      %broadcast_in_dim3A_663 = arith.constant 0.000000e+00 : f32
      %broadcast_in_dim3A_664 = vector.broadcast %broadcast_in_dim3A_663 : f32 to vector<1x8xf32>
      %swap3A_665 = arith.constant 0 : index
      %swap3A_666 = arith.constant 0 : index
      %swap3A_667 = vector.load %arg20[%swap3A_665, %swap3A_666] : memref<1x8xf32, #tpu.memory_space<vmem>>, vector<1x8xf32>
      tpu.vector_store %arg20[%swap3A_665, %swap3A_666], %broadcast_in_dim3A_664 {strides = array<i32>} : memref<1x8xf32, #tpu.memory_space<vmem>>, vector<1x8xf32>,
    } else {
    }
    %get3A = arith.constant 0 : index
    %get3A_2 = arith.constant 0 : index
    %get3A_3 = arith.constant 0 : index
    %get3A_4 = vector.load %arg1[%get3A, %get3A_2, %get3A_3] : memref<4x128x192xf32, #tpu.memory_space<vmem>>, vector<4x128x192xf32>
    %reshape3A = vector.shape_cast %get3A_4 : vector<4x128x192xf32> to vector<512x192xf32>
    %get3A_5 = arith.constant 0 : index
    %get3A_6 = arith.constant 0 : index
    %get3A_7 = vector.load %arg3[%get3A_5, %get3A_6] : memref<1x192xf32, #tpu.memory_space<vmem>>, vector<1x192xf32>
    %get3A_8 = arith.constant 0 : index
    %get3A_9 = arith.constant 0 : index
    %get3A_10 = vector.load %arg4[%get3A_8, %get3A_9] : memref<1x192xf32, #tpu.memory_space<vmem>>, vector<1x192xf32>
    %reduce_sum3A = arith.constant dense<0.000000e+00> : vector<512xf32>
    %reduce_sum3A_11 = vector.multi_reduction <add>, %reshape3A, %reduce_sum3A [1] : vector<512x192xf32> to vector<512xf32>
    %broadcast_in_dim3A = vector.shape_cast %reduce_sum3A_11 : vector<512xf32> to vector<512x1xf32>
    %div3A = arith.constant 1.920000e+02 : f32
    %div3A_12 = vector.broadcast %div3A : f32 to vector<512x1xf32>
    %div3A_13 = arith.divf %broadcast_in_dim3A, %div3A_12 : vector<512x1xf32>
    %sub3A = vector.broadcast %div3A_13 : vector<512x1xf32> to vector<512x192xf32>
    %sub3A_14 = arith.subf %reshape3A, %sub3A : vector<512x192xf32>
    %integer_pow3A = arith.mulf %sub3A_14, %sub3A_14 : vector<512x192xf32>
    %reduce_sum3A_15 = arith.constant dense<0.000000e+00> : vector<512xf32>
    %reduce_sum3A_16 = vector.multi_reduction <add>, %integer_pow3A, %reduce_sum3A_15 [1] : vector<512x192xf32> to vector<512xf32>
    %broadcast_in_dim3A_17 = vector.shape_cast %reduce_sum3A_16 : vector<512xf32> to vector<512x1xf32>
    %div3A_18 = arith.constant 1.920000e+02 : f32
    %div3A_19 = vector.broadcast %div3A_18 : f32 to vector<512x1xf32>
    %div3A_20 = arith.divf %broadcast_in_dim3A_17, %div3A_19 : vector<512x1xf32>
    %sub3A_21 = vector.broadcast %div3A_13 : vector<512x1xf32> to vector<512x192xf32>
    %sub3A_22 = arith.subf %reshape3A, %sub3A_21 : vector<512x192xf32>
    %add3A = arith.constant 9.99999974E-6 : f32
    %add3A_23 = vector.broadcast %add3A : f32 to vector<512x1xf32>
    %add3A_24 = arith.addf %div3A_20, %add3A_23 : vector<512x1xf32>
    %rsqrt3A = math.rsqrt %add3A_24 : vector<512x1xf32>
    %mul3A = vector.broadcast %rsqrt3A : vector<512x1xf32> to vector<512x192xf32>
    %mul3A_25 = arith.mulf %sub3A_22, %mul3A : vector<512x192xf32>
    %mul3A_26 = vector.broadcast %get3A_7 : vector<1x192xf32> to vector<512x192xf32>
    %mul3A_27 = arith.mulf %mul3A_25, %mul3A_26 : vector<512x192xf32>
    %add3A_28 = vector.broadcast %get3A_10 : vector<1x192xf32> to vector<512x192xf32>
    %add3A_29 = arith.addf %mul3A_27, %add3A_28 : vector<512x192xf32>
    %get3A_30 = arith.constant 0 : index
    %get3A_31 = arith.constant 0 : index
    %get3A_32 = vector.load %arg5[%get3A_30, %get3A_31] : memref<192x192xf32, #tpu.memory_space<vmem>>, vector<192x192xf32>
    %dot_general3A = arith.constant dense<0.000000e+00> : vector<512x192xf32>
    %dot_general3A_33 = tpu.matmul %add3A_29, %get3A_32, %dot_general3A {dimension_numbers = #tpu.dot_dimension_numbers<[1], [0], [0], [1], [0, 0, 1, 1], [], []>, transpose_lhs_hint = false} : vector<512x192xf32>, vector<192x192xf32>, vector<512x192xf32> -> vector<512x192xf32>
    %get3A_34 = arith.constant 0 : index
    %get3A_35 = arith.constant 0 : index
    %get3A_36 = vector.load %arg6[%get3A_34, %get3A_35] : memref<192x192xf32, #tpu.memory_space<vmem>>, vector<192x192xf32>
    %dot_general3A_37 = arith.constant dense<0.000000e+00> : vector<512x192xf32>
    %dot_general3A_38 = tpu.matmul %add3A_29, %get3A_36, %dot_general3A_37 {dimension_numbers = #tpu.dot_dimension_numbers<[1], [0], [0], [1], [0, 0, 1, 1], [], []>, transpose_lhs_hint = false} : vector<512x192xf32>, vector<192x192xf32>, vector<512x192xf32> -> vector<512x192xf32>
    %get3A_39 = arith.constant 0 : index
    %get3A_40 = arith.constant 0 : index
    %get3A_41 = vector.load %arg7[%get3A_39, %get3A_40] : memref<192x192xf32, #tpu.memory_space<vmem>>, vector<192x192xf32>
    %dot_general3A_42 = arith.constant dense<0.000000e+00> : vector<512x192xf32>
    %dot_general3A_43 = tpu.matmul %add3A_29, %get3A_41, %dot_general3A_42 {dimension_numbers = #tpu.dot_dimension_numbers<[1], [0], [0], [1], [0, 0, 1, 1], [], []>, transpose_lhs_hint = false} : vector<512x192xf32>, vector<192x192xf32>, vector<512x192xf32> -> vector<512x192xf32>
    %iota3A = tpu.iota {dimensions = array<i32: 0>} : vector<128x128xi32>
    %iota3A_44 = tpu.iota {dimensions = array<i32: 1>} : vector<128x128xi32>
    %ge3A = arith.cmpi sge, %iota3A, %iota3A_44 : vector<128x128xi32>
    %slice3A = vector.extract_strided_slice %dot_general3A_33 {offsets = [0, 0], sizes = [128, 32], strides = [1, 1]} : vector<512x192xf32> to vector<128x32xf32>
    %slice3A_45 = vector.extract_strided_slice %dot_general3A_38 {offsets = [0, 0], sizes = [128, 32], strides = [1, 1]} : vector<512x192xf32> to vector<128x32xf32>
    %slice3A_46 = vector.extract_strided_slice %dot_general3A_43 {offsets = [0, 0], sizes = [128, 32], strides = [1, 1]} : vector<512x192xf32> to vector<128x32xf32>
    %dot_general3A_47 = arith.constant dense<0.000000e+00> : vector<128x128xf32>
    %dot_general3A_48 = tpu.matmul %slice3A, %slice3A_45, %dot_general3A_47 {dimension_numbers = #tpu.dot_dimension_numbers<[1], [1], [0], [0], [0, 0, 1, 0], [], []>, transpose_lhs_hint = false} : vector<128x32xf32>, vector<128x32xf32>, vector<128x128xf32> -> vector<128x128xf32>
    %mul3A_49 = arith.constant 0.0721687824 : f32
    %mul3A_50 = vector.broadcast %mul3A_49 : f32 to vector<128x128xf32>
    %mul3A_51 = arith.mulf %dot_general3A_48, %mul3A_50 : vector<128x128xf32>
    %exp3A = math.exp %mul3A_51 : vector<128x128xf32>
    %jit3A = arith.constant 0.000000e+00 : f32
    %broadcast_in_dim3A_52 = vector.broadcast %jit3A : f32 to vector<128x128xf32>
    %select_n3A = arith.select %ge3A, %exp3A, %broadcast_in_dim3A_52 : vector<128x128xi1>, vector<128x128xf32>
    %reduce_sum3A_53 = arith.constant dense<0.000000e+00> : vector<128xf32>
    %reduce_sum3A_54 = vector.multi_reduction <add>, %select_n3A, %reduce_sum3A_53 [1] : vector<128x128xf32> to vector<128xf32>
    %broadcast_in_dim3A_55 = vector.shape_cast %reduce_sum3A_54 : vector<128xf32> to vector<128x1xf32>
    %div3A_56 = vector.broadcast %broadcast_in_dim3A_55 : vector<128x1xf32> to vector<128x128xf32>
    %div3A_57 = arith.divf %select_n3A, %div3A_56 : vector<128x128xf32>
    %dot_general3A_58 = arith.constant dense<0.000000e+00> : vector<128x32xf32>
    %dot_general3A_59 = tpu.matmul %div3A_57, %slice3A_46, %dot_general3A_58 {dimension_numbers = #tpu.dot_dimension_numbers<[1], [0], [0], [1], [0, 0, 1, 1], [], []>, transpose_lhs_hint = false} : vector<128x128xf32>, vector<128x32xf32>, vector<128x32xf32> -> vector<128x32xf32>
    %slice3A_60 = vector.extract_strided_slice %dot_general3A_33 {offsets = [0, 32], sizes = [128, 32], strides = [1, 1]} : vector<512x192xf32> to vector<128x32xf32>
    %slice3A_61 = vector.extract_strided_slice %dot_general3A_38 {offsets = [0, 32], sizes = [128, 32], strides = [1, 1]} : vector<512x192xf32> to vector<128x32xf32>
    %slice3A_62 = vector.extract_strided_slice %dot_general3A_43 {offsets = [0, 32], sizes = [128, 32], strides = [1, 1]} : vector<512x192xf32> to vector<128x32xf32>
    %dot_general3A_63 = arith.constant dense<0.000000e+00> : vector<128x128xf32>
    %dot_general3A_64 = tpu.matmul %slice3A_60, %slice3A_61, %dot_general3A_63 {dimension_numbers = #tpu.dot_dimension_numbers<[1], [1], [0], [0], [0, 0, 1, 0], [], []>, transpose_lhs_hint = false} : vector<128x32xf32>, vector<128x32xf32>, vector<128x128xf32> -> vector<128x128xf32>
    %mul3A_65 = arith.constant 0.0721687824 : f32
    %mul3A_66 = vector.broadcast %mul3A_65 : f32 to vector<128x128xf32>
    %mul3A_67 = arith.mulf %dot_general3A_64, %mul3A_66 : vector<128x128xf32>
    %exp3A_68 = math.exp %mul3A_67 : vector<128x128xf32>
    %jit3A_69 = arith.constant 0.000000e+00 : f32
    %broadcast_in_dim3A_70 = vector.broadcast %jit3A_69 : f32 to vector<128x128xf32>
    %select_n3A_71 = arith.select %ge3A, %exp3A_68, %broadcast_in_dim3A_70 : vector<128x128xi1>, vector<128x128xf32>
    %reduce_sum3A_72 = arith.constant dense<0.000000e+00> : vector<128xf32>
    %reduce_sum3A_73 = vector.multi_reduction <add>, %select_n3A_71, %reduce_sum3A_72 [1] : vector<128x128xf32> to vector<128xf32>
    %broadcast_in_dim3A_74 = vector.shape_cast %reduce_sum3A_73 : vector<128xf32> to vector<128x1xf32>
    %div3A_75 = vector.broadcast %broadcast_in_dim3A_74 : vector<128x1xf32> to vector<128x128xf32>
    %div3A_76 = arith.divf %select_n3A_71, %div3A_75 : vector<128x128xf32>
    %dot_general3A_77 = arith.constant dense<0.000000e+00> : vector<128x32xf32>
    %dot_general3A_78 = tpu.matmul %div3A_76, %slice3A_62, %dot_general3A_77 {dimension_numbers = #tpu.dot_dimension_numbers<[1], [0], [0], [1], [0, 0, 1, 1], [], []>, transpose_lhs_hint = false} : vector<128x128xf32>, vector<128x32xf32>, vector<128x32xf32> -> vector<128x32xf32>
    %slice3A_79 = vector.extract_strided_slice %dot_general3A_33 {offsets = [0, 64], sizes = [128, 32], strides = [1, 1]} : vector<512x192xf32> to vector<128x32xf32>
    %slice3A_80 = vector.extract_strided_slice %dot_general3A_38 {offsets = [0, 64], sizes = [128, 32], strides = [1, 1]} : vector<512x192xf32> to vector<128x32xf32>
    %slice3A_81 = vector.extract_strided_slice %dot_general3A_43 {offsets = [0, 64], sizes = [128, 32], strides = [1, 1]} : vector<512x192xf32> to vector<128x32xf32>
    %dot_general3A_82 = arith.constant dense<0.000000e+00> : vector<128x128xf32>
    %dot_general3A_83 = tpu.matmul %slice3A_79, %slice3A_80, %dot_general3A_82 {dimension_numbers = #tpu.dot_dimension_numbers<[1], [1], [0], [0], [0, 0, 1, 0], [], []>, transpose_lhs_hint = false} : vector<128x32xf32>, vector<128x32xf32>, vector<128x128xf32> -> vector<128x128xf32>
    %mul3A_84 = arith.constant 0.0721687824 : f32
    %mul3A_85 = vector.broadcast %mul3A_84 : f32 to vector<128x128xf32>
    %mul3A_86 = arith.mulf %dot_general3A_83, %mul3A_85 : vector<128x128xf32>
    %exp3A_87 = math.exp %mul3A_86 : vector<128x128xf32>
    %jit3A_88 = arith.constant 0.000000e+00 : f32
    %broadcast_in_dim3A_89 = vector.broadcast %jit3A_88 : f32 to vector<128x128xf32>
    %select_n3A_90 = arith.select %ge3A, %exp3A_87, %broadcast_in_dim3A_89 : vector<128x128xi1>, vector<128x128xf32>
    %reduce_sum3A_91 = arith.constant dense<0.000000e+00> : vector<128xf32>
    %reduce_sum3A_92 = vector.multi_reduction <add>, %select_n3A_90, %reduce_sum3A_91 [1] : vector<128x128xf32> to vector<128xf32>
    %broadcast_in_dim3A_93 = vector.shape_cast %reduce_sum3A_92 : vector<128xf32> to vector<128x1xf32>
    %div3A_94 = vector.broadcast %broadcast_in_dim3A_93 : vector<128x1xf32> to vector<128x128xf32>
    %div3A_95 = arith.divf %select_n3A_90, %div3A_94 : vector<128x128xf32>
    %dot_general3A_96 = arith.constant dense<0.000000e+00> : vector<128x32xf32>
    %dot_general3A_97 = tpu.matmul %div3A_95, %slice3A_81, %dot_general3A_96 {dimension_numbers = #tpu.dot_dimension_numbers<[1], [0], [0], [1], [0, 0, 1, 1], [], []>, transpose_lhs_hint = false} : vector<128x128xf32>, vector<128x32xf32>, vector<128x32xf32> -> vector<128x32xf32>
    %slice3A_98 = vector.extract_strided_slice %dot_general3A_33 {offsets = [0, 96], sizes = [128, 32], strides = [1, 1]} : vector<512x192xf32> to vector<128x32xf32>
    %slice3A_99 = vector.extract_strided_slice %dot_general3A_38 {offsets = [0, 96], sizes = [128, 32], strides = [1, 1]} : vector<512x192xf32> to vector<128x32xf32>
    %slice3A_100 = vector.extract_strided_slice %dot_general3A_43 {offsets = [0, 96], sizes = [128, 32], strides = [1, 1]} : vector<512x192xf32> to vector<128x32xf32>
    %dot_general3A_101 = arith.constant dense<0.000000e+00> : vector<128x128xf32>
    %dot_general3A_102 = tpu.matmul %slice3A_98, %slice3A_99, %dot_general3A_101 {dimension_numbers = #tpu.dot_dimension_numbers<[1], [1], [0], [0], [0, 0, 1, 0], [], []>, transpose_lhs_hint = false} : vector<128x32xf32>, vector<128x32xf32>, vector<128x128xf32> -> vector<128x128xf32>
    %mul3A_103 = arith.constant 0.0721687824 : f32
    %mul3A_104 = vector.broadcast %mul3A_103 : f32 to vector<128x128xf32>
    %mul3A_105 = arith.mulf %dot_general3A_102, %mul3A_104 : vector<128x128xf32>
    %exp3A_106 = math.exp %mul3A_105 : vector<128x128xf32>
    %jit3A_107 = arith.constant 0.000000e+00 : f32
    %broadcast_in_dim3A_108 = vector.broadcast %jit3A_107 : f32 to vector<128x128xf32>
    %select_n3A_109 = arith.select %ge3A, %exp3A_106, %broadcast_in_dim3A_108 : vector<128x128xi1>, vector<128x128xf32>
    %reduce_sum3A_110 = arith.constant dense<0.000000e+00> : vector<128xf32>
    %reduce_sum3A_111 = vector.multi_reduction <add>, %select_n3A_109, %reduce_sum3A_110 [1] : vector<128x128xf32> to vector<128xf32>
    %broadcast_in_dim3A_112 = vector.shape_cast %reduce_sum3A_111 : vector<128xf32> to vector<128x1xf32>
    %div3A_113 = vector.broadcast %broadcast_in_dim3A_112 : vector<128x1xf32> to vector<128x128xf32>
    %div3A_114 = arith.divf %select_n3A_109, %div3A_113 : vector<128x128xf32>
    %dot_general3A_115 = arith.constant dense<0.000000e+00> : vector<128x32xf32>
    %dot_general3A_116 = tpu.matmul %div3A_114, %slice3A_100, %dot_general3A_115 {dimension_numbers = #tpu.dot_dimension_numbers<[1], [0], [0], [1], [0, 0, 1, 1], [], []>, transpose_lhs_hint = false} : vector<128x128xf32>, vector<128x32xf32>, vector<128x32xf32> -> vector<128x32xf32>
    %slice3A_117 = vector.extract_strided_slice %dot_general3A_33 {offsets = [0, 128], sizes = [128, 32], strides = [1, 1]} : vector<512x192xf32> to vector<128x32xf32>
    %slice3A_118 = vector.extract_strided_slice %dot_general3A_38 {offsets = [0, 128], sizes = [128, 32], strides = [1, 1]} : vector<512x192xf32> to vector<128x32xf32>
    %slice3A_119 = vector.extract_strided_slice %dot_general3A_43 {offsets = [0, 128], sizes = [128, 32], strides = [1, 1]} : vector<512x192xf32> to vector<128x32xf32>
    %dot_general3A_120 = arith.constant dense<0.000000e+00> : vector<128x128xf32>
    %dot_general3A_121 = tpu.matmul %slice3A_117, %slice3A_118, %dot_general3A_120 {dimension_numbers = #tpu.dot_dimension_numbers<[1], [1], [0], [0], [0, 0, 1, 0], [], []>, transpose_lhs_hint = false} : vector<128x32xf32>, vector<128x32xf32>, vector<128x128xf32> -> vector<128x128xf32>
    %mul3A_122 = arith.constant 0.0721687824 : f32
    %mul3A_123 = vector.broadcast %mul3A_122 : f32 to vector<128x128xf32>
    %mul3A_124 = arith.mulf %dot_general3A_121, %mul3A_123 : vector<128x128xf32>
    %exp3A_125 = math.exp %mul3A_124 : vector<128x128xf32>
    %jit3A_126 = arith.constant 0.000000e+00 : f32
    %broadcast_in_dim3A_127 = vector.broadcast %jit3A_126 : f32 to vector<128x128xf32>
    %select_n3A_128 = arith.select %ge3A, %exp3A_125, %broadcast_in_dim3A_127 : vector<128x128xi1>, vector<128x128xf32>
    %reduce_sum3A_129 = arith.constant dense<0.000000e+00> : vector<128xf32>
    %reduce_sum3A_130 = vector.multi_reduction <add>, %select_n3A_128, %reduce_sum3A_129 [1] : vector<128x128xf32> to vector<128xf32>
    %broadcast_in_dim3A_131 = vector.shape_cast %reduce_sum3A_130 : vector<128xf32> to vector<128x1xf32>
    %div3A_132 = vector.broadcast %broadcast_in_dim3A_131 : vector<128x1xf32> to vector<128x128xf32>
    %div3A_133 = arith.divf %select_n3A_128, %div3A_132 : vector<128x128xf32>
    %dot_general3A_134 = arith.constant dense<0.000000e+00> : vector<128x32xf32>
    %dot_general3A_135 = tpu.matmul %div3A_133, %slice3A_119, %dot_general3A_134 {dimension_numbers = #tpu.dot_dimension_numbers<[1], [0], [0], [1], [0, 0, 1, 1], [], []>, transpose_lhs_hint = false} : vector<128x128xf32>, vector<128x32xf32>, vector<128x32xf32> -> vector<128x32xf32>
    %slice3A_136 = vector.extract_strided_slice %dot_general3A_33 {offsets = [0, 160], sizes = [128, 32], strides = [1, 1]} : vector<512x192xf32> to vector<128x32xf32>
    %slice3A_137 = vector.extract_strided_slice %dot_general3A_38 {offsets = [0, 160], sizes = [128, 32], strides = [1, 1]} : vector<512x192xf32> to vector<128x32xf32>
    %slice3A_138 = vector.extract_strided_slice %dot_general3A_43 {offsets = [0, 160], sizes = [128, 32], strides = [1, 1]} : vector<512x192xf32> to vector<128x32xf32>
    %dot_general3A_139 = arith.constant dense<0.000000e+00> : vector<128x128xf32>
    %dot_general3A_140 = tpu.matmul %slice3A_136, %slice3A_137, %dot_general3A_139 {dimension_numbers = #tpu.dot_dimension_numbers<[1], [1], [0], [0], [0, 0, 1, 0], [], []>, transpose_lhs_hint = false} : vector<128x32xf32>, vector<128x32xf32>, vector<128x128xf32> -> vector<128x128xf32>
    %mul3A_141 = arith.constant 0.0721687824 : f32
    %mul3A_142 = vector.broadcast %mul3A_141 : f32 to vector<128x128xf32>
    %mul3A_143 = arith.mulf %dot_general3A_140, %mul3A_142 : vector<128x128xf32>
    %exp3A_144 = math.exp %mul3A_143 : vector<128x128xf32>
    %jit3A_145 = arith.constant 0.000000e+00 : f32
    %broadcast_in_dim3A_146 = vector.broadcast %jit3A_145 : f32 to vector<128x128xf32>
    %select_n3A_147 = arith.select %ge3A, %exp3A_144, %broadcast_in_dim3A_146 : vector<128x128xi1>, vector<128x128xf32>
    %reduce_sum3A_148 = arith.constant dense<0.000000e+00> : vector<128xf32>
    %reduce_sum3A_149 = vector.multi_reduction <add>, %select_n3A_147, %reduce_sum3A_148 [1] : vector<128x128xf32> to vector<128xf32>
    %broadcast_in_dim3A_150 = vector.shape_cast %reduce_sum3A_149 : vector<128xf32> to vector<128x1xf32>
    %div3A_151 = vector.broadcast %broadcast_in_dim3A_150 : vector<128x1xf32> to vector<128x128xf32>
    %div3A_152 = arith.divf %select_n3A_147, %div3A_151 : vector<128x128xf32>
    %dot_general3A_153 = arith.constant dense<0.000000e+00> : vector<128x32xf32>
    %dot_general3A_154 = tpu.matmul %div3A_152, %slice3A_138, %dot_general3A_153 {dimension_numbers = #tpu.dot_dimension_numbers<[1], [0], [0], [1], [0, 0, 1, 1], [], []>, transpose_lhs_hint = false} : vector<128x128xf32>, vector<128x32xf32>, vector<128x32xf32> -> vector<128x32xf32>
    %concatenate3A = tpu.concatenate %dot_general3A_59, %dot_general3A_78, %dot_general3A_97, %dot_general3A_116, %dot_general3A_135, %dot_general3A_154 in 1 : vector<128x32xf32>, vector<128x32xf32>, vector<128x32xf32>, vector<128x32xf32>, vector<128x32xf32>, vector<128x32xf32> -> vector<128x192xf32>
    %slice3A_155 = vector.extract_strided_slice %dot_general3A_33 {offsets = [128, 0], sizes = [128, 32], strides = [1, 1]} : vector<512x192xf32> to vector<128x32xf32>
    %slice3A_156 = vector.extract_strided_slice %dot_general3A_38 {offsets = [128, 0], sizes = [128, 32], strides = [1, 1]} : vector<512x192xf32> to vector<128x32xf32>
    %slice3A_157 = vector.extract_strided_slice %dot_general3A_43 {offsets = [128, 0], sizes = [128, 32], strides = [1, 1]} : vector<512x192xf32> to vector<128x32xf32>
    %dot_general3A_158 = arith.constant dense<0.000000e+00> : vector<128x128xf32>
    %dot_general3A_159 = tpu.matmul %slice3A_155, %slice3A_156, %dot_general3A_158 {dimension_numbers = #tpu.dot_dimension_numbers<[1], [1], [0], [0], [0, 0, 1, 0], [], []>, transpose_lhs_hint = false} : vector<128x32xf32>, vector<128x32xf32>, vector<128x128xf32> -> vector<128x128xf32>
    %mul3A_160 = arith.constant 0.0721687824 : f32
    %mul3A_161 = vector.broadcast %mul3A_160 : f32 to vector<128x128xf32>
    %mul3A_162 = arith.mulf %dot_general3A_159, %mul3A_161 : vector<128x128xf32>
    %exp3A_163 = math.exp %mul3A_162 : vector<128x128xf32>
    %jit3A_164 = arith.constant 0.000000e+00 : f32
    %broadcast_in_dim3A_165 = vector.broadcast %jit3A_164 : f32 to vector<128x128xf32>
    %select_n3A_166 = arith.select %ge3A, %exp3A_163, %broadcast_in_dim3A_165 : vector<128x128xi1>, vector<128x128xf32>
    %reduce_sum3A_167 = arith.constant dense<0.000000e+00> : vector<128xf32>
    %reduce_sum3A_168 = vector.multi_reduction <add>, %select_n3A_166, %reduce_sum3A_167 [1] : vector<128x128xf32> to vector<128xf32>
    %broadcast_in_dim3A_169 = vector.shape_cast %reduce_sum3A_168 : vector<128xf32> to vector<128x1xf32>
    %div3A_170 = vector.broadcast %broadcast_in_dim3A_169 : vector<128x1xf32> to vector<128x128xf32>
    %div3A_171 = arith.divf %select_n3A_166, %div3A_170 : vector<128x128xf32>
    %dot_general3A_172 = arith.constant dense<0.000000e+00> : vector<128x32xf32>
    %dot_general3A_173 = tpu.matmul %div3A_171, %slice3A_157, %dot_general3A_172 {dimension_numbers = #tpu.dot_dimension_numbers<[1], [0], [0], [1], [0, 0, 1, 1], [], []>, transpose_lhs_hint = false} : vector<128x128xf32>, vector<128x32xf32>, vector<128x32xf32> -> vector<128x32xf32>
    %slice3A_174 = vector.extract_strided_slice %dot_general3A_33 {offsets = [128, 32], sizes = [128, 32], strides = [1, 1]} : vector<512x192xf32> to vector<128x32xf32>
    %slice3A_175 = vector.extract_strided_slice %dot_general3A_38 {offsets = [128, 32], sizes = [128, 32], strides = [1, 1]} : vector<512x192xf32> to vector<128x32xf32>
    %slice3A_176 = vector.extract_strided_slice %dot_general3A_43 {offsets = [128, 32], sizes = [128, 32], strides = [1, 1]} : vector<512x192xf32> to vector<128x32xf32>
    %dot_general3A_177 = arith.constant dense<0.000000e+00> : vector<128x128xf32>
    %dot_general3A_178 = tpu.matmul %slice3A_174, %slice3A_175, %dot_general3A_177 {dimension_numbers = #tpu.dot_dimension_numbers<[1], [1], [0], [0], [0, 0, 1, 0], [], []>, transpose_lhs_hint = false} : vector<128x32xf32>, vector<128x32xf32>, vector<128x128xf32> -> vector<128x128xf32>
    %mul3A_179 = arith.constant 0.0721687824 : f32
    %mul3A_180 = vector.broadcast %mul3A_179 : f32 to vector<128x128xf32>
    %mul3A_181 = arith.mulf %dot_general3A_178, %mul3A_180 : vector<128x128xf32>
    %exp3A_182 = math.exp %mul3A_181 : vector<128x128xf32>
    %jit3A_183 = arith.constant 0.000000e+00 : f32
    %broadcast_in_dim3A_184 = vector.broadcast %jit3A_183 : f32 to vector<128x128xf32>
    %select_n3A_185 = arith.select %ge3A, %exp3A_182, %broadcast_in_dim3A_184 : vector<128x128xi1>, vector<128x128xf32>
    %reduce_sum3A_186 = arith.constant dense<0.000000e+00> : vector<128xf32>
    %reduce_sum3A_187 = vector.multi_reduction <add>, %select_n3A_185, %reduce_sum3A_186 [1] : vector<128x128xf32> to vector<128xf32>
    %broadcast_in_dim3A_188 = vector.shape_cast %reduce_sum3A_187 : vector<128xf32> to vector<128x1xf32>
    %div3A_189 = vector.broadcast %broadcast_in_dim3A_188 : vector<128x1xf32> to vector<128x128xf32>
    %div3A_190 = arith.divf %select_n3A_185, %div3A_189 : vector<128x128xf32>
    %dot_general3A_191 = arith.constant dense<0.000000e+00> : vector<128x32xf32>
    %dot_general3A_192 = tpu.matmul %div3A_190, %slice3A_176, %dot_general3A_191 {dimension_numbers = #tpu.dot_dimension_numbers<[1], [0], [0], [1], [0, 0, 1, 1], [], []>, transpose_lhs_hint = false} : vector<128x128xf32>, vector<128x32xf32>, vector<128x32xf32> -> vector<128x32xf32>
    %slice3A_193 = vector.extract_strided_slice %dot_general3A_33 {offsets = [128, 64], sizes = [128, 32], strides = [1, 1]} : vector<512x192xf32> to vector<128x32xf32>
    %slice3A_194 = vector.extract_strided_slice %dot_general3A_38 {offsets = [128, 64], sizes = [128, 32], strides = [1, 1]} : vector<512x192xf32> to vector<128x32xf32>
    %slice3A_195 = vector.extract_strided_slice %dot_general3A_43 {offsets = [128, 64], sizes = [128, 32], strides = [1, 1]} : vector<512x192xf32> to vector<128x32xf32>
    %dot_general3A_196 = arith.constant dense<0.000000e+00> : vector<128x128xf32>
    %dot_general3A_197 = tpu.matmul %slice3A_193, %slice3A_194, %dot_general3A_196 {dimension_numbers = #tpu.dot_dimension_numbers<[1], [1], [0], [0], [0, 0, 1, 0], [], []>, transpose_lhs_hint = false} : vector<128x32xf32>, vector<128x32xf32>, vector<128x128xf32> -> vector<128x128xf32>
    %mul3A_198 = arith.constant 0.0721687824 : f32
    %mul3A_199 = vector.broadcast %mul3A_198 : f32 to vector<128x128xf32>
    %mul3A_200 = arith.mulf %dot_general3A_197, %mul3A_199 : vector<128x128xf32>
    %exp3A_201 = math.exp %mul3A_200 : vector<128x128xf32>
    %jit3A_202 = arith.constant 0.000000e+00 : f32
    %broadcast_in_dim3A_203 = vector.broadcast %jit3A_202 : f32 to vector<128x128xf32>
    %select_n3A_204 = arith.select %ge3A, %exp3A_201, %broadcast_in_dim3A_203 : vector<128x128xi1>, vector<128x128xf32>
    %reduce_sum3A_205 = arith.constant dense<0.000000e+00> : vector<128xf32>
    %reduce_sum3A_206 = vector.multi_reduction <add>, %select_n3A_204, %reduce_sum3A_205 [1] : vector<128x128xf32> to vector<128xf32>
    %broadcast_in_dim3A_207 = vector.shape_cast %reduce_sum3A_206 : vector<128xf32> to vector<128x1xf32>
    %div3A_208 = vector.broadcast %broadcast_in_dim3A_207 : vector<128x1xf32> to vector<128x128xf32>
    %div3A_209 = arith.divf %select_n3A_204, %div3A_208 : vector<128x128xf32>
    %dot_general3A_210 = arith.constant dense<0.000000e+00> : vector<128x32xf32>
    %dot_general3A_211 = tpu.matmul %div3A_209, %slice3A_195, %dot_general3A_210 {dimension_numbers = #tpu.dot_dimension_numbers<[1], [0], [0], [1], [0, 0, 1, 1], [], []>, transpose_lhs_hint = false} : vector<128x128xf32>, vector<128x32xf32>, vector<128x32xf32> -> vector<128x32xf32>
    %slice3A_212 = vector.extract_strided_slice %dot_general3A_33 {offsets = [128, 96], sizes = [128, 32], strides = [1, 1]} : vector<512x192xf32> to vector<128x32xf32>
    %slice3A_213 = vector.extract_strided_slice %dot_general3A_38 {offsets = [128, 96], sizes = [128, 32], strides = [1, 1]} : vector<512x192xf32> to vector<128x32xf32>
    %slice3A_214 = vector.extract_strided_slice %dot_general3A_43 {offsets = [128, 96], sizes = [128, 32], strides = [1, 1]} : vector<512x192xf32> to vector<128x32xf32>
    %dot_general3A_215 = arith.constant dense<0.000000e+00> : vector<128x128xf32>
    %dot_general3A_216 = tpu.matmul %slice3A_212, %slice3A_213, %dot_general3A_215 {dimension_numbers = #tpu.dot_dimension_numbers<[1], [1], [0], [0], [0, 0, 1, 0], [], []>, transpose_lhs_hint = false} : vector<128x32xf32>, vector<128x32xf32>, vector<128x128xf32> -> vector<128x128xf32>
    %mul3A_217 = arith.constant 0.0721687824 : f32
    %mul3A_218 = vector.broadcast %mul3A_217 : f32 to vector<128x128xf32>
    %mul3A_219 = arith.mulf %dot_general3A_216, %mul3A_218 : vector<128x128xf32>
    %exp3A_220 = math.exp %mul3A_219 : vector<128x128xf32>
    %jit3A_221 = arith.constant 0.000000e+00 : f32
    %broadcast_in_dim3A_222 = vector.broadcast %jit3A_221 : f32 to vector<128x128xf32>
    %select_n3A_223 = arith.select %ge3A, %exp3A_220, %broadcast_in_dim3A_222 : vector<128x128xi1>, vector<128x128xf32>
    %reduce_sum3A_224 = arith.constant dense<0.000000e+00> : vector<128xf32>
    %reduce_sum3A_225 = vector.multi_reduction <add>, %select_n3A_223, %reduce_sum3A_224 [1] : vector<128x128xf32> to vector<128xf32>
    %broadcast_in_dim3A_226 = vector.shape_cast %reduce_sum3A_225 : vector<128xf32> to vector<128x1xf32>
    %div3A_227 = vector.broadcast %broadcast_in_dim3A_226 : vector<128x1xf32> to vector<128x128xf32>
    %div3A_228 = arith.divf %select_n3A_223, %div3A_227 : vector<128x128xf32>
    %dot_general3A_229 = arith.constant dense<0.000000e+00> : vector<128x32xf32>
    %dot_general3A_230 = tpu.matmul %div3A_228, %slice3A_214, %dot_general3A_229 {dimension_numbers = #tpu.dot_dimension_numbers<[1], [0], [0], [1], [0, 0, 1, 1], [], []>, transpose_lhs_hint = false} : vector<128x128xf32>, vector<128x32xf32>, vector<128x32xf32> -> vector<128x32xf32>
    %slice3A_231 = vector.extract_strided_slice %dot_general3A_33 {offsets = [128, 128], sizes = [128, 32], strides = [1, 1]} : vector<512x192xf32> to vector<128x32xf32>
    %slice3A_232 = vector.extract_strided_slice %dot_general3A_38 {offsets = [128, 128], sizes = [128, 32], strides = [1, 1]} : vector<512x192xf32> to vector<128x32xf32>
    %slice3A_233 = vector.extract_strided_slice %dot_general3A_43 {offsets = [128, 128], sizes = [128, 32], strides = [1, 1]} : vector<512x192xf32> to vector<128x32xf32>
    %dot_general3A_234 = arith.constant dense<0.000000e+00> : vector<128x128xf32>
    %dot_general3A_235 = tpu.matmul %slice3A_231, %slice3A_232, %dot_general3A_234 {dimension_numbers = #tpu.dot_dimension_numbers<[1], [1], [0], [0], [0, 0, 1, 0], [], []>, transpose_lhs_hint = false} : vector<128x32xf32>, vector<128x32xf32>, vector<128x128xf32> -> vector<128x128xf32>
    %mul3A_236 = arith.constant 0.0721687824 : f32
    %mul3A_237 = vector.broadcast %mul3A_236 : f32 to vector<128x128xf32>
    %mul3A_238 = arith.mulf %dot_general3A_235, %mul3A_237 : vector<128x128xf32>
    %exp3A_239 = math.exp %mul3A_238 : vector<128x128xf32>
    %jit3A_240 = arith.constant 0.000000e+00 : f32
    %broadcast_in_dim3A_241 = vector.broadcast %jit3A_240 : f32 to vector<128x128xf32>
    %select_n3A_242 = arith.select %ge3A, %exp3A_239, %broadcast_in_dim3A_241 : vector<128x128xi1>, vector<128x128xf32>
    %reduce_sum3A_243 = arith.constant dense<0.000000e+00> : vector<128xf32>
    %reduce_sum3A_244 = vector.multi_reduction <add>, %select_n3A_242, %reduce_sum3A_243 [1] : vector<128x128xf32> to vector<128xf32>
    %broadcast_in_dim3A_245 = vector.shape_cast %reduce_sum3A_244 : vector<128xf32> to vector<128x1xf32>
    %div3A_246 = vector.broadcast %broadcast_in_dim3A_245 : vector<128x1xf32> to vector<128x128xf32>
    %div3A_247 = arith.divf %select_n3A_242, %div3A_246 : vector<128x128xf32>
    %dot_general3A_248 = arith.constant dense<0.000000e+00> : vector<128x32xf32>
    %dot_general3A_249 = tpu.matmul %div3A_247, %slice3A_233, %dot_general3A_248 {dimension_numbers = #tpu.dot_dimension_numbers<[1], [0], [0], [1], [0, 0, 1, 1], [], []>, transpose_lhs_hint = false} : vector<128x128xf32>, vector<128x32xf32>, vector<128x32xf32> -> vector<128x32xf32>
    %slice3A_250 = vector.extract_strided_slice %dot_general3A_33 {offsets = [128, 160], sizes = [128, 32], strides = [1, 1]} : vector<512x192xf32> to vector<128x32xf32>
    %slice3A_251 = vector.extract_strided_slice %dot_general3A_38 {offsets = [128, 160], sizes = [128, 32], strides = [1, 1]} : vector<512x192xf32> to vector<128x32xf32>
    %slice3A_252 = vector.extract_strided_slice %dot_general3A_43 {offsets = [128, 160], sizes = [128, 32], strides = [1, 1]} : vector<512x192xf32> to vector<128x32xf32>
    %dot_general3A_253 = arith.constant dense<0.000000e+00> : vector<128x128xf32>
    %dot_general3A_254 = tpu.matmul %slice3A_250, %slice3A_251, %dot_general3A_253 {dimension_numbers = #tpu.dot_dimension_numbers<[1], [1], [0], [0], [0, 0, 1, 0], [], []>, transpose_lhs_hint = false} : vector<128x32xf32>, vector<128x32xf32>, vector<128x128xf32> -> vector<128x128xf32>
    %mul3A_255 = arith.constant 0.0721687824 : f32
    %mul3A_256 = vector.broadcast %mul3A_255 : f32 to vector<128x128xf32>
    %mul3A_257 = arith.mulf %dot_general3A_254, %mul3A_256 : vector<128x128xf32>
    %exp3A_258 = math.exp %mul3A_257 : vector<128x128xf32>
    %jit3A_259 = arith.constant 0.000000e+00 : f32
    %broadcast_in_dim3A_260 = vector.broadcast %jit3A_259 : f32 to vector<128x128xf32>
    %select_n3A_261 = arith.select %ge3A, %exp3A_258, %broadcast_in_dim3A_260 : vector<128x128xi1>, vector<128x128xf32>
    %reduce_sum3A_262 = arith.constant dense<0.000000e+00> : vector<128xf32>
    %reduce_sum3A_263 = vector.multi_reduction <add>, %select_n3A_261, %reduce_sum3A_262 [1] : vector<128x128xf32> to vector<128xf32>
    %broadcast_in_dim3A_264 = vector.shape_cast %reduce_sum3A_263 : vector<128xf32> to vector<128x1xf32>
    %div3A_265 = vector.broadcast %broadcast_in_dim3A_264 : vector<128x1xf32> to vector<128x128xf32>
    %div3A_266 = arith.divf %select_n3A_261, %div3A_265 : vector<128x128xf32>
    %dot_general3A_267 = arith.constant dense<0.000000e+00> : vector<128x32xf32>
    %dot_general3A_268 = tpu.matmul %div3A_266, %slice3A_252, %dot_general3A_267 {dimension_numbers = #tpu.dot_dimension_numbers<[1], [0], [0], [1], [0, 0, 1, 1], [], []>, transpose_lhs_hint = false} : vector<128x128xf32>, vector<128x32xf32>, vector<128x32xf32> -> vector<128x32xf32>
    %concatenate3A_269 = tpu.concatenate %dot_general3A_173, %dot_general3A_192, %dot_general3A_211, %dot_general3A_230, %dot_general3A_249, %dot_general3A_268 in 1 : vector<128x32xf32>, vector<128x32xf32>, vector<128x32xf32>, vector<128x32xf32>, vector<128x32xf32>, vector<128x32xf32> -> vector<128x192xf32>
    %slice3A_270 = vector.extract_strided_slice %dot_general3A_33 {offsets = [256, 0], sizes = [128, 32], strides = [1, 1]} : vector<512x192xf32> to vector<128x32xf32>
    %slice3A_271 = vector.extract_strided_slice %dot_general3A_38 {offsets = [256, 0], sizes = [128, 32], strides = [1, 1]} : vector<512x192xf32> to vector<128x32xf32>
    %slice3A_272 = vector.extract_strided_slice %dot_general3A_43 {offsets = [256, 0], sizes = [128, 32], strides = [1, 1]} : vector<512x192xf32> to vector<128x32xf32>
    %dot_general3A_273 = arith.constant dense<0.000000e+00> : vector<128x128xf32>
    %dot_general3A_274 = tpu.matmul %slice3A_270, %slice3A_271, %dot_general3A_273 {dimension_numbers = #tpu.dot_dimension_numbers<[1], [1], [0], [0], [0, 0, 1, 0], [], []>, transpose_lhs_hint = false} : vector<128x32xf32>, vector<128x32xf32>, vector<128x128xf32> -> vector<128x128xf32>
    %mul3A_275 = arith.constant 0.0721687824 : f32
    %mul3A_276 = vector.broadcast %mul3A_275 : f32 to vector<128x128xf32>
    %mul3A_277 = arith.mulf %dot_general3A_274, %mul3A_276 : vector<128x128xf32>
    %exp3A_278 = math.exp %mul3A_277 : vector<128x128xf32>
    %jit3A_279 = arith.constant 0.000000e+00 : f32
    %broadcast_in_dim3A_280 = vector.broadcast %jit3A_279 : f32 to vector<128x128xf32>
    %select_n3A_281 = arith.select %ge3A, %exp3A_278, %broadcast_in_dim3A_280 : vector<128x128xi1>, vector<128x128xf32>
    %reduce_sum3A_282 = arith.constant dense<0.000000e+00> : vector<128xf32>
    %reduce_sum3A_283 = vector.multi_reduction <add>, %select_n3A_281, %reduce_sum3A_282 [1] : vector<128x128xf32> to vector<128xf32>
    %broadcast_in_dim3A_284 = vector.shape_cast %reduce_sum3A_283 : vector<128xf32> to vector<128x1xf32>
    %div3A_285 = vector.broadcast %broadcast_in_dim3A_284 : vector<128x1xf32> to vector<128x128xf32>
    %div3A_286 = arith.divf %select_n3A_281, %div3A_285 : vector<128x128xf32>
    %dot_general3A_287 = arith.constant dense<0.000000e+00> : vector<128x32xf32>
    %dot_general3A_288 = tpu.matmul %div3A_286, %slice3A_272, %dot_general3A_287 {dimension_numbers = #tpu.dot_dimension_numbers<[1], [0], [0], [1], [0, 0, 1, 1], [], []>, transpose_lhs_hint = false} : vector<128x128xf32>, vector<128x32xf32>, vector<128x32xf32> -> vector<128x32xf32>
    %slice3A_289 = vector.extract_strided_slice %dot_general3A_33 {offsets = [256, 32], sizes = [128, 32], strides = [1, 1]} : vector<512x192xf32> to vector<128x32xf32>
    %slice3A_290 = vector.extract_strided_slice %dot_general3A_38 {offsets = [256, 32], sizes = [128, 32], strides = [1, 1]} : vector<512x192xf32> to vector<128x32xf32>
    %slice3A_291 = vector.extract_strided_slice %dot_general3A_43 {offsets = [256, 32], sizes = [128, 32], strides = [1, 1]} : vector<512x192xf32> to vector<128x32xf32>
    %dot_general3A_292 = arith.constant dense<0.000000e+00> : vector<128x128xf32>
    %dot_general3A_293 = tpu.matmul %slice3A_289, %slice3A_290, %dot_general3A_292 {dimension_numbers = #tpu.dot_dimension_numbers<[1], [1], [0], [0], [0, 0, 1, 0], [], []>, transpose_lhs_hint = false} : vector<128x32xf32>, vector<128x32xf32>, vector<128x128xf32> -> vector<128x128xf32>
    %mul3A_294 = arith.constant 0.0721687824 : f32
    %mul3A_295 = vector.broadcast %mul3A_294 : f32 to vector<128x128xf32>
    %mul3A_296 = arith.mulf %dot_general3A_293, %mul3A_295 : vector<128x128xf32>
    %exp3A_297 = math.exp %mul3A_296 : vector<128x128xf32>
    %jit3A_298 = arith.constant 0.000000e+00 : f32
    %broadcast_in_dim3A_299 = vector.broadcast %jit3A_298 : f32 to vector<128x128xf32>
    %select_n3A_300 = arith.select %ge3A, %exp3A_297, %broadcast_in_dim3A_299 : vector<128x128xi1>, vector<128x128xf32>
    %reduce_sum3A_301 = arith.constant dense<0.000000e+00> : vector<128xf32>
    %reduce_sum3A_302 = vector.multi_reduction <add>, %select_n3A_300, %reduce_sum3A_301 [1] : vector<128x128xf32> to vector<128xf32>
    %broadcast_in_dim3A_303 = vector.shape_cast %reduce_sum3A_302 : vector<128xf32> to vector<128x1xf32>
    %div3A_304 = vector.broadcast %broadcast_in_dim3A_303 : vector<128x1xf32> to vector<128x128xf32>
    %div3A_305 = arith.divf %select_n3A_300, %div3A_304 : vector<128x128xf32>
    %dot_general3A_306 = arith.constant dense<0.000000e+00> : vector<128x32xf32>
    %dot_general3A_307 = tpu.matmul %div3A_305, %slice3A_291, %dot_general3A_306 {dimension_numbers = #tpu.dot_dimension_numbers<[1], [0], [0], [1], [0, 0, 1, 1], [], []>, transpose_lhs_hint = false} : vector<128x128xf32>, vector<128x32xf32>, vector<128x32xf32> -> vector<128x32xf32>
    %slice3A_308 = vector.extract_strided_slice %dot_general3A_33 {offsets = [256, 64], sizes = [128, 32], strides = [1, 1]} : vector<512x192xf32> to vector<128x32xf32>
    %slice3A_309 = vector.extract_strided_slice %dot_general3A_38 {offsets = [256, 64], sizes = [128, 32], strides = [1, 1]} : vector<512x192xf32> to vector<128x32xf32>
    %slice3A_310 = vector.extract_strided_slice %dot_general3A_43 {offsets = [256, 64], sizes = [128, 32], strides = [1, 1]} : vector<512x192xf32> to vector<128x32xf32>
    %dot_general3A_311 = arith.constant dense<0.000000e+00> : vector<128x128xf32>
    %dot_general3A_312 = tpu.matmul %slice3A_308, %slice3A_309, %dot_general3A_311 {dimension_numbers = #tpu.dot_dimension_numbers<[1], [1], [0], [0], [0, 0, 1, 0], [], []>, transpose_lhs_hint = false} : vector<128x32xf32>, vector<128x32xf32>, vector<128x128xf32> -> vector<128x128xf32>
    %mul3A_313 = arith.constant 0.0721687824 : f32
    %mul3A_314 = vector.broadcast %mul3A_313 : f32 to vector<128x128xf32>
    %mul3A_315 = arith.mulf %dot_general3A_312, %mul3A_314 : vector<128x128xf32>
    %exp3A_316 = math.exp %mul3A_315 : vector<128x128xf32>
    %jit3A_317 = arith.constant 0.000000e+00 : f32
    %broadcast_in_dim3A_318 = vector.broadcast %jit3A_317 : f32 to vector<128x128xf32>
    %select_n3A_319 = arith.select %ge3A, %exp3A_316, %broadcast_in_dim3A_318 : vector<128x128xi1>, vector<128x128xf32>
    %reduce_sum3A_320 = arith.constant dense<0.000000e+00> : vector<128xf32>
    %reduce_sum3A_321 = vector.multi_reduction <add>, %select_n3A_319, %reduce_sum3A_320 [1] : vector<128x128xf32> to vector<128xf32>
    %broadcast_in_dim3A_322 = vector.shape_cast %reduce_sum3A_321 : vector<128xf32> to vector<128x1xf32>
    %div3A_323 = vector.broadcast %broadcast_in_dim3A_322 : vector<128x1xf32> to vector<128x128xf32>
    %div3A_324 = arith.divf %select_n3A_319, %div3A_323 : vector<128x128xf32>
    %dot_general3A_325 = arith.constant dense<0.000000e+00> : vector<128x32xf32>
    %dot_general3A_326 = tpu.matmul %div3A_324, %slice3A_310, %dot_general3A_325 {dimension_numbers = #tpu.dot_dimension_numbers<[1], [0], [0], [1], [0, 0, 1, 1], [], []>, transpose_lhs_hint = false} : vector<128x128xf32>, vector<128x32xf32>, vector<128x32xf32> -> vector<128x32xf32>
    %slice3A_327 = vector.extract_strided_slice %dot_general3A_33 {offsets = [256, 96], sizes = [128, 32], strides = [1, 1]} : vector<512x192xf32> to vector<128x32xf32>
    %slice3A_328 = vector.extract_strided_slice %dot_general3A_38 {offsets = [256, 96], sizes = [128, 32], strides = [1, 1]} : vector<512x192xf32> to vector<128x32xf32>
    %slice3A_329 = vector.extract_strided_slice %dot_general3A_43 {offsets = [256, 96], sizes = [128, 32], strides = [1, 1]} : vector<512x192xf32> to vector<128x32xf32>
    %dot_general3A_330 = arith.constant dense<0.000000e+00> : vector<128x128xf32>
    %dot_general3A_331 = tpu.matmul %slice3A_327, %slice3A_328, %dot_general3A_330 {dimension_numbers = #tpu.dot_dimension_numbers<[1], [1], [0], [0], [0, 0, 1, 0], [], []>, transpose_lhs_hint = false} : vector<128x32xf32>, vector<128x32xf32>, vector<128x128xf32> -> vector<128x128xf32>
    %mul3A_332 = arith.constant 0.0721687824 : f32
    %mul3A_333 = vector.broadcast %mul3A_332 : f32 to vector<128x128xf32>
    %mul3A_334 = arith.mulf %dot_general3A_331, %mul3A_333 : vector<128x128xf32>
    %exp3A_335 = math.exp %mul3A_334 : vector<128x128xf32>
    %jit3A_336 = arith.constant 0.000000e+00 : f32
    %broadcast_in_dim3A_337 = vector.broadcast %jit3A_336 : f32 to vector<128x128xf32>
    %select_n3A_338 = arith.select %ge3A, %exp3A_335, %broadcast_in_dim3A_337 : vector<128x128xi1>, vector<128x128xf32>
    %reduce_sum3A_339 = arith.constant dense<0.000000e+00> : vector<128xf32>
    %reduce_sum3A_340 = vector.multi_reduction <add>, %select_n3A_338, %reduce_sum3A_339 [1] : vector<128x128xf32> to vector<128xf32>
    %broadcast_in_dim3A_341 = vector.shape_cast %reduce_sum3A_340 : vector<128xf32> to vector<128x1xf32>
    %div3A_342 = vector.broadcast %broadcast_in_dim3A_341 : vector<128x1xf32> to vector<128x128xf32>
    %div3A_343 = arith.divf %select_n3A_338, %div3A_342 : vector<128x128xf32>
    %dot_general3A_344 = arith.constant dense<0.000000e+00> : vector<128x32xf32>
    %dot_general3A_345 = tpu.matmul %div3A_343, %slice3A_329, %dot_general3A_344 {dimension_numbers = #tpu.dot_dimension_numbers<[1], [0], [0], [1], [0, 0, 1, 1], [], []>, transpose_lhs_hint = false} : vector<128x128xf32>, vector<128x32xf32>, vector<128x32xf32> -> vector<128x32xf32>
    %slice3A_346 = vector.extract_strided_slice %dot_general3A_33 {offsets = [256, 128], sizes = [128, 32], strides = [1, 1]} : vector<512x192xf32> to vector<128x32xf32>
    %slice3A_347 = vector.extract_strided_slice %dot_general3A_38 {offsets = [256, 128], sizes = [128, 32], strides = [1, 1]} : vector<512x192xf32> to vector<128x32xf32>
    %slice3A_348 = vector.extract_strided_slice %dot_general3A_43 {offsets = [256, 128], sizes = [128, 32], strides = [1, 1]} : vector<512x192xf32> to vector<128x32xf32>
    %dot_general3A_349 = arith.constant dense<0.000000e+00> : vector<128x128xf32>
    %dot_general3A_350 = tpu.matmul %slice3A_346, %slice3A_347, %dot_general3A_349 {dimension_numbers = #tpu.dot_dimension_numbers<[1], [1], [0], [0], [0, 0, 1, 0], [], []>, transpose_lhs_hint = false} : vector<128x32xf32>, vector<128x32xf32>, vector<128x128xf32> -> vector<128x128xf32>
    %mul3A_351 = arith.constant 0.0721687824 : f32
    %mul3A_352 = vector.broadcast %mul3A_351 : f32 to vector<128x128xf32>
    %mul3A_353 = arith.mulf %dot_general3A_350, %mul3A_352 : vector<128x128xf32>
    %exp3A_354 = math.exp %mul3A_353 : vector<128x128xf32>
    %jit3A_355 = arith.constant 0.000000e+00 : f32
    %broadcast_in_dim3A_356 = vector.broadcast %jit3A_355 : f32 to vector<128x128xf32>
    %select_n3A_357 = arith.select %ge3A, %exp3A_354, %broadcast_in_dim3A_356 : vector<128x128xi1>, vector<128x128xf32>
    %reduce_sum3A_358 = arith.constant dense<0.000000e+00> : vector<128xf32>
    %reduce_sum3A_359 = vector.multi_reduction <add>, %select_n3A_357, %reduce_sum3A_358 [1] : vector<128x128xf32> to vector<128xf32>
    %broadcast_in_dim3A_360 = vector.shape_cast %reduce_sum3A_359 : vector<128xf32> to vector<128x1xf32>
    %div3A_361 = vector.broadcast %broadcast_in_dim3A_360 : vector<128x1xf32> to vector<128x128xf32>
    %div3A_362 = arith.divf %select_n3A_357, %div3A_361 : vector<128x128xf32>
    %dot_general3A_363 = arith.constant dense<0.000000e+00> : vector<128x32xf32>
    %dot_general3A_364 = tpu.matmul %div3A_362, %slice3A_348, %dot_general3A_363 {dimension_numbers = #tpu.dot_dimension_numbers<[1], [0], [0], [1], [0, 0, 1, 1], [], []>, transpose_lhs_hint = false} : vector<128x128xf32>, vector<128x32xf32>, vector<128x32xf32> -> vector<128x32xf32>
    %slice3A_365 = vector.extract_strided_slice %dot_general3A_33 {offsets = [256, 160], sizes = [128, 32], strides = [1, 1]} : vector<512x192xf32> to vector<128x32xf32>
    %slice3A_366 = vector.extract_strided_slice %dot_general3A_38 {offsets = [256, 160], sizes = [128, 32], strides = [1, 1]} : vector<512x192xf32> to vector<128x32xf32>
    %slice3A_367 = vector.extract_strided_slice %dot_general3A_43 {offsets = [256, 160], sizes = [128, 32], strides = [1, 1]} : vector<512x192xf32> to vector<128x32xf32>
    %dot_general3A_368 = arith.constant dense<0.000000e+00> : vector<128x128xf32>
    %dot_general3A_369 = tpu.matmul %slice3A_365, %slice3A_366, %dot_general3A_368 {dimension_numbers = #tpu.dot_dimension_numbers<[1], [1], [0], [0], [0, 0, 1, 0], [], []>, transpose_lhs_hint = false} : vector<128x32xf32>, vector<128x32xf32>, vector<128x128xf32> -> vector<128x128xf32>
    %mul3A_370 = arith.constant 0.0721687824 : f32
    %mul3A_371 = vector.broadcast %mul3A_370 : f32 to vector<128x128xf32>
    %mul3A_372 = arith.mulf %dot_general3A_369, %mul3A_371 : vector<128x128xf32>
    %exp3A_373 = math.exp %mul3A_372 : vector<128x128xf32>
    %jit3A_374 = arith.constant 0.000000e+00 : f32
    %broadcast_in_dim3A_375 = vector.broadcast %jit3A_374 : f32 to vector<128x128xf32>
    %select_n3A_376 = arith.select %ge3A, %exp3A_373, %broadcast_in_dim3A_375 : vector<128x128xi1>, vector<128x128xf32>
    %reduce_sum3A_377 = arith.constant dense<0.000000e+00> : vector<128xf32>
    %reduce_sum3A_378 = vector.multi_reduction <add>, %select_n3A_376, %reduce_sum3A_377 [1] : vector<128x128xf32> to vector<128xf32>
    %broadcast_in_dim3A_379 = vector.shape_cast %reduce_sum3A_378 : vector<128xf32> to vector<128x1xf32>
    %div3A_380 = vector.broadcast %broadcast_in_dim3A_379 : vector<128x1xf32> to vector<128x128xf32>
    %div3A_381 = arith.divf %select_n3A_376, %div3A_380 : vector<128x128xf32>
    %dot_general3A_382 = arith.constant dense<0.000000e+00> : vector<128x32xf32>
    %dot_general3A_383 = tpu.matmul %div3A_381, %slice3A_367, %dot_general3A_382 {dimension_numbers = #tpu.dot_dimension_numbers<[1], [0], [0], [1], [0, 0, 1, 1], [], []>, transpose_lhs_hint = false} : vector<128x128xf32>, vector<128x32xf32>, vector<128x32xf32> -> vector<128x32xf32>
    %concatenate3A_384 = tpu.concatenate %dot_general3A_288, %dot_general3A_307, %dot_general3A_326, %dot_general3A_345, %dot_general3A_364, %dot_general3A_383 in 1 : vector<128x32xf32>, vector<128x32xf32>, vector<128x32xf32>, vector<128x32xf32>, vector<128x32xf32>, vector<128x32xf32> -> vector<128x192xf32>
    %slice3A_385 = vector.extract_strided_slice %dot_general3A_33 {offsets = [384, 0], sizes = [128, 32], strides = [1, 1]} : vector<512x192xf32> to vector<128x32xf32>
    %slice3A_386 = vector.extract_strided_slice %dot_general3A_38 {offsets = [384, 0], sizes = [128, 32], strides = [1, 1]} : vector<512x192xf32> to vector<128x32xf32>
    %slice3A_387 = vector.extract_strided_slice %dot_general3A_43 {offsets = [384, 0], sizes = [128, 32], strides = [1, 1]} : vector<512x192xf32> to vector<128x32xf32>
    %dot_general3A_388 = arith.constant dense<0.000000e+00> : vector<128x128xf32>
    %dot_general3A_389 = tpu.matmul %slice3A_385, %slice3A_386, %dot_general3A_388 {dimension_numbers = #tpu.dot_dimension_numbers<[1], [1], [0], [0], [0, 0, 1, 0], [], []>, transpose_lhs_hint = false} : vector<128x32xf32>, vector<128x32xf32>, vector<128x128xf32> -> vector<128x128xf32>
    %mul3A_390 = arith.constant 0.0721687824 : f32
    %mul3A_391 = vector.broadcast %mul3A_390 : f32 to vector<128x128xf32>
    %mul3A_392 = arith.mulf %dot_general3A_389, %mul3A_391 : vector<128x128xf32>
    %exp3A_393 = math.exp %mul3A_392 : vector<128x128xf32>
    %jit3A_394 = arith.constant 0.000000e+00 : f32
    %broadcast_in_dim3A_395 = vector.broadcast %jit3A_394 : f32 to vector<128x128xf32>
    %select_n3A_396 = arith.select %ge3A, %exp3A_393, %broadcast_in_dim3A_395 : vector<128x128xi1>, vector<128x128xf32>
    %reduce_sum3A_397 = arith.constant dense<0.000000e+00> : vector<128xf32>
    %reduce_sum3A_398 = vector.multi_reduction <add>, %select_n3A_396, %reduce_sum3A_397 [1] : vector<128x128xf32> to vector<128xf32>
    %broadcast_in_dim3A_399 = vector.shape_cast %reduce_sum3A_398 : vector<128xf32> to vector<128x1xf32>
    %div3A_400 = vector.broadcast %broadcast_in_dim3A_399 : vector<128x1xf32> to vector<128x128xf32>
    %div3A_401 = arith.divf %select_n3A_396, %div3A_400 : vector<128x128xf32>
    %dot_general3A_402 = arith.constant dense<0.000000e+00> : vector<128x32xf32>
    %dot_general3A_403 = tpu.matmul %div3A_401, %slice3A_387, %dot_general3A_402 {dimension_numbers = #tpu.dot_dimension_numbers<[1], [0], [0], [1], [0, 0, 1, 1], [], []>, transpose_lhs_hint = false} : vector<128x128xf32>, vector<128x32xf32>, vector<128x32xf32> -> vector<128x32xf32>
    %slice3A_404 = vector.extract_strided_slice %dot_general3A_33 {offsets = [384, 32], sizes = [128, 32], strides = [1, 1]} : vector<512x192xf32> to vector<128x32xf32>
    %slice3A_405 = vector.extract_strided_slice %dot_general3A_38 {offsets = [384, 32], sizes = [128, 32], strides = [1, 1]} : vector<512x192xf32> to vector<128x32xf32>
    %slice3A_406 = vector.extract_strided_slice %dot_general3A_43 {offsets = [384, 32], sizes = [128, 32], strides = [1, 1]} : vector<512x192xf32> to vector<128x32xf32>
    %dot_general3A_407 = arith.constant dense<0.000000e+00> : vector<128x128xf32>
    %dot_general3A_408 = tpu.matmul %slice3A_404, %slice3A_405, %dot_general3A_407 {dimension_numbers = #tpu.dot_dimension_numbers<[1], [1], [0], [0], [0, 0, 1, 0], [], []>, transpose_lhs_hint = false} : vector<128x32xf32>, vector<128x32xf32>, vector<128x128xf32> -> vector<128x128xf32>
    %mul3A_409 = arith.constant 0.0721687824 : f32
    %mul3A_410 = vector.broadcast %mul3A_409 : f32 to vector<128x128xf32>
    %mul3A_411 = arith.mulf %dot_general3A_408, %mul3A_410 : vector<128x128xf32>
    %exp3A_412 = math.exp %mul3A_411 : vector<128x128xf32>
    %jit3A_413 = arith.constant 0.000000e+00 : f32
    %broadcast_in_dim3A_414 = vector.broadcast %jit3A_413 : f32 to vector<128x128xf32>
    %select_n3A_415 = arith.select %ge3A, %exp3A_412, %broadcast_in_dim3A_414 : vector<128x128xi1>, vector<128x128xf32>
    %reduce_sum3A_416 = arith.constant dense<0.000000e+00> : vector<128xf32>
    %reduce_sum3A_417 = vector.multi_reduction <add>, %select_n3A_415, %reduce_sum3A_416 [1] : vector<128x128xf32> to vector<128xf32>
    %broadcast_in_dim3A_418 = vector.shape_cast %reduce_sum3A_417 : vector<128xf32> to vector<128x1xf32>
    %div3A_419 = vector.broadcast %broadcast_in_dim3A_418 : vector<128x1xf32> to vector<128x128xf32>
    %div3A_420 = arith.divf %select_n3A_415, %div3A_419 : vector<128x128xf32>
    %dot_general3A_421 = arith.constant dense<0.000000e+00> : vector<128x32xf32>
    %dot_general3A_422 = tpu.matmul %div3A_420, %slice3A_406, %dot_general3A_421 {dimension_numbers = #tpu.dot_dimension_numbers<[1], [0], [0], [1], [0, 0, 1, 1], [], []>, transpose_lhs_hint = false} : vector<128x128xf32>, vector<128x32xf32>, vector<128x32xf32> -> vector<128x32xf32>
    %slice3A_423 = vector.extract_strided_slice %dot_general3A_33 {offsets = [384, 64], sizes = [128, 32], strides = [1, 1]} : vector<512x192xf32> to vector<128x32xf32>
    %slice3A_424 = vector.extract_strided_slice %dot_general3A_38 {offsets = [384, 64], sizes = [128, 32], strides = [1, 1]} : vector<512x192xf32> to vector<128x32xf32>
    %slice3A_425 = vector.extract_strided_slice %dot_general3A_43 {offsets = [384, 64], sizes = [128, 32], strides = [1, 1]} : vector<512x192xf32> to vector<128x32xf32>
    %dot_general3A_426 = arith.constant dense<0.000000e+00> : vector<128x128xf32>
    %dot_general3A_427 = tpu.matmul %slice3A_423, %slice3A_424, %dot_general3A_426 {dimension_numbers = #tpu.dot_dimension_numbers<[1], [1], [0], [0], [0, 0, 1, 0], [], []>, transpose_lhs_hint = false} : vector<128x32xf32>, vector<128x32xf32>, vector<128x128xf32> -> vector<128x128xf32>
    %mul3A_428 = arith.constant 0.0721687824 : f32
    %mul3A_429 = vector.broadcast %mul3A_428 : f32 to vector<128x128xf32>
    %mul3A_430 = arith.mulf %dot_general3A_427, %mul3A_429 : vector<128x128xf32>
    %exp3A_431 = math.exp %mul3A_430 : vector<128x128xf32>
    %jit3A_432 = arith.constant 0.000000e+00 : f32
    %broadcast_in_dim3A_433 = vector.broadcast %jit3A_432 : f32 to vector<128x128xf32>
    %select_n3A_434 = arith.select %ge3A, %exp3A_431, %broadcast_in_dim3A_433 : vector<128x128xi1>, vector<128x128xf32>
    %reduce_sum3A_435 = arith.constant dense<0.000000e+00> : vector<128xf32>
    %reduce_sum3A_436 = vector.multi_reduction <add>, %select_n3A_434, %reduce_sum3A_435 [1] : vector<128x128xf32> to vector<128xf32>
    %broadcast_in_dim3A_437 = vector.shape_cast %reduce_sum3A_436 : vector<128xf32> to vector<128x1xf32>
    %div3A_438 = vector.broadcast %broadcast_in_dim3A_437 : vector<128x1xf32> to vector<128x128xf32>
    %div3A_439 = arith.divf %select_n3A_434, %div3A_438 : vector<128x128xf32>
    %dot_general3A_440 = arith.constant dense<0.000000e+00> : vector<128x32xf32>
    %dot_general3A_441 = tpu.matmul %div3A_439, %slice3A_425, %dot_general3A_440 {dimension_numbers = #tpu.dot_dimension_numbers<[1], [0], [0], [1], [0, 0, 1, 1], [], []>, transpose_lhs_hint = false} : vector<128x128xf32>, vector<128x32xf32>, vector<128x32xf32> -> vector<128x32xf32>
    %slice3A_442 = vector.extract_strided_slice %dot_general3A_33 {offsets = [384, 96], sizes = [128, 32], strides = [1, 1]} : vector<512x192xf32> to vector<128x32xf32>
    %slice3A_443 = vector.extract_strided_slice %dot_general3A_38 {offsets = [384, 96], sizes = [128, 32], strides = [1, 1]} : vector<512x192xf32> to vector<128x32xf32>
    %slice3A_444 = vector.extract_strided_slice %dot_general3A_43 {offsets = [384, 96], sizes = [128, 32], strides = [1, 1]} : vector<512x192xf32> to vector<128x32xf32>
    %dot_general3A_445 = arith.constant dense<0.000000e+00> : vector<128x128xf32>
    %dot_general3A_446 = tpu.matmul %slice3A_442, %slice3A_443, %dot_general3A_445 {dimension_numbers = #tpu.dot_dimension_numbers<[1], [1], [0], [0], [0, 0, 1, 0], [], []>, transpose_lhs_hint = false} : vector<128x32xf32>, vector<128x32xf32>, vector<128x128xf32> -> vector<128x128xf32>
    %mul3A_447 = arith.constant 0.0721687824 : f32
    %mul3A_448 = vector.broadcast %mul3A_447 : f32 to vector<128x128xf32>
    %mul3A_449 = arith.mulf %dot_general3A_446, %mul3A_448 : vector<128x128xf32>
    %exp3A_450 = math.exp %mul3A_449 : vector<128x128xf32>
    %jit3A_451 = arith.constant 0.000000e+00 : f32
    %broadcast_in_dim3A_452 = vector.broadcast %jit3A_451 : f32 to vector<128x128xf32>
    %select_n3A_453 = arith.select %ge3A, %exp3A_450, %broadcast_in_dim3A_452 : vector<128x128xi1>, vector<128x128xf32>
    %reduce_sum3A_454 = arith.constant dense<0.000000e+00> : vector<128xf32>
    %reduce_sum3A_455 = vector.multi_reduction <add>, %select_n3A_453, %reduce_sum3A_454 [1] : vector<128x128xf32> to vector<128xf32>
    %broadcast_in_dim3A_456 = vector.shape_cast %reduce_sum3A_455 : vector<128xf32> to vector<128x1xf32>
    %div3A_457 = vector.broadcast %broadcast_in_dim3A_456 : vector<128x1xf32> to vector<128x128xf32>
    %div3A_458 = arith.divf %select_n3A_453, %div3A_457 : vector<128x128xf32>
    %dot_general3A_459 = arith.constant dense<0.000000e+00> : vector<128x32xf32>
    %dot_general3A_460 = tpu.matmul %div3A_458, %slice3A_444, %dot_general3A_459 {dimension_numbers = #tpu.dot_dimension_numbers<[1], [0], [0], [1], [0, 0, 1, 1], [], []>, transpose_lhs_hint = false} : vector<128x128xf32>, vector<128x32xf32>, vector<128x32xf32> -> vector<128x32xf32>
    %slice3A_461 = vector.extract_strided_slice %dot_general3A_33 {offsets = [384, 128], sizes = [128, 32], strides = [1, 1]} : vector<512x192xf32> to vector<128x32xf32>
    %slice3A_462 = vector.extract_strided_slice %dot_general3A_38 {offsets = [384, 128], sizes = [128, 32], strides = [1, 1]} : vector<512x192xf32> to vector<128x32xf32>
    %slice3A_463 = vector.extract_strided_slice %dot_general3A_43 {offsets = [384, 128], sizes = [128, 32], strides = [1, 1]} : vector<512x192xf32> to vector<128x32xf32>
    %dot_general3A_464 = arith.constant dense<0.000000e+00> : vector<128x128xf32>
    %dot_general3A_465 = tpu.matmul %slice3A_461, %slice3A_462, %dot_general3A_464 {dimension_numbers = #tpu.dot_dimension_numbers<[1], [1], [0], [0], [0, 0, 1, 0], [], []>, transpose_lhs_hint = false} : vector<128x32xf32>, vector<128x32xf32>, vector<128x128xf32> -> vector<128x128xf32>
    %mul3A_466 = arith.constant 0.0721687824 : f32
    %mul3A_467 = vector.broadcast %mul3A_466 : f32 to vector<128x128xf32>
    %mul3A_468 = arith.mulf %dot_general3A_465, %mul3A_467 : vector<128x128xf32>
    %exp3A_469 = math.exp %mul3A_468 : vector<128x128xf32>
    %jit3A_470 = arith.constant 0.000000e+00 : f32
    %broadcast_in_dim3A_471 = vector.broadcast %jit3A_470 : f32 to vector<128x128xf32>
    %select_n3A_472 = arith.select %ge3A, %exp3A_469, %broadcast_in_dim3A_471 : vector<128x128xi1>, vector<128x128xf32>
    %reduce_sum3A_473 = arith.constant dense<0.000000e+00> : vector<128xf32>
    %reduce_sum3A_474 = vector.multi_reduction <add>, %select_n3A_472, %reduce_sum3A_473 [1] : vector<128x128xf32> to vector<128xf32>
    %broadcast_in_dim3A_475 = vector.shape_cast %reduce_sum3A_474 : vector<128xf32> to vector<128x1xf32>
    %div3A_476 = vector.broadcast %broadcast_in_dim3A_475 : vector<128x1xf32> to vector<128x128xf32>
    %div3A_477 = arith.divf %select_n3A_472, %div3A_476 : vector<128x128xf32>
    %dot_general3A_478 = arith.constant dense<0.000000e+00> : vector<128x32xf32>
    %dot_general3A_479 = tpu.matmul %div3A_477, %slice3A_463, %dot_general3A_478 {dimension_numbers = #tpu.dot_dimension_numbers<[1], [0], [0], [1], [0, 0, 1, 1], [], []>, transpose_lhs_hint = false} : vector<128x128xf32>, vector<128x32xf32>, vector<128x32xf32> -> vector<128x32xf32>
    %slice3A_480 = vector.extract_strided_slice %dot_general3A_33 {offsets = [384, 160], sizes = [128, 32], strides = [1, 1]} : vector<512x192xf32> to vector<128x32xf32>
    %slice3A_481 = vector.extract_strided_slice %dot_general3A_38 {offsets = [384, 160], sizes = [128, 32], strides = [1, 1]} : vector<512x192xf32> to vector<128x32xf32>
    %slice3A_482 = vector.extract_strided_slice %dot_general3A_43 {offsets = [384, 160], sizes = [128, 32], strides = [1, 1]} : vector<512x192xf32> to vector<128x32xf32>
    %dot_general3A_483 = arith.constant dense<0.000000e+00> : vector<128x128xf32>
    %dot_general3A_484 = tpu.matmul %slice3A_480, %slice3A_481, %dot_general3A_483 {dimension_numbers = #tpu.dot_dimension_numbers<[1], [1], [0], [0], [0, 0, 1, 0], [], []>, transpose_lhs_hint = false} : vector<128x32xf32>, vector<128x32xf32>, vector<128x128xf32> -> vector<128x128xf32>
    %mul3A_485 = arith.constant 0.0721687824 : f32
    %mul3A_486 = vector.broadcast %mul3A_485 : f32 to vector<128x128xf32>
    %mul3A_487 = arith.mulf %dot_general3A_484, %mul3A_486 : vector<128x128xf32>
    %exp3A_488 = math.exp %mul3A_487 : vector<128x128xf32>
    %jit3A_489 = arith.constant 0.000000e+00 : f32
    %broadcast_in_dim3A_490 = vector.broadcast %jit3A_489 : f32 to vector<128x128xf32>
    %select_n3A_491 = arith.select %ge3A, %exp3A_488, %broadcast_in_dim3A_490 : vector<128x128xi1>, vector<128x128xf32>
    %reduce_sum3A_492 = arith.constant dense<0.000000e+00> : vector<128xf32>
    %reduce_sum3A_493 = vector.multi_reduction <add>, %select_n3A_491, %reduce_sum3A_492 [1] : vector<128x128xf32> to vector<128xf32>
    %broadcast_in_dim3A_494 = vector.shape_cast %reduce_sum3A_493 : vector<128xf32> to vector<128x1xf32>
    %div3A_495 = vector.broadcast %broadcast_in_dim3A_494 : vector<128x1xf32> to vector<128x128xf32>
    %div3A_496 = arith.divf %select_n3A_491, %div3A_495 : vector<128x128xf32>
    %dot_general3A_497 = arith.constant dense<0.000000e+00> : vector<128x32xf32>
    %dot_general3A_498 = tpu.matmul %div3A_496, %slice3A_482, %dot_general3A_497 {dimension_numbers = #tpu.dot_dimension_numbers<[1], [0], [0], [1], [0, 0, 1, 1], [], []>, transpose_lhs_hint = false} : vector<128x128xf32>, vector<128x32xf32>, vector<128x32xf32> -> vector<128x32xf32>
    %concatenate3A_499 = tpu.concatenate %dot_general3A_403, %dot_general3A_422, %dot_general3A_441, %dot_general3A_460, %dot_general3A_479, %dot_general3A_498 in 1 : vector<128x32xf32>, vector<128x32xf32>, vector<128x32xf32>, vector<128x32xf32>, vector<128x32xf32>, vector<128x32xf32> -> vector<128x192xf32>
    %concatenate3A_500 = tpu.concatenate %concatenate3A, %concatenate3A_269, %concatenate3A_384, %concatenate3A_499 in 0 : vector<128x192xf32>, vector<128x192xf32>, vector<128x192xf32>, vector<128x192xf32> -> vector<512x192xf32>
    %get3A_501 = arith.constant 0 : index
    %get3A_502 = arith.constant 0 : index
    %get3A_503 = vector.load %arg8[%get3A_501, %get3A_502] : memref<192x192xf32, #tpu.memory_space<vmem>>, vector<192x192xf32>
    %dot_general3A_504 = arith.constant dense<0.000000e+00> : vector<512x192xf32>
    %dot_general3A_505 = tpu.matmul %concatenate3A_500, %get3A_503, %dot_general3A_504 {dimension_numbers = #tpu.dot_dimension_numbers<[1], [0], [0], [1], [0, 0, 1, 1], [], []>, transpose_lhs_hint = false} : vector<512x192xf32>, vector<192x192xf32>, vector<512x192xf32> -> vector<512x192xf32>
    %get3A_506 = arith.constant 0 : index
    %get3A_507 = arith.constant 0 : index
    %get3A_508 = vector.load %arg9[%get3A_506, %get3A_507] : memref<1x192xf32, #tpu.memory_space<vmem>>, vector<1x192xf32>
    %add3A_509 = vector.broadcast %get3A_508 : vector<1x192xf32> to vector<512x192xf32>
    %add3A_510 = arith.addf %dot_general3A_505, %add3A_509 : vector<512x192xf32>
    %add3A_511 = arith.addf %add3A_510, %reshape3A : vector<512x192xf32>
    %reshape3A_512 = vector.shape_cast %add3A_511 : vector<512x192xf32> to vector<4x128x192xf32>
    %swap3A = arith.constant 0 : index
    %swap3A_513 = arith.constant 0 : index
    %swap3A_514 = arith.constant 0 : index
    %swap3A_515 = vector.load %arg16[%swap3A, %swap3A_513, %swap3A_514] : memref<4x128x192xf32, #tpu.memory_space<vmem>>, vector<4x128x192xf32>
    tpu.vector_store %arg16[%swap3A, %swap3A_513, %swap3A_514], %reshape3A_512 {strides = array<i32>} : memref<4x128x192xf32, #tpu.memory_space<vmem>>, vector<4x128x192xf32>,
    %get3A_516 = arith.constant 0 : index
    %get3A_517 = arith.constant 0 : index
    %get3A_518 = vector.load %arg10[%get3A_516, %get3A_517] : memref<1x192xf32, #tpu.memory_space<vmem>>, vector<1x192xf32>
    %get3A_519 = arith.constant 0 : index
    %get3A_520 = arith.constant 0 : index
    %get3A_521 = vector.load %arg11[%get3A_519, %get3A_520] : memref<1x192xf32, #tpu.memory_space<vmem>>, vector<1x192xf32>
    %reduce_sum3A_522 = arith.constant dense<0.000000e+00> : vector<512xf32>
    %reduce_sum3A_523 = vector.multi_reduction <add>, %add3A_511, %reduce_sum3A_522 [1] : vector<512x192xf32> to vector<512xf32>
    %broadcast_in_dim3A_524 = vector.shape_cast %reduce_sum3A_523 : vector<512xf32> to vector<512x1xf32>
    %div3A_525 = arith.constant 1.920000e+02 : f32
    %div3A_526 = vector.broadcast %div3A_525 : f32 to vector<512x1xf32>
    %div3A_527 = arith.divf %broadcast_in_dim3A_524, %div3A_526 : vector<512x1xf32>
    %sub3A_528 = vector.broadcast %div3A_527 : vector<512x1xf32> to vector<512x192xf32>
    %sub3A_529 = arith.subf %add3A_511, %sub3A_528 : vector<512x192xf32>
    %integer_pow3A_530 = arith.mulf %sub3A_529, %sub3A_529 : vector<512x192xf32>
    %reduce_sum3A_531 = arith.constant dense<0.000000e+00> : vector<512xf32>
    %reduce_sum3A_532 = vector.multi_reduction <add>, %integer_pow3A_530, %reduce_sum3A_531 [1] : vector<512x192xf32> to vector<512xf32>
    %broadcast_in_dim3A_533 = vector.shape_cast %reduce_sum3A_532 : vector<512xf32> to vector<512x1xf32>
    %div3A_534 = arith.constant 1.920000e+02 : f32
    %div3A_535 = vector.broadcast %div3A_534 : f32 to vector<512x1xf32>
    %div3A_536 = arith.divf %broadcast_in_dim3A_533, %div3A_535 : vector<512x1xf32>
    %sub3A_537 = vector.broadcast %div3A_527 : vector<512x1xf32> to vector<512x192xf32>
    %sub3A_538 = arith.subf %add3A_511, %sub3A_537 : vector<512x192xf32>
    %add3A_539 = arith.constant 9.99999974E-6 : f32
    %add3A_540 = vector.broadcast %add3A_539 : f32 to vector<512x1xf32>
    %add3A_541 = arith.addf %div3A_536, %add3A_540 : vector<512x1xf32>
    %rsqrt3A_542 = math.rsqrt %add3A_541 : vector<512x1xf32>
    %mul3A_543 = vector.broadcast %rsqrt3A_542 : vector<512x1xf32> to vector<512x192xf32>
    %mul3A_544 = arith.mulf %sub3A_538, %mul3A_543 : vector<512x192xf32>
    %mul3A_545 = vector.broadcast %get3A_518 : vector<1x192xf32> to vector<512x192xf32>
    %mul3A_546 = arith.mulf %mul3A_544, %mul3A_545 : vector<512x192xf32>
    %add3A_547 = vector.broadcast %get3A_521 : vector<1x192xf32> to vector<512x192xf32>
    %add3A_548 = arith.addf %mul3A_546, %add3A_547 : vector<512x192xf32>
    %broadcast_in_dim3A_549 = arith.constant 0.000000e+00 : f32
    %broadcast_in_dim3A_550 = vector.broadcast %broadcast_in_dim3A_549 : f32 to vector<512x64xf32>
    %concatenate3A_551 = tpu.concatenate %add3A_548, %broadcast_in_dim3A_550 in 1 : vector<512x192xf32>, vector<512x64xf32> -> vector<512x256xf32>
    %reshape3A_552 = vector.shape_cast %concatenate3A_551 : vector<512x256xf32> to vector<4x128x256xf32>
    %swap3A_553 = arith.constant 0 : index
    %swap3A_554 = arith.constant 0 : index
    %swap3A_555 = arith.constant 0 : index
    %swap3A_556 = vector.load %arg17[%swap3A_553, %swap3A_554, %swap3A_555] : memref<4x128x256xf32, #tpu.memory_space<vmem>>, vector<4x128x256xf32>
    tpu.vector_store %arg17[%swap3A_553, %swap3A_554, %swap3A_555], %reshape3A_552 {strides = array<i32>} : memref<4x128x256xf32, #tpu.memory_space<vmem>>, vector<4x128x256xf32>,
    %get3A_557 = arith.constant 0 : index
    %get3A_558 = arith.constant 0 : index
    %get3A_559 = vector.load %arg12[%get3A_557, %get3A_558] : memref<192x8xf32, #tpu.memory_space<vmem>>, vector<192x8xf32>
    %dot_general3A_560 = arith.constant dense<0.000000e+00> : vector<512x8xf32>
    %dot_general3A_561 = tpu.matmul %add3A_548, %get3A_559, %dot_general3A_560 {dimension_numbers = #tpu.dot_dimension_numbers<[1], [0], [0], [1], [0, 0, 1, 1], [], []>, transpose_lhs_hint = false} : vector<512x192xf32>, vector<192x8xf32>, vector<512x8xf32> -> vector<512x8xf32>
    %get3A_562 = arith.constant 0 : index
    %get3A_563 = arith.constant 0 : index
    %get3A_564 = vector.load %arg13[%get3A_562, %get3A_563] : memref<1x8xf32, #tpu.memory_space<vmem>>, vector<1x8xf32>
    %add3A_565 = vector.broadcast %get3A_564 : vector<1x8xf32> to vector<512x8xf32>
    %add3A_566 = arith.addf %dot_general3A_561, %add3A_565 : vector<512x8xf32>
    %get3A_567 = arith.constant 0 : index
    %get3A_568 = arith.constant 0 : index
    %get3A_569 = vector.load %arg14[%get3A_567, %get3A_568] : memref<192x8xf32, #tpu.memory_space<vmem>>, vector<192x8xf32>
    %dot_general3A_570 = arith.constant dense<0.000000e+00> : vector<512x8xf32>
    %dot_general3A_571 = tpu.matmul %add3A_548, %get3A_569, %dot_general3A_570 {dimension_numbers = #tpu.dot_dimension_numbers<[1], [0], [0], [1], [0, 0, 1, 1], [], []>, transpose_lhs_hint = false} : vector<512x192xf32>, vector<192x8xf32>, vector<512x8xf32> -> vector<512x8xf32>
    %get3A_572 = arith.constant 0 : index
    %get3A_573 = arith.constant 0 : index
    %get3A_574 = vector.load %arg15[%get3A_572, %get3A_573] : memref<1x8xf32, #tpu.memory_space<vmem>>, vector<1x8xf32>
    %add3A_575 = vector.broadcast %get3A_574 : vector<1x8xf32> to vector<512x8xf32>
    %add3A_576 = arith.addf %dot_general3A_571, %add3A_575 : vector<512x8xf32>
    %get3A_577 = arith.constant 0 : index
    %get3A_578 = arith.constant 0 : index
    %get3A_579 = vector.load %arg2[%get3A_577, %get3A_578] : memref<512x8xf32, #tpu.memory_space<vmem>>, vector<512x8xf32>
    %max3A = arith.constant 0.000000e+00 : f32
    %max3A_580 = vector.broadcast %max3A : f32 to vector<512x8xf32>
    %max3A_581 = arith.maximumf %add3A_576, %max3A_580 : vector<512x8xf32>
    %abs3A = math.absf %add3A_576 : vector<512x8xf32>
    %neg3A = arith.constant 0.000000e+00 : f32
    %neg3A_582 = vector.broadcast %neg3A : f32 to vector<512x8xf32>
    %neg3A_583 = arith.subf %neg3A_582, %abs3A : vector<512x8xf32>
    %exp3A_584 = math.exp %neg3A_583 : vector<512x8xf32>
    %log1p3A = math.log1p %exp3A_584 : vector<512x8xf32>
    %add3A_585 = arith.addf %max3A_581, %log1p3A : vector<512x8xf32>
    %mul3A_586 = arith.mulf %get3A_579, %add3A_585 : vector<512x8xf32>
    %add3A_587 = arith.addf %add3A_566, %mul3A_586 : vector<512x8xf32>
    %iota3A_588 = tpu.iota {dimensions = array<i32: 1>} : vector<512x8xi32>
    %argmax3A = tpu.reduce_index %add3A_587 {axis = 1 : i32, kind = #tpu.reduction_kind<arg_max>} : vector<512x8xf32> -> vector<512xi32>
    %reduce_max3A = arith.constant dense<0xFF800000> : vector<512xf32>
    %reduce_max3A_589 = vector.multi_reduction <maximumf>, %add3A_587, %reduce_max3A [1] : vector<512x8xf32> to vector<512xf32>
    %broadcast_in_dim3A_590 = vector.shape_cast %argmax3A : vector<512xi32> to vector<512x1xi32>
    %eq3A_591 = vector.broadcast %broadcast_in_dim3A_590 : vector<512x1xi32> to vector<512x8xi32>
    %eq3A_592 = arith.cmpi eq, %iota3A_588, %eq3A_591 : vector<512x8xi32>
    %jit3A_593 = arith.constant 0xFF800000 : f32
    %broadcast_in_dim3A_594 = vector.broadcast %jit3A_593 : f32 to vector<512x8xf32>
    %select_n3A_595 = arith.select %eq3A_592, %broadcast_in_dim3A_594, %add3A_587 : vector<512x8xi1>, vector<512x8xf32>
    %argmax3A_596 = tpu.reduce_index %select_n3A_595 {axis = 1 : i32, kind = #tpu.reduction_kind<arg_max>} : vector<512x8xf32> -> vector<512xi32>
    %reduce_max3A_597 = arith.constant dense<0xFF800000> : vector<512xf32>
    %reduce_max3A_598 = vector.multi_reduction <maximumf>, %select_n3A_595, %reduce_max3A_597 [1] : vector<512x8xf32> to vector<512xf32>
    %broadcast_in_dim3A_599 = vector.shape_cast %argmax3A_596 : vector<512xi32> to vector<512x1xi32>
    %eq3A_600 = vector.broadcast %broadcast_in_dim3A_599 : vector<512x1xi32> to vector<512x8xi32>
    %eq3A_601 = arith.cmpi eq, %iota3A_588, %eq3A_600 : vector<512x8xi32>
    %sub3A_602 = arith.subf %reduce_max3A_598, %reduce_max3A_589 : vector<512xf32>
    %exp3A_603 = math.exp %sub3A_602 : vector<512xf32>
    %add3A_604 = arith.constant 1.000000e+00 : f32
    %add3A_605 = vector.broadcast %add3A_604 : f32 to vector<512xf32>
    %add3A_606 = arith.addf %add3A_605, %exp3A_603 : vector<512xf32>
    %div3A_607 = arith.constant 1.000000e+00 : f32
    %div3A_608 = vector.broadcast %div3A_607 : f32 to vector<512xf32>
    %div3A_609 = arith.divf %div3A_608, %add3A_606 : vector<512xf32>
    %sub3A_610 = arith.constant 1.000000e+00 : f32
    %sub3A_611 = vector.broadcast %sub3A_610 : f32 to vector<512xf32>
    %sub3A_612 = arith.subf %sub3A_611, %div3A_609 : vector<512xf32>
    %or3A = arith.ori %eq3A_592, %eq3A_601 : vector<512x8xi1>
    %convert_element_type3A_613 = arith.extui %or3A : vector<512x8xi1> to vector<512x8xi32>
    %convert_element_type3A_614 = arith.sitofp %convert_element_type3A_613 : vector<512x8xi32> to vector<512x8xf32>
    %iota3A_615 = tpu.iota {dimensions = array<i32: 0>} : vector<512x512xi32>
    %iota3A_616 = tpu.iota {dimensions = array<i32: 1>} : vector<512x512xi32>
    %gt3A = arith.cmpi sgt, %iota3A_615, %iota3A_616 : vector<512x512xi32>
    %convert_element_type3A_617 = arith.extui %gt3A : vector<512x512xi1> to vector<512x512xi32>
    %convert_element_type3A_618 = arith.sitofp %convert_element_type3A_617 : vector<512x512xi32> to vector<512x512xf32>
    %dot_general3A_619 = arith.constant dense<0.000000e+00> : vector<512x8xf32>
    %dot_general3A_620 = tpu.matmul %convert_element_type3A_618, %convert_element_type3A_614, %dot_general3A_619 {dimension_numbers = #tpu.dot_dimension_numbers<[1], [0], [0], [1], [0, 0, 1, 1], [], []>, transpose_lhs_hint = false} : vector<512x512xf32>, vector<512x8xf32>, vector<512x8xf32> -> vector<512x8xf32>
    %get3A_621 = arith.constant 0 : index
    %get3A_622 = arith.constant 0 : index
    %get3A_623 = vector.load %arg20[%get3A_621, %get3A_622] : memref<1x8xf32, #tpu.memory_space<vmem>>, vector<1x8xf32>
    %add3A_624 = vector.broadcast %get3A_623 : vector<1x8xf32> to vector<512x8xf32>
    %add3A_625 = arith.addf %dot_general3A_620, %add3A_624 : vector<512x8xf32>
    %jit3A_626 = arith.constant 0.000000e+00 : f32
    %broadcast_in_dim3A_627 = vector.broadcast %jit3A_626 : f32 to vector<512x8xf32>
    %select_n3A_628 = arith.select %eq3A_592, %add3A_625, %broadcast_in_dim3A_627 : vector<512x8xi1>, vector<512x8xf32>
    %reduce_sum3A_629 = arith.constant dense<0.000000e+00> : vector<512xf32>
    %reduce_sum3A_630 = vector.multi_reduction <add>, %select_n3A_628, %reduce_sum3A_629 [1] : vector<512x8xf32> to vector<512xf32>
    %jit3A_631 = arith.constant 0.000000e+00 : f32
    %broadcast_in_dim3A_632 = vector.broadcast %jit3A_631 : f32 to vector<512x8xf32>
    %select_n3A_633 = arith.select %eq3A_601, %add3A_625, %broadcast_in_dim3A_632 : vector<512x8xi1>, vector<512x8xf32>
    %reduce_sum3A_634 = arith.constant dense<0.000000e+00> : vector<512xf32>
    %reduce_sum3A_635 = vector.multi_reduction <add>, %select_n3A_633, %reduce_sum3A_634 [1] : vector<512x8xf32> to vector<512xf32>
    %get3A_636 = arith.constant 0 : index
    %get3A_637 = arith.constant 0 : index
    %get3A_638 = vector.load %arg20[%get3A_636, %get3A_637] : memref<1x8xf32, #tpu.memory_space<vmem>>, vector<1x8xf32>
    %reduce_sum3A_639 = arith.constant dense<0.000000e+00> : vector<8xf32>
    %reduce_sum3A_640 = vector.multi_reduction <add>, %convert_element_type3A_614, %reduce_sum3A_639 [0] : vector<512x8xf32> to vector<8xf32>
    %broadcast_in_dim3A_641 = vector.shape_cast %reduce_sum3A_640 : vector<8xf32> to vector<1x8xf32>
    %add3A_642 = arith.addf %get3A_638, %broadcast_in_dim3A_641 : vector<1x8xf32>
    %swap3A_643 = arith.constant 0 : index
    %swap3A_644 = arith.constant 0 : index
    %swap3A_645 = vector.load %arg20[%swap3A_643, %swap3A_644] : memref<1x8xf32, #tpu.memory_space<vmem>>, vector<1x8xf32>
    tpu.vector_store %arg20[%swap3A_643, %swap3A_644], %add3A_642 {strides = array<i32>} : memref<1x8xf32, #tpu.memory_space<vmem>>, vector<1x8xf32>,
    %swap3A_646 = arith.constant 0 : index
    %swap3A_647 = arith.constant 0 : index
    %swap3A_648 = vector.load %arg19[%swap3A_646, %swap3A_647] : memref<1x8xf32, #tpu.memory_space<vmem>>, vector<1x8xf32>
    tpu.vector_store %arg19[%swap3A_646, %swap3A_647], %add3A_642 {strides = array<i32>} : memref<1x8xf32, #tpu.memory_space<vmem>>, vector<1x8xf32>,
    %broadcast_in_dim3A_649 = vector.shape_cast %argmax3A : vector<512xi32> to vector<512x1xi32>
    %convert_element_type3A_650 = arith.sitofp %broadcast_in_dim3A_649 : vector<512x1xi32> to vector<512x1xf32>
    %broadcast_in_dim3A_651 = vector.shape_cast %argmax3A_596 : vector<512xi32> to vector<512x1xi32>
    %convert_element_type3A_652 = arith.sitofp %broadcast_in_dim3A_651 : vector<512x1xi32> to vector<512x1xf32>
    %broadcast_in_dim3A_653 = vector.shape_cast %reduce_sum3A_630 : vector<512xf32> to vector<512x1xf32>
    %broadcast_in_dim3A_654 = vector.shape_cast %reduce_sum3A_635 : vector<512xf32> to vector<512x1xf32>
    %broadcast_in_dim3A_655 = vector.shape_cast %div3A_609 : vector<512xf32> to vector<512x1xf32>
    %broadcast_in_dim3A_656 = vector.shape_cast %sub3A_612 : vector<512xf32> to vector<512x1xf32>
    %broadcast_in_dim3A_657 = arith.constant 0.000000e+00 : f32
    %broadcast_in_dim3A_658 = vector.broadcast %broadcast_in_dim3A_657 : f32 to vector<512x2xf32>
    %concatenate3A_659 = tpu.concatenate %convert_element_type3A_650, %convert_element_type3A_652, %broadcast_in_dim3A_653, %broadcast_in_dim3A_654, %broadcast_in_dim3A_655, %broadcast_in_dim3A_656, %broadcast_in_dim3A_658 in 1 : vector<512x1xf32>, vector<512x1xf32>, vector<512x1xf32>, vector<512x1xf32>, vector<512x1xf32>, vector<512x1xf32>, vector<512x2xf32> -> vector<512x8xf32>
    %swap3A_660 = arith.constant 0 : index
    %swap3A_661 = arith.constant 0 : index
    %swap3A_662 = vector.load %arg18[%swap3A_660, %swap3A_661] : memref<512x8xf32, #tpu.memory_space<vmem>>, vector<512x8xf32>
    tpu.vector_store %arg18[%swap3A_660, %swap3A_661], %concatenate3A_659 {strides = array<i32>} : memref<512x8xf32, #tpu.memory_space<vmem>>, vector<512x8xf32>,
    return
  }
  func.func @transform_0(%arg0: i32) -> (i32, i32, i32) {
    %c0_i32 = arith.constant 0 : i32
    %c0_i32_0 = arith.constant 0 : i32
    %c0_i32_1 = arith.constant 0 : i32
    return %arg0, %c0_i32, %c0_i32_0 : i32, i32, i32
  }
  func.func @transform_1(%arg0: i32) -> (i32, i32) {
    %c0_i32 = arith.constant 0 : i32
    %c0_i32_0 = arith.constant 0 : i32
    return %arg0, %c0_i32 : i32, i32
  }
  func.func @transform_2(%arg0: i32) -> (i32, i32) {
    %c0_i32 = arith.constant 0 : i32
    %c0_i32_0 = arith.constant 0 : i32
    %c0_i32_1 = arith.constant 0 : i32
    return %c0_i32, %c0_i32_0 : i32, i32
  }
  func.func @transform_3(%arg0: i32) -> (i32, i32) {
    %c0_i32 = arith.constant 0 : i32
    %c0_i32_0 = arith.constant 0 : i32
    %c0_i32_1 = arith.constant 0 : i32
    return %c0_i32, %c0_i32_0 : i32, i32
  }
  func.func @transform_4(%arg0: i32) -> (i32, i32) {
    %c0_i32 = arith.constant 0 : i32
    %c0_i32_0 = arith.constant 0 : i32
    %c0_i32_1 = arith.constant 0 : i32
    return %c0_i32, %c0_i32_0 : i32, i32
  }
  func.func @transform_5(%arg0: i32) -> (i32, i32) {
    %c0_i32 = arith.constant 0 : i32
    %c0_i32_0 = arith.constant 0 : i32
    %c0_i32_1 = arith.constant 0 : i32
    return %c0_i32, %c0_i32_0 : i32, i32
  }
  func.func @transform_6(%arg0: i32) -> (i32, i32) {
    %c0_i32 = arith.constant 0 : i32
    %c0_i32_0 = arith.constant 0 : i32
    %c0_i32_1 = arith.constant 0 : i32
    return %c0_i32, %c0_i32_0 : i32, i32
  }
  func.func @transform_7(%arg0: i32) -> (i32, i32) {
    %c0_i32 = arith.constant 0 : i32
    %c0_i32_0 = arith.constant 0 : i32
    %c0_i32_1 = arith.constant 0 : i32
    return %c0_i32, %c0_i32_0 : i32, i32
  }
  func.func @transform_8(%arg0: i32) -> (i32, i32) {
    %c0_i32 = arith.constant 0 : i32
    %c0_i32_0 = arith.constant 0 : i32
    %c0_i32_1 = arith.constant 0 : i32
    return %c0_i32, %c0_i32_0 : i32, i32
  }
  func.func @transform_9(%arg0: i32) -> (i32, i32) {
    %c0_i32 = arith.constant 0 : i32
    %c0_i32_0 = arith.constant 0 : i32
    %c0_i32_1 = arith.constant 0 : i32
    return %c0_i32, %c0_i32_0 : i32, i32
  }
  func.func @transform_10(%arg0: i32) -> (i32, i32) {
    %c0_i32 = arith.constant 0 : i32
    %c0_i32_0 = arith.constant 0 : i32
    %c0_i32_1 = arith.constant 0 : i32
    return %c0_i32, %c0_i32_0 : i32, i32
  }
  func.func @transform_11(%arg0: i32) -> (i32, i32) {
    %c0_i32 = arith.constant 0 : i32
    %c0_i32_0 = arith.constant 0 : i32
    %c0_i32_1 = arith.constant 0 : i32
    return %c0_i32, %c0_i32_0 : i32, i32
  }
  func.func @transform_12(%arg0: i32) -> (i32, i32) {
    %c0_i32 = arith.constant 0 : i32
    %c0_i32_0 = arith.constant 0 : i32
    %c0_i32_1 = arith.constant 0 : i32
    return %c0_i32, %c0_i32_0 : i32, i32
  }
  func.func @transform_13(%arg0: i32) -> (i32, i32) {
    %c0_i32 = arith.constant 0 : i32
    %c0_i32_0 = arith.constant 0 : i32
    %c0_i32_1 = arith.constant 0 : i32
    return %c0_i32, %c0_i32_0 : i32, i32
  }
  func.func @transform_14(%arg0: i32) -> (i32, i32) {
    %c0_i32 = arith.constant 0 : i32
    %c0_i32_0 = arith.constant 0 : i32
    %c0_i32_1 = arith.constant 0 : i32
    return %c0_i32, %c0_i32_0 : i32, i32
  }
  func.func @transform_15(%arg0: i32) -> (i32, i32, i32) {
    %c0_i32 = arith.constant 0 : i32
    %c0_i32_0 = arith.constant 0 : i32
    %c0_i32_1 = arith.constant 0 : i32
    return %arg0, %c0_i32, %c0_i32_0 : i32, i32, i32
  }
  func.func @transform_16(%arg0: i32) -> (i32, i32, i32) {
    %c0_i32 = arith.constant 0 : i32
    %c0_i32_0 = arith.constant 0 : i32
    %c0_i32_1 = arith.constant 0 : i32
    return %arg0, %c0_i32, %c0_i32_0 : i32, i32, i32
  }
  func.func @transform_17(%arg0: i32) -> (i32, i32) {
    %c0_i32 = arith.constant 0 : i32
    %c0_i32_0 = arith.constant 0 : i32
    return %arg0, %c0_i32 : i32, i32
  }
  func.func @transform_18(%arg0: i32) -> (i32, i32) {
    %c0_i32 = arith.constant 0 : i32
    %c0_i32_0 = arith.constant 0 : i32
    %c0_i32_1 = arith.constant 0 : i32
    return %c0_i32, %c0_i32_0 : i32, i32
  }
}

module attributes {stable_mosaic.version = 14 : i64} {
  func.func @_group_kernel(%arg0: i32, %arg1: memref<38xi32, #tpu.memory_space<smem>>, %arg2: memref<1024x256xf32, #tpu.memory_space<vmem>>, %arg3: memref<1x192x768xbf16, #tpu.memory_space<vmem>>, %arg4: memref<1x1x768xf32, #tpu.memory_space<vmem>>, %arg5: memref<1x768x768xbf16, #tpu.memory_space<vmem>>, %arg6: memref<1x1x768xf32, #tpu.memory_space<vmem>>, %arg7: memref<1x768x192xbf16, #tpu.memory_space<vmem>>, %arg8: memref<1x1x192xf32, #tpu.memory_space<vmem>>, %arg9: memref<1x1x192xf32, #tpu.memory_space<vmem>>, %arg10: memref<1x1x192xf32, #tpu.memory_space<vmem>>, %arg11: memref<1024x256xf32, #tpu.memory_space<vmem>>, %arg12: memref<1024x768xf32, #tpu.memory_space<vmem>>) attributes {dimension_semantics = [#tpu.dimension_semantics<arbitrary>], iteration_bounds = array<i64: 38>, scalar_prefetch = 1 : i64, scratch_operands = 1 : i64, tpu.core_type = #tpu.core_type<tc>, window_params = [{transform_indices = @transform_0, window_bounds = array<i64: 1024, 256>}, {transform_indices = @transform_1, window_bounds = array<i64: 1, 192, 768>}, {transform_indices = @transform_2, window_bounds = array<i64: 1, 1, 768>}, {transform_indices = @transform_3, window_bounds = array<i64: 1, 768, 768>}, {transform_indices = @transform_4, window_bounds = array<i64: 1, 1, 768>}, {transform_indices = @transform_5, window_bounds = array<i64: 1, 768, 192>}, {transform_indices = @transform_6, window_bounds = array<i64: 1, 1, 192>}, {transform_indices = @transform_7, window_bounds = array<i64: 1, 1, 192>}, {transform_indices = @transform_8, window_bounds = array<i64: 1, 1, 192>}, {transform_indices = @transform_9, window_bounds = array<i64: 1024, 256>}]} {
    %get3A = arith.index_cast %arg0 : i32 to index
    %get3A_0 = memref.load %arg1[%get3A] : memref<38xi32, #tpu.memory_space<smem>>
    %get3A_1 = arith.constant 0 : index
    %get3A_2 = arith.constant 0 : index
    %get3A_3 = vector.load %arg2[%get3A_1, %get3A_2] : memref<1024x256xf32, #tpu.memory_space<vmem>>, vector<1024x256xf32>
    %slice3A = vector.extract_strided_slice %get3A_3 {offsets = [0, 0], sizes = [1024, 192], strides = [1, 1]} : vector<1024x256xf32> to vector<1024x192xf32>
    %convert_element_type3A = arith.truncf %slice3A : vector<1024x192xf32> to vector<1024x192xbf16>
    %get3A_4 = arith.constant 0 : index
    %get3A_5 = arith.constant 0 : index
    %get3A_6 = arith.constant 0 : index
    %get3A_7 = vector.load %arg3[%get3A_4, %get3A_5, %get3A_6] : memref<1x192x768xbf16, #tpu.memory_space<vmem>>, vector<1x192x768xbf16>
    %get3A_8 = vector.shape_cast %get3A_7 : vector<1x192x768xbf16> to vector<192x768xbf16>
    %dot_general3A = arith.constant dense<0.000000e+00> : vector<1024x768xf32>
    %dot_general3A_9 = tpu.matmul %convert_element_type3A, %get3A_8, %dot_general3A {dimension_numbers = #tpu.dot_dimension_numbers<[1], [0], [0], [1], [0, 0, 1, 1], [], []>, transpose_lhs_hint = false} : vector<1024x192xbf16>, vector<192x768xbf16>, vector<1024x768xf32> -> vector<1024x768xf32>
    %get3A_10 = arith.constant 0 : index
    %get3A_11 = arith.constant 0 : index
    %get3A_12 = arith.constant 0 : index
    %get3A_13 = vector.load %arg4[%get3A_10, %get3A_11, %get3A_12] : memref<1x1x768xf32, #tpu.memory_space<vmem>>, vector<1x1x768xf32>
    %get3A_14 = vector.shape_cast %get3A_13 : vector<1x1x768xf32> to vector<1x768xf32>
    %add3A = vector.broadcast %get3A_14 : vector<1x768xf32> to vector<1024x768xf32>
    %add3A_15 = arith.addf %dot_general3A_9, %add3A : vector<1024x768xf32>
    %mul3A = arith.constant 5.000000e-01 : f32
    %mul3A_16 = vector.broadcast %mul3A : f32 to vector<1024x768xf32>
    %mul3A_17 = arith.mulf %mul3A_16, %add3A_15 : vector<1024x768xf32>
    %mul3A_18 = arith.constant 0.707106769 : f32
    %mul3A_19 = vector.broadcast %mul3A_18 : f32 to vector<1024x768xf32>
    %mul3A_20 = arith.mulf %add3A_15, %mul3A_19 : vector<1024x768xf32>
    %erf3A = math.erf %mul3A_20 : vector<1024x768xf32>
    %add3A_21 = arith.constant 1.000000e+00 : f32
    %add3A_22 = vector.broadcast %add3A_21 : f32 to vector<1024x768xf32>
    %add3A_23 = arith.addf %add3A_22, %erf3A : vector<1024x768xf32>
    %mul3A_24 = arith.mulf %mul3A_17, %add3A_23 : vector<1024x768xf32>
    %swap3A = arith.constant 0 : index
    %swap3A_25 = arith.constant 0 : index
    %swap3A_26 = vector.load %arg12[%swap3A, %swap3A_25] : memref<1024x768xf32, #tpu.memory_space<vmem>>, vector<1024x768xf32>
    tpu.vector_store %arg12[%swap3A, %swap3A_25], %mul3A_24 {strides = array<i32>} : memref<1024x768xf32, #tpu.memory_space<vmem>>, vector<1024x768xf32>,
    %lt3A = arith.constant 2 : i32
    %lt3A_27 = arith.cmpi slt, %get3A_0, %lt3A : i32
    %convert_element_type3A_28 = arith.extui %lt3A_27 : i1 to i32
    %cond3A = arith.constant 0 : i32
    %cond3A_29 = arith.cmpi ne, %convert_element_type3A_28, %cond3A : i32
    scf.if %cond3A_29 {
      %convert_element_type3A_85 = arith.truncf %mul3A_24 : vector<1024x768xf32> to vector<1024x768xbf16>
      %get3A_86 = arith.constant 0 : index
      %get3A_87 = arith.constant 0 : index
      %get3A_88 = arith.constant 0 : index
      %get3A_89 = vector.load %arg5[%get3A_86, %get3A_87, %get3A_88] : memref<1x768x768xbf16, #tpu.memory_space<vmem>>, vector<1x768x768xbf16>
      %get3A_90 = vector.shape_cast %get3A_89 : vector<1x768x768xbf16> to vector<768x768xbf16>
      %dot_general3A_91 = arith.constant dense<0.000000e+00> : vector<1024x768xf32>
      %dot_general3A_92 = tpu.matmul %convert_element_type3A_85, %get3A_90, %dot_general3A_91 {dimension_numbers = #tpu.dot_dimension_numbers<[1], [0], [0], [1], [0, 0, 1, 1], [], []>, transpose_lhs_hint = false} : vector<1024x768xbf16>, vector<768x768xbf16>, vector<1024x768xf32> -> vector<1024x768xf32>
      %get3A_93 = arith.constant 0 : index
      %get3A_94 = arith.constant 0 : index
      %get3A_95 = arith.constant 0 : index
      %get3A_96 = vector.load %arg6[%get3A_93, %get3A_94, %get3A_95] : memref<1x1x768xf32, #tpu.memory_space<vmem>>, vector<1x1x768xf32>
      %get3A_97 = vector.shape_cast %get3A_96 : vector<1x1x768xf32> to vector<1x768xf32>
      %add3A_98 = vector.broadcast %get3A_97 : vector<1x768xf32> to vector<1024x768xf32>
      %add3A_99 = arith.addf %dot_general3A_92, %add3A_98 : vector<1024x768xf32>
      %mul3A_100 = arith.constant 5.000000e-01 : f32
      %mul3A_101 = vector.broadcast %mul3A_100 : f32 to vector<1024x768xf32>
      %mul3A_102 = arith.mulf %mul3A_101, %add3A_99 : vector<1024x768xf32>
      %mul3A_103 = arith.constant 0.707106769 : f32
      %mul3A_104 = vector.broadcast %mul3A_103 : f32 to vector<1024x768xf32>
      %mul3A_105 = arith.mulf %add3A_99, %mul3A_104 : vector<1024x768xf32>
      %erf3A_106 = math.erf %mul3A_105 : vector<1024x768xf32>
      %add3A_107 = arith.constant 1.000000e+00 : f32
      %add3A_108 = vector.broadcast %add3A_107 : f32 to vector<1024x768xf32>
      %add3A_109 = arith.addf %add3A_108, %erf3A_106 : vector<1024x768xf32>
      %mul3A_110 = arith.mulf %mul3A_102, %add3A_109 : vector<1024x768xf32>
      %swap3A_111 = arith.constant 0 : index
      %swap3A_112 = arith.constant 0 : index
      %swap3A_113 = vector.load %arg12[%swap3A_111, %swap3A_112] : memref<1024x768xf32, #tpu.memory_space<vmem>>, vector<1024x768xf32>
      tpu.vector_store %arg12[%swap3A_111, %swap3A_112], %mul3A_110 {strides = array<i32>} : memref<1024x768xf32, #tpu.memory_space<vmem>>, vector<1024x768xf32>,
    } else {
    }
    %get3A_30 = arith.constant 0 : index
    %get3A_31 = arith.constant 0 : index
    %get3A_32 = vector.load %arg12[%get3A_30, %get3A_31] : memref<1024x768xf32, #tpu.memory_space<vmem>>, vector<1024x768xf32>
    %convert_element_type3A_33 = arith.truncf %get3A_32 : vector<1024x768xf32> to vector<1024x768xbf16>
    %get3A_34 = arith.constant 0 : index
    %get3A_35 = arith.constant 0 : index
    %get3A_36 = arith.constant 0 : index
    %get3A_37 = vector.load %arg7[%get3A_34, %get3A_35, %get3A_36] : memref<1x768x192xbf16, #tpu.memory_space<vmem>>, vector<1x768x192xbf16>
    %get3A_38 = vector.shape_cast %get3A_37 : vector<1x768x192xbf16> to vector<768x192xbf16>
    %dot_general3A_39 = arith.constant dense<0.000000e+00> : vector<1024x192xf32>
    %dot_general3A_40 = tpu.matmul %convert_element_type3A_33, %get3A_38, %dot_general3A_39 {dimension_numbers = #tpu.dot_dimension_numbers<[1], [0], [0], [1], [0, 0, 1, 1], [], []>, transpose_lhs_hint = false} : vector<1024x768xbf16>, vector<768x192xbf16>, vector<1024x192xf32> -> vector<1024x192xf32>
    %get3A_41 = arith.constant 0 : index
    %get3A_42 = arith.constant 0 : index
    %get3A_43 = arith.constant 0 : index
    %get3A_44 = vector.load %arg8[%get3A_41, %get3A_42, %get3A_43] : memref<1x1x192xf32, #tpu.memory_space<vmem>>, vector<1x1x192xf32>
    %get3A_45 = vector.shape_cast %get3A_44 : vector<1x1x192xf32> to vector<1x192xf32>
    %add3A_46 = vector.broadcast %get3A_45 : vector<1x192xf32> to vector<1024x192xf32>
    %add3A_47 = arith.addf %dot_general3A_40, %add3A_46 : vector<1024x192xf32>
    %add3A_48 = arith.addf %slice3A, %add3A_47 : vector<1024x192xf32>
    %get3A_49 = arith.constant 0 : index
    %get3A_50 = arith.constant 0 : index
    %get3A_51 = arith.constant 0 : index
    %get3A_52 = vector.load %arg9[%get3A_49, %get3A_50, %get3A_51] : memref<1x1x192xf32, #tpu.memory_space<vmem>>, vector<1x1x192xf32>
    %get3A_53 = vector.shape_cast %get3A_52 : vector<1x1x192xf32> to vector<1x192xf32>
    %get3A_54 = arith.constant 0 : index
    %get3A_55 = arith.constant 0 : index
    %get3A_56 = arith.constant 0 : index
    %get3A_57 = vector.load %arg10[%get3A_54, %get3A_55, %get3A_56] : memref<1x1x192xf32, #tpu.memory_space<vmem>>, vector<1x1x192xf32>
    %get3A_58 = vector.shape_cast %get3A_57 : vector<1x1x192xf32> to vector<1x192xf32>
    %reduce_sum3A = arith.constant dense<0.000000e+00> : vector<1024xf32>
    %reduce_sum3A_59 = vector.multi_reduction <add>, %add3A_48, %reduce_sum3A [1] : vector<1024x192xf32> to vector<1024xf32>
    %broadcast_in_dim3A = vector.shape_cast %reduce_sum3A_59 : vector<1024xf32> to vector<1024x1xf32>
    %div3A = arith.constant 1.920000e+02 : f32
    %div3A_60 = vector.broadcast %div3A : f32 to vector<1024x1xf32>
    %div3A_61 = arith.divf %broadcast_in_dim3A, %div3A_60 : vector<1024x1xf32>
    %sub3A = vector.broadcast %div3A_61 : vector<1024x1xf32> to vector<1024x192xf32>
    %sub3A_62 = arith.subf %add3A_48, %sub3A : vector<1024x192xf32>
    %integer_pow3A = arith.mulf %sub3A_62, %sub3A_62 : vector<1024x192xf32>
    %reduce_sum3A_63 = arith.constant dense<0.000000e+00> : vector<1024xf32>
    %reduce_sum3A_64 = vector.multi_reduction <add>, %integer_pow3A, %reduce_sum3A_63 [1] : vector<1024x192xf32> to vector<1024xf32>
    %broadcast_in_dim3A_65 = vector.shape_cast %reduce_sum3A_64 : vector<1024xf32> to vector<1024x1xf32>
    %div3A_66 = arith.constant 1.920000e+02 : f32
    %div3A_67 = vector.broadcast %div3A_66 : f32 to vector<1024x1xf32>
    %div3A_68 = arith.divf %broadcast_in_dim3A_65, %div3A_67 : vector<1024x1xf32>
    %sub3A_69 = vector.broadcast %div3A_61 : vector<1024x1xf32> to vector<1024x192xf32>
    %sub3A_70 = arith.subf %add3A_48, %sub3A_69 : vector<1024x192xf32>
    %add3A_71 = arith.constant 9.99999974E-6 : f32
    %add3A_72 = vector.broadcast %add3A_71 : f32 to vector<1024x1xf32>
    %add3A_73 = arith.addf %div3A_68, %add3A_72 : vector<1024x1xf32>
    %rsqrt3A = math.rsqrt %add3A_73 : vector<1024x1xf32>
    %mul3A_74 = vector.broadcast %rsqrt3A : vector<1024x1xf32> to vector<1024x192xf32>
    %mul3A_75 = arith.mulf %sub3A_70, %mul3A_74 : vector<1024x192xf32>
    %mul3A_76 = vector.broadcast %get3A_53 : vector<1x192xf32> to vector<1024x192xf32>
    %mul3A_77 = arith.mulf %mul3A_75, %mul3A_76 : vector<1024x192xf32>
    %add3A_78 = vector.broadcast %get3A_58 : vector<1x192xf32> to vector<1024x192xf32>
    %add3A_79 = arith.addf %mul3A_77, %add3A_78 : vector<1024x192xf32>
    %broadcast_in_dim3A_80 = arith.constant 0.000000e+00 : f32
    %broadcast_in_dim3A_81 = vector.broadcast %broadcast_in_dim3A_80 : f32 to vector<1024x64xf32>
    %concatenate3A = tpu.concatenate %add3A_79, %broadcast_in_dim3A_81 in 1 : vector<1024x192xf32>, vector<1024x64xf32> -> vector<1024x256xf32>
    %swap3A_82 = arith.constant 0 : index
    %swap3A_83 = arith.constant 0 : index
    %swap3A_84 = vector.load %arg11[%swap3A_82, %swap3A_83] : memref<1024x256xf32, #tpu.memory_space<vmem>>, vector<1024x256xf32>
    tpu.vector_store %arg11[%swap3A_82, %swap3A_83], %concatenate3A {strides = array<i32>} : memref<1024x256xf32, #tpu.memory_space<vmem>>, vector<1024x256xf32>,
    return
  }
  func.func @transform_0(%arg0: i32, %arg1: memref<38xi32, #tpu.memory_space<smem>>) -> (i32, i32) {
    %c0_i32 = arith.constant 0 : i32
    %c0_i32_0 = arith.constant 0 : i32
    return %arg0, %c0_i32 : i32, i32
  }
  func.func @transform_1(%arg0: i32, %arg1: memref<38xi32, #tpu.memory_space<smem>>) -> (i32, i32, i32) {
    %get3A = arith.index_cast %arg0 : i32 to index
    %get3A_0 = memref.load %arg1[%get3A] : memref<38xi32, #tpu.memory_space<smem>>
    %c0_i32 = arith.constant 0 : i32
    %c0_i32_1 = arith.constant 0 : i32
    %c0_i32_2 = arith.constant 0 : i32
    return %get3A_0, %c0_i32, %c0_i32_1 : i32, i32, i32
  }
  func.func @transform_2(%arg0: i32, %arg1: memref<38xi32, #tpu.memory_space<smem>>) -> (i32, i32, i32) {
    %get3A = arith.index_cast %arg0 : i32 to index
    %get3A_0 = memref.load %arg1[%get3A] : memref<38xi32, #tpu.memory_space<smem>>
    %c0_i32 = arith.constant 0 : i32
    %c0_i32_1 = arith.constant 0 : i32
    %c0_i32_2 = arith.constant 0 : i32
    return %get3A_0, %c0_i32, %c0_i32_1 : i32, i32, i32
  }
  func.func @transform_3(%arg0: i32, %arg1: memref<38xi32, #tpu.memory_space<smem>>) -> (i32, i32, i32) {
    %get3A = arith.index_cast %arg0 : i32 to index
    %get3A_0 = memref.load %arg1[%get3A] : memref<38xi32, #tpu.memory_space<smem>>
    %min3A = arith.constant 1 : i32
    %min3A_1 = arith.minsi %get3A_0, %min3A : i32
    %c0_i32 = arith.constant 0 : i32
    %c0_i32_2 = arith.constant 0 : i32
    %c0_i32_3 = arith.constant 0 : i32
    return %min3A_1, %c0_i32, %c0_i32_2 : i32, i32, i32
  }
  func.func @transform_4(%arg0: i32, %arg1: memref<38xi32, #tpu.memory_space<smem>>) -> (i32, i32, i32) {
    %get3A = arith.index_cast %arg0 : i32 to index
    %get3A_0 = memref.load %arg1[%get3A] : memref<38xi32, #tpu.memory_space<smem>>
    %min3A = arith.constant 1 : i32
    %min3A_1 = arith.minsi %get3A_0, %min3A : i32
    %c0_i32 = arith.constant 0 : i32
    %c0_i32_2 = arith.constant 0 : i32
    %c0_i32_3 = arith.constant 0 : i32
    return %min3A_1, %c0_i32, %c0_i32_2 : i32, i32, i32
  }
  func.func @transform_5(%arg0: i32, %arg1: memref<38xi32, #tpu.memory_space<smem>>) -> (i32, i32, i32) {
    %get3A = arith.index_cast %arg0 : i32 to index
    %get3A_0 = memref.load %arg1[%get3A] : memref<38xi32, #tpu.memory_space<smem>>
    %c0_i32 = arith.constant 0 : i32
    %c0_i32_1 = arith.constant 0 : i32
    %c0_i32_2 = arith.constant 0 : i32
    return %get3A_0, %c0_i32, %c0_i32_1 : i32, i32, i32
  }
  func.func @transform_6(%arg0: i32, %arg1: memref<38xi32, #tpu.memory_space<smem>>) -> (i32, i32, i32) {
    %get3A = arith.index_cast %arg0 : i32 to index
    %get3A_0 = memref.load %arg1[%get3A] : memref<38xi32, #tpu.memory_space<smem>>
    %c0_i32 = arith.constant 0 : i32
    %c0_i32_1 = arith.constant 0 : i32
    %c0_i32_2 = arith.constant 0 : i32
    return %get3A_0, %c0_i32, %c0_i32_1 : i32, i32, i32
  }
  func.func @transform_7(%arg0: i32, %arg1: memref<38xi32, #tpu.memory_space<smem>>) -> (i32, i32, i32) {
    %get3A = arith.index_cast %arg0 : i32 to index
    %get3A_0 = memref.load %arg1[%get3A] : memref<38xi32, #tpu.memory_space<smem>>
    %c0_i32 = arith.constant 0 : i32
    %c0_i32_1 = arith.constant 0 : i32
    %c0_i32_2 = arith.constant 0 : i32
    return %get3A_0, %c0_i32, %c0_i32_1 : i32, i32, i32
  }
  func.func @transform_8(%arg0: i32, %arg1: memref<38xi32, #tpu.memory_space<smem>>) -> (i32, i32, i32) {
    %get3A = arith.index_cast %arg0 : i32 to index
    %get3A_0 = memref.load %arg1[%get3A] : memref<38xi32, #tpu.memory_space<smem>>
    %c0_i32 = arith.constant 0 : i32
    %c0_i32_1 = arith.constant 0 : i32
    %c0_i32_2 = arith.constant 0 : i32
    return %get3A_0, %c0_i32, %c0_i32_1 : i32, i32, i32
  }
  func.func @transform_9(%arg0: i32, %arg1: memref<38xi32, #tpu.memory_space<smem>>) -> (i32, i32) {
    %c0_i32 = arith.constant 0 : i32
    %c0_i32_0 = arith.constant 0 : i32
    return %arg0, %c0_i32 : i32, i32
  }
}

module attributes {stable_mosaic.version = 14 : i64} {
  func.func @_combine_kernel(%arg0: i32, %arg1: memref<2048x192xf32, #tpu.memory_space<vmem>>, %arg2: memref<2048x256xf32, #tpu.memory_space<vmem>>, %arg3: memref<2048x256xf32, #tpu.memory_space<vmem>>, %arg4: memref<2048x8xf32, #tpu.memory_space<vmem>>, %arg5: memref<2048x192xf32, #tpu.memory_space<vmem>>) attributes {dimension_semantics = [#tpu.dimension_semantics<arbitrary>], iteration_bounds = array<i64: 8>, scalar_prefetch = 0 : i64, scratch_operands = 0 : i64, tpu.core_type = #tpu.core_type<tc>, window_params = [{transform_indices = @transform_0, window_bounds = array<i64: 2048, 192>}, {transform_indices = @transform_1, window_bounds = array<i64: 2048, 256>}, {transform_indices = @transform_2, window_bounds = array<i64: 2048, 256>}, {transform_indices = @transform_3, window_bounds = array<i64: 2048, 8>}, {transform_indices = @transform_4, window_bounds = array<i64: 2048, 192>}]} {
    %get3A = arith.constant 0 : index
    %get3A_0 = arith.constant 4 : index
    %get3A_1 = vector.load %arg4[%get3A, %get3A_0] : memref<2048x8xf32, #tpu.memory_space<vmem>>, vector<2048x1xf32>
    %get3A_2 = arith.constant 0 : index
    %get3A_3 = arith.constant 5 : index
    %get3A_4 = vector.load %arg4[%get3A_2, %get3A_3] : memref<2048x8xf32, #tpu.memory_space<vmem>>, vector<2048x1xf32>
    %get3A_5 = arith.constant 0 : index
    %get3A_6 = arith.constant 0 : index
    %get3A_7 = vector.load %arg1[%get3A_5, %get3A_6] : memref<2048x192xf32, #tpu.memory_space<vmem>>, vector<2048x192xf32>
    %get3A_8 = arith.constant 0 : index
    %get3A_9 = arith.constant 0 : index
    %get3A_10 = vector.load %arg2[%get3A_8, %get3A_9] : memref<2048x256xf32, #tpu.memory_space<vmem>>, vector<2048x256xf32>
    %slice3A = vector.extract_strided_slice %get3A_10 {offsets = [0, 0], sizes = [2048, 192], strides = [1, 1]} : vector<2048x256xf32> to vector<2048x192xf32>
    %mul3A = vector.broadcast %get3A_1 : vector<2048x1xf32> to vector<2048x192xf32>
    %mul3A_11 = arith.mulf %mul3A, %slice3A : vector<2048x192xf32>
    %add3A = arith.addf %get3A_7, %mul3A_11 : vector<2048x192xf32>
    %get3A_12 = arith.constant 0 : index
    %get3A_13 = arith.constant 0 : index
    %get3A_14 = vector.load %arg3[%get3A_12, %get3A_13] : memref<2048x256xf32, #tpu.memory_space<vmem>>, vector<2048x256xf32>
    %slice3A_15 = vector.extract_strided_slice %get3A_14 {offsets = [0, 0], sizes = [2048, 192], strides = [1, 1]} : vector<2048x256xf32> to vector<2048x192xf32>
    %mul3A_16 = vector.broadcast %get3A_4 : vector<2048x1xf32> to vector<2048x192xf32>
    %mul3A_17 = arith.mulf %mul3A_16, %slice3A_15 : vector<2048x192xf32>
    %add3A_18 = arith.addf %add3A, %mul3A_17 : vector<2048x192xf32>
    %swap3A = arith.constant 0 : index
    %swap3A_19 = arith.constant 0 : index
    %swap3A_20 = vector.load %arg5[%swap3A, %swap3A_19] : memref<2048x192xf32, #tpu.memory_space<vmem>>, vector<2048x192xf32>
    tpu.vector_store %arg5[%swap3A, %swap3A_19], %add3A_18 {strides = array<i32>} : memref<2048x192xf32, #tpu.memory_space<vmem>>, vector<2048x192xf32>,
    return
  }
  func.func @transform_0(%arg0: i32) -> (i32, i32) {
    %c0_i32 = arith.constant 0 : i32
    %c0_i32_0 = arith.constant 0 : i32
    return %arg0, %c0_i32 : i32, i32
  }
  func.func @transform_1(%arg0: i32) -> (i32, i32) {
    %c0_i32 = arith.constant 0 : i32
    %c0_i32_0 = arith.constant 0 : i32
    return %arg0, %c0_i32 : i32, i32
  }
  func.func @transform_2(%arg0: i32) -> (i32, i32) {
    %c0_i32 = arith.constant 0 : i32
    %c0_i32_0 = arith.constant 0 : i32
    return %arg0, %c0_i32 : i32, i32
  }
  func.func @transform_3(%arg0: i32) -> (i32, i32) {
    %c0_i32 = arith.constant 0 : i32
    %c0_i32_0 = arith.constant 0 : i32
    return %arg0, %c0_i32 : i32, i32
  }
  func.func @transform_4(%arg0: i32) -> (i32, i32) {
    %c0_i32 = arith.constant 0 : i32
    %c0_i32_0 = arith.constant 0 : i32
    return %arg0, %c0_i32 : i32, i32
  }
}

</mosaic_0001>

<sc_bundles>
// kernel: kernel.10.cloned.1.call-start
scs
__scs_entry_jumppad:
0x0: {  	(pc) =	sbr.rel $0x88, $3  }
0x1: {  	(tag) =	ssettag $0x0;
	lr =	simm.s32 $0x1  }
0x2: {  	[smem:$0x3F83] =	sst lr;
	_ =	strace $0xD0000000  }
0x3: {  	_ = 	snop  }
0x4: {  	_ = 	snop  }
0x5: {  	_ = 	snop  }
0x6: {  	_ = 	snop  }
0x7: {  	_ = 	snop  }
__scs_overlays_trampoline_lowered:
0x8: {  	[smem:$0x3F92] =	sst s0  }
0x9: {  	[smem:$0x3F93] =	sst s1  }
0xa: {  	[smem:$0x3F94] =	sst s2  }
0xb: {  	[smem:$0x3F95] =	sst s3  }
0xc: {  	[smem:$0x3F96] =	sst s4  }
0xd: {  	[smem:$0x3F97] =	sst s5  }
0xe: {  	[smem:$0x3F98] =	sst s6  }
0xf: {  	[smem:$0x3F99] =	sst s7  }
0x10: {  	[smem:$0x3F9A] =	sst s8  }
0x11: {  	[smem:$0x3F9B] =	sst s9;
	s0 =	simm.s32 @!p0 $0x0  }
0x12: {  	s1 =	sld [smem:$0x3F81];
	s0 =	simm.s32 @p0 $0x1  }
0x13: {  	[smem:$0x3F9C] =	sst s0;
	s0 =	simm.s32 @!p1 $0x0  }
0x14: {  	s2 =	sld [smem:$0x3F80];
	s0 =	simm.s32 @p1 $0x1  }
0x15: {  	[smem:$0x3F9D] =	sst s0;
	s0 =	simm.s32 @!p2 $0x0  }
0x16: {  	s3 =	sld [smem:$0x3FDB];
	s0 =	simm.s32 @p2 $0x1  }
0x17: {  	s4 =	simm.s32 $0x1BF5;
	[smem:$0x3F9F] =	sst s0  }
0x18: {  	s0 =	sld [smem:$0x3F82];
	_ =	swait.ge [sflag:s4], $0x0  }
0x19: {  	s7 =	sld [smem:$0x3F83]  }
0x1a: {  	s8 =	sadd.s32 $0xFFFFE003, lr  }
0x1b: {  	s9 =	sadd.s32 $0xFFFFFEF7, lr;
	s5 =	simm.s32 $0xFFFFFFFF;
	p2 =	slt.u32 s8, $0xFFFFF086  }
0x1c: {  	p1 =	slt.u32 s9, $0xF7A;
	s5 =	simm.s32 @!p2 $0x0  }
0x1d: {  	s5 =	simm.s32 @p1 $0x1;
	p0 =	seq.s32 s7, s2  }
0x1e: {  	s7 =	smul.u32 @!p0 $0xF7A, s2;
	p2 =	seq.s32 @!p0 s5, $0x0  }
0x1f: {  	s9 =	smul.u32 $0xF7A, s1;
	s8 =	simm.s32 @!p0 $0x1BF5;
	p2 =	por !p2, p0  }
0x20: {  	[sflag:s8] =	ssyncset.s32 @!p0 $0xFFFFF086;
	s6 =	sadd.s32 @!p0 s3, s7;
	s7 =	simm.s32 @!p0 $0x108  }
0x21: {  	s3 =	sadd.s32 s3, s9;
	s6 =	sadd.s32 @!p0 $0x88, s6;
	s7 =	simm.s32 @p2 $0x1082  }
0x22: {  	[simem:s7], [sflag:s8] =	dma.local @!p0 [hbm:s6], $0xF7A  }
0x23: {  	s9 =	sor.u32 $0xD0000000, s2;
	s6 =	simm.s32 $0x108;
	_ =	swait.ge @!p0 [sflag:s8], $0x0  }
0x24: {  	s3 =	sadd.s32 $0x88, s3;
	s6 =	simm.s32 @!p1 $0x1082;
	[sflag:s4] =	ssyncset.s32 $0xFFFFF086  }
0x25: {  	[simem:s6], [sflag:s4] =	dma.local [hbm:s3], $0xF7A  }
0x26: {  	[smem:$0x3F83] =	sst s1;
	(tag) =	ssettag s2;
	_ =	strace s9  }
0x27: {  	s1 =	sld [smem:$0x3F93]  }
0x28: {  	s2 =	sld [smem:$0x3F94]  }
0x29: {  	s4 =	sld [smem:$0x3F96]  }
0x2a: {  	p0 =	seq.s32 s5, $0x0;
	s5 =	sld [smem:$0x3F97]  }
0x2b: {  	s6 =	sld [smem:$0x3F98]  }
0x2c: {  	s7 =	sld [smem:$0x3F99]  }
0x2d: {  	s3 =	simm.s32 $0x108;
	s8 =	sld [smem:$0x3F9A]  }
0x2e: {  	s3 =	simm.s32 @!p0 $0x1082;
	s9 =	sld [smem:$0x3F9B]  }
0x2f: {  	lr =	sadd.s32 s0, s3;
	s0 =	sld [smem:$0x3F92]  }
0x30: {  	s3 =	sld [smem:$0x3F95]  }
0x31: {  	[smem:$0x3F9E] =	sst s10  }
0x32: {  	s10 =	sld [smem:$0x3F9C];
	_ =	sdelay $0x3  }
0x33: {  	p0 =	seq.s32 s10, $0x1;
	s10 =	sld [smem:$0x3F9E];
	_ =	sdelay $0x3  }
0x34: {  	[smem:$0x3F9E] =	sst s10  }
0x35: {  	s10 =	sld [smem:$0x3F9D];
	_ =	sdelay $0x3  }
0x36: {  	p1 =	seq.s32 s10, $0x1;
	s10 =	sld [smem:$0x3F9E];
	_ =	sdelay $0x3  }
0x37: {  	[smem:$0x3F9E] =	sst s10  }
0x38: {  	s10 =	sld [smem:$0x3F9F]  }
0x39: {  	_ = 	snop;
	(pc) =	sbr.ind lr, $3  }
0x3a: {  	_ = 	snop  }
0x3b: {  	_ = 	snop  }
0x3c: {  	p2 =	seq.s32 s10, $0x1;
	s10 =	sld [smem:$0x3F9E]  }
0x3d: {  	_ =	shalt  }
0x3e: {  	_ =	shalt  }
0x3f: {  	_ =	shalt  }
0x40: {  	_ =	shalt  }
0x41: {  	_ =	shalt  }
0x42: {  	_ =	shalt  }
0x43: {  	_ =	shalt  }
0x44: {  	_ =	shalt  }
0x45: {  	_ =	shalt  }
0x46: {  	_ =	shalt  }
0x47: {  	_ =	shalt  }
0x48: {  	_ =	shalt  }
0x49: {  	_ =	shalt  }
0x4a: {  	_ =	shalt  }
0x4b: {  	_ =	shalt  }
0x4c: {  	_ =	shalt  }
0x4d: {  	_ =	shalt  }
0x4e: {  	_ =	shalt  }
0x4f: {  	_ =	shalt  }
0x50: {  	_ =	shalt  }
0x51: {  	_ =	shalt  }
0x52: {  	_ =	shalt  }
0x53: {  	_ =	shalt  }
0x54: {  	_ =	shalt  }
0x55: {  	_ =	shalt  }
0x56: {  	_ =	shalt  }
0x57: {  	_ =	shalt  }
0x58: {  	_ =	shalt  }
0x59: {  	_ =	shalt  }
0x5a: {  	_ =	shalt  }
0x5b: {  	_ =	shalt  }
0x5c: {  	_ =	shalt  }
0x5d: {  	_ =	shalt  }
0x5e: {  	_ =	shalt  }
0x5f: {  	_ =	shalt  }
0x60: {  	_ =	shalt  }
0x61: {  	_ =	shalt  }
0x62: {  	_ =	shalt  }
0x63: {  	_ =	shalt  }
0x64: {  	_ =	shalt  }
0x65: {  	_ =	shalt  }
0x66: {  	_ =	shalt  }
0x67: {  	_ =	shalt  }
0x68: {  	_ =	shalt  }
0x69: {  	_ =	shalt  }
0x6a: {  	_ =	shalt  }
0x6b: {  	_ =	shalt  }
0x6c: {  	_ =	shalt  }
0x6d: {  	_ =	shalt  }
0x6e: {  	_ =	shalt  }
0x6f: {  	_ =	shalt  }
0x70: {  	_ =	shalt  }
0x71: {  	_ =	shalt  }
0x72: {  	_ =	shalt  }
0x73: {  	_ =	shalt  }
0x74: {  	_ =	shalt  }
0x75: {  	_ =	shalt  }
0x76: {  	_ =	shalt  }
0x77: {  	_ =	shalt  }
0x78: {  	_ =	shalt  }
0x79: {  	_ =	shalt  }
0x7a: {  	_ =	shalt  }
0x7b: {  	_ =	shalt  }
0x7c: {  	_ =	shalt  }
0x7d: {  	_ =	shalt  }
0x7e: {  	_ =	shalt  }
0x7f: {  	_ =	shalt  }
0x80: {  	_ =	shalt  }
0x81: {  	_ =	shalt  }
0x82: {  	_ =	shalt  }
0x83: {  	_ =	shalt  }
0x84: {  	_ =	shalt  }
0x85: {  	_ =	shalt  }
0x86: {  	_ =	shalt  }
0x87: {  	_ =	shalt  }
.Lfunc_end0:
.L_simem_size_0:
called_computation.1_lowered:
.L_overlay_start_0:
0x88: {  	s2 =	sld [smem:$0x3FD9]  }
0x89: {  	s3 =	sld [smem:$0x3FFE];
	_ =	sdelay $0x1  }
0x8a: {  	s1 =	srdreg.scid  }
0x8b: {  	s0 =	sand.u32 $0x1, s1  }
0x8c: {  	s17 =	sshll.u32 s0, $0xA;
	s2 =	sadd.s32 s3, s2  }
0x8d: {  	s2 =	sadd.s32 s2, s17  }
0x8e: {  	[smem:$0x3FAA] =	sst s2  }
0x8f: {  	_ = 	snop  }
0x90: {  	s2 =	sld [smem:$0x3FD0];
	(tm) =	ssettm $0x1  }
0x91: {  	s18 =	sld [smem:$0x3FFB];
	_ =	sdelay $0x3  }
0x92: {  	_ =	strace s18  }
0x93: {  	s3 =	sld [smem:$0x3FFC];
	_ =	sdelay $0x3  }
0x94: {  	_ =	strace s3  }
0x95: {  	s3 =	sld [smem:$0x3FFD];
	_ =	sdelay $0x3  }
0x96: {  	_ =	strace s3  }
0x97: {  	_ =	strace $0x8FFFFFFF  }
0x98: {  	s19 =	sld [smem:$0x3FDB];
	_ =	sdelay $0x1  }
0x99: {  	s4 =	simm.s32 $_scs_section_size  }
0x9a: {  	s5 =	simm.s32 $_size__tile_overlayer_lowered;
	s6 =	simm.s32 $_tile_overlayer_lowered  }
0x9b: {  	s22 =	simm.s32 $0x1BFF;
	s21 =	sshll.u32 s6, $0x1;
	s3 =	sadd.s32 s4, s19  }
0x9c: {  	s7 =	simm.s32 $0x0;
	s20 =	sshll.u32 s5, $0x1;
	s5 =	sadd.s32 s21, s3  }
0x9d: {  	[timem:s7], [sflag:s22] =	dma.local [hbm:s5], s20  }
0x9e: {  	_ =	swait.ge [sflag:s22], s20  }
0x9f: {  	s4 =	ssub.s32 $0x0, s20;
	[sflag:s22] =	ssyncset.done $0x0  }
0xa0: {  	[sflag:s22] =	ssyncadd.s32 s4;
	_ =	sdelay $0x1  }
0xa1: {  	s23 =	simm.s32 $0x1B8B  }
0xa2: {  	_ =	swait.ge [sflag:s23], $0x1  }
0xa3: {  	[sflag:s23] =	ssyncset.done $0x0  }
0xa4: {  	s25 =	simm.s32 $0x1B8E;
	s24 =	sld [smem:$0x3FFE];
	[sflag:s23] =	ssyncadd.s32 $0xFFFFFFFF  }
0xa5: {  	s26 =	simm.s32 $execute0_lowered;
	[smem:$0x3FD2] =	sst s25  }
0xa6: {  	s5 =	sshll.u32 s26, $0x1;
	_ =	strace $0x80000049;
	[dreg:$0x1] =	wrdreg $0xFFFFFFFF  }
0xa7: {  	s28 =	simm.s32 $_size_execute0_lowered;
	s3 =	sadd.s32 s3, s5;
	[dreg:$0x0] =	wrdreg $0x0  }
0xa8: {  	s5 =	sshll.u32 s28, $0x1;
	[dreg:$0x2] =	wrdreg s3  }
0xa9: {  	[dreg:$0x3] =	wrdreg s5  }
0xaa: {  	[dreg:$0x4] =	wrdreg $0xC0  }
0xab: {  	_ =	task [dreg:s7], $0x5FFFF  }
0xac: {  	[dreg:$0x1] =	wrdreg $0xFFFFFFFF  }
0xad: {  	[dreg:$0x0] =	wrdreg $0x60  }
0xae: {  	[dreg:$0x2] =	wrdreg s24  }
0xaf: {  	[dreg:$0x3] =	wrdreg s2  }
0xb0: {  	[dreg:$0x4] =	wrdreg $0x9  }
0xb1: {  	_ =	task.clear_ibuf [dreg:s7], $0x5FFFF;
	_ =	strace $0x90000049  }
0xb2: {  	s29 =	simm.s32 $0x9;
	_ =	strace $0x8000004B  }
0xb3: {  	_ =	swait.ge [sflag:s29], $0x1  }
0xb4: {  	[sflag:s29] =	ssyncadd.s32 $0xFFFFFFFF  }
0xb5: {  	_ =	strace $0x9000004B  }
0xb6: {  	_ =	sfence  }
0xb7: {  	s30 =	sld [smem:$0x0];
	_ =	sdelay $0x2  }
0xb8: {  	s31 =	sshll.u32 s1, $0xD;
	s1 =	sshrl.u32 s1, $0x2  }
0xb9: {  	s3 =	sand.u32 $0x4000, s31;
	s1 =	sadd.s32 s1, s30  }
0xba: {  	s0 =	sor.u32 s3, s0;
	s1 =	sshll.u32 s1, $0x11  }
0xbb: {  	s0 =	sor.u32 s1, s0  }
0xbc: {  	s0 =	sadd.s32 $0x8F2B, s0  }
0xbd: {  	[sflag:s0] =	ssyncadd.remote.s32 $0x1  }
0xbe: {  	_ =	sfence.sel $0xFFFF  }
0xbf: {  	[dreg:$0x0] =	wrdreg $0xFFFFFFFF;
	(pc) =	sbr.abs _section_cstart, $3  }
0xc0: {  	[dreg:$0x1] =	wrdreg $0xFFFFFFFF  }
0xc1: {  	_ =	task.clear_ibuf [dreg:s7], $0x2FFFF;
	_ =	strace $0x9FFFFFFF  }
0xc2: {  	(tm) =	ssettm $0x7FFFFFFF  }
0xc3: {  	_ =	shalt  }
tec
execute0_lowered:
.L_overlay_start_1:
0x0: {  	(tag) =	ssettag $0x1  }
0x1: {  	s0 =	rddreg [dreg:$0x0]  }
0x2: {  	s1 =	rddreg [dreg:$0x1]  }
0x3: {  	s2 =	srdreg.scid;
	s3 =	stileid.u32  }
0x4: {  	s31 =	simm.s32 $0x200;
	s12 =	simm.s32 $0x1;
	s13 =	simm.s32 $0x3  }
0x5: {  	s14 =	simm.s32 $0x2;
	s15 =	simm.s32 $0x4;
	s4 =	sand.u32 $0x1, s2  }
0x6: {  	s2 =	simm.s32 $0x0;
	s3 =	sshll.u32 s3, $0xA;
	s5 =	sshll.u32 s4, $0x9  }
0x7: {  	s7 =	sadd.s32 $0x3C00, s0;
	[smem:$0x7FF] =	sst s2;
	s3 =	sor.u32 s5, s3  }
0x8: {  	s9 =	sadd.s32 $0x182800, s0;
	_ =	strace $0x8000004A;
	s5 =	sshrl.u32 s3, $0x3  }
0x9: {  	[dreg:$0xd] =	wrdreg s31;
	s3 =	sshll.u32 s3, $0x5;
	s1 =	sadd.s32 s1, s5  }
0xa: {  	s28 =	ssub.s32 $0x2, s4;
	s19 =	sadd.s32 s7, s3;
	[dreg:$0x3] =	wrdreg s1  }
0xb: {  	s6 =	sadd.s32 s5, s0;
	s25 =	sadd.s32 s9, s3;
	[dreg:$0x5] =	wrdreg s19  }
0xc: {  	s20 =	sor.u32 $0x1000, s3;
	s18 =	sadd.s32 $0x3400, s6;
	[dreg:$0x9] =	wrdreg s25  }
0xd: {  	s22 =	sor.u32 $0x2000, s3;
	s21 =	sadd.s32 s7, s20;
	[dreg:$0x4] =	wrdreg s18  }
0xe: {  	s8 =	sor.u32 $0x3000, s3;
	s23 =	sadd.s32 s7, s22;
	[dreg:$0x6] =	wrdreg s21  }
0xf: {  	s4 =	sshrl.u32 s28, $0x1;
	s24 =	sadd.s32 s7, s8;
	[dreg:$0x7] =	wrdreg s23  }
0x10: {  	s3 =	sadd.s32 $0x2B2800, s0;
	s26 =	sadd.s32 s9, s20;
	[dreg:$0x8] =	wrdreg s24  }
0x11: {  	v2 =	vlaneseq.u32;
	s29 =	sadd.s32 s9, s22;
	s30 =	sadd.s32 s9, s8;
	[dreg:$0xa] =	wrdreg s26  }
0x12: {  	vm0 =	vmmov $0xffff;
	v1 =	vshrl.u32 v2, $0x3;
	s1 =	ssub.s32 s28, s4;
	s22 =	simm.s32 $0x8400;
	[dreg:$0xb] =	wrdreg s29  }
0x13: {  	v0 =	vand.u32 $0x7, v2;
	v2 =	vor.u32 $0x8, v2;
	v1 =	vmul.u32 $0x8, v1;
	[dreg:$0xc] =	wrdreg s30;
	s4 =	smax.u32 s1, $0x1;
	s24 =	simm.s32 $0x400  }
.LBB2_1:
0x14: {  	s16 =	rddreg [dreg:$0x3];
	s0 =	simm.s32 $0x5  }
0x15: {  	[tilespmem:s2], [sflag:$0x5] =	stream.linear.gather [hbm4b:s16+s2], $0x200, $0x38;
	[tilespmem:$0x10400] =	vst v63  }
0x16: {  	_ =	swait.ge [sflag:s0], $0x200  }
0x17: {  	s1 =	rddreg [dreg:$0x4];
	[sflag:s0] =	ssyncset.done $0x0  }
0x18: {  	s17 =	rddreg [dreg:$0xd];
	[sflag:s0] =	ssyncadd.s32 $0xFFFFFE00  }
0x19: {  	[tilespmem:s17], [sflag:$0x5] =	stream.linear.gather [hbm4b:s1+s2], $0x200, $0x38;
	[tilespmem:$0x10400] =	vst v63  }
0x1a: {  	_ =	swait.ge [sflag:s0], $0x200  }
0x1b: {  	[sflag:s0] =	ssyncset.done $0x0  }
0x1c: {  	[sflag:s0] =	ssyncadd.s32 $0xFFFFFE00  }
0x1d: {  	v3 =	vld [tilespmem:$0x0];
	_ =	sdelay $0x4  }
0x1e: {  	v4 =	vshll.u32 v3, $0x1  }
0x1f: {  	v3 =	vand.u32 $0x7, v3;
	v4 =	vand.u32 $0xFFFFFFF0, v4  }
0x20: {  	v3 =	vor.u32 v3, v4  }
0x21: {  	v4 =	vperm.xlane v3, v0;
	_ =	sdelay $0x1  }
0x22: {  	v3 =	vperm.xlane v3, v2;
	v4 =	vadd.s32 v1, v4;
	_ =	sdelay $0x1  }
0x23: {  	v3 =	vadd.s32 v1, v3;
	_ =	sdelay $0x2  }
0x24: {  	[tilespmem:s24], [sflag:$0x1] =	stream.indirect_vreg.gather [hbm4b:s3+s2], $0x80, v4, vm0, $0xb8;
	[tilespmem:$0x10400] =	vst v63  }
0x25: {  	s5 =	simm.s32 $0xC00  }
0x26: {  	[tilespmem:s5], [sflag:$0x1] =	stream.indirect_vreg.gather [hbm4b:s3+s2], $0x80, v3, vm0, $0xb8;
	[tilespmem:$0x10400] =	vst v63  }
0x27: {  	v3 =	vld [tilespmem:$0x10];
	_ =	sdelay $0x4  }
0x28: {  	v57 =	vshll.u32 v3, $0x1  }
0x29: {  	v3 =	vand.u32 $0x7, v3;
	v4 =	vand.u32 $0xFFFFFFF0, v57  }
0x2a: {  	v3 =	vor.u32 v3, v4  }
0x2b: {  	v4 =	vperm.xlane v3, v0;
	_ =	sdelay $0x1  }
0x2c: {  	v3 =	vperm.xlane v3, v2;
	v4 =	vadd.s32 v1, v4;
	_ =	sdelay $0x1  }
0x2d: {  	v3 =	vadd.s32 v1, v3;
	_ =	sdelay $0x1  }
0x2e: {  	s6 =	simm.s32 $0x1400  }
0x2f: {  	[tilespmem:s6], [sflag:$0x1] =	stream.indirect_vreg.gather [hbm4b:s3+s2], $0x80, v4, vm0, $0xb8;
	[tilespmem:$0x10400] =	vst v63  }
0x30: {  	s8 =	simm.s32 $0x1C00  }
0x31: {  	[tilespmem:s8], [sflag:$0x1] =	stream.indirect_vreg.gather [hbm4b:s3+s2], $0x80, v3, vm0, $0xb8;
	[tilespmem:$0x10400] =	vst v63  }
0x32: {  	v3 =	vld [tilespmem:$0x20];
	_ =	sdelay $0x4  }
0x33: {  	v58 =	vshll.u32 v3, $0x1  }
0x34: {  	v3 =	vand.u32 $0x7, v3;
	v4 =	vand.u32 $0xFFFFFFF0, v58  }
0x35: {  	v3 =	vor.u32 v3, v4  }
0x36: {  	v4 =	vperm.xlane v3, v0;
	_ =	sdelay $0x1  }
0x37: {  	v3 =	vperm.xlane v3, v2;
	v4 =	vadd.s32 v1, v4;
	_ =	sdelay $0x1  }
0x38: {  	v3 =	vadd.s32 v1, v3;
	_ =	sdelay $0x1  }
0x39: {  	s9 =	simm.s32 $0x2400  }
0x3a: {  	[tilespmem:s9], [sflag:$0x1] =	stream.indirect_vreg.gather [hbm4b:s3+s2], $0x80, v4, vm0, $0xb8;
	[tilespmem:$0x10400] =	vst v63  }
0x3b: {  	s10 =	simm.s32 $0x2C00  }
0x3c: {  	[tilespmem:s10], [sflag:$0x1] =	stream.indirect_vreg.gather [hbm4b:s3+s2], $0x80, v3, vm0, $0xb8;
	[tilespmem:$0x10400] =	vst v63  }
0x3d: {  	v3 =	vld [tilespmem:$0x30];
	_ =	sdelay $0x4  }
0x3e: {  	v59 =	vshll.u32 v3, $0x1  }
0x3f: {  	v3 =	vand.u32 $0x7, v3;
	v4 =	vand.u32 $0xFFFFFFF0, v59  }
0x40: {  	v3 =	vor.u32 v3, v4  }
0x41: {  	v4 =	vperm.xlane v3, v0;
	_ =	sdelay $0x1  }
0x42: {  	v3 =	vperm.xlane v3, v2;
	v4 =	vadd.s32 v1, v4;
	_ =	sdelay $0x1  }
0x43: {  	v3 =	vadd.s32 v1, v3;
	_ =	sdelay $0x1  }
0x44: {  	s11 =	simm.s32 $0x3400  }
0x45: {  	[tilespmem:s11], [sflag:$0x1] =	stream.indirect_vreg.gather [hbm4b:s3+s2], $0x80, v4, vm0, $0xb8;
	[tilespmem:$0x10400] =	vst v63  }
0x46: {  	s16 =	simm.s32 $0x3C00  }
0x47: {  	[tilespmem:s16], [sflag:$0x1] =	stream.indirect_vreg.gather [hbm4b:s3+s2], $0x80, v3, vm0, $0xb8;
	[tilespmem:$0x10400] =	vst v63  }
0x48: {  	v3 =	vld [tilespmem:$0x40];
	_ =	sdelay $0x4  }
0x49: {  	v60 =	vshll.u32 v3, $0x1  }
0x4a: {  	v3 =	vand.u32 $0x7, v3;
	v4 =	vand.u32 $0xFFFFFFF0, v60  }
0x4b: {  	v3 =	vor.u32 v3, v4  }
0x4c: {  	v4 =	vperm.xlane v3, v0;
	_ =	sdelay $0x1  }
0x4d: {  	v3 =	vperm.xlane v3, v2;
	v4 =	vadd.s32 v1, v4;
	_ =	sdelay $0x1  }
0x4e: {  	v3 =	vadd.s32 v1, v3;
	_ =	sdelay $0x1  }
0x4f: {  	s17 =	simm.s32 $0x4400  }
0x50: {  	[tilespmem:s17], [sflag:$0x1] =	stream.indirect_vreg.gather [hbm4b:s3+s2], $0x80, v4, vm0, $0xb8;
	[tilespmem:$0x10400] =	vst v63  }
0x51: {  	s18 =	simm.s32 $0x4C00  }
0x52: {  	[tilespmem:s18], [sflag:$0x1] =	stream.indirect_vreg.gather [hbm4b:s3+s2], $0x80, v3, vm0, $0xb8;
	[tilespmem:$0x10400] =	vst v63  }
0x53: {  	v3 =	vld [tilespmem:$0x50];
	_ =	sdelay $0x4  }
0x54: {  	v61 =	vshll.u32 v3, $0x1  }
0x55: {  	v3 =	vand.u32 $0x7, v3;
	v4 =	vand.u32 $0xFFFFFFF0, v61  }
0x56: {  	v3 =	vor.u32 v3, v4  }
0x57: {  	v4 =	vperm.xlane v3, v0;
	_ =	sdelay $0x1  }
0x58: {  	v3 =	vperm.xlane v3, v2;
	v4 =	vadd.s32 v1, v4;
	_ =	sdelay $0x1  }
0x59: {  	v3 =	vadd.s32 v1, v3;
	_ =	sdelay $0x1  }
0x5a: {  	s19 =	simm.s32 $0x5400  }
0x5b: {  	[tilespmem:s19], [sflag:$0x1] =	stream.indirect_vreg.gather [hbm4b:s3+s2], $0x80, v4, vm0, $0xb8;
	[tilespmem:$0x10400] =	vst v63  }
0x5c: {  	s20 =	simm.s32 $0x5C00  }
0x5d: {  	[tilespmem:s20], [sflag:$0x1] =	stream.indirect_vreg.gather [hbm4b:s3+s2], $0x80, v3, vm0, $0xb8;
	[tilespmem:$0x10400] =	vst v63  }
0x5e: {  	v3 =	vld [tilespmem:$0x60];
	_ =	sdelay $0x4  }
0x5f: {  	v62 =	vshll.u32 v3, $0x1  }
0x60: {  	v3 =	vand.u32 $0x7, v3;
	v4 =	vand.u32 $0xFFFFFFF0, v62  }
0x61: {  	v3 =	vor.u32 v3, v4  }
0x62: {  	v4 =	vperm.xlane v3, v0;
	_ =	sdelay $0x1  }
0x63: {  	v3 =	vperm.xlane v3, v2;
	v4 =	vadd.s32 v1, v4;
	_ =	sdelay $0x1  }
0x64: {  	v3 =	vadd.s32 v1, v3;
	_ =	sdelay $0x1  }
0x65: {  	s21 =	simm.s32 $0x6400  }
0x66: {  	[tilespmem:s21], [sflag:$0x1] =	stream.indirect_vreg.gather [hbm4b:s3+s2], $0x80, v4, vm0, $0xb8;
	[tilespmem:$0x10400] =	vst v63  }
0x67: {  	s23 =	simm.s32 $0x6C00  }
0x68: {  	[tilespmem:s23], [sflag:$0x1] =	stream.indirect_vreg.gather [hbm4b:s3+s2], $0x80, v3, vm0, $0xb8;
	[tilespmem:$0x10400] =	vst v63  }
0x69: {  	v3 =	vld [tilespmem:$0x70];
	_ =	sdelay $0x4  }
0x6a: {  	v63 =	vshll.u32 v3, $0x1  }
0x6b: {  	v3 =	vand.u32 $0x7, v3;
	v4 =	vand.u32 $0xFFFFFFF0, v63  }
0x6c: {  	v3 =	vor.u32 v3, v4  }
0x6d: {  	v4 =	vperm.xlane v3, v0;
	_ =	sdelay $0x1  }
0x6e: {  	v3 =	vperm.xlane v3, v2;
	v4 =	vadd.s32 v1, v4;
	_ =	sdelay $0x1  }
0x6f: {  	v3 =	vadd.s32 v1, v3;
	_ =	sdelay $0x1  }
0x70: {  	s25 =	simm.s32 $0x7400  }
0x71: {  	[tilespmem:s25], [sflag:$0x1] =	stream.indirect_vreg.gather [hbm4b:s3+s2], $0x80, v4, vm0, $0xb8;
	[tilespmem:$0x10400] =	vst v63  }
0x72: {  	s26 =	simm.s32 $0x7C00  }
0x73: {  	[tilespmem:s26], [sflag:$0x1] =	stream.indirect_vreg.gather [hbm4b:s3+s2], $0x80, v3, vm0, $0xb8;
	[tilespmem:$0x10400] =	vst v63  }
0x74: {  	v3 =	vld [tilespmem:$0x80];
	_ =	sdelay $0x4  }
0x75: {  	v8 =	vshll.u32 v3, $0x1  }
0x76: {  	v3 =	vand.u32 $0x7, v3;
	v4 =	vand.u32 $0xFFFFFFF0, v8  }
0x77: {  	v3 =	vor.u32 v3, v4  }
0x78: {  	v4 =	vperm.xlane v3, v0;
	_ =	sdelay $0x1  }
0x79: {  	v3 =	vperm.xlane v3, v2;
	v4 =	vadd.s32 v1, v4;
	_ =	sdelay $0x1  }
0x7a: {  	v3 =	vadd.s32 v1, v3;
	_ =	sdelay $0x2  }
0x7b: {  	[tilespmem:s22], [sflag:$0x2] =	stream.indirect_vreg.gather [hbm4b:s3+s2], $0x80, v4, vm0, $0xb8;
	[tilespmem:$0x10400] =	vst v63  }
0x7c: {  	s28 =	simm.s32 $0x8C00  }
0x7d: {  	[tilespmem:s28], [sflag:$0x2] =	stream.indirect_vreg.gather [hbm4b:s3+s2], $0x80, v3, vm0, $0xb8;
	[tilespmem:$0x10400] =	vst v63  }
0x7e: {  	v3 =	vld [tilespmem:$0x90];
	_ =	sdelay $0x4  }
0x7f: {  	v9 =	vshll.u32 v3, $0x1  }
0x80: {  	v3 =	vand.u32 $0x7, v3;
	v4 =	vand.u32 $0xFFFFFFF0, v9  }
0x81: {  	v3 =	vor.u32 v3, v4  }
0x82: {  	v4 =	vperm.xlane v3, v0;
	_ =	sdelay $0x1  }
0x83: {  	v3 =	vperm.xlane v3, v2;
	v4 =	vadd.s32 v1, v4;
	_ =	sdelay $0x1  }
0x84: {  	v3 =	vadd.s32 v1, v3;
	_ =	sdelay $0x1  }
0x85: {  	s29 =	simm.s32 $0x9400  }
0x86: {  	[tilespmem:s29], [sflag:$0x2] =	stream.indirect_vreg.gather [hbm4b:s3+s2], $0x80, v4, vm0, $0xb8;
	[tilespmem:$0x10400] =	vst v63  }
0x87: {  	s30 =	simm.s32 $0x9C00  }
0x88: {  	[tilespmem:s30], [sflag:$0x2] =	stream.indirect_vreg.gather [hbm4b:s3+s2], $0x80, v3, vm0, $0xb8;
	[tilespmem:$0x10400] =	vst v63  }
0x89: {  	v3 =	vld [tilespmem:$0xA0];
	_ =	sdelay $0x4  }
0x8a: {  	v10 =	vshll.u32 v3, $0x1  }
0x8b: {  	v3 =	vand.u32 $0x7, v3;
	v4 =	vand.u32 $0xFFFFFFF0, v10  }
0x8c: {  	v3 =	vor.u32 v3, v4  }
0x8d: {  	v4 =	vperm.xlane v3, v0;
	_ =	sdelay $0x1  }
0x8e: {  	v3 =	vperm.xlane v3, v2;
	v4 =	vadd.s32 v1, v4;
	_ =	sdelay $0x1  }
0x8f: {  	v3 =	vadd.s32 v1, v3;
	_ =	sdelay $0x1  }
0x90: {  	s31 =	simm.s32 $0xA400  }
0x91: {  	[tilespmem:s31], [sflag:$0x2] =	stream.indirect_vreg.gather [hbm4b:s3+s2], $0x80, v4, vm0, $0xb8;
	[tilespmem:$0x10400] =	vst v63  }
0x92: {  	s11 =	simm.s32 $0xAC00  }
0x93: {  	[tilespmem:s11], [sflag:$0x2] =	stream.indirect_vreg.gather [hbm4b:s3+s2], $0x80, v3, vm0, $0xb8;
	[tilespmem:$0x10400] =	vst v63  }
0x94: {  	v3 =	vld [tilespmem:$0xB0];
	_ =	sdelay $0x4  }
0x95: {  	v11 =	vshll.u32 v3, $0x1  }
0x96: {  	v3 =	vand.u32 $0x7, v3;
	v4 =	vand.u32 $0xFFFFFFF0, v11  }
0x97: {  	v3 =	vor.u32 v3, v4  }
0x98: {  	v4 =	vperm.xlane v3, v0;
	_ =	sdelay $0x1  }
0x99: {  	v3 =	vperm.xlane v3, v2;
	v4 =	vadd.s32 v1, v4;
	_ =	sdelay $0x1  }
0x9a: {  	v3 =	vadd.s32 v1, v3;
	_ =	sdelay $0x1  }
0x9b: {  	s16 =	simm.s32 $0xB400  }
0x9c: {  	[tilespmem:s16], [sflag:$0x2] =	stream.indirect_vreg.gather [hbm4b:s3+s2], $0x80, v4, vm0, $0xb8;
	[tilespmem:$0x10400] =	vst v63  }
0x9d: {  	s17 =	simm.s32 $0xBC00  }
0x9e: {  	[tilespmem:s17], [sflag:$0x2] =	stream.indirect_vreg.gather [hbm4b:s3+s2], $0x80, v3, vm0, $0xb8;
	[tilespmem:$0x10400] =	vst v63  }
0x9f: {  	v3 =	vld [tilespmem:$0xC0];
	_ =	sdelay $0x4  }
0xa0: {  	v12 =	vshll.u32 v3, $0x1  }
0xa1: {  	v3 =	vand.u32 $0x7, v3;
	v4 =	vand.u32 $0xFFFFFFF0, v12  }
0xa2: {  	v3 =	vor.u32 v3, v4  }
0xa3: {  	v4 =	vperm.xlane v3, v0;
	_ =	sdelay $0x1  }
0xa4: {  	v3 =	vperm.xlane v3, v2;
	v4 =	vadd.s32 v1, v4;
	_ =	sdelay $0x1  }
0xa5: {  	v3 =	vadd.s32 v1, v3;
	_ =	sdelay $0x1  }
0xa6: {  	s18 =	simm.s32 $0xC400  }
0xa7: {  	[tilespmem:s18], [sflag:$0x2] =	stream.indirect_vreg.gather [hbm4b:s3+s2], $0x80, v4, vm0, $0xb8;
	[tilespmem:$0x10400] =	vst v63  }
0xa8: {  	s19 =	simm.s32 $0xCC00  }
0xa9: {  	[tilespmem:s19], [sflag:$0x2] =	stream.indirect_vreg.gather [hbm4b:s3+s2], $0x80, v3, vm0, $0xb8;
	[tilespmem:$0x10400] =	vst v63  }
0xaa: {  	v3 =	vld [tilespmem:$0xD0];
	_ =	sdelay $0x4  }
0xab: {  	v13 =	vshll.u32 v3, $0x1  }
0xac: {  	v3 =	vand.u32 $0x7, v3;
	v4 =	vand.u32 $0xFFFFFFF0, v13  }
0xad: {  	v3 =	vor.u32 v3, v4  }
0xae: {  	v4 =	vperm.xlane v3, v0;
	_ =	sdelay $0x1  }
0xaf: {  	v3 =	vperm.xlane v3, v2;
	v4 =	vadd.s32 v1, v4;
	_ =	sdelay $0x1  }
0xb0: {  	v3 =	vadd.s32 v1, v3;
	_ =	sdelay $0x1  }
0xb1: {  	s20 =	simm.s32 $0xD400  }
0xb2: {  	[tilespmem:s20], [sflag:$0x2] =	stream.indirect_vreg.gather [hbm4b:s3+s2], $0x80, v4, vm0, $0xb8;
	[tilespmem:$0x10400] =	vst v63  }
0xb3: {  	s23 =	simm.s32 $0xDC00  }
0xb4: {  	[tilespmem:s23], [sflag:$0x2] =	stream.indirect_vreg.gather [hbm4b:s3+s2], $0x80, v3, vm0, $0xb8;
	[tilespmem:$0x10400] =	vst v63  }
0xb5: {  	v3 =	vld [tilespmem:$0xE0];
	_ =	sdelay $0x4  }
0xb6: {  	v14 =	vshll.u32 v3, $0x1  }
0xb7: {  	v3 =	vand.u32 $0x7, v3;
	v4 =	vand.u32 $0xFFFFFFF0, v14  }
0xb8: {  	v3 =	vor.u32 v3, v4  }
0xb9: {  	v4 =	vperm.xlane v3, v0;
	_ =	sdelay $0x1  }
0xba: {  	v3 =	vperm.xlane v3, v2;
	v4 =	vadd.s32 v1, v4;
	_ =	sdelay $0x1  }
0xbb: {  	v3 =	vadd.s32 v1, v3;
	_ =	sdelay $0x1  }
0xbc: {  	s26 =	simm.s32 $0xE400  }
0xbd: {  	[tilespmem:s26], [sflag:$0x2] =	stream.indirect_vreg.gather [hbm4b:s3+s2], $0x80, v4, vm0, $0xb8;
	[tilespmem:$0x10400] =	vst v63  }
0xbe: {  	s28 =	simm.s32 $0xEC00  }
0xbf: {  	[tilespmem:s28], [sflag:$0x2] =	stream.indirect_vreg.gather [hbm4b:s3+s2], $0x80, v3, vm0, $0xb8;
	[tilespmem:$0x10400] =	vst v63  }
0xc0: {  	v3 =	vld [tilespmem:$0xF0];
	_ =	sdelay $0x4  }
0xc1: {  	v15 =	vshll.u32 v3, $0x1  }
0xc2: {  	v3 =	vand.u32 $0x7, v3;
	v4 =	vand.u32 $0xFFFFFFF0, v15  }
0xc3: {  	v3 =	vor.u32 v3, v4  }
0xc4: {  	v4 =	vperm.xlane v3, v0;
	_ =	sdelay $0x1  }
0xc5: {  	v3 =	vperm.xlane v3, v2;
	v4 =	vadd.s32 v1, v4;
	_ =	sdelay $0x1  }
0xc6: {  	v3 =	vadd.s32 v1, v3;
	_ =	sdelay $0x1  }
0xc7: {  	s29 =	simm.s32 $0xF400  }
0xc8: {  	[tilespmem:s29], [sflag:$0x2] =	stream.indirect_vreg.gather [hbm4b:s3+s2], $0x80, v4, vm0, $0xb8;
	[tilespmem:$0x10400] =	vst v63  }
0xc9: {  	s31 =	simm.s32 $0xFC00  }
0xca: {  	[tilespmem:s31], [sflag:$0x2] =	stream.indirect_vreg.gather [hbm4b:s3+s2], $0x80, v3, vm0, $0xb8;
	[tilespmem:$0x10400] =	vst v63  }
0xcb: {  	_ =	swait.ge [sflag:s12], $0x8000  }
0xcc: {  	[sflag:s12] =	ssyncset.done $0x0  }
0xcd: {  	s0 =	rddreg [dreg:$0x5];
	[sflag:s12] =	ssyncadd.s32 $0xFFFF8000  }
0xce: {  	[hbm4b:s0+s2] =	stream.linear.scatter [tilespmem:s24], [sflag:$0x3], $0x8000, $0x38;
	[tilespmem:$0x10400] =	vst v63  }
0xcf: {  	_ =	swait.ge [sflag:s13], $0x8000  }
0xd0: {  	[sflag:s13] =	ssyncset.done $0x0  }
0xd1: {  	[sflag:s13] =	ssyncadd.s32 $0xFFFF8000  }
0xd2: {  	v3 =	vld [tilespmem:$0x100];
	_ =	sdelay $0x4  }
0xd3: {  	v16 =	vshll.u32 v3, $0x1  }
0xd4: {  	v3 =	vand.u32 $0x7, v3;
	v4 =	vand.u32 $0xFFFFFFF0, v16  }
0xd5: {  	v3 =	vor.u32 v3, v4  }
0xd6: {  	v4 =	vperm.xlane v3, v0;
	_ =	sdelay $0x1  }
0xd7: {  	v3 =	vperm.xlane v3, v2;
	v4 =	vadd.s32 v1, v4;
	_ =	sdelay $0x1  }
0xd8: {  	v3 =	vadd.s32 v1, v3;
	_ =	sdelay $0x2  }
0xd9: {  	[tilespmem:s24], [sflag:$0x1] =	stream.indirect_vreg.gather [hbm4b:s3+s2], $0x80, v4, vm0, $0xb8;
	[tilespmem:$0x10400] =	vst v63  }
0xda: {  	s7 =	simm.s32 $0xC00  }
0xdb: {  	[tilespmem:s7], [sflag:$0x1] =	stream.indirect_vreg.gather [hbm4b:s3+s2], $0x80, v3, vm0, $0xb8;
	[tilespmem:$0x10400] =	vst v63  }
0xdc: {  	v3 =	vld [tilespmem:$0x110];
	_ =	sdelay $0x4  }
0xdd: {  	v17 =	vshll.u32 v3, $0x1  }
0xde: {  	v3 =	vand.u32 $0x7, v3;
	v4 =	vand.u32 $0xFFFFFFF0, v17  }
0xdf: {  	v3 =	vor.u32 v3, v4  }
0xe0: {  	v4 =	vperm.xlane v3, v0;
	_ =	sdelay $0x1  }
0xe1: {  	v3 =	vperm.xlane v3, v2;
	v4 =	vadd.s32 v1, v4;
	_ =	sdelay $0x1  }
0xe2: {  	v3 =	vadd.s32 v1, v3;
	_ =	sdelay $0x1  }
0xe3: {  	s5 =	simm.s32 $0x1400  }
0xe4: {  	[tilespmem:s5], [sflag:$0x1] =	stream.indirect_vreg.gather [hbm4b:s3+s2], $0x80, v4, vm0, $0xb8;
	[tilespmem:$0x10400] =	vst v63  }
0xe5: {  	s23 =	simm.s32 $0x1C00  }
0xe6: {  	[tilespmem:s23], [sflag:$0x1] =	stream.indirect_vreg.gather [hbm4b:s3+s2], $0x80, v3, vm0, $0xb8;
	[tilespmem:$0x10400] =	vst v63  }
0xe7: {  	v3 =	vld [tilespmem:$0x120];
	_ =	sdelay $0x4  }
0xe8: {  	v18 =	vshll.u32 v3, $0x1  }
0xe9: {  	v3 =	vand.u32 $0x7, v3;
	v4 =	vand.u32 $0xFFFFFFF0, v18  }
0xea: {  	v3 =	vor.u32 v3, v4  }
0xeb: {  	v4 =	vperm.xlane v3, v0;
	_ =	sdelay $0x1  }
0xec: {  	v3 =	vperm.xlane v3, v2;
	v4 =	vadd.s32 v1, v4;
	_ =	sdelay $0x1  }
0xed: {  	v3 =	vadd.s32 v1, v3;
	_ =	sdelay $0x1  }
0xee: {  	s6 =	simm.s32 $0x2400  }
0xef: {  	[tilespmem:s6], [sflag:$0x1] =	stream.indirect_vreg.gather [hbm4b:s3+s2], $0x80, v4, vm0, $0xb8;
	[tilespmem:$0x10400] =	vst v63  }
0xf0: {  	s26 =	simm.s32 $0x2C00  }
0xf1: {  	[tilespmem:s26], [sflag:$0x1] =	stream.indirect_vreg.gather [hbm4b:s3+s2], $0x80, v3, vm0, $0xb8;
	[tilespmem:$0x10400] =	vst v63  }
0xf2: {  	v3 =	vld [tilespmem:$0x130];
	_ =	sdelay $0x4  }
0xf3: {  	v19 =	vshll.u32 v3, $0x1  }
0xf4: {  	v3 =	vand.u32 $0x7, v3;
	v4 =	vand.u32 $0xFFFFFFF0, v19  }
0xf5: {  	v3 =	vor.u32 v3, v4  }
0xf6: {  	v4 =	vperm.xlane v3, v0;
	_ =	sdelay $0x1  }
0xf7: {  	v3 =	vperm.xlane v3, v2;
	v4 =	vadd.s32 v1, v4;
	_ =	sdelay $0x1  }
0xf8: {  	v3 =	vadd.s32 v1, v3;
	_ =	sdelay $0x1  }
0xf9: {  	s7 =	simm.s32 $0x3400  }
0xfa: {  	[tilespmem:s7], [sflag:$0x1] =	stream.indirect_vreg.gather [hbm4b:s3+s2], $0x80, v4, vm0, $0xb8;
	[tilespmem:$0x10400] =	vst v63  }
0xfb: {  	s9 =	simm.s32 $0x3C00  }
0xfc: {  	[tilespmem:s9], [sflag:$0x1] =	stream.indirect_vreg.gather [hbm4b:s3+s2], $0x80, v3, vm0, $0xb8;
	[tilespmem:$0x10400] =	vst v63  }
0xfd: {  	v3 =	vld [tilespmem:$0x140];
	_ =	sdelay $0x4  }
0xfe: {  	v20 =	vshll.u32 v3, $0x1  }
0xff: {  	v3 =	vand.u32 $0x7, v3;
	v4 =	vand.u32 $0xFFFFFFF0, v20  }
0x100: {  	v3 =	vor.u32 v3, v4  }
0x101: {  	v4 =	vperm.xlane v3, v0;
	_ =	sdelay $0x1  }
0x102: {  	v3 =	vperm.xlane v3, v2;
	v4 =	vadd.s32 v1, v4;
	_ =	sdelay $0x1  }
0x103: {  	v3 =	vadd.s32 v1, v3;
	_ =	sdelay $0x1  }
0x104: {  	s8 =	simm.s32 $0x4400  }
0x105: {  	[tilespmem:s8], [sflag:$0x1] =	stream.indirect_vreg.gather [hbm4b:s3+s2], $0x80, v4, vm0, $0xb8;
	[tilespmem:$0x10400] =	vst v63  }
0x106: {  	s28 =	simm.s32 $0x4C00  }
0x107: {  	[tilespmem:s28], [sflag:$0x1] =	stream.indirect_vreg.gather [hbm4b:s3+s2], $0x80, v3, vm0, $0xb8;
	[tilespmem:$0x10400] =	vst v63  }
0x108: {  	v3 =	vld [tilespmem:$0x150];
	_ =	sdelay $0x4  }
0x109: {  	v21 =	vshll.u32 v3, $0x1  }
0x10a: {  	v3 =	vand.u32 $0x7, v3;
	v4 =	vand.u32 $0xFFFFFFF0, v21  }
0x10b: {  	v3 =	vor.u32 v3, v4  }
0x10c: {  	v4 =	vperm.xlane v3, v0;
	_ =	sdelay $0x1  }
0x10d: {  	v3 =	vperm.xlane v3, v2;
	v4 =	vadd.s32 v1, v4;
	_ =	sdelay $0x1  }
0x10e: {  	v3 =	vadd.s32 v1, v3;
	_ =	sdelay $0x1  }
0x10f: {  	s9 =	simm.s32 $0x5400  }
0x110: {  	[tilespmem:s9], [sflag:$0x1] =	stream.indirect_vreg.gather [hbm4b:s3+s2], $0x80, v4, vm0, $0xb8;
	[tilespmem:$0x10400] =	vst v63  }
0x111: {  	s11 =	simm.s32 $0x5C00  }
0x112: {  	[tilespmem:s11], [sflag:$0x1] =	stream.indirect_vreg.gather [hbm4b:s3+s2], $0x80, v3, vm0, $0xb8;
	[tilespmem:$0x10400] =	vst v63  }
0x113: {  	v3 =	vld [tilespmem:$0x160];
	_ =	sdelay $0x4  }
0x114: {  	v22 =	vshll.u32 v3, $0x1  }
0x115: {  	v3 =	vand.u32 $0x7, v3;
	v4 =	vand.u32 $0xFFFFFFF0, v22  }
0x116: {  	v3 =	vor.u32 v3, v4  }
0x117: {  	v4 =	vperm.xlane v3, v0;
	_ =	sdelay $0x1  }
0x118: {  	v3 =	vperm.xlane v3, v2;
	v4 =	vadd.s32 v1, v4;
	_ =	sdelay $0x1  }
0x119: {  	v3 =	vadd.s32 v1, v3;
	_ =	sdelay $0x1  }
0x11a: {  	s10 =	simm.s32 $0x6400  }
0x11b: {  	[tilespmem:s10], [sflag:$0x1] =	stream.indirect_vreg.gather [hbm4b:s3+s2], $0x80, v4, vm0, $0xb8;
	[tilespmem:$0x10400] =	vst v63  }
0x11c: {  	s31 =	simm.s32 $0x6C00  }
0x11d: {  	[tilespmem:s31], [sflag:$0x1] =	stream.indirect_vreg.gather [hbm4b:s3+s2], $0x80, v3, vm0, $0xb8;
	[tilespmem:$0x10400] =	vst v63  }
0x11e: {  	v3 =	vld [tilespmem:$0x170];
	_ =	sdelay $0x4  }
0x11f: {  	v23 =	vshll.u32 v3, $0x1  }
0x120: {  	v3 =	vand.u32 $0x7, v3;
	v4 =	vand.u32 $0xFFFFFFF0, v23  }
0x121: {  	v3 =	vor.u32 v3, v4  }
0x122: {  	v4 =	vperm.xlane v3, v0;
	_ =	sdelay $0x1  }
0x123: {  	v3 =	vperm.xlane v3, v2;
	v4 =	vadd.s32 v1, v4;
	_ =	sdelay $0x1  }
0x124: {  	v3 =	vadd.s32 v1, v3;
	_ =	sdelay $0x1  }
0x125: {  	s8 =	simm.s32 $0x7400  }
0x126: {  	[tilespmem:s8], [sflag:$0x1] =	stream.indirect_vreg.gather [hbm4b:s3+s2], $0x80, v4, vm0, $0xb8;
	[tilespmem:$0x10400] =	vst v63  }
0x127: {  	s10 =	simm.s32 $0x7C00  }
0x128: {  	[tilespmem:s10], [sflag:$0x1] =	stream.indirect_vreg.gather [hbm4b:s3+s2], $0x80, v3, vm0, $0xb8;
	[tilespmem:$0x10400] =	vst v63  }
0x129: {  	_ =	swait.ge [sflag:s14], $0x8000  }
0x12a: {  	[sflag:s14] =	ssyncset.done $0x0  }
0x12b: {  	s6 =	rddreg [dreg:$0x6];
	[sflag:s14] =	ssyncadd.s32 $0xFFFF8000  }
0x12c: {  	[hbm4b:s6+s2] =	stream.linear.scatter [tilespmem:s22], [sflag:$0x4], $0x8000, $0x38;
	[tilespmem:$0x10400] =	vst v63  }
0x12d: {  	_ =	swait.ge [sflag:s15], $0x8000  }
0x12e: {  	[sflag:s15] =	ssyncset.done $0x0  }
0x12f: {  	[sflag:s15] =	ssyncadd.s32 $0xFFFF8000  }
0x130: {  	v3 =	vld [tilespmem:$0x180];
	_ =	sdelay $0x4  }
0x131: {  	v24 =	vshll.u32 v3, $0x1  }
0x132: {  	v3 =	vand.u32 $0x7, v3;
	v4 =	vand.u32 $0xFFFFFFF0, v24  }
0x133: {  	v3 =	vor.u32 v3, v4  }
0x134: {  	v4 =	vperm.xlane v3, v0;
	_ =	sdelay $0x1  }
0x135: {  	v3 =	vperm.xlane v3, v2;
	v4 =	vadd.s32 v1, v4;
	_ =	sdelay $0x1  }
0x136: {  	v3 =	vadd.s32 v1, v3;
	_ =	sdelay $0x2  }
0x137: {  	[tilespmem:s22], [sflag:$0x2] =	stream.indirect_vreg.gather [hbm4b:s3+s2], $0x80, v4, vm0, $0xb8;
	[tilespmem:$0x10400] =	vst v63  }
0x138: {  	s1 =	simm.s32 $0x8C00  }
0x139: {  	[tilespmem:s1], [sflag:$0x2] =	stream.indirect_vreg.gather [hbm4b:s3+s2], $0x80, v3, vm0, $0xb8;
	[tilespmem:$0x10400] =	vst v63  }
0x13a: {  	v3 =	vld [tilespmem:$0x190];
	_ =	sdelay $0x4  }
0x13b: {  	v25 =	vshll.u32 v3, $0x1  }
0x13c: {  	v3 =	vand.u32 $0x7, v3;
	v4 =	vand.u32 $0xFFFFFFF0, v25  }
0x13d: {  	v3 =	vor.u32 v3, v4  }
0x13e: {  	v4 =	vperm.xlane v3, v0;
	_ =	sdelay $0x1  }
0x13f: {  	v3 =	vperm.xlane v3, v2;
	v4 =	vadd.s32 v1, v4;
	_ =	sdelay $0x1  }
0x140: {  	v3 =	vadd.s32 v1, v3;
	_ =	sdelay $0x1  }
0x141: {  	s0 =	simm.s32 $0x9400  }
0x142: {  	[tilespmem:s0], [sflag:$0x2] =	stream.indirect_vreg.gather [hbm4b:s3+s2], $0x80, v4, vm0, $0xb8;
	[tilespmem:$0x10400] =	vst v63  }
0x143: {  	s5 =	simm.s32 $0x9C00  }
0x144: {  	[tilespmem:s5], [sflag:$0x2] =	stream.indirect_vreg.gather [hbm4b:s3+s2], $0x80, v3, vm0, $0xb8;
	[tilespmem:$0x10400] =	vst v63  }
0x145: {  	v3 =	vld [tilespmem:$0x1A0];
	_ =	sdelay $0x4  }
0x146: {  	v26 =	vshll.u32 v3, $0x1  }
0x147: {  	v3 =	vand.u32 $0x7, v3;
	v4 =	vand.u32 $0xFFFFFFF0, v26  }
0x148: {  	v3 =	vor.u32 v3, v4  }
0x149: {  	v4 =	vperm.xlane v3, v0;
	_ =	sdelay $0x1  }
0x14a: {  	v3 =	vperm.xlane v3, v2;
	v4 =	vadd.s32 v1, v4;
	_ =	sdelay $0x1  }
0x14b: {  	v3 =	vadd.s32 v1, v3;
	_ =	sdelay $0x1  }
0x14c: {  	s1 =	simm.s32 $0xA400  }
0x14d: {  	[tilespmem:s1], [sflag:$0x2] =	stream.indirect_vreg.gather [hbm4b:s3+s2], $0x80, v4, vm0, $0xb8;
	[tilespmem:$0x10400] =	vst v63  }
0x14e: {  	s6 =	simm.s32 $0xAC00  }
0x14f: {  	[tilespmem:s6], [sflag:$0x2] =	stream.indirect_vreg.gather [hbm4b:s3+s2], $0x80, v3, vm0, $0xb8;
	[tilespmem:$0x10400] =	vst v63  }
0x150: {  	v3 =	vld [tilespmem:$0x1B0];
	_ =	sdelay $0x4  }
0x151: {  	v27 =	vshll.u32 v3, $0x1  }
0x152: {  	v3 =	vand.u32 $0x7, v3;
	v4 =	vand.u32 $0xFFFFFFF0, v27  }
0x153: {  	v3 =	vor.u32 v3, v4  }
0x154: {  	v4 =	vperm.xlane v3, v0;
	_ =	sdelay $0x1  }
0x155: {  	v3 =	vperm.xlane v3, v2;
	v4 =	vadd.s32 v1, v4;
	_ =	sdelay $0x1  }
0x156: {  	v3 =	vadd.s32 v1, v3;
	_ =	sdelay $0x1  }
0x157: {  	s25 =	simm.s32 $0xB400  }
0x158: {  	[tilespmem:s25], [sflag:$0x2] =	stream.indirect_vreg.gather [hbm4b:s3+s2], $0x80, v4, vm0, $0xb8;
	[tilespmem:$0x10400] =	vst v63  }
0x159: {  	s21 =	simm.s32 $0xBC00  }
0x15a: {  	[tilespmem:s21], [sflag:$0x2] =	stream.indirect_vreg.gather [hbm4b:s3+s2], $0x80, v3, vm0, $0xb8;
	[tilespmem:$0x10400] =	vst v63  }
0x15b: {  	v3 =	vld [tilespmem:$0x1C0];
	_ =	sdelay $0x4  }
0x15c: {  	v28 =	vshll.u32 v3, $0x1  }
0x15d: {  	v3 =	vand.u32 $0x7, v3;
	v4 =	vand.u32 $0xFFFFFFF0, v28  }
0x15e: {  	v3 =	vor.u32 v3, v4  }
0x15f: {  	v4 =	vperm.xlane v3, v0;
	_ =	sdelay $0x1  }
0x160: {  	v3 =	vperm.xlane v3, v2;
	v4 =	vadd.s32 v1, v4;
	_ =	sdelay $0x1  }
0x161: {  	v3 =	vadd.s32 v1, v3;
	_ =	sdelay $0x1  }
0x162: {  	s21 =	simm.s32 $0xC400  }
0x163: {  	[tilespmem:s21], [sflag:$0x2] =	stream.indirect_vreg.gather [hbm4b:s3+s2], $0x80, v4, vm0, $0xb8;
	[tilespmem:$0x10400] =	vst v63  }
0x164: {  	s17 =	simm.s32 $0xCC00  }
0x165: {  	[tilespmem:s17], [sflag:$0x2] =	stream.indirect_vreg.gather [hbm4b:s3+s2], $0x80, v3, vm0, $0xb8;
	[tilespmem:$0x10400] =	vst v63  }
0x166: {  	v3 =	vld [tilespmem:$0x1D0];
	_ =	sdelay $0x4  }
0x167: {  	v29 =	vshll.u32 v3, $0x1  }
0x168: {  	v3 =	vand.u32 $0x7, v3;
	v4 =	vand.u32 $0xFFFFFFF0, v29  }
0x169: {  	v3 =	vor.u32 v3, v4  }
0x16a: {  	v4 =	vperm.xlane v3, v0;
	_ =	sdelay $0x1  }
0x16b: {  	v3 =	vperm.xlane v3, v2;
	v4 =	vadd.s32 v1, v4;
	_ =	sdelay $0x1  }
0x16c: {  	v3 =	vadd.s32 v1, v3;
	_ =	sdelay $0x1  }
0x16d: {  	s30 =	simm.s32 $0xD400  }
0x16e: {  	[tilespmem:s30], [sflag:$0x2] =	stream.indirect_vreg.gather [hbm4b:s3+s2], $0x80, v4, vm0, $0xb8;
	[tilespmem:$0x10400] =	vst v63  }
0x16f: {  	s18 =	simm.s32 $0xDC00  }
0x170: {  	[tilespmem:s18], [sflag:$0x2] =	stream.indirect_vreg.gather [hbm4b:s3+s2], $0x80, v3, vm0, $0xb8;
	[tilespmem:$0x10400] =	vst v63  }
0x171: {  	v3 =	vld [tilespmem:$0x1E0];
	_ =	sdelay $0x4  }
0x172: {  	v30 =	vshll.u32 v3, $0x1  }
0x173: {  	v3 =	vand.u32 $0x7, v3;
	v4 =	vand.u32 $0xFFFFFFF0, v30  }
0x174: {  	v3 =	vor.u32 v3, v4  }
0x175: {  	v4 =	vperm.xlane v3, v0;
	_ =	sdelay $0x1  }
0x176: {  	v3 =	vperm.xlane v3, v2;
	v4 =	vadd.s32 v1, v4;
	_ =	sdelay $0x1  }
0x177: {  	v3 =	vadd.s32 v1, v3;
	_ =	sdelay $0x1  }
0x178: {  	s18 =	simm.s32 $0xE400  }
0x179: {  	[tilespmem:s18], [sflag:$0x2] =	stream.indirect_vreg.gather [hbm4b:s3+s2], $0x80, v4, vm0, $0xb8;
	[tilespmem:$0x10400] =	vst v63  }
0x17a: {  	s19 =	simm.s32 $0xEC00  }
0x17b: {  	[tilespmem:s19], [sflag:$0x2] =	stream.indirect_vreg.gather [hbm4b:s3+s2], $0x80, v3, vm0, $0xb8;
	[tilespmem:$0x10400] =	vst v63  }
0x17c: {  	v3 =	vld [tilespmem:$0x1F0];
	_ =	sdelay $0x4  }
0x17d: {  	v31 =	vshll.u32 v3, $0x1  }
0x17e: {  	v3 =	vand.u32 $0x7, v3;
	v4 =	vand.u32 $0xFFFFFFF0, v31  }
0x17f: {  	v3 =	vor.u32 v3, v4  }
0x180: {  	v4 =	vperm.xlane v3, v0;
	_ =	sdelay $0x1  }
0x181: {  	v3 =	vperm.xlane v3, v2;
	v4 =	vadd.s32 v1, v4;
	_ =	sdelay $0x1  }
0x182: {  	v3 =	vadd.s32 v1, v3;
	_ =	sdelay $0x1  }
0x183: {  	s19 =	simm.s32 $0xF400  }
0x184: {  	[tilespmem:s19], [sflag:$0x2] =	stream.indirect_vreg.gather [hbm4b:s3+s2], $0x80, v4, vm0, $0xb8;
	[tilespmem:$0x10400] =	vst v63  }
0x185: {  	s20 =	simm.s32 $0xFC00  }
0x186: {  	[tilespmem:s20], [sflag:$0x2] =	stream.indirect_vreg.gather [hbm4b:s3+s2], $0x80, v3, vm0, $0xb8;
	[tilespmem:$0x10400] =	vst v63  }
0x187: {  	_ =	swait.ge [sflag:s12], $0x8000  }
0x188: {  	[sflag:s12] =	ssyncset.done $0x0  }
0x189: {  	s20 =	rddreg [dreg:$0x7];
	[sflag:s12] =	ssyncadd.s32 $0xFFFF8000  }
0x18a: {  	[hbm4b:s20+s2] =	stream.linear.scatter [tilespmem:s24], [sflag:$0x3], $0x8000, $0x38;
	[tilespmem:$0x10400] =	vst v63  }
0x18b: {  	_ =	swait.ge [sflag:s13], $0x8000  }
0x18c: {  	[sflag:s13] =	ssyncset.done $0x0  }
0x18d: {  	[sflag:s13] =	ssyncadd.s32 $0xFFFF8000  }
0x18e: {  	v3 =	vld [tilespmem:$0x200];
	_ =	sdelay $0x4  }
0x18f: {  	v32 =	vshll.u32 v3, $0x1  }
0x190: {  	v3 =	vand.u32 $0x7, v3;
	v4 =	vand.u32 $0xFFFFFFF0, v32  }
0x191: {  	v3 =	vor.u32 v3, v4  }
0x192: {  	v4 =	vperm.xlane v3, v0;
	_ =	sdelay $0x1  }
0x193: {  	v3 =	vperm.xlane v3, v2;
	v4 =	vadd.s32 v1, v4;
	_ =	sdelay $0x1  }
0x194: {  	v3 =	vadd.s32 v1, v3;
	_ =	sdelay $0x2  }
0x195: {  	[tilespmem:s24], [sflag:$0x1] =	stream.indirect_vreg.gather [hbm4b:s3+s2], $0x80, v4, vm0, $0xb8;
	[tilespmem:$0x10400] =	vst v63  }
0x196: {  	s18 =	simm.s32 $0xC00  }
0x197: {  	[tilespmem:s18], [sflag:$0x1] =	stream.indirect_vreg.gather [hbm4b:s3+s2], $0x80, v3, vm0, $0xb8;
	[tilespmem:$0x10400] =	vst v63  }
0x198: {  	v3 =	vld [tilespmem:$0x210];
	_ =	sdelay $0x4  }
0x199: {  	v33 =	vshll.u32 v3, $0x1  }
0x19a: {  	v3 =	vand.u32 $0x7, v3;
	v4 =	vand.u32 $0xFFFFFFF0, v33  }
0x19b: {  	v3 =	vor.u32 v3, v4  }
0x19c: {  	v4 =	vperm.xlane v3, v0;
	_ =	sdelay $0x1  }
0x19d: {  	v3 =	vperm.xlane v3, v2;
	v4 =	vadd.s32 v1, v4;
	_ =	sdelay $0x1  }
0x19e: {  	v3 =	vadd.s32 v1, v3;
	_ =	sdelay $0x1  }
0x19f: {  	s20 =	simm.s32 $0x1400  }
0x1a0: {  	[tilespmem:s20], [sflag:$0x1] =	stream.indirect_vreg.gather [hbm4b:s3+s2], $0x80, v4, vm0, $0xb8;
	[tilespmem:$0x10400] =	vst v63  }
0x1a1: {  	_ = 	snop  }
0x1a2: {  	[tilespmem:s23], [sflag:$0x1] =	stream.indirect_vreg.gather [hbm4b:s3+s2], $0x80, v3, vm0, $0xb8;
	[tilespmem:$0x10400] =	vst v63  }
0x1a3: {  	v3 =	vld [tilespmem:$0x220];
	_ =	sdelay $0x4  }
0x1a4: {  	v34 =	vshll.u32 v3, $0x1  }
0x1a5: {  	v3 =	vand.u32 $0x7, v3;
	v4 =	vand.u32 $0xFFFFFFF0, v34  }
0x1a6: {  	v3 =	vor.u32 v3, v4  }
0x1a7: {  	v4 =	vperm.xlane v3, v0;
	_ =	sdelay $0x1  }
0x1a8: {  	v3 =	vperm.xlane v3, v2;
	v4 =	vadd.s32 v1, v4;
	_ =	sdelay $0x1  }
0x1a9: {  	v3 =	vadd.s32 v1, v3;
	_ =	sdelay $0x1  }
0x1aa: {  	s23 =	simm.s32 $0x2400  }
0x1ab: {  	[tilespmem:s23], [sflag:$0x1] =	stream.indirect_vreg.gather [hbm4b:s3+s2], $0x80, v4, vm0, $0xb8;
	[tilespmem:$0x10400] =	vst v63  }
0x1ac: {  	_ = 	snop  }
0x1ad: {  	[tilespmem:s26], [sflag:$0x1] =	stream.indirect_vreg.gather [hbm4b:s3+s2], $0x80, v3, vm0, $0xb8;
	[tilespmem:$0x10400] =	vst v63  }
0x1ae: {  	v3 =	vld [tilespmem:$0x230];
	_ =	sdelay $0x4  }
0x1af: {  	v35 =	vshll.u32 v3, $0x1  }
0x1b0: {  	v3 =	vand.u32 $0x7, v3;
	v4 =	vand.u32 $0xFFFFFFF0, v35  }
0x1b1: {  	v3 =	vor.u32 v3, v4  }
0x1b2: {  	v4 =	vperm.xlane v3, v0;
	_ =	sdelay $0x1  }
0x1b3: {  	v3 =	vperm.xlane v3, v2;
	v4 =	vadd.s32 v1, v4;
	_ =	sdelay $0x1  }
0x1b4: {  	v3 =	vadd.s32 v1, v3;
	_ =	sdelay $0x2  }
0x1b5: {  	[tilespmem:s7], [sflag:$0x1] =	stream.indirect_vreg.gather [hbm4b:s3+s2], $0x80, v4, vm0, $0xb8;
	[tilespmem:$0x10400] =	vst v63  }
0x1b6: {  	s26 =	simm.s32 $0x3C00  }
0x1b7: {  	[tilespmem:s26], [sflag:$0x1] =	stream.indirect_vreg.gather [hbm4b:s3+s2], $0x80, v3, vm0, $0xb8;
	[tilespmem:$0x10400] =	vst v63  }
0x1b8: {  	v3 =	vld [tilespmem:$0x240];
	_ =	sdelay $0x4  }
0x1b9: {  	v36 =	vshll.u32 v3, $0x1  }
0x1ba: {  	v3 =	vand.u32 $0x7, v3;
	v4 =	vand.u32 $0xFFFFFFF0, v36  }
0x1bb: {  	v3 =	vor.u32 v3, v4  }
0x1bc: {  	v4 =	vperm.xlane v3, v0;
	_ =	sdelay $0x1  }
0x1bd: {  	v3 =	vperm.xlane v3, v2;
	v4 =	vadd.s32 v1, v4;
	_ =	sdelay $0x1  }
0x1be: {  	v3 =	vadd.s32 v1, v3;
	_ =	sdelay $0x1  }
0x1bf: {  	s23 =	simm.s32 $0x4400  }
0x1c0: {  	[tilespmem:s23], [sflag:$0x1] =	stream.indirect_vreg.gather [hbm4b:s3+s2], $0x80, v4, vm0, $0xb8;
	[tilespmem:$0x10400] =	vst v63  }
0x1c1: {  	_ = 	snop  }
0x1c2: {  	[tilespmem:s28], [sflag:$0x1] =	stream.indirect_vreg.gather [hbm4b:s3+s2], $0x80, v3, vm0, $0xb8;
	[tilespmem:$0x10400] =	vst v63  }
0x1c3: {  	v3 =	vld [tilespmem:$0x250];
	_ =	sdelay $0x4  }
0x1c4: {  	v37 =	vshll.u32 v3, $0x1  }
0x1c5: {  	v3 =	vand.u32 $0x7, v3;
	v4 =	vand.u32 $0xFFFFFFF0, v37  }
0x1c6: {  	v3 =	vor.u32 v3, v4  }
0x1c7: {  	v4 =	vperm.xlane v3, v0;
	_ =	sdelay $0x1  }
0x1c8: {  	v3 =	vperm.xlane v3, v2;
	v4 =	vadd.s32 v1, v4;
	_ =	sdelay $0x1  }
0x1c9: {  	v3 =	vadd.s32 v1, v3;
	_ =	sdelay $0x2  }
0x1ca: {  	[tilespmem:s9], [sflag:$0x1] =	stream.indirect_vreg.gather [hbm4b:s3+s2], $0x80, v4, vm0, $0xb8;
	[tilespmem:$0x10400] =	vst v63  }
0x1cb: {  	_ = 	snop  }
0x1cc: {  	[tilespmem:s11], [sflag:$0x1] =	stream.indirect_vreg.gather [hbm4b:s3+s2], $0x80, v3, vm0, $0xb8;
	[tilespmem:$0x10400] =	vst v63  }
0x1cd: {  	v3 =	vld [tilespmem:$0x260];
	_ =	sdelay $0x4  }
0x1ce: {  	v38 =	vshll.u32 v3, $0x1  }
0x1cf: {  	v3 =	vand.u32 $0x7, v3;
	v4 =	vand.u32 $0xFFFFFFF0, v38  }
0x1d0: {  	v3 =	vor.u32 v3, v4  }
0x1d1: {  	v4 =	vperm.xlane v3, v0;
	_ =	sdelay $0x1  }
0x1d2: {  	v3 =	vperm.xlane v3, v2;
	v4 =	vadd.s32 v1, v4;
	_ =	sdelay $0x1  }
0x1d3: {  	v3 =	vadd.s32 v1, v3;
	_ =	sdelay $0x1  }
0x1d4: {  	s26 =	simm.s32 $0x6400  }
0x1d5: {  	[tilespmem:s26], [sflag:$0x1] =	stream.indirect_vreg.gather [hbm4b:s3+s2], $0x80, v4, vm0, $0xb8;
	[tilespmem:$0x10400] =	vst v63  }
0x1d6: {  	_ = 	snop  }
0x1d7: {  	[tilespmem:s31], [sflag:$0x1] =	stream.indirect_vreg.gather [hbm4b:s3+s2], $0x80, v3, vm0, $0xb8;
	[tilespmem:$0x10400] =	vst v63  }
0x1d8: {  	v3 =	vld [tilespmem:$0x270];
	_ =	sdelay $0x4  }
0x1d9: {  	v39 =	vshll.u32 v3, $0x1  }
0x1da: {  	v3 =	vand.u32 $0x7, v3;
	v4 =	vand.u32 $0xFFFFFFF0, v39  }
0x1db: {  	v3 =	vor.u32 v3, v4  }
0x1dc: {  	v4 =	vperm.xlane v3, v0;
	_ =	sdelay $0x1  }
0x1dd: {  	v3 =	vperm.xlane v3, v2;
	v4 =	vadd.s32 v1, v4;
	_ =	sdelay $0x1  }
0x1de: {  	v3 =	vadd.s32 v1, v3;
	_ =	sdelay $0x2  }
0x1df: {  	[tilespmem:s8], [sflag:$0x1] =	stream.indirect_vreg.gather [hbm4b:s3+s2], $0x80, v4, vm0, $0xb8;
	[tilespmem:$0x10400] =	vst v63  }
0x1e0: {  	_ = 	snop  }
0x1e1: {  	[tilespmem:s10], [sflag:$0x1] =	stream.indirect_vreg.gather [hbm4b:s3+s2], $0x80, v3, vm0, $0xb8;
	[tilespmem:$0x10400] =	vst v63  }
0x1e2: {  	_ =	swait.ge [sflag:s14], $0x8000  }
0x1e3: {  	[sflag:s14] =	ssyncset.done $0x0  }
0x1e4: {  	s28 =	rddreg [dreg:$0x8];
	[sflag:s14] =	ssyncadd.s32 $0xFFFF8000  }
0x1e5: {  	[hbm4b:s28+s2] =	stream.linear.scatter [tilespmem:s22], [sflag:$0x4], $0x8000, $0x38;
	[tilespmem:$0x10400] =	vst v63  }
0x1e6: {  	_ =	swait.ge [sflag:s15], $0x8000  }
0x1e7: {  	[sflag:s15] =	ssyncset.done $0x0  }
0x1e8: {  	[sflag:s15] =	ssyncadd.s32 $0xFFFF8000  }
0x1e9: {  	v3 =	vld [tilespmem:$0x280];
	_ =	sdelay $0x4  }
0x1ea: {  	v40 =	vshll.u32 v3, $0x1  }
0x1eb: {  	v3 =	vand.u32 $0x7, v3;
	v4 =	vand.u32 $0xFFFFFFF0, v40  }
0x1ec: {  	v3 =	vor.u32 v3, v4  }
0x1ed: {  	v4 =	vperm.xlane v3, v0;
	_ =	sdelay $0x1  }
0x1ee: {  	v3 =	vperm.xlane v3, v2;
	v4 =	vadd.s32 v1, v4;
	_ =	sdelay $0x1  }
0x1ef: {  	v3 =	vadd.s32 v1, v3;
	_ =	sdelay $0x2  }
0x1f0: {  	[tilespmem:s22], [sflag:$0x2] =	stream.indirect_vreg.gather [hbm4b:s3+s2], $0x80, v4, vm0, $0xb8;
	[tilespmem:$0x10400] =	vst v63  }
0x1f1: {  	s31 =	simm.s32 $0x8C00  }
0x1f2: {  	[tilespmem:s31], [sflag:$0x2] =	stream.indirect_vreg.gather [hbm4b:s3+s2], $0x80, v3, vm0, $0xb8;
	[tilespmem:$0x10400] =	vst v63  }
0x1f3: {  	v3 =	vld [tilespmem:$0x290];
	_ =	sdelay $0x4  }
0x1f4: {  	v41 =	vshll.u32 v3, $0x1  }
0x1f5: {  	v3 =	vand.u32 $0x7, v3;
	v4 =	vand.u32 $0xFFFFFFF0, v41  }
0x1f6: {  	v3 =	vor.u32 v3, v4  }
0x1f7: {  	v4 =	vperm.xlane v3, v0;
	_ =	sdelay $0x1  }
0x1f8: {  	v3 =	vperm.xlane v3, v2;
	v4 =	vadd.s32 v1, v4;
	_ =	sdelay $0x1  }
0x1f9: {  	v3 =	vadd.s32 v1, v3;
	_ =	sdelay $0x2  }
0x1fa: {  	[tilespmem:s0], [sflag:$0x2] =	stream.indirect_vreg.gather [hbm4b:s3+s2], $0x80, v4, vm0, $0xb8;
	[tilespmem:$0x10400] =	vst v63  }
0x1fb: {  	_ = 	snop  }
0x1fc: {  	[tilespmem:s5], [sflag:$0x2] =	stream.indirect_vreg.gather [hbm4b:s3+s2], $0x80, v3, vm0, $0xb8;
	[tilespmem:$0x10400] =	vst v63  }
0x1fd: {  	v3 =	vld [tilespmem:$0x2A0];
	_ =	sdelay $0x4  }
0x1fe: {  	v42 =	vshll.u32 v3, $0x1  }
0x1ff: {  	v3 =	vand.u32 $0x7, v3;
	v4 =	vand.u32 $0xFFFFFFF0, v42  }
0x200: {  	v3 =	vor.u32 v3, v4  }
0x201: {  	v4 =	vperm.xlane v3, v0;
	_ =	sdelay $0x1  }
0x202: {  	v3 =	vperm.xlane v3, v2;
	v4 =	vadd.s32 v1, v4;
	_ =	sdelay $0x1  }
0x203: {  	v3 =	vadd.s32 v1, v3;
	_ =	sdelay $0x2  }
0x204: {  	[tilespmem:s1], [sflag:$0x2] =	stream.indirect_vreg.gather [hbm4b:s3+s2], $0x80, v4, vm0, $0xb8;
	[tilespmem:$0x10400] =	vst v63  }
0x205: {  	_ = 	snop  }
0x206: {  	[tilespmem:s6], [sflag:$0x2] =	stream.indirect_vreg.gather [hbm4b:s3+s2], $0x80, v3, vm0, $0xb8;
	[tilespmem:$0x10400] =	vst v63  }
0x207: {  	v3 =	vld [tilespmem:$0x2B0];
	_ =	sdelay $0x4  }
0x208: {  	v43 =	vshll.u32 v3, $0x1  }
0x209: {  	v3 =	vand.u32 $0x7, v3;
	v4 =	vand.u32 $0xFFFFFFF0, v43  }
0x20a: {  	v3 =	vor.u32 v3, v4  }
0x20b: {  	v4 =	vperm.xlane v3, v0;
	_ =	sdelay $0x1  }
0x20c: {  	v3 =	vperm.xlane v3, v2;
	v4 =	vadd.s32 v1, v4;
	_ =	sdelay $0x1  }
0x20d: {  	v3 =	vadd.s32 v1, v3;
	_ =	sdelay $0x1  }
0x20e: {  	s25 =	simm.s32 $0xB400  }
0x20f: {  	[tilespmem:s25], [sflag:$0x2] =	stream.indirect_vreg.gather [hbm4b:s3+s2], $0x80, v4, vm0, $0xb8;
	[tilespmem:$0x10400] =	vst v63  }
0x210: {  	s29 =	simm.s32 $0xBC00  }
0x211: {  	[tilespmem:s29], [sflag:$0x2] =	stream.indirect_vreg.gather [hbm4b:s3+s2], $0x80, v3, vm0, $0xb8;
	[tilespmem:$0x10400] =	vst v63  }
0x212: {  	v3 =	vld [tilespmem:$0x2C0];
	_ =	sdelay $0x4  }
0x213: {  	v44 =	vshll.u32 v3, $0x1  }
0x214: {  	v3 =	vand.u32 $0x7, v3;
	v4 =	vand.u32 $0xFFFFFFF0, v44  }
0x215: {  	v3 =	vor.u32 v3, v4  }
0x216: {  	v4 =	vperm.xlane v3, v0;
	_ =	sdelay $0x1  }
0x217: {  	v3 =	vperm.xlane v3, v2;
	v4 =	vadd.s32 v1, v4;
	_ =	sdelay $0x1  }
0x218: {  	v3 =	vadd.s32 v1, v3;
	_ =	sdelay $0x1  }
0x219: {  	s21 =	simm.s32 $0xC400  }
0x21a: {  	[tilespmem:s21], [sflag:$0x2] =	stream.indirect_vreg.gather [hbm4b:s3+s2], $0x80, v4, vm0, $0xb8;
	[tilespmem:$0x10400] =	vst v63  }
0x21b: {  	s21 =	simm.s32 $0xCC00  }
0x21c: {  	[tilespmem:s21], [sflag:$0x2] =	stream.indirect_vreg.gather [hbm4b:s3+s2], $0x80, v3, vm0, $0xb8;
	[tilespmem:$0x10400] =	vst v63  }
0x21d: {  	v3 =	vld [tilespmem:$0x2D0];
	_ =	sdelay $0x4  }
0x21e: {  	v45 =	vshll.u32 v3, $0x1  }
0x21f: {  	v3 =	vand.u32 $0x7, v3;
	v4 =	vand.u32 $0xFFFFFFF0, v45  }
0x220: {  	v3 =	vor.u32 v3, v4  }
0x221: {  	v4 =	vperm.xlane v3, v0;
	_ =	sdelay $0x1  }
0x222: {  	v3 =	vperm.xlane v3, v2;
	v4 =	vadd.s32 v1, v4;
	_ =	sdelay $0x1  }
0x223: {  	v3 =	vadd.s32 v1, v3;
	_ =	sdelay $0x1  }
0x224: {  	s17 =	simm.s32 $0xD400  }
0x225: {  	[tilespmem:s17], [sflag:$0x2] =	stream.indirect_vreg.gather [hbm4b:s3+s2], $0x80, v4, vm0, $0xb8;
	[tilespmem:$0x10400] =	vst v63  }
0x226: {  	s29 =	simm.s32 $0xDC00  }
0x227: {  	[tilespmem:s29], [sflag:$0x2] =	stream.indirect_vreg.gather [hbm4b:s3+s2], $0x80, v3, vm0, $0xb8;
	[tilespmem:$0x10400] =	vst v63  }
0x228: {  	v3 =	vld [tilespmem:$0x2E0];
	_ =	sdelay $0x4  }
0x229: {  	v46 =	vshll.u32 v3, $0x1  }
0x22a: {  	v3 =	vand.u32 $0x7, v3;
	v4 =	vand.u32 $0xFFFFFFF0, v46  }
0x22b: {  	v3 =	vor.u32 v3, v4  }
0x22c: {  	v4 =	vperm.xlane v3, v0;
	_ =	sdelay $0x1  }
0x22d: {  	v3 =	vperm.xlane v3, v2;
	v4 =	vadd.s32 v1, v4;
	_ =	sdelay $0x1  }
0x22e: {  	v3 =	vadd.s32 v1, v3;
	_ =	sdelay $0x1  }
0x22f: {  	s30 =	simm.s32 $0xE400  }
0x230: {  	[tilespmem:s30], [sflag:$0x2] =	stream.indirect_vreg.gather [hbm4b:s3+s2], $0x80, v4, vm0, $0xb8;
	[tilespmem:$0x10400] =	vst v63  }
0x231: {  	s17 =	simm.s32 $0xEC00  }
0x232: {  	[tilespmem:s17], [sflag:$0x2] =	stream.indirect_vreg.gather [hbm4b:s3+s2], $0x80, v3, vm0, $0xb8;
	[tilespmem:$0x10400] =	vst v63  }
0x233: {  	v3 =	vld [tilespmem:$0x2F0];
	_ =	sdelay $0x4  }
0x234: {  	v47 =	vshll.u32 v3, $0x1  }
0x235: {  	v3 =	vand.u32 $0x7, v3;
	v4 =	vand.u32 $0xFFFFFFF0, v47  }
0x236: {  	v3 =	vor.u32 v3, v4  }
0x237: {  	v4 =	vperm.xlane v3, v0;
	_ =	sdelay $0x1  }
0x238: {  	v3 =	vperm.xlane v3, v2;
	v4 =	vadd.s32 v1, v4;
	_ =	sdelay $0x1  }
0x239: {  	v3 =	vadd.s32 v1, v3;
	_ =	sdelay $0x1  }
0x23a: {  	s19 =	simm.s32 $0xF400  }
0x23b: {  	[tilespmem:s19], [sflag:$0x2] =	stream.indirect_vreg.gather [hbm4b:s3+s2], $0x80, v4, vm0, $0xb8;
	[tilespmem:$0x10400] =	vst v63  }
0x23c: {  	s19 =	simm.s32 $0xFC00  }
0x23d: {  	[tilespmem:s19], [sflag:$0x2] =	stream.indirect_vreg.gather [hbm4b:s3+s2], $0x80, v3, vm0, $0xb8;
	[tilespmem:$0x10400] =	vst v63  }
0x23e: {  	_ =	swait.ge [sflag:s12], $0x8000  }
0x23f: {  	[sflag:s12] =	ssyncset.done $0x0  }
0x240: {  	s16 =	rddreg [dreg:$0x9];
	[sflag:s12] =	ssyncadd.s32 $0xFFFF8000  }
0x241: {  	[hbm4b:s16+s2] =	stream.linear.scatter [tilespmem:s24], [sflag:$0x3], $0x8000, $0x38;
	[tilespmem:$0x10400] =	vst v63  }
0x242: {  	_ =	swait.ge [sflag:s13], $0x8000  }
0x243: {  	[sflag:s13] =	ssyncset.done $0x0  }
0x244: {  	[sflag:s13] =	ssyncadd.s32 $0xFFFF8000  }
0x245: {  	v3 =	vld [tilespmem:$0x300];
	_ =	sdelay $0x4  }
0x246: {  	v48 =	vshll.u32 v3, $0x1  }
0x247: {  	v3 =	vand.u32 $0x7, v3;
	v4 =	vand.u32 $0xFFFFFFF0, v48  }
0x248: {  	v3 =	vor.u32 v3, v4  }
0x249: {  	v4 =	vperm.xlane v3, v0;
	_ =	sdelay $0x1  }
0x24a: {  	v3 =	vperm.xlane v3, v2;
	v4 =	vadd.s32 v1, v4;
	_ =	sdelay $0x1  }
0x24b: {  	v3 =	vadd.s32 v1, v3;
	_ =	sdelay $0x2  }
0x24c: {  	[tilespmem:s24], [sflag:$0x1] =	stream.indirect_vreg.gather [hbm4b:s3+s2], $0x80, v4, vm0, $0xb8;
	[tilespmem:$0x10400] =	vst v63  }
0x24d: {  	s16 =	simm.s32 $0xC00  }
0x24e: {  	[tilespmem:s16], [sflag:$0x1] =	stream.indirect_vreg.gather [hbm4b:s3+s2], $0x80, v3, vm0, $0xb8;
	[tilespmem:$0x10400] =	vst v63  }
0x24f: {  	v3 =	vld [tilespmem:$0x310];
	_ =	sdelay $0x4  }
0x250: {  	v49 =	vshll.u32 v3, $0x1  }
0x251: {  	v3 =	vand.u32 $0x7, v3;
	v4 =	vand.u32 $0xFFFFFFF0, v49  }
0x252: {  	v3 =	vor.u32 v3, v4  }
0x253: {  	v4 =	vperm.xlane v3, v0;
	_ =	sdelay $0x1  }
0x254: {  	v3 =	vperm.xlane v3, v2;
	v4 =	vadd.s32 v1, v4;
	_ =	sdelay $0x1  }
0x255: {  	v3 =	vadd.s32 v1, v3;
	_ =	sdelay $0x1  }
0x256: {  	s16 =	simm.s32 $0x1400  }
0x257: {  	[tilespmem:s16], [sflag:$0x1] =	stream.indirect_vreg.gather [hbm4b:s3+s2], $0x80, v4, vm0, $0xb8;
	[tilespmem:$0x10400] =	vst v63  }
0x258: {  	s20 =	simm.s32 $0x1C00  }
0x259: {  	[tilespmem:s20], [sflag:$0x1] =	stream.indirect_vreg.gather [hbm4b:s3+s2], $0x80, v3, vm0, $0xb8;
	[tilespmem:$0x10400] =	vst v63  }
0x25a: {  	v3 =	vld [tilespmem:$0x320];
	_ =	sdelay $0x4  }
0x25b: {  	v50 =	vshll.u32 v3, $0x1  }
0x25c: {  	v3 =	vand.u32 $0x7, v3;
	v4 =	vand.u32 $0xFFFFFFF0, v50  }
0x25d: {  	v3 =	vor.u32 v3, v4  }
0x25e: {  	v4 =	vperm.xlane v3, v0;
	_ =	sdelay $0x1  }
0x25f: {  	v3 =	vperm.xlane v3, v2;
	v4 =	vadd.s32 v1, v4;
	_ =	sdelay $0x1  }
0x260: {  	v3 =	vadd.s32 v1, v3;
	_ =	sdelay $0x1  }
0x261: {  	s20 =	simm.s32 $0x2400  }
0x262: {  	[tilespmem:s20], [sflag:$0x1] =	stream.indirect_vreg.gather [hbm4b:s3+s2], $0x80, v4, vm0, $0xb8;
	[tilespmem:$0x10400] =	vst v63  }
0x263: {  	s18 =	simm.s32 $0x2C00  }
0x264: {  	[tilespmem:s18], [sflag:$0x1] =	stream.indirect_vreg.gather [hbm4b:s3+s2], $0x80, v3, vm0, $0xb8;
	[tilespmem:$0x10400] =	vst v63  }
0x265: {  	v3 =	vld [tilespmem:$0x330];
	_ =	sdelay $0x4  }
0x266: {  	v51 =	vshll.u32 v3, $0x1  }
0x267: {  	v3 =	vand.u32 $0x7, v3;
	v4 =	vand.u32 $0xFFFFFFF0, v51  }
0x268: {  	v3 =	vor.u32 v3, v4  }
0x269: {  	v4 =	vperm.xlane v3, v0;
	_ =	sdelay $0x1  }
0x26a: {  	v3 =	vperm.xlane v3, v2;
	v4 =	vadd.s32 v1, v4;
	_ =	sdelay $0x1  }
0x26b: {  	v3 =	vadd.s32 v1, v3;
	_ =	sdelay $0x1  }
0x26c: {  	s7 =	simm.s32 $0x3400  }
0x26d: {  	[tilespmem:s7], [sflag:$0x1] =	stream.indirect_vreg.gather [hbm4b:s3+s2], $0x80, v4, vm0, $0xb8;
	[tilespmem:$0x10400] =	vst v63  }
0x26e: {  	s20 =	simm.s32 $0x3C00  }
0x26f: {  	[tilespmem:s20], [sflag:$0x1] =	stream.indirect_vreg.gather [hbm4b:s3+s2], $0x80, v3, vm0, $0xb8;
	[tilespmem:$0x10400] =	vst v63  }
0x270: {  	v3 =	vld [tilespmem:$0x340];
	_ =	sdelay $0x4  }
0x271: {  	v52 =	vshll.u32 v3, $0x1  }
0x272: {  	v3 =	vand.u32 $0x7, v3;
	v4 =	vand.u32 $0xFFFFFFF0, v52  }
0x273: {  	v3 =	vor.u32 v3, v4  }
0x274: {  	v4 =	vperm.xlane v3, v0;
	_ =	sdelay $0x1  }
0x275: {  	v3 =	vperm.xlane v3, v2;
	v4 =	vadd.s32 v1, v4;
	_ =	sdelay $0x1  }
0x276: {  	v3 =	vadd.s32 v1, v3;
	_ =	sdelay $0x1  }
0x277: {  	s16 =	simm.s32 $0x4400  }
0x278: {  	[tilespmem:s16], [sflag:$0x1] =	stream.indirect_vreg.gather [hbm4b:s3+s2], $0x80, v4, vm0, $0xb8;
	[tilespmem:$0x10400] =	vst v63  }
0x279: {  	s23 =	simm.s32 $0x4C00  }
0x27a: {  	[tilespmem:s23], [sflag:$0x1] =	stream.indirect_vreg.gather [hbm4b:s3+s2], $0x80, v3, vm0, $0xb8;
	[tilespmem:$0x10400] =	vst v63  }
0x27b: {  	v3 =	vld [tilespmem:$0x350];
	_ =	sdelay $0x4  }
0x27c: {  	v53 =	vshll.u32 v3, $0x1  }
0x27d: {  	v3 =	vand.u32 $0x7, v3;
	v4 =	vand.u32 $0xFFFFFFF0, v53  }
0x27e: {  	v3 =	vor.u32 v3, v4  }
0x27f: {  	v4 =	vperm.xlane v3, v0;
	_ =	sdelay $0x1  }
0x280: {  	v3 =	vperm.xlane v3, v2;
	v4 =	vadd.s32 v1, v4;
	_ =	sdelay $0x1  }
0x281: {  	v3 =	vadd.s32 v1, v3;
	_ =	sdelay $0x1  }
0x282: {  	s9 =	simm.s32 $0x5400  }
0x283: {  	[tilespmem:s9], [sflag:$0x1] =	stream.indirect_vreg.gather [hbm4b:s3+s2], $0x80, v4, vm0, $0xb8;
	[tilespmem:$0x10400] =	vst v63  }
0x284: {  	s11 =	simm.s32 $0x5C00  }
0x285: {  	[tilespmem:s11], [sflag:$0x1] =	stream.indirect_vreg.gather [hbm4b:s3+s2], $0x80, v3, vm0, $0xb8;
	[tilespmem:$0x10400] =	vst v63  }
0x286: {  	v3 =	vld [tilespmem:$0x360];
	_ =	sdelay $0x4  }
0x287: {  	v54 =	vshll.u32 v3, $0x1  }
0x288: {  	v3 =	vand.u32 $0x7, v3;
	v4 =	vand.u32 $0xFFFFFFF0, v54  }
0x289: {  	v3 =	vor.u32 v3, v4  }
0x28a: {  	v4 =	vperm.xlane v3, v0;
	_ =	sdelay $0x1  }
0x28b: {  	v3 =	vperm.xlane v3, v2;
	v4 =	vadd.s32 v1, v4;
	_ =	sdelay $0x1  }
0x28c: {  	v3 =	vadd.s32 v1, v3;
	_ =	sdelay $0x1  }
0x28d: {  	s18 =	simm.s32 $0x6400  }
0x28e: {  	[tilespmem:s18], [sflag:$0x1] =	stream.indirect_vreg.gather [hbm4b:s3+s2], $0x80, v4, vm0, $0xb8;
	[tilespmem:$0x10400] =	vst v63  }
0x28f: {  	s26 =	simm.s32 $0x6C00  }
0x290: {  	[tilespmem:s26], [sflag:$0x1] =	stream.indirect_vreg.gather [hbm4b:s3+s2], $0x80, v3, vm0, $0xb8;
	[tilespmem:$0x10400] =	vst v63  }
0x291: {  	v3 =	vld [tilespmem:$0x370];
	_ =	sdelay $0x4  }
0x292: {  	v55 =	vshll.u32 v3, $0x1  }
0x293: {  	v3 =	vand.u32 $0x7, v3;
	v4 =	vand.u32 $0xFFFFFFF0, v55  }
0x294: {  	v3 =	vor.u32 v3, v4  }
0x295: {  	v4 =	vperm.xlane v3, v0;
	_ =	sdelay $0x1  }
0x296: {  	v3 =	vperm.xlane v3, v2;
	v4 =	vadd.s32 v1, v4;
	_ =	sdelay $0x1  }
0x297: {  	v3 =	vadd.s32 v1, v3;
	_ =	sdelay $0x1  }
0x298: {  	s8 =	simm.s32 $0x7400  }
0x299: {  	[tilespmem:s8], [sflag:$0x1] =	stream.indirect_vreg.gather [hbm4b:s3+s2], $0x80, v4, vm0, $0xb8;
	[tilespmem:$0x10400] =	vst v63  }
0x29a: {  	s10 =	simm.s32 $0x7C00  }
0x29b: {  	[tilespmem:s10], [sflag:$0x1] =	stream.indirect_vreg.gather [hbm4b:s3+s2], $0x80, v3, vm0, $0xb8;
	[tilespmem:$0x10400] =	vst v63  }
0x29c: {  	_ =	swait.ge [sflag:s14], $0x8000  }
0x29d: {  	[sflag:s14] =	ssyncset.done $0x0  }
0x29e: {  	s20 =	rddreg [dreg:$0xa];
	[sflag:s14] =	ssyncadd.s32 $0xFFFF8000  }
0x29f: {  	[hbm4b:s20+s2] =	stream.linear.scatter [tilespmem:s22], [sflag:$0x4], $0x8000, $0x38;
	[tilespmem:$0x10400] =	vst v63  }
0x2a0: {  	_ =	swait.ge [sflag:s15], $0x8000  }
0x2a1: {  	[sflag:s15] =	ssyncset.done $0x0  }
0x2a2: {  	[sflag:s15] =	ssyncadd.s32 $0xFFFF8000  }
0x2a3: {  	v3 =	vld [tilespmem:$0x380];
	_ =	sdelay $0x4  }
0x2a4: {  	v56 =	vshll.u32 v3, $0x1  }
0x2a5: {  	v3 =	vand.u32 $0x7, v3;
	v4 =	vand.u32 $0xFFFFFFF0, v56  }
0x2a6: {  	v3 =	vor.u32 v3, v4  }
0x2a7: {  	v4 =	vperm.xlane v3, v0;
	_ =	sdelay $0x1  }
0x2a8: {  	v3 =	vperm.xlane v3, v2;
	v4 =	vadd.s32 v1, v4;
	_ =	sdelay $0x1  }
0x2a9: {  	v3 =	vadd.s32 v1, v3;
	_ =	sdelay $0x2  }
0x2aa: {  	[tilespmem:s22], [sflag:$0x2] =	stream.indirect_vreg.gather [hbm4b:s3+s2], $0x80, v4, vm0, $0xb8;
	[tilespmem:$0x10400] =	vst v63  }
0x2ab: {  	s23 =	simm.s32 $0x8C00  }
0x2ac: {  	[tilespmem:s23], [sflag:$0x2] =	stream.indirect_vreg.gather [hbm4b:s3+s2], $0x80, v3, vm0, $0xb8;
	[tilespmem:$0x10400] =	vst v63  }
0x2ad: {  	v3 =	vld [tilespmem:$0x390];
	_ =	sdelay $0x4  }
0x2ae: {  	v57 =	vshll.u32 v3, $0x1  }
0x2af: {  	v3 =	vand.u32 $0x7, v3;
	v4 =	vand.u32 $0xFFFFFFF0, v57  }
0x2b0: {  	v3 =	vor.u32 v3, v4  }
0x2b1: {  	v4 =	vperm.xlane v3, v0;
	_ =	sdelay $0x1  }
0x2b2: {  	v3 =	vperm.xlane v3, v2;
	v4 =	vadd.s32 v1, v4;
	_ =	sdelay $0x1  }
0x2b3: {  	v3 =	vadd.s32 v1, v3;
	_ =	sdelay $0x1  }
0x2b4: {  	s0 =	simm.s32 $0x9400  }
0x2b5: {  	[tilespmem:s0], [sflag:$0x2] =	stream.indirect_vreg.gather [hbm4b:s3+s2], $0x80, v4, vm0, $0xb8;
	[tilespmem:$0x10400] =	vst v63  }
0x2b6: {  	s5 =	simm.s32 $0x9C00  }
0x2b7: {  	[tilespmem:s5], [sflag:$0x2] =	stream.indirect_vreg.gather [hbm4b:s3+s2], $0x80, v3, vm0, $0xb8;
	[tilespmem:$0x10400] =	vst v63  }
0x2b8: {  	v3 =	vld [tilespmem:$0x3A0];
	_ =	sdelay $0x4  }
0x2b9: {  	v58 =	vshll.u32 v3, $0x1  }
0x2ba: {  	v3 =	vand.u32 $0x7, v3;
	v4 =	vand.u32 $0xFFFFFFF0, v58  }
0x2bb: {  	v3 =	vor.u32 v3, v4  }
0x2bc: {  	v4 =	vperm.xlane v3, v0;
	_ =	sdelay $0x1  }
0x2bd: {  	v3 =	vperm.xlane v3, v2;
	v4 =	vadd.s32 v1, v4;
	_ =	sdelay $0x1  }
0x2be: {  	v3 =	vadd.s32 v1, v3;
	_ =	sdelay $0x1  }
0x2bf: {  	s1 =	simm.s32 $0xA400  }
0x2c0: {  	[tilespmem:s1], [sflag:$0x2] =	stream.indirect_vreg.gather [hbm4b:s3+s2], $0x80, v4, vm0, $0xb8;
	[tilespmem:$0x10400] =	vst v63  }
0x2c1: {  	s6 =	simm.s32 $0xAC00  }
0x2c2: {  	[tilespmem:s6], [sflag:$0x2] =	stream.indirect_vreg.gather [hbm4b:s3+s2], $0x80, v3, vm0, $0xb8;
	[tilespmem:$0x10400] =	vst v63  }
0x2c3: {  	v3 =	vld [tilespmem:$0x3B0];
	_ =	sdelay $0x4  }
0x2c4: {  	v59 =	vshll.u32 v3, $0x1  }
0x2c5: {  	v3 =	vand.u32 $0x7, v3;
	v4 =	vand.u32 $0xFFFFFFF0, v59  }
0x2c6: {  	v3 =	vor.u32 v3, v4  }
0x2c7: {  	v4 =	vperm.xlane v3, v0;
	_ =	sdelay $0x1  }
0x2c8: {  	v3 =	vperm.xlane v3, v2;
	v4 =	vadd.s32 v1, v4;
	_ =	sdelay $0x1  }
0x2c9: {  	v3 =	vadd.s32 v1, v3;
	_ =	sdelay $0x1  }
0x2ca: {  	s31 =	simm.s32 $0xB400  }
0x2cb: {  	[tilespmem:s31], [sflag:$0x2] =	stream.indirect_vreg.gather [hbm4b:s3+s2], $0x80, v4, vm0, $0xb8;
	[tilespmem:$0x10400] =	vst v63  }
0x2cc: {  	s25 =	simm.s32 $0xBC00  }
0x2cd: {  	[tilespmem:s25], [sflag:$0x2] =	stream.indirect_vreg.gather [hbm4b:s3+s2], $0x80, v3, vm0, $0xb8;
	[tilespmem:$0x10400] =	vst v63  }
0x2ce: {  	v3 =	vld [tilespmem:$0x3C0];
	_ =	sdelay $0x4  }
0x2cf: {  	v60 =	vshll.u32 v3, $0x1  }
0x2d0: {  	v3 =	vand.u32 $0x7, v3;
	v4 =	vand.u32 $0xFFFFFFF0, v60  }
0x2d1: {  	v3 =	vor.u32 v3, v4  }
0x2d2: {  	v4 =	vperm.xlane v3, v0;
	_ =	sdelay $0x1  }
0x2d3: {  	v3 =	vperm.xlane v3, v2;
	v4 =	vadd.s32 v1, v4;
	_ =	sdelay $0x1  }
0x2d4: {  	v3 =	vadd.s32 v1, v3;
	_ =	sdelay $0x1  }
0x2d5: {  	s28 =	simm.s32 $0xC400  }
0x2d6: {  	[tilespmem:s28], [sflag:$0x2] =	stream.indirect_vreg.gather [hbm4b:s3+s2], $0x80, v4, vm0, $0xb8;
	[tilespmem:$0x10400] =	vst v63  }
0x2d7: {  	s26 =	simm.s32 $0xCC00  }
0x2d8: {  	[tilespmem:s26], [sflag:$0x2] =	stream.indirect_vreg.gather [hbm4b:s3+s2], $0x80, v3, vm0, $0xb8;
	[tilespmem:$0x10400] =	vst v63  }
0x2d9: {  	v3 =	vld [tilespmem:$0x3D0];
	_ =	sdelay $0x4  }
0x2da: {  	v61 =	vshll.u32 v3, $0x1  }
0x2db: {  	v3 =	vand.u32 $0x7, v3;
	v4 =	vand.u32 $0xFFFFFFF0, v61  }
0x2dc: {  	v3 =	vor.u32 v3, v4  }
0x2dd: {  	v4 =	vperm.xlane v3, v0;
	_ =	sdelay $0x1  }
0x2de: {  	v3 =	vperm.xlane v3, v2;
	v4 =	vadd.s32 v1, v4;
	_ =	sdelay $0x1  }
0x2df: {  	v3 =	vadd.s32 v1, v3;
	_ =	sdelay $0x1  }
0x2e0: {  	s21 =	simm.s32 $0xD400  }
0x2e1: {  	[tilespmem:s21], [sflag:$0x2] =	stream.indirect_vreg.gather [hbm4b:s3+s2], $0x80, v4, vm0, $0xb8;
	[tilespmem:$0x10400] =	vst v63  }
0x2e2: {  	s28 =	simm.s32 $0xDC00  }
0x2e3: {  	[tilespmem:s28], [sflag:$0x2] =	stream.indirect_vreg.gather [hbm4b:s3+s2], $0x80, v3, vm0, $0xb8;
	[tilespmem:$0x10400] =	vst v63  }
0x2e4: {  	v3 =	vld [tilespmem:$0x3E0];
	_ =	sdelay $0x4  }
0x2e5: {  	v62 =	vshll.u32 v3, $0x1  }
0x2e6: {  	v3 =	vand.u32 $0x7, v3;
	v4 =	vand.u32 $0xFFFFFFF0, v62  }
0x2e7: {  	v3 =	vor.u32 v3, v4  }
0x2e8: {  	v4 =	vperm.xlane v3, v0;
	_ =	sdelay $0x1  }
0x2e9: {  	v3 =	vperm.xlane v3, v2;
	v4 =	vadd.s32 v1, v4;
	_ =	sdelay $0x1  }
0x2ea: {  	v3 =	vadd.s32 v1, v3;
	_ =	sdelay $0x1  }
0x2eb: {  	s29 =	simm.s32 $0xE400  }
0x2ec: {  	[tilespmem:s29], [sflag:$0x2] =	stream.indirect_vreg.gather [hbm4b:s3+s2], $0x80, v4, vm0, $0xb8;
	[tilespmem:$0x10400] =	vst v63  }
0x2ed: {  	s30 =	simm.s32 $0xEC00  }
0x2ee: {  	[tilespmem:s30], [sflag:$0x2] =	stream.indirect_vreg.gather [hbm4b:s3+s2], $0x80, v3, vm0, $0xb8;
	[tilespmem:$0x10400] =	vst v63  }
0x2ef: {  	v3 =	vld [tilespmem:$0x3F0];
	_ =	sdelay $0x4  }
0x2f0: {  	v63 =	vshll.u32 v3, $0x1  }
0x2f1: {  	v3 =	vand.u32 $0x7, v3;
	v4 =	vand.u32 $0xFFFFFFF0, v63  }
0x2f2: {  	v3 =	vor.u32 v3, v4  }
0x2f3: {  	v4 =	vperm.xlane v3, v0;
	_ =	sdelay $0x1  }
0x2f4: {  	v3 =	vperm.xlane v3, v2;
	v4 =	vadd.s32 v1, v4;
	_ =	sdelay $0x1  }
0x2f5: {  	v3 =	vadd.s32 v1, v3;
	_ =	sdelay $0x1  }
0x2f6: {  	s17 =	simm.s32 $0xF400  }
0x2f7: {  	[tilespmem:s17], [sflag:$0x2] =	stream.indirect_vreg.gather [hbm4b:s3+s2], $0x80, v4, vm0, $0xb8;
	[tilespmem:$0x10400] =	vst v63  }
0x2f8: {  	s19 =	simm.s32 $0xFC00  }
0x2f9: {  	[tilespmem:s19], [sflag:$0x2] =	stream.indirect_vreg.gather [hbm4b:s3+s2], $0x80, v3, vm0, $0xb8;
	[tilespmem:$0x10400] =	vst v63  }
0x2fa: {  	_ =	swait.ge [sflag:s12], $0x8000  }
0x2fb: {  	[sflag:s12] =	ssyncset.done $0x0  }
0x2fc: {  	s30 =	rddreg [dreg:$0xb];
	[sflag:s12] =	ssyncadd.s32 $0xFFFF8000  }
0x2fd: {  	[hbm4b:s30+s2] =	stream.linear.scatter [tilespmem:s24], [sflag:$0x3], $0x8000, $0x38;
	[tilespmem:$0x10400] =	vst v63  }
0x2fe: {  	_ =	swait.ge [sflag:s14], $0x8000  }
0x2ff: {  	[sflag:s14] =	ssyncset.done $0x0  }
0x300: {  	s31 =	rddreg [dreg:$0xc];
	[sflag:s14] =	ssyncadd.s32 $0xFFFF8000  }
0x301: {  	[hbm4b:s31+s2] =	stream.linear.scatter [tilespmem:s22], [sflag:$0x4], $0x8000, $0x38;
	[tilespmem:$0x10400] =	vst v63  }
0x302: {  	p0 =	sne.s32 s4, $0x1;
	_ =	swait.ge [sflag:s13], $0x8000  }
.Ltmp0:
0x303: {  	[sflag:s13] =	ssyncset.done $0x0;
	(pc) =	sbr.rel @p0 .LBB2_1-.Ltmp0, $4  }
0x304: {  	[sflag:s13] =	ssyncadd.s32 $0xFFFF8000  }
0x305: {  	_ =	swait.ge [sflag:s15], $0x8000  }
0x306: {  	[sflag:s15] =	ssyncset.done $0x0  }
0x307: {  	s4 =	sadd.s32 $0xFFFFFFFF, s4;
	[sflag:s15] =	ssyncadd.s32 $0xFFFF8000  }
0x308: {  	_ =	sfence.sel $0x180000  }
0x309: {  	[bflag:$0x0] =	sbarrier.arrive $0xFFFF  }
0x30a: {  	_ =	strace $0x9000004A  }
0x30b: {  	s0 =	stileid.u32;
	[bflag:$0x2] =	sbarrier.arrive $0xFFFF  }
0x30c: {  	p0 =	sne.s32 s0, $0x0;
	s0 =	rddreg [dreg:$0x2]  }
0x30d: {  	s0 =	sadd.s32 @!p0 $0x100000, s0  }
0x30e: {  	[sflag:s0] =	ssyncadd.tile.s32 @!p0 $0x1;
	_ =	shalt  }
.Lfunc_end2:
_tile_overlayer_lowered:
.L_overlay_start_2:
0x30f: {  	(tag) =	ssettag $0x2  }
0x310: {  	s0 =	rddreg [dreg:$0x0];
	s2 =	stileid.u32  }
0x311: {  	s1 =	rddreg [dreg:$0x1];
	p0 =	sne.s32 s2, $0x0  }
0x312: {  	s3 =	rddreg [dreg:$0x2];
	[bflag:$0x3] =	sbarrier.arrive $0xFFFF;
	s2 =	simm.s32 @!p0 $0x1C05  }
0x313: {  	[timem:s3], [sflag:s2] =	dma.local @!p0 [hbm:s0], s1  }
0x314: {  	s0 =	simm.s32 @!p0 $0x5  }
0x315: {  	_ =	swait.ge @!p0 [sflag:s0], s1  }
0x316: {  	s1 =	ssub.s32 @!p0 $0x0, s1;
	[sflag:s0] =	ssyncset.done @!p0 $0x0  }
0x317: {  	[sflag:s0] =	ssyncadd.s32 @!p0 s1  }
0x318: {  	[bflag:$0x3] =	sbarrier.arrive $0xFFFF  }
0x319: {  	_ =	shalt  }

// kernel: kernel.7.cloned.1.call-start
scs
__scs_entry_jumppad:
0x0: {  	(pc) =	sbr.rel $0x88, $3  }
0x1: {  	(tag) =	ssettag $0x0;
	lr =	simm.s32 $0x1  }
0x2: {  	[smem:$0x3F83] =	sst lr;
	_ =	strace $0xD0000000  }
0x3: {  	_ = 	snop  }
0x4: {  	_ = 	snop  }
0x5: {  	_ = 	snop  }
0x6: {  	_ = 	snop  }
0x7: {  	_ = 	snop  }
__scs_overlays_trampoline_lowered:
0x8: {  	[smem:$0x3F92] =	sst s0  }
0x9: {  	[smem:$0x3F93] =	sst s1  }
0xa: {  	[smem:$0x3F94] =	sst s2  }
0xb: {  	[smem:$0x3F95] =	sst s3  }
0xc: {  	[smem:$0x3F96] =	sst s4  }
0xd: {  	[smem:$0x3F97] =	sst s5  }
0xe: {  	[smem:$0x3F98] =	sst s6  }
0xf: {  	[smem:$0x3F99] =	sst s7  }
0x10: {  	[smem:$0x3F9A] =	sst s8  }
0x11: {  	[smem:$0x3F9B] =	sst s9;
	s0 =	simm.s32 @!p0 $0x0  }
0x12: {  	s1 =	sld [smem:$0x3F81];
	s0 =	simm.s32 @p0 $0x1  }
0x13: {  	[smem:$0x3F9C] =	sst s0;
	s0 =	simm.s32 @!p1 $0x0  }
0x14: {  	s2 =	sld [smem:$0x3F80];
	s0 =	simm.s32 @p1 $0x1  }
0x15: {  	[smem:$0x3F9D] =	sst s0;
	s0 =	simm.s32 @!p2 $0x0  }
0x16: {  	s3 =	sld [smem:$0x3FDB];
	s0 =	simm.s32 @p2 $0x1  }
0x17: {  	s4 =	simm.s32 $0x1BF5;
	[smem:$0x3F9F] =	sst s0  }
0x18: {  	s0 =	sld [smem:$0x3F82];
	_ =	swait.ge [sflag:s4], $0x0  }
0x19: {  	s7 =	sld [smem:$0x3F83]  }
0x1a: {  	s8 =	sadd.s32 $0xFFFFE003, lr  }
0x1b: {  	s9 =	sadd.s32 $0xFFFFFEF7, lr;
	s5 =	simm.s32 $0xFFFFFFFF;
	p2 =	slt.u32 s8, $0xFFFFF086  }
0x1c: {  	p1 =	slt.u32 s9, $0xF7A;
	s5 =	simm.s32 @!p2 $0x0  }
0x1d: {  	s5 =	simm.s32 @p1 $0x1;
	p0 =	seq.s32 s7, s2  }
0x1e: {  	s7 =	smul.u32 @!p0 $0xF7A, s2;
	p2 =	seq.s32 @!p0 s5, $0x0  }
0x1f: {  	s9 =	smul.u32 $0xF7A, s1;
	s8 =	simm.s32 @!p0 $0x1BF5;
	p2 =	por !p2, p0  }
0x20: {  	[sflag:s8] =	ssyncset.s32 @!p0 $0xFFFFF086;
	s6 =	sadd.s32 @!p0 s3, s7;
	s7 =	simm.s32 @!p0 $0x108  }
0x21: {  	s3 =	sadd.s32 s3, s9;
	s6 =	sadd.s32 @!p0 $0x88, s6;
	s7 =	simm.s32 @p2 $0x1082  }
0x22: {  	[simem:s7], [sflag:s8] =	dma.local @!p0 [hbm:s6], $0xF7A  }
0x23: {  	s9 =	sor.u32 $0xD0000000, s2;
	s6 =	simm.s32 $0x108;
	_ =	swait.ge @!p0 [sflag:s8], $0x0  }
0x24: {  	s3 =	sadd.s32 $0x88, s3;
	s6 =	simm.s32 @!p1 $0x1082;
	[sflag:s4] =	ssyncset.s32 $0xFFFFF086  }
0x25: {  	[simem:s6], [sflag:s4] =	dma.local [hbm:s3], $0xF7A  }
0x26: {  	[smem:$0x3F83] =	sst s1;
	(tag) =	ssettag s2;
	_ =	strace s9  }
0x27: {  	s1 =	sld [smem:$0x3F93]  }
0x28: {  	s2 =	sld [smem:$0x3F94]  }
0x29: {  	s4 =	sld [smem:$0x3F96]  }
0x2a: {  	p0 =	seq.s32 s5, $0x0;
	s5 =	sld [smem:$0x3F97]  }
0x2b: {  	s6 =	sld [smem:$0x3F98]  }
0x2c: {  	s7 =	sld [smem:$0x3F99]  }
0x2d: {  	s3 =	simm.s32 $0x108;
	s8 =	sld [smem:$0x3F9A]  }
0x2e: {  	s3 =	simm.s32 @!p0 $0x1082;
	s9 =	sld [smem:$0x3F9B]  }
0x2f: {  	lr =	sadd.s32 s0, s3;
	s0 =	sld [smem:$0x3F92]  }
0x30: {  	s3 =	sld [smem:$0x3F95]  }
0x31: {  	[smem:$0x3F9E] =	sst s10  }
0x32: {  	s10 =	sld [smem:$0x3F9C];
	_ =	sdelay $0x3  }
0x33: {  	p0 =	seq.s32 s10, $0x1;
	s10 =	sld [smem:$0x3F9E];
	_ =	sdelay $0x3  }
0x34: {  	[smem:$0x3F9E] =	sst s10  }
0x35: {  	s10 =	sld [smem:$0x3F9D];
	_ =	sdelay $0x3  }
0x36: {  	p1 =	seq.s32 s10, $0x1;
	s10 =	sld [smem:$0x3F9E];
	_ =	sdelay $0x3  }
0x37: {  	[smem:$0x3F9E] =	sst s10  }
0x38: {  	s10 =	sld [smem:$0x3F9F]  }
0x39: {  	_ = 	snop;
	(pc) =	sbr.ind lr, $3  }
0x3a: {  	_ = 	snop  }
0x3b: {  	_ = 	snop  }
0x3c: {  	p2 =	seq.s32 s10, $0x1;
	s10 =	sld [smem:$0x3F9E]  }
0x3d: {  	_ =	shalt  }
0x3e: {  	_ =	shalt  }
0x3f: {  	_ =	shalt  }
0x40: {  	_ =	shalt  }
0x41: {  	_ =	shalt  }
0x42: {  	_ =	shalt  }
0x43: {  	_ =	shalt  }
0x44: {  	_ =	shalt  }
0x45: {  	_ =	shalt  }
0x46: {  	_ =	shalt  }
0x47: {  	_ =	shalt  }
0x48: {  	_ =	shalt  }
0x49: {  	_ =	shalt  }
0x4a: {  	_ =	shalt  }
0x4b: {  	_ =	shalt  }
0x4c: {  	_ =	shalt  }
0x4d: {  	_ =	shalt  }
0x4e: {  	_ =	shalt  }
0x4f: {  	_ =	shalt  }
0x50: {  	_ =	shalt  }
0x51: {  	_ =	shalt  }
0x52: {  	_ =	shalt  }
0x53: {  	_ =	shalt  }
0x54: {  	_ =	shalt  }
0x55: {  	_ =	shalt  }
0x56: {  	_ =	shalt  }
0x57: {  	_ =	shalt  }
0x58: {  	_ =	shalt  }
0x59: {  	_ =	shalt  }
0x5a: {  	_ =	shalt  }
0x5b: {  	_ =	shalt  }
0x5c: {  	_ =	shalt  }
0x5d: {  	_ =	shalt  }
0x5e: {  	_ =	shalt  }
0x5f: {  	_ =	shalt  }
0x60: {  	_ =	shalt  }
0x61: {  	_ =	shalt  }
0x62: {  	_ =	shalt  }
0x63: {  	_ =	shalt  }
0x64: {  	_ =	shalt  }
0x65: {  	_ =	shalt  }
0x66: {  	_ =	shalt  }
0x67: {  	_ =	shalt  }
0x68: {  	_ =	shalt  }
0x69: {  	_ =	shalt  }
0x6a: {  	_ =	shalt  }
0x6b: {  	_ =	shalt  }
0x6c: {  	_ =	shalt  }
0x6d: {  	_ =	shalt  }
0x6e: {  	_ =	shalt  }
0x6f: {  	_ =	shalt  }
0x70: {  	_ =	shalt  }
0x71: {  	_ =	shalt  }
0x72: {  	_ =	shalt  }
0x73: {  	_ =	shalt  }
0x74: {  	_ =	shalt  }
0x75: {  	_ =	shalt  }
0x76: {  	_ =	shalt  }
0x77: {  	_ =	shalt  }
0x78: {  	_ =	shalt  }
0x79: {  	_ =	shalt  }
0x7a: {  	_ =	shalt  }
0x7b: {  	_ =	shalt  }
0x7c: {  	_ =	shalt  }
0x7d: {  	_ =	shalt  }
0x7e: {  	_ =	shalt  }
0x7f: {  	_ =	shalt  }
0x80: {  	_ =	shalt  }
0x81: {  	_ =	shalt  }
0x82: {  	_ =	shalt  }
0x83: {  	_ =	shalt  }
0x84: {  	_ =	shalt  }
0x85: {  	_ =	shalt  }
0x86: {  	_ =	shalt  }
0x87: {  	_ =	shalt  }
.Lfunc_end0:
.L_simem_size_0:
called_computation_lowered:
.L_overlay_start_0:
0x88: {  	s2 =	sld [smem:$0x3FD9]  }
0x89: {  	s3 =	sld [smem:$0x3FFE];
	_ =	sdelay $0x1  }
0x8a: {  	s1 =	srdreg.scid  }
0x8b: {  	s0 =	sand.u32 $0x1, s1  }
0x8c: {  	s17 =	sshll.u32 s0, $0xA;
	s2 =	sadd.s32 s3, s2  }
0x8d: {  	s2 =	sadd.s32 s2, s17  }
0x8e: {  	[smem:$0x3FAA] =	sst s2  }
0x8f: {  	_ = 	snop  }
0x90: {  	s2 =	sld [smem:$0x3FD0];
	(tm) =	ssettm $0x1  }
0x91: {  	s18 =	sld [smem:$0x3FFB];
	_ =	sdelay $0x3  }
0x92: {  	_ =	strace s18  }
0x93: {  	s3 =	sld [smem:$0x3FFC];
	_ =	sdelay $0x3  }
0x94: {  	_ =	strace s3  }
0x95: {  	s3 =	sld [smem:$0x3FFD];
	_ =	sdelay $0x3  }
0x96: {  	_ =	strace s3  }
0x97: {  	_ =	strace $0x8FFFFFFF  }
0x98: {  	s19 =	sld [smem:$0x3FDB];
	_ =	sdelay $0x1  }
0x99: {  	s4 =	simm.s32 $_scs_section_size  }
0x9a: {  	s5 =	simm.s32 $_size__tile_overlayer_lowered;
	s6 =	simm.s32 $_tile_overlayer_lowered  }
0x9b: {  	s22 =	simm.s32 $0x1BFF;
	s21 =	sshll.u32 s6, $0x1;
	s3 =	sadd.s32 s4, s19  }
0x9c: {  	s7 =	simm.s32 $0x0;
	s20 =	sshll.u32 s5, $0x1;
	s5 =	sadd.s32 s21, s3  }
0x9d: {  	[timem:s7], [sflag:s22] =	dma.local [hbm:s5], s20  }
0x9e: {  	_ =	swait.ge [sflag:s22], s20  }
0x9f: {  	s4 =	ssub.s32 $0x0, s20;
	[sflag:s22] =	ssyncset.done $0x0  }
0xa0: {  	[sflag:s22] =	ssyncadd.s32 s4;
	_ =	sdelay $0x1  }
0xa1: {  	s23 =	simm.s32 $0x1B8B  }
0xa2: {  	_ =	swait.ge [sflag:s23], $0x1  }
0xa3: {  	[sflag:s23] =	ssyncset.done $0x0  }
0xa4: {  	s25 =	simm.s32 $0x1B8E;
	s24 =	sld [smem:$0x3FFE];
	[sflag:s23] =	ssyncadd.s32 $0xFFFFFFFF  }
0xa5: {  	s26 =	simm.s32 $execute0_lowered;
	[smem:$0x3FD2] =	sst s25  }
0xa6: {  	s5 =	sshll.u32 s26, $0x1;
	_ =	strace $0x80000046;
	[dreg:$0x1] =	wrdreg $0xFFFFFFFF  }
0xa7: {  	s28 =	simm.s32 $_size_execute0_lowered;
	s3 =	sadd.s32 s3, s5;
	[dreg:$0x0] =	wrdreg $0x0  }
0xa8: {  	s5 =	sshll.u32 s28, $0x1;
	[dreg:$0x2] =	wrdreg s3  }
0xa9: {  	[dreg:$0x3] =	wrdreg s5  }
0xaa: {  	[dreg:$0x4] =	wrdreg $0xC0  }
0xab: {  	_ =	task [dreg:s7], $0x5FFFF  }
0xac: {  	[dreg:$0x1] =	wrdreg $0xFFFFFFFF  }
0xad: {  	[dreg:$0x0] =	wrdreg $0x60  }
0xae: {  	[dreg:$0x2] =	wrdreg s24  }
0xaf: {  	[dreg:$0x3] =	wrdreg s2  }
0xb0: {  	[dreg:$0x4] =	wrdreg $0x9  }
0xb1: {  	_ =	task.clear_ibuf [dreg:s7], $0x5FFFF;
	_ =	strace $0x90000046  }
0xb2: {  	s29 =	simm.s32 $0x9;
	_ =	strace $0x80000048  }
0xb3: {  	_ =	swait.ge [sflag:s29], $0x1  }
0xb4: {  	[sflag:s29] =	ssyncadd.s32 $0xFFFFFFFF  }
0xb5: {  	_ =	strace $0x90000048  }
0xb6: {  	_ =	sfence  }
0xb7: {  	s30 =	sld [smem:$0x0];
	_ =	sdelay $0x2  }
0xb8: {  	s31 =	sshll.u32 s1, $0xD;
	s1 =	sshrl.u32 s1, $0x2  }
0xb9: {  	s3 =	sand.u32 $0x4000, s31;
	s1 =	sadd.s32 s1, s30  }
0xba: {  	s0 =	sor.u32 s3, s0;
	s1 =	sshll.u32 s1, $0x11  }
0xbb: {  	s0 =	sor.u32 s1, s0  }
0xbc: {  	s0 =	sadd.s32 $0x8F2B, s0  }
0xbd: {  	[sflag:s0] =	ssyncadd.remote.s32 $0x1  }
0xbe: {  	_ =	sfence.sel $0xFFFF  }
0xbf: {  	[dreg:$0x0] =	wrdreg $0xFFFFFFFF;
	(pc) =	sbr.abs _section_cstart, $3  }
0xc0: {  	[dreg:$0x1] =	wrdreg $0xFFFFFFFF  }
0xc1: {  	_ =	task.clear_ibuf [dreg:s7], $0x2FFFF;
	_ =	strace $0x9FFFFFFF  }
0xc2: {  	(tm) =	ssettm $0x7FFFFFFF  }
0xc3: {  	_ =	shalt  }
tec
execute0_lowered:
.L_overlay_start_1:
0x0: {  	(tag) =	ssettag $0x1  }
0x1: {  	s0 =	rddreg [dreg:$0x0]  }
0x2: {  	s1 =	rddreg [dreg:$0x1];
	s2 =	srdreg.scid  }
0x3: {  	s3 =	stileid.u32;
	s26 =	simm.s32 $0x200;
	s29 =	simm.s32 $0x3  }
0x4: {  	s16 =	simm.s32 $0x4;
	s30 =	simm.s32 $0x5400;
	s31 =	simm.s32 $0x5C00  }
0x5: {  	s28 =	simm.s32 $0xAC00;
	s4 =	sand.u32 $0x1, s2;
	s2 =	simm.s32 $0x0  }
0x6: {  	s3 =	sshll.u32 s3, $0xA;
	s5 =	sshll.u32 s4, $0x9;
	[smem:$0x7FF] =	sst s2  }
0x7: {  	s23 =	ssub.s32 $0x2, s4;
	s3 =	sor.u32 s5, s3;
	_ =	strace $0x80000047  }
0x8: {  	s4 =	sshrl.u32 s23, $0x1;
	[dreg:$0x9] =	wrdreg s26;
	s5 =	sshrl.u32 s3, $0x3  }
0x9: {  	s3 =	sshll.u32 s3, $0x5;
	s6 =	sadd.s32 s5, s0;
	s1 =	sadd.s32 s1, s5  }
0xa: {  	s19 =	sadd.s32 s3, s0;
	[dreg:$0x3] =	wrdreg s1;
	s20 =	sadd.s32 $0x3400, s6  }
0xb: {  	s26 =	simm.s32 $0x9C00;
	s21 =	sadd.s32 $0x82800, s19;
	[dreg:$0x4] =	wrdreg s20  }
0xc: {  	s3 =	sadd.s32 $0x182800, s0;
	s22 =	sadd.s32 $0x83800, s19;
	[dreg:$0x5] =	wrdreg s21  }
0xd: {  	s24 =	sadd.s32 $0x84800, s19;
	s25 =	sadd.s32 $0x85800, s19;
	[dreg:$0x6] =	wrdreg s22  }
0xe: {  	v2 =	vlaneseq.u32;
	s1 =	ssub.s32 s23, s4;
	s23 =	simm.s32 $0x1;
	[dreg:$0x7] =	wrdreg s24  }
0xf: {  	vm0 =	vmmov $0xffff;
	v1 =	vshrl.u32 v2, $0x3;
	[dreg:$0x8] =	wrdreg s25;
	s4 =	smax.u32 s1, $0x1;
	s24 =	simm.s32 $0x8400  }
0x10: {  	v0 =	vand.u32 $0x7, v2;
	v2 =	vor.u32 $0x8, v2;
	v1 =	vmul.u32 $0x8, v1;
	s25 =	simm.s32 $0x8C00;
	s21 =	simm.s32 $0xDC00;
	s22 =	simm.s32 $0xEC00  }
.LBB2_1:
0x11: {  	s17 =	rddreg [dreg:$0x3];
	s0 =	simm.s32 $0x5  }
0x12: {  	[tilespmem:s2], [sflag:$0x5] =	stream.linear.gather [hbm4b:s17+s2], $0x200, $0x38;
	[tilespmem:$0x10400] =	vst v63  }
0x13: {  	_ =	swait.ge [sflag:s0], $0x200  }
0x14: {  	s5 =	rddreg [dreg:$0x4];
	[sflag:s0] =	ssyncset.done $0x0  }
0x15: {  	s18 =	rddreg [dreg:$0x9];
	[sflag:s0] =	ssyncadd.s32 $0xFFFFFE00  }
0x16: {  	[tilespmem:s18], [sflag:$0x5] =	stream.linear.gather [hbm4b:s5+s2], $0x200, $0x38;
	[tilespmem:$0x10400] =	vst v63  }
0x17: {  	_ =	swait.ge [sflag:s0], $0x200  }
0x18: {  	[sflag:s0] =	ssyncset.done $0x0  }
0x19: {  	s7 =	simm.s32 $0x400;
	s6 =	rddreg [dreg:$0x5];
	[sflag:s0] =	ssyncadd.s32 $0xFFFFFE00  }
0x1a: {  	[tilespmem:s7], [sflag:$0x1] =	stream.linear.gather [hbm4b:s6+s2], $0x8000, $0x38;
	[tilespmem:$0x10400] =	vst v63  }
0x1b: {  	_ =	swait.ge [sflag:s23], $0x8000  }
0x1c: {  	[sflag:s23] =	ssyncset.done $0x0  }
0x1d: {  	[sflag:s23] =	ssyncadd.s32 $0xFFFF8000  }
0x1e: {  	v3 =	vld [tilespmem:$0x0];
	_ =	sdelay $0x4  }
0x1f: {  	v4 =	vshll.u32 v3, $0x1  }
0x20: {  	v3 =	vand.u32 $0x7, v3;
	v4 =	vand.u32 $0xFFFFFFF0, v4  }
0x21: {  	v3 =	vor.u32 v3, v4  }
0x22: {  	v4 =	vperm.xlane v3, v0;
	_ =	sdelay $0x1  }
0x23: {  	v3 =	vperm.xlane v3, v2;
	v4 =	vadd.s32 v1, v4;
	_ =	sdelay $0x1  }
0x24: {  	v3 =	vadd.s32 v1, v3;
	_ =	sdelay $0x2  }
0x25: {  	[hbm4b:s3+s2] =	stream.indirect_vreg.scatter [tilespmem:s7], [sflag:$0x3], $0x80, v4, vm0, $0xb8;
	[tilespmem:$0x10400] =	vst v63  }
0x26: {  	s18 =	simm.s32 $0xC00  }
0x27: {  	[hbm4b:s3+s2] =	stream.indirect_vreg.scatter [tilespmem:s18], [sflag:$0x3], $0x80, v3, vm0, $0xb8;
	[tilespmem:$0x10400] =	vst v63  }
0x28: {  	v3 =	vld [tilespmem:$0x10];
	_ =	sdelay $0x4  }
0x29: {  	v57 =	vshll.u32 v3, $0x1  }
0x2a: {  	v3 =	vand.u32 $0x7, v3;
	v4 =	vand.u32 $0xFFFFFFF0, v57  }
0x2b: {  	v3 =	vor.u32 v3, v4  }
0x2c: {  	v4 =	vperm.xlane v3, v0;
	_ =	sdelay $0x1  }
0x2d: {  	v3 =	vperm.xlane v3, v2;
	v4 =	vadd.s32 v1, v4;
	_ =	sdelay $0x1  }
0x2e: {  	v3 =	vadd.s32 v1, v3;
	_ =	sdelay $0x1  }
0x2f: {  	s8 =	simm.s32 $0x1400  }
0x30: {  	[hbm4b:s3+s2] =	stream.indirect_vreg.scatter [tilespmem:s8], [sflag:$0x3], $0x80, v4, vm0, $0xb8;
	[tilespmem:$0x10400] =	vst v63  }
0x31: {  	s9 =	simm.s32 $0x1C00  }
0x32: {  	[hbm4b:s3+s2] =	stream.indirect_vreg.scatter [tilespmem:s9], [sflag:$0x3], $0x80, v3, vm0, $0xb8;
	[tilespmem:$0x10400] =	vst v63  }
0x33: {  	v3 =	vld [tilespmem:$0x20];
	_ =	sdelay $0x4  }
0x34: {  	v58 =	vshll.u32 v3, $0x1  }
0x35: {  	v3 =	vand.u32 $0x7, v3;
	v4 =	vand.u32 $0xFFFFFFF0, v58  }
0x36: {  	v3 =	vor.u32 v3, v4  }
0x37: {  	v4 =	vperm.xlane v3, v0;
	_ =	sdelay $0x1  }
0x38: {  	v3 =	vperm.xlane v3, v2;
	v4 =	vadd.s32 v1, v4;
	_ =	sdelay $0x1  }
0x39: {  	v3 =	vadd.s32 v1, v3;
	_ =	sdelay $0x1  }
0x3a: {  	s10 =	simm.s32 $0x2400  }
0x3b: {  	[hbm4b:s3+s2] =	stream.indirect_vreg.scatter [tilespmem:s10], [sflag:$0x3], $0x80, v4, vm0, $0xb8;
	[tilespmem:$0x10400] =	vst v63  }
0x3c: {  	s11 =	simm.s32 $0x2C00  }
0x3d: {  	[hbm4b:s3+s2] =	stream.indirect_vreg.scatter [tilespmem:s11], [sflag:$0x3], $0x80, v3, vm0, $0xb8;
	[tilespmem:$0x10400] =	vst v63  }
0x3e: {  	v3 =	vld [tilespmem:$0x30];
	_ =	sdelay $0x4  }
0x3f: {  	v59 =	vshll.u32 v3, $0x1  }
0x40: {  	v3 =	vand.u32 $0x7, v3;
	v4 =	vand.u32 $0xFFFFFFF0, v59  }
0x41: {  	v3 =	vor.u32 v3, v4  }
0x42: {  	v4 =	vperm.xlane v3, v0;
	_ =	sdelay $0x1  }
0x43: {  	v3 =	vperm.xlane v3, v2;
	v4 =	vadd.s32 v1, v4;
	_ =	sdelay $0x1  }
0x44: {  	v3 =	vadd.s32 v1, v3;
	_ =	sdelay $0x1  }
0x45: {  	s12 =	simm.s32 $0x3400  }
0x46: {  	[hbm4b:s3+s2] =	stream.indirect_vreg.scatter [tilespmem:s12], [sflag:$0x3], $0x80, v4, vm0, $0xb8;
	[tilespmem:$0x10400] =	vst v63  }
0x47: {  	s15 =	simm.s32 $0x3C00  }
0x48: {  	[hbm4b:s3+s2] =	stream.indirect_vreg.scatter [tilespmem:s15], [sflag:$0x3], $0x80, v3, vm0, $0xb8;
	[tilespmem:$0x10400] =	vst v63  }
0x49: {  	v3 =	vld [tilespmem:$0x40];
	_ =	sdelay $0x4  }
0x4a: {  	v60 =	vshll.u32 v3, $0x1  }
0x4b: {  	v3 =	vand.u32 $0x7, v3;
	v4 =	vand.u32 $0xFFFFFFF0, v60  }
0x4c: {  	v3 =	vor.u32 v3, v4  }
0x4d: {  	v4 =	vperm.xlane v3, v0;
	_ =	sdelay $0x1  }
0x4e: {  	v3 =	vperm.xlane v3, v2;
	v4 =	vadd.s32 v1, v4;
	_ =	sdelay $0x1  }
0x4f: {  	v3 =	vadd.s32 v1, v3;
	_ =	sdelay $0x1  }
0x50: {  	s17 =	simm.s32 $0x4400  }
0x51: {  	[hbm4b:s3+s2] =	stream.indirect_vreg.scatter [tilespmem:s17], [sflag:$0x3], $0x80, v4, vm0, $0xb8;
	[tilespmem:$0x10400] =	vst v63  }
0x52: {  	s19 =	simm.s32 $0x4C00  }
0x53: {  	[hbm4b:s3+s2] =	stream.indirect_vreg.scatter [tilespmem:s19], [sflag:$0x3], $0x80, v3, vm0, $0xb8;
	[tilespmem:$0x10400] =	vst v63  }
0x54: {  	v3 =	vld [tilespmem:$0x50];
	_ =	sdelay $0x4  }
0x55: {  	v61 =	vshll.u32 v3, $0x1  }
0x56: {  	v3 =	vand.u32 $0x7, v3;
	v4 =	vand.u32 $0xFFFFFFF0, v61  }
0x57: {  	v3 =	vor.u32 v3, v4  }
0x58: {  	v4 =	vperm.xlane v3, v0;
	_ =	sdelay $0x1  }
0x59: {  	v3 =	vperm.xlane v3, v2;
	v4 =	vadd.s32 v1, v4;
	_ =	sdelay $0x1  }
0x5a: {  	v3 =	vadd.s32 v1, v3;
	_ =	sdelay $0x2  }
0x5b: {  	[hbm4b:s3+s2] =	stream.indirect_vreg.scatter [tilespmem:s30], [sflag:$0x3], $0x80, v4, vm0, $0xb8;
	[tilespmem:$0x10400] =	vst v63  }
0x5c: {  	_ = 	snop  }
0x5d: {  	[hbm4b:s3+s2] =	stream.indirect_vreg.scatter [tilespmem:s31], [sflag:$0x3], $0x80, v3, vm0, $0xb8;
	[tilespmem:$0x10400] =	vst v63  }
0x5e: {  	v3 =	vld [tilespmem:$0x60];
	_ =	sdelay $0x4  }
0x5f: {  	v62 =	vshll.u32 v3, $0x1  }
0x60: {  	v3 =	vand.u32 $0x7, v3;
	v4 =	vand.u32 $0xFFFFFFF0, v62  }
0x61: {  	v3 =	vor.u32 v3, v4  }
0x62: {  	v4 =	vperm.xlane v3, v0;
	_ =	sdelay $0x1  }
0x63: {  	v3 =	vperm.xlane v3, v2;
	v4 =	vadd.s32 v1, v4;
	_ =	sdelay $0x1  }
0x64: {  	v3 =	vadd.s32 v1, v3;
	_ =	sdelay $0x1  }
0x65: {  	s5 =	simm.s32 $0x6400  }
0x66: {  	[hbm4b:s3+s2] =	stream.indirect_vreg.scatter [tilespmem:s5], [sflag:$0x3], $0x80, v4, vm0, $0xb8;
	[tilespmem:$0x10400] =	vst v63  }
0x67: {  	s1 =	simm.s32 $0x6C00  }
0x68: {  	[hbm4b:s3+s2] =	stream.indirect_vreg.scatter [tilespmem:s1], [sflag:$0x3], $0x80, v3, vm0, $0xb8;
	[tilespmem:$0x10400] =	vst v63  }
0x69: {  	v3 =	vld [tilespmem:$0x70];
	_ =	sdelay $0x4  }
0x6a: {  	v63 =	vshll.u32 v3, $0x1  }
0x6b: {  	v3 =	vand.u32 $0x7, v3;
	v4 =	vand.u32 $0xFFFFFFF0, v63  }
0x6c: {  	v3 =	vor.u32 v3, v4  }
0x6d: {  	v4 =	vperm.xlane v3, v0;
	_ =	sdelay $0x1  }
0x6e: {  	v3 =	vperm.xlane v3, v2;
	v4 =	vadd.s32 v1, v4;
	_ =	sdelay $0x1  }
0x6f: {  	v3 =	vadd.s32 v1, v3;
	_ =	sdelay $0x1  }
0x70: {  	s8 =	simm.s32 $0x7400  }
0x71: {  	[hbm4b:s3+s2] =	stream.indirect_vreg.scatter [tilespmem:s8], [sflag:$0x3], $0x80, v4, vm0, $0xb8;
	[tilespmem:$0x10400] =	vst v63  }
0x72: {  	s9 =	simm.s32 $0x7C00  }
0x73: {  	[hbm4b:s3+s2] =	stream.indirect_vreg.scatter [tilespmem:s9], [sflag:$0x3], $0x80, v3, vm0, $0xb8;
	[tilespmem:$0x10400] =	vst v63  }
0x74: {  	v3 =	vld [tilespmem:$0x200];
	_ =	sdelay $0x4  }
0x75: {  	v8 =	vshll.u32 v3, $0x1  }
0x76: {  	v3 =	vand.u32 $0x7, v3;
	v4 =	vand.u32 $0xFFFFFFF0, v8  }
0x77: {  	v3 =	vor.u32 v3, v4  }
0x78: {  	v4 =	vperm.xlane v3, v0;
	_ =	sdelay $0x1  }
0x79: {  	v3 =	vperm.xlane v3, v2;
	v4 =	vadd.s32 v1, v4;
	_ =	sdelay $0x1  }
0x7a: {  	v3 =	vadd.s32 v1, v3;
	_ =	sdelay $0x2  }
0x7b: {  	[hbm4b:s3+s2] =	stream.indirect_vreg.scatter [tilespmem:s7], [sflag:$0x3], $0x80, v4, vm0, $0xb8;
	[tilespmem:$0x10400] =	vst v63  }
0x7c: {  	_ = 	snop  }
0x7d: {  	[hbm4b:s3+s2] =	stream.indirect_vreg.scatter [tilespmem:s18], [sflag:$0x3], $0x80, v3, vm0, $0xb8;
	[tilespmem:$0x10400] =	vst v63  }
0x7e: {  	v3 =	vld [tilespmem:$0x210];
	_ =	sdelay $0x4  }
0x7f: {  	v9 =	vshll.u32 v3, $0x1  }
0x80: {  	v3 =	vand.u32 $0x7, v3;
	v4 =	vand.u32 $0xFFFFFFF0, v9  }
0x81: {  	v3 =	vor.u32 v3, v4  }
0x82: {  	v4 =	vperm.xlane v3, v0;
	_ =	sdelay $0x1  }
0x83: {  	v3 =	vperm.xlane v3, v2;
	v4 =	vadd.s32 v1, v4;
	_ =	sdelay $0x1  }
0x84: {  	v3 =	vadd.s32 v1, v3;
	_ =	sdelay $0x1  }
0x85: {  	s6 =	simm.s32 $0x1400  }
0x86: {  	[hbm4b:s3+s2] =	stream.indirect_vreg.scatter [tilespmem:s6], [sflag:$0x3], $0x80, v4, vm0, $0xb8;
	[tilespmem:$0x10400] =	vst v63  }
0x87: {  	s13 =	simm.s32 $0x1C00  }
0x88: {  	[hbm4b:s3+s2] =	stream.indirect_vreg.scatter [tilespmem:s13], [sflag:$0x3], $0x80, v3, vm0, $0xb8;
	[tilespmem:$0x10400] =	vst v63  }
0x89: {  	v3 =	vld [tilespmem:$0x220];
	_ =	sdelay $0x4  }
0x8a: {  	v10 =	vshll.u32 v3, $0x1  }
0x8b: {  	v3 =	vand.u32 $0x7, v3;
	v4 =	vand.u32 $0xFFFFFFF0, v10  }
0x8c: {  	v3 =	vor.u32 v3, v4  }
0x8d: {  	v4 =	vperm.xlane v3, v0;
	_ =	sdelay $0x1  }
0x8e: {  	v3 =	vperm.xlane v3, v2;
	v4 =	vadd.s32 v1, v4;
	_ =	sdelay $0x1  }
0x8f: {  	v3 =	vadd.s32 v1, v3;
	_ =	sdelay $0x1  }
0x90: {  	s10 =	simm.s32 $0x2400  }
0x91: {  	[hbm4b:s3+s2] =	stream.indirect_vreg.scatter [tilespmem:s10], [sflag:$0x3], $0x80, v4, vm0, $0xb8;
	[tilespmem:$0x10400] =	vst v63  }
0x92: {  	s14 =	simm.s32 $0x2C00  }
0x93: {  	[hbm4b:s3+s2] =	stream.indirect_vreg.scatter [tilespmem:s14], [sflag:$0x3], $0x80, v3, vm0, $0xb8;
	[tilespmem:$0x10400] =	vst v63  }
0x94: {  	v3 =	vld [tilespmem:$0x230];
	_ =	sdelay $0x4  }
0x95: {  	v11 =	vshll.u32 v3, $0x1  }
0x96: {  	v3 =	vand.u32 $0x7, v3;
	v4 =	vand.u32 $0xFFFFFFF0, v11  }
0x97: {  	v3 =	vor.u32 v3, v4  }
0x98: {  	v4 =	vperm.xlane v3, v0;
	_ =	sdelay $0x1  }
0x99: {  	v3 =	vperm.xlane v3, v2;
	v4 =	vadd.s32 v1, v4;
	_ =	sdelay $0x1  }
0x9a: {  	v3 =	vadd.s32 v1, v3;
	_ =	sdelay $0x1  }
0x9b: {  	s11 =	simm.s32 $0x3400  }
0x9c: {  	[hbm4b:s3+s2] =	stream.indirect_vreg.scatter [tilespmem:s11], [sflag:$0x3], $0x80, v4, vm0, $0xb8;
	[tilespmem:$0x10400] =	vst v63  }
0x9d: {  	s15 =	simm.s32 $0x3C00  }
0x9e: {  	[hbm4b:s3+s2] =	stream.indirect_vreg.scatter [tilespmem:s15], [sflag:$0x3], $0x80, v3, vm0, $0xb8;
	[tilespmem:$0x10400] =	vst v63  }
0x9f: {  	v3 =	vld [tilespmem:$0x240];
	_ =	sdelay $0x4  }
0xa0: {  	v12 =	vshll.u32 v3, $0x1  }
0xa1: {  	v3 =	vand.u32 $0x7, v3;
	v4 =	vand.u32 $0xFFFFFFF0, v12  }
0xa2: {  	v3 =	vor.u32 v3, v4  }
0xa3: {  	v4 =	vperm.xlane v3, v0;
	_ =	sdelay $0x1  }
0xa4: {  	v3 =	vperm.xlane v3, v2;
	v4 =	vadd.s32 v1, v4;
	_ =	sdelay $0x1  }
0xa5: {  	v3 =	vadd.s32 v1, v3;
	_ =	sdelay $0x1  }
0xa6: {  	s12 =	simm.s32 $0x4400  }
0xa7: {  	[hbm4b:s3+s2] =	stream.indirect_vreg.scatter [tilespmem:s12], [sflag:$0x3], $0x80, v4, vm0, $0xb8;
	[tilespmem:$0x10400] =	vst v63  }
0xa8: {  	s20 =	simm.s32 $0x4C00  }
0xa9: {  	[hbm4b:s3+s2] =	stream.indirect_vreg.scatter [tilespmem:s20], [sflag:$0x3], $0x80, v3, vm0, $0xb8;
	[tilespmem:$0x10400] =	vst v63  }
0xaa: {  	v3 =	vld [tilespmem:$0x250];
	_ =	sdelay $0x4  }
0xab: {  	v13 =	vshll.u32 v3, $0x1  }
0xac: {  	v3 =	vand.u32 $0x7, v3;
	v4 =	vand.u32 $0xFFFFFFF0, v13  }
0xad: {  	v3 =	vor.u32 v3, v4  }
0xae: {  	v4 =	vperm.xlane v3, v0;
	_ =	sdelay $0x1  }
0xaf: {  	v3 =	vperm.xlane v3, v2;
	v4 =	vadd.s32 v1, v4;
	_ =	sdelay $0x1  }
0xb0: {  	v3 =	vadd.s32 v1, v3;
	_ =	sdelay $0x2  }
0xb1: {  	[hbm4b:s3+s2] =	stream.indirect_vreg.scatter [tilespmem:s30], [sflag:$0x3], $0x80, v4, vm0, $0xb8;
	[tilespmem:$0x10400] =	vst v63  }
0xb2: {  	_ = 	snop  }
0xb3: {  	[hbm4b:s3+s2] =	stream.indirect_vreg.scatter [tilespmem:s31], [sflag:$0x3], $0x80, v3, vm0, $0xb8;
	[tilespmem:$0x10400] =	vst v63  }
0xb4: {  	v3 =	vld [tilespmem:$0x260];
	_ =	sdelay $0x4  }
0xb5: {  	v14 =	vshll.u32 v3, $0x1  }
0xb6: {  	v3 =	vand.u32 $0x7, v3;
	v4 =	vand.u32 $0xFFFFFFF0, v14  }
0xb7: {  	v3 =	vor.u32 v3, v4  }
0xb8: {  	v4 =	vperm.xlane v3, v0;
	_ =	sdelay $0x1  }
0xb9: {  	v3 =	vperm.xlane v3, v2;
	v4 =	vadd.s32 v1, v4;
	_ =	sdelay $0x1  }
0xba: {  	v3 =	vadd.s32 v1, v3;
	_ =	sdelay $0x2  }
0xbb: {  	[hbm4b:s3+s2] =	stream.indirect_vreg.scatter [tilespmem:s5], [sflag:$0x3], $0x80, v4, vm0, $0xb8;
	[tilespmem:$0x10400] =	vst v63  }
0xbc: {  	_ = 	snop  }
0xbd: {  	[hbm4b:s3+s2] =	stream.indirect_vreg.scatter [tilespmem:s1], [sflag:$0x3], $0x80, v3, vm0, $0xb8;
	[tilespmem:$0x10400] =	vst v63  }
0xbe: {  	v3 =	vld [tilespmem:$0x270];
	_ =	sdelay $0x4  }
0xbf: {  	v15 =	vshll.u32 v3, $0x1  }
0xc0: {  	v3 =	vand.u32 $0x7, v3;
	v4 =	vand.u32 $0xFFFFFFF0, v15  }
0xc1: {  	v3 =	vor.u32 v3, v4  }
0xc2: {  	v4 =	vperm.xlane v3, v0;
	_ =	sdelay $0x1  }
0xc3: {  	v3 =	vperm.xlane v3, v2;
	v4 =	vadd.s32 v1, v4;
	_ =	sdelay $0x1  }
0xc4: {  	v3 =	vadd.s32 v1, v3;
	_ =	sdelay $0x2  }
0xc5: {  	[hbm4b:s3+s2] =	stream.indirect_vreg.scatter [tilespmem:s8], [sflag:$0x3], $0x80, v4, vm0, $0xb8;
	[tilespmem:$0x10400] =	vst v63  }
0xc6: {  	_ = 	snop  }
0xc7: {  	[hbm4b:s3+s2] =	stream.indirect_vreg.scatter [tilespmem:s9], [sflag:$0x3], $0x80, v3, vm0, $0xb8;
	[tilespmem:$0x10400] =	vst v63  }
0xc8: {  	s0 =	simm.s32 $0x2;
	s10 =	rddreg [dreg:$0x6]  }
0xc9: {  	[tilespmem:s24], [sflag:$0x2] =	stream.linear.gather [hbm4b:s10+s2], $0x8000, $0x38;
	[tilespmem:$0x10400] =	vst v63  }
0xca: {  	_ =	swait.ge [sflag:s0], $0x8000  }
0xcb: {  	[sflag:s0] =	ssyncset.done $0x0  }
0xcc: {  	[sflag:s0] =	ssyncadd.s32 $0xFFFF8000  }
0xcd: {  	v3 =	vld [tilespmem:$0x80];
	_ =	sdelay $0x4  }
0xce: {  	v16 =	vshll.u32 v3, $0x1  }
0xcf: {  	v3 =	vand.u32 $0x7, v3;
	v4 =	vand.u32 $0xFFFFFFF0, v16  }
0xd0: {  	v3 =	vor.u32 v3, v4  }
0xd1: {  	v4 =	vperm.xlane v3, v0;
	_ =	sdelay $0x1  }
0xd2: {  	v3 =	vperm.xlane v3, v2;
	v4 =	vadd.s32 v1, v4;
	_ =	sdelay $0x1  }
0xd3: {  	v3 =	vadd.s32 v1, v3;
	_ =	sdelay $0x2  }
0xd4: {  	[hbm4b:s3+s2] =	stream.indirect_vreg.scatter [tilespmem:s24], [sflag:$0x4], $0x80, v4, vm0, $0xb8;
	[tilespmem:$0x10400] =	vst v63  }
0xd5: {  	s11 =	simm.s32 $0x8C00  }
0xd6: {  	[hbm4b:s3+s2] =	stream.indirect_vreg.scatter [tilespmem:s11], [sflag:$0x4], $0x80, v3, vm0, $0xb8;
	[tilespmem:$0x10400] =	vst v63  }
0xd7: {  	v3 =	vld [tilespmem:$0x90];
	_ =	sdelay $0x4  }
0xd8: {  	v17 =	vshll.u32 v3, $0x1  }
0xd9: {  	v3 =	vand.u32 $0x7, v3;
	v4 =	vand.u32 $0xFFFFFFF0, v17  }
0xda: {  	v3 =	vor.u32 v3, v4  }
0xdb: {  	v4 =	vperm.xlane v3, v0;
	_ =	sdelay $0x1  }
0xdc: {  	v3 =	vperm.xlane v3, v2;
	v4 =	vadd.s32 v1, v4;
	_ =	sdelay $0x1  }
0xdd: {  	v3 =	vadd.s32 v1, v3;
	_ =	sdelay $0x1  }
0xde: {  	s12 =	simm.s32 $0x9400  }
0xdf: {  	[hbm4b:s3+s2] =	stream.indirect_vreg.scatter [tilespmem:s12], [sflag:$0x4], $0x80, v4, vm0, $0xb8;
	[tilespmem:$0x10400] =	vst v63  }
0xe0: {  	s13 =	simm.s32 $0x9C00  }
0xe1: {  	[hbm4b:s3+s2] =	stream.indirect_vreg.scatter [tilespmem:s13], [sflag:$0x4], $0x80, v3, vm0, $0xb8;
	[tilespmem:$0x10400] =	vst v63  }
0xe2: {  	v3 =	vld [tilespmem:$0xA0];
	_ =	sdelay $0x4  }
0xe3: {  	v18 =	vshll.u32 v3, $0x1  }
0xe4: {  	v3 =	vand.u32 $0x7, v3;
	v4 =	vand.u32 $0xFFFFFFF0, v18  }
0xe5: {  	v3 =	vor.u32 v3, v4  }
0xe6: {  	v4 =	vperm.xlane v3, v0;
	_ =	sdelay $0x1  }
0xe7: {  	v3 =	vperm.xlane v3, v2;
	v4 =	vadd.s32 v1, v4;
	_ =	sdelay $0x1  }
0xe8: {  	v3 =	vadd.s32 v1, v3;
	_ =	sdelay $0x1  }
0xe9: {  	s15 =	simm.s32 $0xA400  }
0xea: {  	[hbm4b:s3+s2] =	stream.indirect_vreg.scatter [tilespmem:s15], [sflag:$0x4], $0x80, v4, vm0, $0xb8;
	[tilespmem:$0x10400] =	vst v63  }
0xeb: {  	s17 =	simm.s32 $0xAC00  }
0xec: {  	[hbm4b:s3+s2] =	stream.indirect_vreg.scatter [tilespmem:s17], [sflag:$0x4], $0x80, v3, vm0, $0xb8;
	[tilespmem:$0x10400] =	vst v63  }
0xed: {  	v3 =	vld [tilespmem:$0xB0];
	_ =	sdelay $0x4  }
0xee: {  	v19 =	vshll.u32 v3, $0x1  }
0xef: {  	v3 =	vand.u32 $0x7, v3;
	v4 =	vand.u32 $0xFFFFFFF0, v19  }
0xf0: {  	v3 =	vor.u32 v3, v4  }
0xf1: {  	v4 =	vperm.xlane v3, v0;
	_ =	sdelay $0x1  }
0xf2: {  	v3 =	vperm.xlane v3, v2;
	v4 =	vadd.s32 v1, v4;
	_ =	sdelay $0x1  }
0xf3: {  	v3 =	vadd.s32 v1, v3;
	_ =	sdelay $0x1  }
0xf4: {  	s20 =	simm.s32 $0xB400  }
0xf5: {  	[hbm4b:s3+s2] =	stream.indirect_vreg.scatter [tilespmem:s20], [sflag:$0x4], $0x80, v4, vm0, $0xb8;
	[tilespmem:$0x10400] =	vst v63  }
0xf6: {  	s6 =	simm.s32 $0xBC00  }
0xf7: {  	[hbm4b:s3+s2] =	stream.indirect_vreg.scatter [tilespmem:s6], [sflag:$0x4], $0x80, v3, vm0, $0xb8;
	[tilespmem:$0x10400] =	vst v63  }
0xf8: {  	v3 =	vld [tilespmem:$0xC0];
	_ =	sdelay $0x4  }
0xf9: {  	v20 =	vshll.u32 v3, $0x1  }
0xfa: {  	v3 =	vand.u32 $0x7, v3;
	v4 =	vand.u32 $0xFFFFFFF0, v20  }
0xfb: {  	v3 =	vor.u32 v3, v4  }
0xfc: {  	v4 =	vperm.xlane v3, v0;
	_ =	sdelay $0x1  }
0xfd: {  	v3 =	vperm.xlane v3, v2;
	v4 =	vadd.s32 v1, v4;
	_ =	sdelay $0x1  }
0xfe: {  	v3 =	vadd.s32 v1, v3;
	_ =	sdelay $0x1  }
0xff: {  	s10 =	simm.s32 $0xC400  }
0x100: {  	[hbm4b:s3+s2] =	stream.indirect_vreg.scatter [tilespmem:s10], [sflag:$0x4], $0x80, v4, vm0, $0xb8;
	[tilespmem:$0x10400] =	vst v63  }
0x101: {  	s11 =	simm.s32 $0xCC00  }
0x102: {  	[hbm4b:s3+s2] =	stream.indirect_vreg.scatter [tilespmem:s11], [sflag:$0x4], $0x80, v3, vm0, $0xb8;
	[tilespmem:$0x10400] =	vst v63  }
0x103: {  	v3 =	vld [tilespmem:$0xD0];
	_ =	sdelay $0x4  }
0x104: {  	v21 =	vshll.u32 v3, $0x1  }
0x105: {  	v3 =	vand.u32 $0x7, v3;
	v4 =	vand.u32 $0xFFFFFFF0, v21  }
0x106: {  	v3 =	vor.u32 v3, v4  }
0x107: {  	v4 =	vperm.xlane v3, v0;
	_ =	sdelay $0x1  }
0x108: {  	v3 =	vperm.xlane v3, v2;
	v4 =	vadd.s32 v1, v4;
	_ =	sdelay $0x1  }
0x109: {  	v3 =	vadd.s32 v1, v3;
	_ =	sdelay $0x1  }
0x10a: {  	s12 =	simm.s32 $0xD400  }
0x10b: {  	[hbm4b:s3+s2] =	stream.indirect_vreg.scatter [tilespmem:s12], [sflag:$0x4], $0x80, v4, vm0, $0xb8;
	[tilespmem:$0x10400] =	vst v63  }
0x10c: {  	s13 =	simm.s32 $0xDC00  }
0x10d: {  	[hbm4b:s3+s2] =	stream.indirect_vreg.scatter [tilespmem:s13], [sflag:$0x4], $0x80, v3, vm0, $0xb8;
	[tilespmem:$0x10400] =	vst v63  }
0x10e: {  	v3 =	vld [tilespmem:$0xE0];
	_ =	sdelay $0x4  }
0x10f: {  	v22 =	vshll.u32 v3, $0x1  }
0x110: {  	v3 =	vand.u32 $0x7, v3;
	v4 =	vand.u32 $0xFFFFFFF0, v22  }
0x111: {  	v3 =	vor.u32 v3, v4  }
0x112: {  	v4 =	vperm.xlane v3, v0;
	_ =	sdelay $0x1  }
0x113: {  	v3 =	vperm.xlane v3, v2;
	v4 =	vadd.s32 v1, v4;
	_ =	sdelay $0x1  }
0x114: {  	v3 =	vadd.s32 v1, v3;
	_ =	sdelay $0x1  }
0x115: {  	s12 =	simm.s32 $0xE400  }
0x116: {  	[hbm4b:s3+s2] =	stream.indirect_vreg.scatter [tilespmem:s12], [sflag:$0x4], $0x80, v4, vm0, $0xb8;
	[tilespmem:$0x10400] =	vst v63  }
0x117: {  	s13 =	simm.s32 $0xEC00  }
0x118: {  	[hbm4b:s3+s2] =	stream.indirect_vreg.scatter [tilespmem:s13], [sflag:$0x4], $0x80, v3, vm0, $0xb8;
	[tilespmem:$0x10400] =	vst v63  }
0x119: {  	v3 =	vld [tilespmem:$0xF0];
	_ =	sdelay $0x4  }
0x11a: {  	v23 =	vshll.u32 v3, $0x1  }
0x11b: {  	v3 =	vand.u32 $0x7, v3;
	v4 =	vand.u32 $0xFFFFFFF0, v23  }
0x11c: {  	v3 =	vor.u32 v3, v4  }
0x11d: {  	v4 =	vperm.xlane v3, v0;
	_ =	sdelay $0x1  }
0x11e: {  	v3 =	vperm.xlane v3, v2;
	v4 =	vadd.s32 v1, v4;
	_ =	sdelay $0x1  }
0x11f: {  	v3 =	vadd.s32 v1, v3;
	_ =	sdelay $0x1  }
0x120: {  	s13 =	simm.s32 $0xF400  }
0x121: {  	[hbm4b:s3+s2] =	stream.indirect_vreg.scatter [tilespmem:s13], [sflag:$0x4], $0x80, v4, vm0, $0xb8;
	[tilespmem:$0x10400] =	vst v63  }
0x122: {  	s17 =	simm.s32 $0xFC00  }
0x123: {  	[hbm4b:s3+s2] =	stream.indirect_vreg.scatter [tilespmem:s17], [sflag:$0x4], $0x80, v3, vm0, $0xb8;
	[tilespmem:$0x10400] =	vst v63  }
0x124: {  	v3 =	vld [tilespmem:$0x280];
	_ =	sdelay $0x4  }
0x125: {  	v24 =	vshll.u32 v3, $0x1  }
0x126: {  	v3 =	vand.u32 $0x7, v3;
	v4 =	vand.u32 $0xFFFFFFF0, v24  }
0x127: {  	v3 =	vor.u32 v3, v4  }
0x128: {  	v4 =	vperm.xlane v3, v0;
	_ =	sdelay $0x1  }
0x129: {  	v3 =	vperm.xlane v3, v2;
	v4 =	vadd.s32 v1, v4;
	_ =	sdelay $0x1  }
0x12a: {  	v3 =	vadd.s32 v1, v3;
	_ =	sdelay $0x2  }
0x12b: {  	[hbm4b:s3+s2] =	stream.indirect_vreg.scatter [tilespmem:s24], [sflag:$0x4], $0x80, v4, vm0, $0xb8;
	[tilespmem:$0x10400] =	vst v63  }
0x12c: {  	_ = 	snop  }
0x12d: {  	[hbm4b:s3+s2] =	stream.indirect_vreg.scatter [tilespmem:s25], [sflag:$0x4], $0x80, v3, vm0, $0xb8;
	[tilespmem:$0x10400] =	vst v63  }
0x12e: {  	v3 =	vld [tilespmem:$0x290];
	_ =	sdelay $0x4  }
0x12f: {  	v25 =	vshll.u32 v3, $0x1  }
0x130: {  	v3 =	vand.u32 $0x7, v3;
	v4 =	vand.u32 $0xFFFFFFF0, v25  }
0x131: {  	v3 =	vor.u32 v3, v4  }
0x132: {  	v4 =	vperm.xlane v3, v0;
	_ =	sdelay $0x1  }
0x133: {  	v3 =	vperm.xlane v3, v2;
	v4 =	vadd.s32 v1, v4;
	_ =	sdelay $0x1  }
0x134: {  	v3 =	vadd.s32 v1, v3;
	_ =	sdelay $0x1  }
0x135: {  	s14 =	simm.s32 $0x9400  }
0x136: {  	[hbm4b:s3+s2] =	stream.indirect_vreg.scatter [tilespmem:s14], [sflag:$0x4], $0x80, v4, vm0, $0xb8;
	[tilespmem:$0x10400] =	vst v63  }
0x137: {  	_ = 	snop  }
0x138: {  	[hbm4b:s3+s2] =	stream.indirect_vreg.scatter [tilespmem:s26], [sflag:$0x4], $0x80, v3, vm0, $0xb8;
	[tilespmem:$0x10400] =	vst v63  }
0x139: {  	v3 =	vld [tilespmem:$0x2A0];
	_ =	sdelay $0x4  }
0x13a: {  	v26 =	vshll.u32 v3, $0x1  }
0x13b: {  	v3 =	vand.u32 $0x7, v3;
	v4 =	vand.u32 $0xFFFFFFF0, v26  }
0x13c: {  	v3 =	vor.u32 v3, v4  }
0x13d: {  	v4 =	vperm.xlane v3, v0;
	_ =	sdelay $0x1  }
0x13e: {  	v3 =	vperm.xlane v3, v2;
	v4 =	vadd.s32 v1, v4;
	_ =	sdelay $0x1  }
0x13f: {  	v3 =	vadd.s32 v1, v3;
	_ =	sdelay $0x1  }
0x140: {  	s19 =	simm.s32 $0xA400  }
0x141: {  	[hbm4b:s3+s2] =	stream.indirect_vreg.scatter [tilespmem:s19], [sflag:$0x4], $0x80, v4, vm0, $0xb8;
	[tilespmem:$0x10400] =	vst v63  }
0x142: {  	_ = 	snop  }
0x143: {  	[hbm4b:s3+s2] =	stream.indirect_vreg.scatter [tilespmem:s28], [sflag:$0x4], $0x80, v3, vm0, $0xb8;
	[tilespmem:$0x10400] =	vst v63  }
0x144: {  	v3 =	vld [tilespmem:$0x2B0];
	_ =	sdelay $0x4  }
0x145: {  	v27 =	vshll.u32 v3, $0x1  }
0x146: {  	v3 =	vand.u32 $0x7, v3;
	v4 =	vand.u32 $0xFFFFFFF0, v27  }
0x147: {  	v3 =	vor.u32 v3, v4  }
0x148: {  	v4 =	vperm.xlane v3, v0;
	_ =	sdelay $0x1  }
0x149: {  	v3 =	vperm.xlane v3, v2;
	v4 =	vadd.s32 v1, v4;
	_ =	sdelay $0x1  }
0x14a: {  	v3 =	vadd.s32 v1, v3;
	_ =	sdelay $0x1  }
0x14b: {  	s15 =	simm.s32 $0xB400  }
0x14c: {  	[hbm4b:s3+s2] =	stream.indirect_vreg.scatter [tilespmem:s15], [sflag:$0x4], $0x80, v4, vm0, $0xb8;
	[tilespmem:$0x10400] =	vst v63  }
0x14d: {  	_ = 	snop  }
0x14e: {  	[hbm4b:s3+s2] =	stream.indirect_vreg.scatter [tilespmem:s6], [sflag:$0x4], $0x80, v3, vm0, $0xb8;
	[tilespmem:$0x10400] =	vst v63  }
0x14f: {  	v3 =	vld [tilespmem:$0x2C0];
	_ =	sdelay $0x4  }
0x150: {  	v28 =	vshll.u32 v3, $0x1  }
0x151: {  	v3 =	vand.u32 $0x7, v3;
	v4 =	vand.u32 $0xFFFFFFF0, v28  }
0x152: {  	v3 =	vor.u32 v3, v4  }
0x153: {  	v4 =	vperm.xlane v3, v0;
	_ =	sdelay $0x1  }
0x154: {  	v3 =	vperm.xlane v3, v2;
	v4 =	vadd.s32 v1, v4;
	_ =	sdelay $0x1  }
0x155: {  	v3 =	vadd.s32 v1, v3;
	_ =	sdelay $0x1  }
0x156: {  	s10 =	simm.s32 $0xC400  }
0x157: {  	[hbm4b:s3+s2] =	stream.indirect_vreg.scatter [tilespmem:s10], [sflag:$0x4], $0x80, v4, vm0, $0xb8;
	[tilespmem:$0x10400] =	vst v63  }
0x158: {  	s20 =	simm.s32 $0xCC00  }
0x159: {  	[hbm4b:s3+s2] =	stream.indirect_vreg.scatter [tilespmem:s20], [sflag:$0x4], $0x80, v3, vm0, $0xb8;
	[tilespmem:$0x10400] =	vst v63  }
0x15a: {  	v3 =	vld [tilespmem:$0x2D0];
	_ =	sdelay $0x4  }
0x15b: {  	v29 =	vshll.u32 v3, $0x1  }
0x15c: {  	v3 =	vand.u32 $0x7, v3;
	v4 =	vand.u32 $0xFFFFFFF0, v29  }
0x15d: {  	v3 =	vor.u32 v3, v4  }
0x15e: {  	v4 =	vperm.xlane v3, v0;
	_ =	sdelay $0x1  }
0x15f: {  	v3 =	vperm.xlane v3, v2;
	v4 =	vadd.s32 v1, v4;
	_ =	sdelay $0x1  }
0x160: {  	v3 =	vadd.s32 v1, v3;
	_ =	sdelay $0x1  }
0x161: {  	s11 =	simm.s32 $0xD400  }
0x162: {  	[hbm4b:s3+s2] =	stream.indirect_vreg.scatter [tilespmem:s11], [sflag:$0x4], $0x80, v4, vm0, $0xb8;
	[tilespmem:$0x10400] =	vst v63  }
0x163: {  	_ = 	snop  }
0x164: {  	[hbm4b:s3+s2] =	stream.indirect_vreg.scatter [tilespmem:s21], [sflag:$0x4], $0x80, v3, vm0, $0xb8;
	[tilespmem:$0x10400] =	vst v63  }
0x165: {  	v3 =	vld [tilespmem:$0x2E0];
	_ =	sdelay $0x4  }
0x166: {  	v30 =	vshll.u32 v3, $0x1  }
0x167: {  	v3 =	vand.u32 $0x7, v3;
	v4 =	vand.u32 $0xFFFFFFF0, v30  }
0x168: {  	v3 =	vor.u32 v3, v4  }
0x169: {  	v4 =	vperm.xlane v3, v0;
	_ =	sdelay $0x1  }
0x16a: {  	v3 =	vperm.xlane v3, v2;
	v4 =	vadd.s32 v1, v4;
	_ =	sdelay $0x1  }
0x16b: {  	v3 =	vadd.s32 v1, v3;
	_ =	sdelay $0x1  }
0x16c: {  	s12 =	simm.s32 $0xE400  }
0x16d: {  	[hbm4b:s3+s2] =	stream.indirect_vreg.scatter [tilespmem:s12], [sflag:$0x4], $0x80, v4, vm0, $0xb8;
	[tilespmem:$0x10400] =	vst v63  }
0x16e: {  	_ = 	snop  }
0x16f: {  	[hbm4b:s3+s2] =	stream.indirect_vreg.scatter [tilespmem:s22], [sflag:$0x4], $0x80, v3, vm0, $0xb8;
	[tilespmem:$0x10400] =	vst v63  }
0x170: {  	v3 =	vld [tilespmem:$0x2F0];
	_ =	sdelay $0x4  }
0x171: {  	v31 =	vshll.u32 v3, $0x1  }
0x172: {  	v3 =	vand.u32 $0x7, v3;
	v4 =	vand.u32 $0xFFFFFFF0, v31  }
0x173: {  	v3 =	vor.u32 v3, v4  }
0x174: {  	v4 =	vperm.xlane v3, v0;
	_ =	sdelay $0x1  }
0x175: {  	v3 =	vperm.xlane v3, v2;
	v4 =	vadd.s32 v1, v4;
	_ =	sdelay $0x1  }
0x176: {  	v3 =	vadd.s32 v1, v3;
	_ =	sdelay $0x1  }
0x177: {  	s13 =	simm.s32 $0xF400  }
0x178: {  	[hbm4b:s3+s2] =	stream.indirect_vreg.scatter [tilespmem:s13], [sflag:$0x4], $0x80, v4, vm0, $0xb8;
	[tilespmem:$0x10400] =	vst v63  }
0x179: {  	s17 =	simm.s32 $0xFC00  }
0x17a: {  	[hbm4b:s3+s2] =	stream.indirect_vreg.scatter [tilespmem:s17], [sflag:$0x4], $0x80, v3, vm0, $0xb8;
	[tilespmem:$0x10400] =	vst v63  }
0x17b: {  	_ =	swait.ge [sflag:s29], $0x8000  }
0x17c: {  	[sflag:s29] =	ssyncset.done $0x0  }
0x17d: {  	[sflag:s29] =	ssyncadd.s32 $0xFFFF8000  }
0x17e: {  	_ =	swait.ge [sflag:s29], $0x8000  }
0x17f: {  	[sflag:s29] =	ssyncset.done $0x0  }
0x180: {  	s20 =	rddreg [dreg:$0x7];
	[sflag:s29] =	ssyncadd.s32 $0xFFFF8000  }
0x181: {  	[tilespmem:s7], [sflag:$0x1] =	stream.linear.gather [hbm4b:s20+s2], $0x8000, $0x38;
	[tilespmem:$0x10400] =	vst v63  }
0x182: {  	_ =	swait.ge [sflag:s23], $0x8000  }
0x183: {  	[sflag:s23] =	ssyncset.done $0x0  }
0x184: {  	[sflag:s23] =	ssyncadd.s32 $0xFFFF8000  }
0x185: {  	v3 =	vld [tilespmem:$0x100];
	_ =	sdelay $0x4  }
0x186: {  	v32 =	vshll.u32 v3, $0x1  }
0x187: {  	v3 =	vand.u32 $0x7, v3;
	v4 =	vand.u32 $0xFFFFFFF0, v32  }
0x188: {  	v3 =	vor.u32 v3, v4  }
0x189: {  	v4 =	vperm.xlane v3, v0;
	_ =	sdelay $0x1  }
0x18a: {  	v3 =	vperm.xlane v3, v2;
	v4 =	vadd.s32 v1, v4;
	_ =	sdelay $0x1  }
0x18b: {  	v3 =	vadd.s32 v1, v3;
	_ =	sdelay $0x2  }
0x18c: {  	[hbm4b:s3+s2] =	stream.indirect_vreg.scatter [tilespmem:s7], [sflag:$0x3], $0x80, v4, vm0, $0xb8;
	[tilespmem:$0x10400] =	vst v63  }
0x18d: {  	_ = 	snop  }
0x18e: {  	[hbm4b:s3+s2] =	stream.indirect_vreg.scatter [tilespmem:s18], [sflag:$0x3], $0x80, v3, vm0, $0xb8;
	[tilespmem:$0x10400] =	vst v63  }
0x18f: {  	v3 =	vld [tilespmem:$0x110];
	_ =	sdelay $0x4  }
0x190: {  	v33 =	vshll.u32 v3, $0x1  }
0x191: {  	v3 =	vand.u32 $0x7, v3;
	v4 =	vand.u32 $0xFFFFFFF0, v33  }
0x192: {  	v3 =	vor.u32 v3, v4  }
0x193: {  	v4 =	vperm.xlane v3, v0;
	_ =	sdelay $0x1  }
0x194: {  	v3 =	vperm.xlane v3, v2;
	v4 =	vadd.s32 v1, v4;
	_ =	sdelay $0x1  }
0x195: {  	v3 =	vadd.s32 v1, v3;
	_ =	sdelay $0x1  }
0x196: {  	s10 =	simm.s32 $0x1400  }
0x197: {  	[hbm4b:s3+s2] =	stream.indirect_vreg.scatter [tilespmem:s10], [sflag:$0x3], $0x80, v4, vm0, $0xb8;
	[tilespmem:$0x10400] =	vst v63  }
0x198: {  	s14 =	simm.s32 $0x1C00  }
0x199: {  	[hbm4b:s3+s2] =	stream.indirect_vreg.scatter [tilespmem:s14], [sflag:$0x3], $0x80, v3, vm0, $0xb8;
	[tilespmem:$0x10400] =	vst v63  }
0x19a: {  	v3 =	vld [tilespmem:$0x120];
	_ =	sdelay $0x4  }
0x19b: {  	v34 =	vshll.u32 v3, $0x1  }
0x19c: {  	v3 =	vand.u32 $0x7, v3;
	v4 =	vand.u32 $0xFFFFFFF0, v34  }
0x19d: {  	v3 =	vor.u32 v3, v4  }
0x19e: {  	v4 =	vperm.xlane v3, v0;
	_ =	sdelay $0x1  }
0x19f: {  	v3 =	vperm.xlane v3, v2;
	v4 =	vadd.s32 v1, v4;
	_ =	sdelay $0x1  }
0x1a0: {  	v3 =	vadd.s32 v1, v3;
	_ =	sdelay $0x1  }
0x1a1: {  	s11 =	simm.s32 $0x2400  }
0x1a2: {  	[hbm4b:s3+s2] =	stream.indirect_vreg.scatter [tilespmem:s11], [sflag:$0x3], $0x80, v4, vm0, $0xb8;
	[tilespmem:$0x10400] =	vst v63  }
0x1a3: {  	s15 =	simm.s32 $0x2C00  }
0x1a4: {  	[hbm4b:s3+s2] =	stream.indirect_vreg.scatter [tilespmem:s15], [sflag:$0x3], $0x80, v3, vm0, $0xb8;
	[tilespmem:$0x10400] =	vst v63  }
0x1a5: {  	v3 =	vld [tilespmem:$0x130];
	_ =	sdelay $0x4  }
0x1a6: {  	v35 =	vshll.u32 v3, $0x1  }
0x1a7: {  	v3 =	vand.u32 $0x7, v3;
	v4 =	vand.u32 $0xFFFFFFF0, v35  }
0x1a8: {  	v3 =	vor.u32 v3, v4  }
0x1a9: {  	v4 =	vperm.xlane v3, v0;
	_ =	sdelay $0x1  }
0x1aa: {  	v3 =	vperm.xlane v3, v2;
	v4 =	vadd.s32 v1, v4;
	_ =	sdelay $0x1  }
0x1ab: {  	v3 =	vadd.s32 v1, v3;
	_ =	sdelay $0x1  }
0x1ac: {  	s12 =	simm.s32 $0x3400  }
0x1ad: {  	[hbm4b:s3+s2] =	stream.indirect_vreg.scatter [tilespmem:s12], [sflag:$0x3], $0x80, v4, vm0, $0xb8;
	[tilespmem:$0x10400] =	vst v63  }
0x1ae: {  	s17 =	simm.s32 $0x3C00  }
0x1af: {  	[hbm4b:s3+s2] =	stream.indirect_vreg.scatter [tilespmem:s17], [sflag:$0x3], $0x80, v3, vm0, $0xb8;
	[tilespmem:$0x10400] =	vst v63  }
0x1b0: {  	v3 =	vld [tilespmem:$0x140];
	_ =	sdelay $0x4  }
0x1b1: {  	v36 =	vshll.u32 v3, $0x1  }
0x1b2: {  	v3 =	vand.u32 $0x7, v3;
	v4 =	vand.u32 $0xFFFFFFF0, v36  }
0x1b3: {  	v3 =	vor.u32 v3, v4  }
0x1b4: {  	v4 =	vperm.xlane v3, v0;
	_ =	sdelay $0x1  }
0x1b5: {  	v3 =	vperm.xlane v3, v2;
	v4 =	vadd.s32 v1, v4;
	_ =	sdelay $0x1  }
0x1b6: {  	v3 =	vadd.s32 v1, v3;
	_ =	sdelay $0x1  }
0x1b7: {  	s13 =	simm.s32 $0x4400  }
0x1b8: {  	[hbm4b:s3+s2] =	stream.indirect_vreg.scatter [tilespmem:s13], [sflag:$0x3], $0x80, v4, vm0, $0xb8;
	[tilespmem:$0x10400] =	vst v63  }
0x1b9: {  	s20 =	simm.s32 $0x4C00  }
0x1ba: {  	[hbm4b:s3+s2] =	stream.indirect_vreg.scatter [tilespmem:s20], [sflag:$0x3], $0x80, v3, vm0, $0xb8;
	[tilespmem:$0x10400] =	vst v63  }
0x1bb: {  	v3 =	vld [tilespmem:$0x150];
	_ =	sdelay $0x4  }
0x1bc: {  	v37 =	vshll.u32 v3, $0x1  }
0x1bd: {  	v3 =	vand.u32 $0x7, v3;
	v4 =	vand.u32 $0xFFFFFFF0, v37  }
0x1be: {  	v3 =	vor.u32 v3, v4  }
0x1bf: {  	v4 =	vperm.xlane v3, v0;
	_ =	sdelay $0x1  }
0x1c0: {  	v3 =	vperm.xlane v3, v2;
	v4 =	vadd.s32 v1, v4;
	_ =	sdelay $0x1  }
0x1c1: {  	v3 =	vadd.s32 v1, v3;
	_ =	sdelay $0x2  }
0x1c2: {  	[hbm4b:s3+s2] =	stream.indirect_vreg.scatter [tilespmem:s30], [sflag:$0x3], $0x80, v4, vm0, $0xb8;
	[tilespmem:$0x10400] =	vst v63  }
0x1c3: {  	_ = 	snop  }
0x1c4: {  	[hbm4b:s3+s2] =	stream.indirect_vreg.scatter [tilespmem:s31], [sflag:$0x3], $0x80, v3, vm0, $0xb8;
	[tilespmem:$0x10400] =	vst v63  }
0x1c5: {  	v3 =	vld [tilespmem:$0x160];
	_ =	sdelay $0x4  }
0x1c6: {  	v38 =	vshll.u32 v3, $0x1  }
0x1c7: {  	v3 =	vand.u32 $0x7, v3;
	v4 =	vand.u32 $0xFFFFFFF0, v38  }
0x1c8: {  	v3 =	vor.u32 v3, v4  }
0x1c9: {  	v4 =	vperm.xlane v3, v0;
	_ =	sdelay $0x1  }
0x1ca: {  	v3 =	vperm.xlane v3, v2;
	v4 =	vadd.s32 v1, v4;
	_ =	sdelay $0x1  }
0x1cb: {  	v3 =	vadd.s32 v1, v3;
	_ =	sdelay $0x2  }
0x1cc: {  	[hbm4b:s3+s2] =	stream.indirect_vreg.scatter [tilespmem:s5], [sflag:$0x3], $0x80, v4, vm0, $0xb8;
	[tilespmem:$0x10400] =	vst v63  }
0x1cd: {  	_ = 	snop  }
0x1ce: {  	[hbm4b:s3+s2] =	stream.indirect_vreg.scatter [tilespmem:s1], [sflag:$0x3], $0x80, v3, vm0, $0xb8;
	[tilespmem:$0x10400] =	vst v63  }
0x1cf: {  	v3 =	vld [tilespmem:$0x170];
	_ =	sdelay $0x4  }
0x1d0: {  	v39 =	vshll.u32 v3, $0x1  }
0x1d1: {  	v3 =	vand.u32 $0x7, v3;
	v4 =	vand.u32 $0xFFFFFFF0, v39  }
0x1d2: {  	v3 =	vor.u32 v3, v4  }
0x1d3: {  	v4 =	vperm.xlane v3, v0;
	_ =	sdelay $0x1  }
0x1d4: {  	v3 =	vperm.xlane v3, v2;
	v4 =	vadd.s32 v1, v4;
	_ =	sdelay $0x1  }
0x1d5: {  	v3 =	vadd.s32 v1, v3;
	_ =	sdelay $0x2  }
0x1d6: {  	[hbm4b:s3+s2] =	stream.indirect_vreg.scatter [tilespmem:s8], [sflag:$0x3], $0x80, v4, vm0, $0xb8;
	[tilespmem:$0x10400] =	vst v63  }
0x1d7: {  	_ = 	snop  }
0x1d8: {  	[hbm4b:s3+s2] =	stream.indirect_vreg.scatter [tilespmem:s9], [sflag:$0x3], $0x80, v3, vm0, $0xb8;
	[tilespmem:$0x10400] =	vst v63  }
0x1d9: {  	v3 =	vld [tilespmem:$0x300];
	_ =	sdelay $0x4  }
0x1da: {  	v40 =	vshll.u32 v3, $0x1  }
0x1db: {  	v3 =	vand.u32 $0x7, v3;
	v4 =	vand.u32 $0xFFFFFFF0, v40  }
0x1dc: {  	v3 =	vor.u32 v3, v4  }
0x1dd: {  	v4 =	vperm.xlane v3, v0;
	_ =	sdelay $0x1  }
0x1de: {  	v3 =	vperm.xlane v3, v2;
	v4 =	vadd.s32 v1, v4;
	_ =	sdelay $0x1  }
0x1df: {  	v3 =	vadd.s32 v1, v3;
	_ =	sdelay $0x2  }
0x1e0: {  	[hbm4b:s3+s2] =	stream.indirect_vreg.scatter [tilespmem:s7], [sflag:$0x3], $0x80, v4, vm0, $0xb8;
	[tilespmem:$0x10400] =	vst v63  }
0x1e1: {  	_ = 	snop  }
0x1e2: {  	[hbm4b:s3+s2] =	stream.indirect_vreg.scatter [tilespmem:s18], [sflag:$0x3], $0x80, v3, vm0, $0xb8;
	[tilespmem:$0x10400] =	vst v63  }
0x1e3: {  	v3 =	vld [tilespmem:$0x310];
	_ =	sdelay $0x4  }
0x1e4: {  	v41 =	vshll.u32 v3, $0x1  }
0x1e5: {  	v3 =	vand.u32 $0x7, v3;
	v4 =	vand.u32 $0xFFFFFFF0, v41  }
0x1e6: {  	v3 =	vor.u32 v3, v4  }
0x1e7: {  	v4 =	vperm.xlane v3, v0;
	_ =	sdelay $0x1  }
0x1e8: {  	v3 =	vperm.xlane v3, v2;
	v4 =	vadd.s32 v1, v4;
	_ =	sdelay $0x1  }
0x1e9: {  	v3 =	vadd.s32 v1, v3;
	_ =	sdelay $0x2  }
0x1ea: {  	[hbm4b:s3+s2] =	stream.indirect_vreg.scatter [tilespmem:s10], [sflag:$0x3], $0x80, v4, vm0, $0xb8;
	[tilespmem:$0x10400] =	vst v63  }
0x1eb: {  	_ = 	snop  }
0x1ec: {  	[hbm4b:s3+s2] =	stream.indirect_vreg.scatter [tilespmem:s14], [sflag:$0x3], $0x80, v3, vm0, $0xb8;
	[tilespmem:$0x10400] =	vst v63  }
0x1ed: {  	v3 =	vld [tilespmem:$0x320];
	_ =	sdelay $0x4  }
0x1ee: {  	v42 =	vshll.u32 v3, $0x1  }
0x1ef: {  	v3 =	vand.u32 $0x7, v3;
	v4 =	vand.u32 $0xFFFFFFF0, v42  }
0x1f0: {  	v3 =	vor.u32 v3, v4  }
0x1f1: {  	v4 =	vperm.xlane v3, v0;
	_ =	sdelay $0x1  }
0x1f2: {  	v3 =	vperm.xlane v3, v2;
	v4 =	vadd.s32 v1, v4;
	_ =	sdelay $0x1  }
0x1f3: {  	v3 =	vadd.s32 v1, v3;
	_ =	sdelay $0x2  }
0x1f4: {  	[hbm4b:s3+s2] =	stream.indirect_vreg.scatter [tilespmem:s11], [sflag:$0x3], $0x80, v4, vm0, $0xb8;
	[tilespmem:$0x10400] =	vst v63  }
0x1f5: {  	_ = 	snop  }
0x1f6: {  	[hbm4b:s3+s2] =	stream.indirect_vreg.scatter [tilespmem:s15], [sflag:$0x3], $0x80, v3, vm0, $0xb8;
	[tilespmem:$0x10400] =	vst v63  }
0x1f7: {  	v3 =	vld [tilespmem:$0x330];
	_ =	sdelay $0x4  }
0x1f8: {  	v43 =	vshll.u32 v3, $0x1  }
0x1f9: {  	v3 =	vand.u32 $0x7, v3;
	v4 =	vand.u32 $0xFFFFFFF0, v43  }
0x1fa: {  	v3 =	vor.u32 v3, v4  }
0x1fb: {  	v4 =	vperm.xlane v3, v0;
	_ =	sdelay $0x1  }
0x1fc: {  	v3 =	vperm.xlane v3, v2;
	v4 =	vadd.s32 v1, v4;
	_ =	sdelay $0x1  }
0x1fd: {  	v3 =	vadd.s32 v1, v3;
	_ =	sdelay $0x2  }
0x1fe: {  	[hbm4b:s3+s2] =	stream.indirect_vreg.scatter [tilespmem:s12], [sflag:$0x3], $0x80, v4, vm0, $0xb8;
	[tilespmem:$0x10400] =	vst v63  }
0x1ff: {  	_ = 	snop  }
0x200: {  	[hbm4b:s3+s2] =	stream.indirect_vreg.scatter [tilespmem:s17], [sflag:$0x3], $0x80, v3, vm0, $0xb8;
	[tilespmem:$0x10400] =	vst v63  }
0x201: {  	v3 =	vld [tilespmem:$0x340];
	_ =	sdelay $0x4  }
0x202: {  	v44 =	vshll.u32 v3, $0x1  }
0x203: {  	v3 =	vand.u32 $0x7, v3;
	v4 =	vand.u32 $0xFFFFFFF0, v44  }
0x204: {  	v3 =	vor.u32 v3, v4  }
0x205: {  	v4 =	vperm.xlane v3, v0;
	_ =	sdelay $0x1  }
0x206: {  	v3 =	vperm.xlane v3, v2;
	v4 =	vadd.s32 v1, v4;
	_ =	sdelay $0x1  }
0x207: {  	v3 =	vadd.s32 v1, v3;
	_ =	sdelay $0x2  }
0x208: {  	[hbm4b:s3+s2] =	stream.indirect_vreg.scatter [tilespmem:s13], [sflag:$0x3], $0x80, v4, vm0, $0xb8;
	[tilespmem:$0x10400] =	vst v63  }
0x209: {  	_ = 	snop  }
0x20a: {  	[hbm4b:s3+s2] =	stream.indirect_vreg.scatter [tilespmem:s20], [sflag:$0x3], $0x80, v3, vm0, $0xb8;
	[tilespmem:$0x10400] =	vst v63  }
0x20b: {  	v3 =	vld [tilespmem:$0x350];
	_ =	sdelay $0x4  }
0x20c: {  	v45 =	vshll.u32 v3, $0x1  }
0x20d: {  	v3 =	vand.u32 $0x7, v3;
	v4 =	vand.u32 $0xFFFFFFF0, v45  }
0x20e: {  	v3 =	vor.u32 v3, v4  }
0x20f: {  	v4 =	vperm.xlane v3, v0;
	_ =	sdelay $0x1  }
0x210: {  	v3 =	vperm.xlane v3, v2;
	v4 =	vadd.s32 v1, v4;
	_ =	sdelay $0x1  }
0x211: {  	v3 =	vadd.s32 v1, v3;
	_ =	sdelay $0x2  }
0x212: {  	[hbm4b:s3+s2] =	stream.indirect_vreg.scatter [tilespmem:s30], [sflag:$0x3], $0x80, v4, vm0, $0xb8;
	[tilespmem:$0x10400] =	vst v63  }
0x213: {  	_ = 	snop  }
0x214: {  	[hbm4b:s3+s2] =	stream.indirect_vreg.scatter [tilespmem:s31], [sflag:$0x3], $0x80, v3, vm0, $0xb8;
	[tilespmem:$0x10400] =	vst v63  }
0x215: {  	v3 =	vld [tilespmem:$0x360];
	_ =	sdelay $0x4  }
0x216: {  	v46 =	vshll.u32 v3, $0x1  }
0x217: {  	v3 =	vand.u32 $0x7, v3;
	v4 =	vand.u32 $0xFFFFFFF0, v46  }
0x218: {  	v3 =	vor.u32 v3, v4  }
0x219: {  	v4 =	vperm.xlane v3, v0;
	_ =	sdelay $0x1  }
0x21a: {  	v3 =	vperm.xlane v3, v2;
	v4 =	vadd.s32 v1, v4;
	_ =	sdelay $0x1  }
0x21b: {  	v3 =	vadd.s32 v1, v3;
	_ =	sdelay $0x2  }
0x21c: {  	[hbm4b:s3+s2] =	stream.indirect_vreg.scatter [tilespmem:s5], [sflag:$0x3], $0x80, v4, vm0, $0xb8;
	[tilespmem:$0x10400] =	vst v63  }
0x21d: {  	_ = 	snop  }
0x21e: {  	[hbm4b:s3+s2] =	stream.indirect_vreg.scatter [tilespmem:s1], [sflag:$0x3], $0x80, v3, vm0, $0xb8;
	[tilespmem:$0x10400] =	vst v63  }
0x21f: {  	v3 =	vld [tilespmem:$0x370];
	_ =	sdelay $0x4  }
0x220: {  	v47 =	vshll.u32 v3, $0x1  }
0x221: {  	v3 =	vand.u32 $0x7, v3;
	v4 =	vand.u32 $0xFFFFFFF0, v47  }
0x222: {  	v3 =	vor.u32 v3, v4  }
0x223: {  	v4 =	vperm.xlane v3, v0;
	_ =	sdelay $0x1  }
0x224: {  	v3 =	vperm.xlane v3, v2;
	v4 =	vadd.s32 v1, v4;
	_ =	sdelay $0x1  }
0x225: {  	v3 =	vadd.s32 v1, v3;
	_ =	sdelay $0x2  }
0x226: {  	[hbm4b:s3+s2] =	stream.indirect_vreg.scatter [tilespmem:s8], [sflag:$0x3], $0x80, v4, vm0, $0xb8;
	[tilespmem:$0x10400] =	vst v63  }
0x227: {  	_ = 	snop  }
0x228: {  	[hbm4b:s3+s2] =	stream.indirect_vreg.scatter [tilespmem:s9], [sflag:$0x3], $0x80, v3, vm0, $0xb8;
	[tilespmem:$0x10400] =	vst v63  }
0x229: {  	_ =	swait.ge [sflag:s16], $0x8000  }
0x22a: {  	[sflag:s16] =	ssyncset.done $0x0  }
0x22b: {  	[sflag:s16] =	ssyncadd.s32 $0xFFFF8000  }
0x22c: {  	_ =	swait.ge [sflag:s16], $0x8000  }
0x22d: {  	[sflag:s16] =	ssyncset.done $0x0  }
0x22e: {  	s9 =	rddreg [dreg:$0x8];
	[sflag:s16] =	ssyncadd.s32 $0xFFFF8000  }
0x22f: {  	[tilespmem:s24], [sflag:$0x2] =	stream.linear.gather [hbm4b:s9+s2], $0x8000, $0x38;
	[tilespmem:$0x10400] =	vst v63  }
0x230: {  	_ =	swait.ge [sflag:s0], $0x8000  }
0x231: {  	[sflag:s0] =	ssyncset.done $0x0  }
0x232: {  	[sflag:s0] =	ssyncadd.s32 $0xFFFF8000  }
0x233: {  	v3 =	vld [tilespmem:$0x180];
	_ =	sdelay $0x4  }
0x234: {  	v48 =	vshll.u32 v3, $0x1  }
0x235: {  	v3 =	vand.u32 $0x7, v3;
	v4 =	vand.u32 $0xFFFFFFF0, v48  }
0x236: {  	v3 =	vor.u32 v3, v4  }
0x237: {  	v4 =	vperm.xlane v3, v0;
	_ =	sdelay $0x1  }
0x238: {  	v3 =	vperm.xlane v3, v2;
	v4 =	vadd.s32 v1, v4;
	_ =	sdelay $0x1  }
0x239: {  	v3 =	vadd.s32 v1, v3;
	_ =	sdelay $0x2  }
0x23a: {  	[hbm4b:s3+s2] =	stream.indirect_vreg.scatter [tilespmem:s24], [sflag:$0x4], $0x80, v4, vm0, $0xb8;
	[tilespmem:$0x10400] =	vst v63  }
0x23b: {  	s10 =	simm.s32 $0x8C00  }
0x23c: {  	[hbm4b:s3+s2] =	stream.indirect_vreg.scatter [tilespmem:s10], [sflag:$0x4], $0x80, v3, vm0, $0xb8;
	[tilespmem:$0x10400] =	vst v63  }
0x23d: {  	v3 =	vld [tilespmem:$0x190];
	_ =	sdelay $0x4  }
0x23e: {  	v49 =	vshll.u32 v3, $0x1  }
0x23f: {  	v3 =	vand.u32 $0x7, v3;
	v4 =	vand.u32 $0xFFFFFFF0, v49  }
0x240: {  	v3 =	vor.u32 v3, v4  }
0x241: {  	v4 =	vperm.xlane v3, v0;
	_ =	sdelay $0x1  }
0x242: {  	v3 =	vperm.xlane v3, v2;
	v4 =	vadd.s32 v1, v4;
	_ =	sdelay $0x1  }
0x243: {  	v3 =	vadd.s32 v1, v3;
	_ =	sdelay $0x1  }
0x244: {  	s17 =	simm.s32 $0x9400  }
0x245: {  	[hbm4b:s3+s2] =	stream.indirect_vreg.scatter [tilespmem:s17], [sflag:$0x4], $0x80, v4, vm0, $0xb8;
	[tilespmem:$0x10400] =	vst v63  }
0x246: {  	s0 =	simm.s32 $0x9C00  }
0x247: {  	[hbm4b:s3+s2] =	stream.indirect_vreg.scatter [tilespmem:s0], [sflag:$0x4], $0x80, v3, vm0, $0xb8;
	[tilespmem:$0x10400] =	vst v63  }
0x248: {  	v3 =	vld [tilespmem:$0x1A0];
	_ =	sdelay $0x4  }
0x249: {  	v50 =	vshll.u32 v3, $0x1  }
0x24a: {  	v3 =	vand.u32 $0x7, v3;
	v4 =	vand.u32 $0xFFFFFFF0, v50  }
0x24b: {  	v3 =	vor.u32 v3, v4  }
0x24c: {  	v4 =	vperm.xlane v3, v0;
	_ =	sdelay $0x1  }
0x24d: {  	v3 =	vperm.xlane v3, v2;
	v4 =	vadd.s32 v1, v4;
	_ =	sdelay $0x1  }
0x24e: {  	v3 =	vadd.s32 v1, v3;
	_ =	sdelay $0x1  }
0x24f: {  	s1 =	simm.s32 $0xA400  }
0x250: {  	[hbm4b:s3+s2] =	stream.indirect_vreg.scatter [tilespmem:s1], [sflag:$0x4], $0x80, v4, vm0, $0xb8;
	[tilespmem:$0x10400] =	vst v63  }
0x251: {  	s19 =	simm.s32 $0xAC00  }
0x252: {  	[hbm4b:s3+s2] =	stream.indirect_vreg.scatter [tilespmem:s19], [sflag:$0x4], $0x80, v3, vm0, $0xb8;
	[tilespmem:$0x10400] =	vst v63  }
0x253: {  	v3 =	vld [tilespmem:$0x1B0];
	_ =	sdelay $0x4  }
0x254: {  	v51 =	vshll.u32 v3, $0x1  }
0x255: {  	v3 =	vand.u32 $0x7, v3;
	v4 =	vand.u32 $0xFFFFFFF0, v51  }
0x256: {  	v3 =	vor.u32 v3, v4  }
0x257: {  	v4 =	vperm.xlane v3, v0;
	_ =	sdelay $0x1  }
0x258: {  	v3 =	vperm.xlane v3, v2;
	v4 =	vadd.s32 v1, v4;
	_ =	sdelay $0x1  }
0x259: {  	v3 =	vadd.s32 v1, v3;
	_ =	sdelay $0x1  }
0x25a: {  	s11 =	simm.s32 $0xB400  }
0x25b: {  	[hbm4b:s3+s2] =	stream.indirect_vreg.scatter [tilespmem:s11], [sflag:$0x4], $0x80, v4, vm0, $0xb8;
	[tilespmem:$0x10400] =	vst v63  }
0x25c: {  	_ = 	snop  }
0x25d: {  	[hbm4b:s3+s2] =	stream.indirect_vreg.scatter [tilespmem:s6], [sflag:$0x4], $0x80, v3, vm0, $0xb8;
	[tilespmem:$0x10400] =	vst v63  }
0x25e: {  	v3 =	vld [tilespmem:$0x1C0];
	_ =	sdelay $0x4  }
0x25f: {  	v52 =	vshll.u32 v3, $0x1  }
0x260: {  	v3 =	vand.u32 $0x7, v3;
	v4 =	vand.u32 $0xFFFFFFF0, v52  }
0x261: {  	v3 =	vor.u32 v3, v4  }
0x262: {  	v4 =	vperm.xlane v3, v0;
	_ =	sdelay $0x1  }
0x263: {  	v3 =	vperm.xlane v3, v2;
	v4 =	vadd.s32 v1, v4;
	_ =	sdelay $0x1  }
0x264: {  	v3 =	vadd.s32 v1, v3;
	_ =	sdelay $0x1  }
0x265: {  	s12 =	simm.s32 $0xC400  }
0x266: {  	[hbm4b:s3+s2] =	stream.indirect_vreg.scatter [tilespmem:s12], [sflag:$0x4], $0x80, v4, vm0, $0xb8;
	[tilespmem:$0x10400] =	vst v63  }
0x267: {  	s5 =	simm.s32 $0xCC00  }
0x268: {  	[hbm4b:s3+s2] =	stream.indirect_vreg.scatter [tilespmem:s5], [sflag:$0x4], $0x80, v3, vm0, $0xb8;
	[tilespmem:$0x10400] =	vst v63  }
0x269: {  	v3 =	vld [tilespmem:$0x1D0];
	_ =	sdelay $0x4  }
0x26a: {  	v53 =	vshll.u32 v3, $0x1  }
0x26b: {  	v3 =	vand.u32 $0x7, v3;
	v4 =	vand.u32 $0xFFFFFFF0, v53  }
0x26c: {  	v3 =	vor.u32 v3, v4  }
0x26d: {  	v4 =	vperm.xlane v3, v0;
	_ =	sdelay $0x1  }
0x26e: {  	v3 =	vperm.xlane v3, v2;
	v4 =	vadd.s32 v1, v4;
	_ =	sdelay $0x1  }
0x26f: {  	v3 =	vadd.s32 v1, v3;
	_ =	sdelay $0x1  }
0x270: {  	s7 =	simm.s32 $0xD400  }
0x271: {  	[hbm4b:s3+s2] =	stream.indirect_vreg.scatter [tilespmem:s7], [sflag:$0x4], $0x80, v4, vm0, $0xb8;
	[tilespmem:$0x10400] =	vst v63  }
0x272: {  	s8 =	simm.s32 $0xDC00  }
0x273: {  	[hbm4b:s3+s2] =	stream.indirect_vreg.scatter [tilespmem:s8], [sflag:$0x4], $0x80, v3, vm0, $0xb8;
	[tilespmem:$0x10400] =	vst v63  }
0x274: {  	v3 =	vld [tilespmem:$0x1E0];
	_ =	sdelay $0x4  }
0x275: {  	v54 =	vshll.u32 v3, $0x1  }
0x276: {  	v3 =	vand.u32 $0x7, v3;
	v4 =	vand.u32 $0xFFFFFFF0, v54  }
0x277: {  	v3 =	vor.u32 v3, v4  }
0x278: {  	v4 =	vperm.xlane v3, v0;
	_ =	sdelay $0x1  }
0x279: {  	v3 =	vperm.xlane v3, v2;
	v4 =	vadd.s32 v1, v4;
	_ =	sdelay $0x1  }
0x27a: {  	v3 =	vadd.s32 v1, v3;
	_ =	sdelay $0x1  }
0x27b: {  	s13 =	simm.s32 $0xE400  }
0x27c: {  	[hbm4b:s3+s2] =	stream.indirect_vreg.scatter [tilespmem:s13], [sflag:$0x4], $0x80, v4, vm0, $0xb8;
	[tilespmem:$0x10400] =	vst v63  }
0x27d: {  	s14 =	simm.s32 $0xEC00  }
0x27e: {  	[hbm4b:s3+s2] =	stream.indirect_vreg.scatter [tilespmem:s14], [sflag:$0x4], $0x80, v3, vm0, $0xb8;
	[tilespmem:$0x10400] =	vst v63  }
0x27f: {  	v3 =	vld [tilespmem:$0x1F0];
	_ =	sdelay $0x4  }
0x280: {  	v55 =	vshll.u32 v3, $0x1  }
0x281: {  	v3 =	vand.u32 $0x7, v3;
	v4 =	vand.u32 $0xFFFFFFF0, v55  }
0x282: {  	v3 =	vor.u32 v3, v4  }
0x283: {  	v4 =	vperm.xlane v3, v0;
	_ =	sdelay $0x1  }
0x284: {  	v3 =	vperm.xlane v3, v2;
	v4 =	vadd.s32 v1, v4;
	_ =	sdelay $0x1  }
0x285: {  	v3 =	vadd.s32 v1, v3;
	_ =	sdelay $0x1  }
0x286: {  	s18 =	simm.s32 $0xF400  }
0x287: {  	[hbm4b:s3+s2] =	stream.indirect_vreg.scatter [tilespmem:s18], [sflag:$0x4], $0x80, v4, vm0, $0xb8;
	[tilespmem:$0x10400] =	vst v63  }
0x288: {  	s20 =	simm.s32 $0xFC00  }
0x289: {  	[hbm4b:s3+s2] =	stream.indirect_vreg.scatter [tilespmem:s20], [sflag:$0x4], $0x80, v3, vm0, $0xb8;
	[tilespmem:$0x10400] =	vst v63  }
0x28a: {  	v3 =	vld [tilespmem:$0x380];
	_ =	sdelay $0x4  }
0x28b: {  	v56 =	vshll.u32 v3, $0x1  }
0x28c: {  	v3 =	vand.u32 $0x7, v3;
	v4 =	vand.u32 $0xFFFFFFF0, v56  }
0x28d: {  	v3 =	vor.u32 v3, v4  }
0x28e: {  	v4 =	vperm.xlane v3, v0;
	_ =	sdelay $0x1  }
0x28f: {  	v3 =	vperm.xlane v3, v2;
	v4 =	vadd.s32 v1, v4;
	_ =	sdelay $0x1  }
0x290: {  	v3 =	vadd.s32 v1, v3;
	_ =	sdelay $0x2  }
0x291: {  	[hbm4b:s3+s2] =	stream.indirect_vreg.scatter [tilespmem:s24], [sflag:$0x4], $0x80, v4, vm0, $0xb8;
	[tilespmem:$0x10400] =	vst v63  }
0x292: {  	_ = 	snop  }
0x293: {  	[hbm4b:s3+s2] =	stream.indirect_vreg.scatter [tilespmem:s10], [sflag:$0x4], $0x80, v3, vm0, $0xb8;
	[tilespmem:$0x10400] =	vst v63  }
0x294: {  	v3 =	vld [tilespmem:$0x390];
	_ =	sdelay $0x4  }
0x295: {  	v57 =	vshll.u32 v3, $0x1  }
0x296: {  	v3 =	vand.u32 $0x7, v3;
	v4 =	vand.u32 $0xFFFFFFF0, v57  }
0x297: {  	v3 =	vor.u32 v3, v4  }
0x298: {  	v4 =	vperm.xlane v3, v0;
	_ =	sdelay $0x1  }
0x299: {  	v3 =	vperm.xlane v3, v2;
	v4 =	vadd.s32 v1, v4;
	_ =	sdelay $0x1  }
0x29a: {  	v3 =	vadd.s32 v1, v3;
	_ =	sdelay $0x2  }
0x29b: {  	[hbm4b:s3+s2] =	stream.indirect_vreg.scatter [tilespmem:s17], [sflag:$0x4], $0x80, v4, vm0, $0xb8;
	[tilespmem:$0x10400] =	vst v63  }
0x29c: {  	_ = 	snop  }
0x29d: {  	[hbm4b:s3+s2] =	stream.indirect_vreg.scatter [tilespmem:s0], [sflag:$0x4], $0x80, v3, vm0, $0xb8;
	[tilespmem:$0x10400] =	vst v63  }
0x29e: {  	v3 =	vld [tilespmem:$0x3A0];
	_ =	sdelay $0x4  }
0x29f: {  	v58 =	vshll.u32 v3, $0x1  }
0x2a0: {  	v3 =	vand.u32 $0x7, v3;
	v4 =	vand.u32 $0xFFFFFFF0, v58  }
0x2a1: {  	v3 =	vor.u32 v3, v4  }
0x2a2: {  	v4 =	vperm.xlane v3, v0;
	_ =	sdelay $0x1  }
0x2a3: {  	v3 =	vperm.xlane v3, v2;
	v4 =	vadd.s32 v1, v4;
	_ =	sdelay $0x1  }
0x2a4: {  	v3 =	vadd.s32 v1, v3;
	_ =	sdelay $0x2  }
0x2a5: {  	[hbm4b:s3+s2] =	stream.indirect_vreg.scatter [tilespmem:s1], [sflag:$0x4], $0x80, v4, vm0, $0xb8;
	[tilespmem:$0x10400] =	vst v63  }
0x2a6: {  	_ = 	snop  }
0x2a7: {  	[hbm4b:s3+s2] =	stream.indirect_vreg.scatter [tilespmem:s19], [sflag:$0x4], $0x80, v3, vm0, $0xb8;
	[tilespmem:$0x10400] =	vst v63  }
0x2a8: {  	v3 =	vld [tilespmem:$0x3B0];
	_ =	sdelay $0x4  }
0x2a9: {  	v59 =	vshll.u32 v3, $0x1  }
0x2aa: {  	v3 =	vand.u32 $0x7, v3;
	v4 =	vand.u32 $0xFFFFFFF0, v59  }
0x2ab: {  	v3 =	vor.u32 v3, v4  }
0x2ac: {  	v4 =	vperm.xlane v3, v0;
	_ =	sdelay $0x1  }
0x2ad: {  	v3 =	vperm.xlane v3, v2;
	v4 =	vadd.s32 v1, v4;
	_ =	sdelay $0x1  }
0x2ae: {  	v3 =	vadd.s32 v1, v3;
	_ =	sdelay $0x2  }
0x2af: {  	[hbm4b:s3+s2] =	stream.indirect_vreg.scatter [tilespmem:s11], [sflag:$0x4], $0x80, v4, vm0, $0xb8;
	[tilespmem:$0x10400] =	vst v63  }
0x2b0: {  	_ = 	snop  }
0x2b1: {  	[hbm4b:s3+s2] =	stream.indirect_vreg.scatter [tilespmem:s6], [sflag:$0x4], $0x80, v3, vm0, $0xb8;
	[tilespmem:$0x10400] =	vst v63  }
0x2b2: {  	v3 =	vld [tilespmem:$0x3C0];
	_ =	sdelay $0x4  }
0x2b3: {  	v60 =	vshll.u32 v3, $0x1  }
0x2b4: {  	v3 =	vand.u32 $0x7, v3;
	v4 =	vand.u32 $0xFFFFFFF0, v60  }
0x2b5: {  	v3 =	vor.u32 v3, v4  }
0x2b6: {  	v4 =	vperm.xlane v3, v0;
	_ =	sdelay $0x1  }
0x2b7: {  	v3 =	vperm.xlane v3, v2;
	v4 =	vadd.s32 v1, v4;
	_ =	sdelay $0x1  }
0x2b8: {  	v3 =	vadd.s32 v1, v3;
	_ =	sdelay $0x2  }
0x2b9: {  	[hbm4b:s3+s2] =	stream.indirect_vreg.scatter [tilespmem:s12], [sflag:$0x4], $0x80, v4, vm0, $0xb8;
	[tilespmem:$0x10400] =	vst v63  }
0x2ba: {  	_ = 	snop  }
0x2bb: {  	[hbm4b:s3+s2] =	stream.indirect_vreg.scatter [tilespmem:s5], [sflag:$0x4], $0x80, v3, vm0, $0xb8;
	[tilespmem:$0x10400] =	vst v63  }
0x2bc: {  	v3 =	vld [tilespmem:$0x3D0];
	_ =	sdelay $0x4  }
0x2bd: {  	v61 =	vshll.u32 v3, $0x1  }
0x2be: {  	v3 =	vand.u32 $0x7, v3;
	v4 =	vand.u32 $0xFFFFFFF0, v61  }
0x2bf: {  	v3 =	vor.u32 v3, v4  }
0x2c0: {  	v4 =	vperm.xlane v3, v0;
	_ =	sdelay $0x1  }
0x2c1: {  	v3 =	vperm.xlane v3, v2;
	v4 =	vadd.s32 v1, v4;
	_ =	sdelay $0x1  }
0x2c2: {  	v3 =	vadd.s32 v1, v3;
	_ =	sdelay $0x2  }
0x2c3: {  	[hbm4b:s3+s2] =	stream.indirect_vreg.scatter [tilespmem:s7], [sflag:$0x4], $0x80, v4, vm0, $0xb8;
	[tilespmem:$0x10400] =	vst v63  }
0x2c4: {  	_ = 	snop  }
0x2c5: {  	[hbm4b:s3+s2] =	stream.indirect_vreg.scatter [tilespmem:s8], [sflag:$0x4], $0x80, v3, vm0, $0xb8;
	[tilespmem:$0x10400] =	vst v63  }
0x2c6: {  	v3 =	vld [tilespmem:$0x3E0];
	_ =	sdelay $0x4  }
0x2c7: {  	v62 =	vshll.u32 v3, $0x1  }
0x2c8: {  	v3 =	vand.u32 $0x7, v3;
	v4 =	vand.u32 $0xFFFFFFF0, v62  }
0x2c9: {  	v3 =	vor.u32 v3, v4  }
0x2ca: {  	v4 =	vperm.xlane v3, v0;
	_ =	sdelay $0x1  }
0x2cb: {  	v3 =	vperm.xlane v3, v2;
	v4 =	vadd.s32 v1, v4;
	_ =	sdelay $0x1  }
0x2cc: {  	v3 =	vadd.s32 v1, v3;
	_ =	sdelay $0x2  }
0x2cd: {  	[hbm4b:s3+s2] =	stream.indirect_vreg.scatter [tilespmem:s13], [sflag:$0x4], $0x80, v4, vm0, $0xb8;
	[tilespmem:$0x10400] =	vst v63  }
0x2ce: {  	_ = 	snop  }
0x2cf: {  	[hbm4b:s3+s2] =	stream.indirect_vreg.scatter [tilespmem:s14], [sflag:$0x4], $0x80, v3, vm0, $0xb8;
	[tilespmem:$0x10400] =	vst v63  }
0x2d0: {  	v3 =	vld [tilespmem:$0x3F0];
	_ =	sdelay $0x4  }
0x2d1: {  	v63 =	vshll.u32 v3, $0x1  }
0x2d2: {  	v3 =	vand.u32 $0x7, v3;
	v4 =	vand.u32 $0xFFFFFFF0, v63  }
0x2d3: {  	v3 =	vor.u32 v3, v4  }
0x2d4: {  	v4 =	vperm.xlane v3, v0;
	_ =	sdelay $0x1  }
0x2d5: {  	v3 =	vperm.xlane v3, v2;
	v4 =	vadd.s32 v1, v4;
	_ =	sdelay $0x1  }
0x2d6: {  	v3 =	vadd.s32 v1, v3;
	_ =	sdelay $0x2  }
0x2d7: {  	[hbm4b:s3+s2] =	stream.indirect_vreg.scatter [tilespmem:s18], [sflag:$0x4], $0x80, v4, vm0, $0xb8;
	[tilespmem:$0x10400] =	vst v63  }
0x2d8: {  	_ = 	snop  }
0x2d9: {  	[hbm4b:s3+s2] =	stream.indirect_vreg.scatter [tilespmem:s20], [sflag:$0x4], $0x80, v3, vm0, $0xb8;
	[tilespmem:$0x10400] =	vst v63  }
0x2da: {  	_ =	swait.ge [sflag:s29], $0x8000  }
0x2db: {  	[sflag:s29] =	ssyncset.done $0x0  }
0x2dc: {  	[sflag:s29] =	ssyncadd.s32 $0xFFFF8000  }
0x2dd: {  	_ =	swait.ge [sflag:s29], $0x8000  }
0x2de: {  	[sflag:s29] =	ssyncset.done $0x0  }
0x2df: {  	[sflag:s29] =	ssyncadd.s32 $0xFFFF8000  }
0x2e0: {  	p0 =	sne.s32 s4, $0x1;
	_ =	swait.ge [sflag:s16], $0x8000  }
.Ltmp0:
0x2e1: {  	[sflag:s16] =	ssyncset.done $0x0;
	(pc) =	sbr.rel @p0 .LBB2_1-.Ltmp0, $4  }
0x2e2: {  	[sflag:s16] =	ssyncadd.s32 $0xFFFF8000  }
0x2e3: {  	_ =	swait.ge [sflag:s16], $0x8000  }
0x2e4: {  	[sflag:s16] =	ssyncset.done $0x0  }
0x2e5: {  	s4 =	sadd.s32 $0xFFFFFFFF, s4;
	[sflag:s16] =	ssyncadd.s32 $0xFFFF8000  }
0x2e6: {  	_ =	sfence.sel $0x180000  }
0x2e7: {  	[bflag:$0x0] =	sbarrier.arrive $0xFFFF  }
0x2e8: {  	_ =	strace $0x90000047  }
0x2e9: {  	s0 =	stileid.u32;
	[bflag:$0x2] =	sbarrier.arrive $0xFFFF  }
0x2ea: {  	p0 =	sne.s32 s0, $0x0;
	s0 =	rddreg [dreg:$0x2]  }
0x2eb: {  	s0 =	sadd.s32 @!p0 $0x100000, s0  }
0x2ec: {  	[sflag:s0] =	ssyncadd.tile.s32 @!p0 $0x1;
	_ =	shalt  }
.Lfunc_end2:
_tile_overlayer_lowered:
.L_overlay_start_2:
0x2ed: {  	(tag) =	ssettag $0x2  }
0x2ee: {  	s0 =	rddreg [dreg:$0x0];
	s2 =	stileid.u32  }
0x2ef: {  	s1 =	rddreg [dreg:$0x1];
	p0 =	sne.s32 s2, $0x0  }
0x2f0: {  	s3 =	rddreg [dreg:$0x2];
	[bflag:$0x3] =	sbarrier.arrive $0xFFFF;
	s2 =	simm.s32 @!p0 $0x1C05  }
0x2f1: {  	[timem:s3], [sflag:s2] =	dma.local @!p0 [hbm:s0], s1  }
0x2f2: {  	s0 =	simm.s32 @!p0 $0x5  }
0x2f3: {  	_ =	swait.ge @!p0 [sflag:s0], s1  }
0x2f4: {  	s1 =	ssub.s32 @!p0 $0x0, s1;
	[sflag:s0] =	ssyncset.done @!p0 $0x0  }
0x2f5: {  	[sflag:s0] =	ssyncadd.s32 @!p0 s1  }
0x2f6: {  	[bflag:$0x3] =	sbarrier.arrive $0xFFFF  }
0x2f7: {  	_ =	shalt  }

</sc_bundles>
